<compile_context>
chip_gen: v7x
topology: tpu7x:2x2x1
jax: 0.10.2.dev20260603
libtpu: 0.0.44.dev20260713+nightly
codegen_flags: <defaults>
</compile_context>

<pallas_src>
import functools
import math

import jax
import jax.numpy as jnp
from jax import lax
from jax.experimental import pallas as pl
from jax.experimental.pallas import tpu as pltpu
from jax.experimental.pallas import tpu_sc as plsc

_KEY0 = 0
_KEY1 = 42
_PARITY = 0x1BD11BDA


def _rotl(x, r):
    return lax.shift_left(x, r) | lax.shift_right_logical(x, 32 - r)


def _threefry2x32_preadded(x0, x1):
    ks0 = jnp.int32(_KEY0)
    ks1 = jnp.int32(_KEY1)
    ks2 = jnp.int32(_KEY0 ^ _KEY1 ^ _PARITY)
    rot_a = (13, 15, 26, 6)
    rot_b = (17, 29, 16, 24)

    def four_rounds(x0, x1, rots):
        for r in rots:
            x0 = x0 + x1
            x1 = _rotl(x1, r)
            x1 = x0 ^ x1
        return x0, x1

    x0, x1 = four_rounds(x0, x1, rot_a)
    x0 = x0 + ks1
    x1 = x1 + ks2 + 1
    x0, x1 = four_rounds(x0, x1, rot_b)
    x0 = x0 + ks2
    x1 = x1 + ks0 + 2
    x0, x1 = four_rounds(x0, x1, rot_a)
    x0 = x0 + ks0
    x1 = x1 + ks1 + 3
    x0, x1 = four_rounds(x0, x1, rot_b)
    x0 = x0 + ks1
    x1 = x1 + ks2 + 4
    x0, x1 = four_rounds(x0, x1, rot_a)
    x0 = x0 + ks2
    x1 = x1 + ks0 + 5
    return x0, x1


def _neg_exp_body(w_ref, o_ref):
    o_ref[...] = -jnp.exp(-w_ref[...])


def _make_neg_exp(B, N, JC, interpret=False):
    nchunk = N // JC
    rb = min(8, B)
    return pl.pallas_call(
        _neg_exp_body,
        out_shape=jax.ShapeDtypeStruct((B, nchunk, JC), jnp.float32),
        grid=(B // rb,),
        in_specs=[pl.BlockSpec((rb, nchunk, JC), lambda i: (i, 0, 0))],
        out_specs=pl.BlockSpec((rb, nchunk, JC), lambda i: (i, 0, 0)),
        interpret=interpret,
    )


def _sampler_body(ne_ref, out_ref, *, N, B, SBLK, JC):
    b = pl.program_id(0)
    k = pl.program_id(1)
    s0 = k * SBLK
    logn = N.bit_length() - 1
    logbn = (N * B).bit_length() - 1
    smask = (1 << (32 - logbn)) - 1
    hi0 = (s0 >> (32 - logbn)) + jnp.int32(_KEY0)
    r_iota = lax.broadcasted_iota(jnp.int32, (SBLK, 1), 0)
    lane = lax.broadcasted_iota(jnp.int32, (1, JC), 1)
    lo_base = (lax.shift_left((s0 & smask) + r_iota, logbn)
               + lax.shift_left(b, logn) + jnp.int32(_KEY1) + lane)
    nchunk = N // JC
    UNROLL = 16

    def chunk(c, carry):
        best, bestc = carry
        for t in range(UNROLL):
            cc = c * UNROLL + t
            lo = lo_base + cc * JC
            o0, o1 = _threefry2x32_preadded(hi0, lo)
            bits = o0 ^ o1
            ub = lax.shift_right_logical(bits, 9) | jnp.int32(0x3F800000)
            u = lax.bitcast_convert_type(ub, jnp.float32) - jnp.float32(1.0)
            ne = ne_ref[0, pl.ds(cc, 1), :]
            score = jnp.log(u) * ne
            m = score < best
            best = jnp.where(m, score, best)
            bestc = jnp.where(m, cc, bestc)
        return best, bestc

    init = (jnp.full((SBLK, JC), jnp.inf, jnp.float32),
            jnp.zeros((SBLK, JC), jnp.int32))
    best, bestc = lax.fori_loop(0, nchunk // UNROLL, chunk, init)
    bestj = lax.shift_left(bestc, JC.bit_length() - 1) + lane
    rowmin = jnp.min(best, axis=1, keepdims=True)
    candj = jnp.where(best == rowmin, bestj, jnp.int32(2 ** 31 - 1))
    idx = jnp.min(candj, axis=1, keepdims=True)
    out_ref[0, :, :] = idx + lax.shift_left(b, logn)


def _make_sampler(B, N, SBLK, JC, interpret=False):
    nchunk = N // JC
    nsb = N // SBLK
    body = functools.partial(_sampler_body, N=N, B=B, SBLK=SBLK, JC=JC)
    return pl.pallas_call(
        body,
        out_shape=jax.ShapeDtypeStruct((B * nsb, SBLK, 1), jnp.int32),
        grid=(B, nsb),
        in_specs=[pl.BlockSpec((1, nchunk, JC), lambda b, k: (b, 0, 0))],
        out_specs=pl.BlockSpec((1, SBLK, 1), lambda b, k: (b * nsb + k, 0, 0)),
        interpret=interpret,
    )


def _gather_body(table_hbm, gidx_hbm, out_hbm, idx_v, rows_v, sem, *,
                 rows_per_w, chunk):
    wid = lax.axis_index("s") * 2 + lax.axis_index("c")
    base = wid * rows_per_w
    nchunk = rows_per_w // chunk

    def step(c, carry):
        off = base + c * chunk
        pltpu.sync_copy(gidx_hbm.at[pl.ds(off, chunk)], idx_v)
        pltpu.async_copy(table_hbm.at[idx_v], rows_v, sem).wait()
        pltpu.sync_copy(rows_v, out_hbm.at[pl.ds(off, chunk)])
        return carry

    lax.fori_loop(0, nchunk, step, 0)


def _make_gather(rows_total, D, chunk=128):
    nw = 32
    rows_per_w = rows_total // nw
    mesh = plsc.VectorSubcoreMesh(core_axis_name="c", subcore_axis_name="s")
    body = functools.partial(_gather_body, rows_per_w=rows_per_w, chunk=chunk)
    return pl.kernel(
        body,
        out_type=jax.ShapeDtypeStruct((rows_total, D), jnp.float32),
        mesh=mesh,
        compiler_params=pltpu.CompilerParams(use_tc_tiling_on_sc=False),
        scratch_types=[
            pltpu.VMEM((chunk,), jnp.int32),
            pltpu.VMEM((chunk, D), jnp.float32),
            pltpu.SemaphoreType.DMA,
        ],
    )



def kernel(state, weight):
    B, N = weight.shape
    D = state.shape[-1]
    JC = 128
    SBLK = 64
    ne = _make_neg_exp(B, N, JC)(weight.reshape(B, N // JC, JC))
    gidx = _make_sampler(B, N, SBLK, JC)(ne).reshape(-1)
    table = state.reshape(B * N, D)
    new_state = _make_gather(B * N, D)(table, gidx).reshape(B, N, D)
    out_weight = jnp.full((B, N), -math.log(N), dtype=weight.dtype)
    return (new_state, out_weight)

# --- scband reference (transcript-rebuilt; emitter-appended) ---
"""Pipeline reference for scband-stop-gradient-resampler-84327387890381 (READ-ONLY COPY).

The authoritative reference and input builder live on the scoring server;
editing this copy changes nothing except your own understanding.
"""

import jax, jax.numpy as jnp
import numpy as np


def setup_inputs(seed: int = 0) -> dict:
    key = jax.random.key(seed)
    k1, k2 = jax.random.split(key)
    state = jax.random.normal(k1, (64, 32768, 16), dtype=jnp.float32)
    weight = jax.random.normal(k2, (64, 32768), dtype=jnp.float32)
    return {"state": state, "weight": weight}


def reference(state, weight):
    # StopGradientResampler wrapping a MultinomialResampler (REINFORCE on log-weights).
    B, N = weight.shape
    # Base multinomial resampler: normalize log-weights, sample ancestor indices.
    norm_w = weight - jax.nn.logsumexp(weight, axis=-1, keepdims=True)  # cache['used_weight']
    idx = jax.random.categorical(jax.random.key(42), norm_w, axis=-1, shape=(N, B)).T  # [B, N] sampled_indices
    # Gather resampled particles (batched_select on state).
    new_state = jnp.take_along_axis(state, idx[:, :, None], axis=1)
    # Base resampler outputs uniform log-weights -log(N).
    new_weight = jnp.full((B, N), -np.log(N), dtype=weight.dtype)
    # batched_select(used_weight, sampled_indices) -- used_weight detached in cache,
    # but resampled_weight here keeps graph connectivity to `weight`.
    resampled_weight = jnp.take_along_axis(norm_w, idx, axis=1)
    # Attach score-function gradient: value unchanged, gradient of log-weights attached.
    out_weight = new_weight + resampled_weight - jax.lax.stop_gradient(resampled_weight)
    return (new_state, out_weight)

if __name__ == "__main__":
    import jax
    _d = setup_inputs()
    print(jax.jit(kernel)(*tuple(_d.values())))

</pallas_src>

<mosaic_0001>
#map = affine_map<(d0, d1) -> (0, 0)>
#map1 = affine_map<(d0, d1) -> (0)>
module attributes {stable_mosaic.version = 14 : i64} {
  func.func @_gather_body(%arg0: i32, %arg1: i32, %arg2: memref<2097152x16xf32, #tpu.memory_space<hbm>>, %arg3: memref<2097152xi32, #tpu.memory_space<hbm>>, %arg4: memref<2097152x16xf32, #tpu.memory_space<hbm>>, %arg5: memref<128xi32, #tpu.memory_space<vmem>>, %arg6: memref<128x16xf32, #tpu.memory_space<vmem>>, %arg7: memref<!tpu.dma_semaphore, #tpu.memory_space<semaphore_mem>>) attributes {dimension_semantics = [#tpu.dimension_semantics<core_parallel>, #tpu.dimension_semantics<subcore_parallel>], iteration_bounds = array<i64: 2, 16>, scalar_prefetch = 0 : i64, scratch_operands = 3 : i64, tpu.core_type = #tpu.core_type<sc_vector_subcore>, window_params = [{transform_indices = #map}, {transform_indices = #map1}, {transform_indices = #map}]} {
    %mul3A = arith.constant 2 : i32
    %mul3A_0 = arith.muli %arg1, %mul3A : i32
    %add3A = arith.addi %mul3A_0, %arg0 : i32
    %mul3A_1 = arith.constant 65536 : i32
    %mul3A_2 = arith.muli %add3A, %mul3A_1 : i32
    %scan3A = arith.constant 0 : i32
    %scan3A_3 = arith.constant 0 : i32
    %scan3A_4 = arith.constant 512 : i32
    %scan3A_5 = arith.addi %scan3A_3, %scan3A_4 : i32
    %scan3A_6 = arith.constant 1 : i32
    scf.for %scan3A_8 = %scan3A_3 to %scan3A_5 step %scan3A_6  : i32 {
      %mul3A_9 = arith.constant 128 : i32
      %mul3A_10 = arith.muli %scan3A_8, %mul3A_9 : i32
      %add3A_11 = arith.addi %mul3A_2, %mul3A_10 : i32
      "tpu.region"() ({
        %run_scoped3A = tpu.sem_alloc : memref<!tpu.dma_semaphore, #tpu.memory_space<semaphore_mem>>
        %dma_start3A_16 = tpu.memref_slice %arg3[%add3A_11] : memref<2097152xi32, #tpu.memory_space<hbm>> -> memref<128xi32, #tpu.memory_space<hbm>>
        %dma_start3A_17 = tpu.memref_slice %arg3[%add3A_11] : memref<2097152xi32, #tpu.memory_space<hbm>> -> memref<128xi32, #tpu.memory_space<hbm>>
        tpu.enqueue_dma source(%dma_start3A_17 : memref<128xi32, #tpu.memory_space<hbm>>) target(%arg5 : memref<128xi32, #tpu.memory_space<vmem>>) target_semaphore(%run_scoped3A : memref<!tpu.dma_semaphore, #tpu.memory_space<semaphore_mem>>)
        %dma_wait3A_18 = tpu.memref_slice %arg3[%add3A_11] : memref<2097152xi32, #tpu.memory_space<hbm>> -> memref<128xi32, #tpu.memory_space<hbm>>
        %dma_wait3A_19 = tpu.memref_slice %arg3[%add3A_11] : memref<2097152xi32, #tpu.memory_space<hbm>> -> memref<128xi32, #tpu.memory_space<hbm>>
        tpu.wait_dma2 semaphore(%run_scoped3A : memref<!tpu.dma_semaphore, #tpu.memory_space<semaphore_mem>>) src(%dma_wait3A_19 : memref<128xi32, #tpu.memory_space<hbm>>) dst(%arg5 : memref<128xi32, #tpu.memory_space<vmem>>)
        tpu.yield
      }) : () -> ()
      %dma_start3A = arith.constant 0 : i32
      %dma_start3A_12 = arith.constant 0 : i32
      %dma_start3A_13 = tpu.memref_slice %arg2[%dma_start3A, %dma_start3A_12] : memref<2097152x16xf32, #tpu.memory_space<hbm>> -> memref<2097152x16xf32, #tpu.memory_space<hbm>>
      tpu.enqueue_indirect_dma source(%dma_start3A_13 : memref<2097152x16xf32, #tpu.memory_space<hbm>>) target(%arg6 : memref<128x16xf32, #tpu.memory_space<vmem>>) offsets(%arg5 : memref<128xi32, #tpu.memory_space<vmem>>) semaphore(%arg7 : memref<!tpu.dma_semaphore, #tpu.memory_space<semaphore_mem>>)
      %dma_wait3A = arith.constant 0 : i32
      %dma_wait3A_14 = arith.constant 0 : i32
      %dma_wait3A_15 = tpu.memref_slice %arg2[%dma_wait3A, %dma_wait3A_14] : memref<2097152x16xf32, #tpu.memory_space<hbm>> -> memref<2097152x16xf32, #tpu.memory_space<hbm>>
      tpu.wait_indirect_dma semaphore(%arg7 : memref<!tpu.dma_semaphore, #tpu.memory_space<semaphore_mem>>) src(%dma_wait3A_15 : memref<2097152x16xf32, #tpu.memory_space<hbm>>) dst(%arg6 : memref<128x16xf32, #tpu.memory_space<vmem>>)
      "tpu.region"() ({
        %run_scoped3A = tpu.sem_alloc : memref<!tpu.dma_semaphore, #tpu.memory_space<semaphore_mem>>
        %dma_start3A_16 = arith.constant 0 : i32
        %dma_start3A_17 = tpu.memref_slice %arg4[%add3A_11, %dma_start3A_16] : memref<2097152x16xf32, #tpu.memory_space<hbm>> -> memref<128x16xf32, #tpu.memory_space<hbm>>
        %dma_start3A_18 = arith.constant 0 : i32
        %dma_start3A_19 = tpu.memref_slice %arg4[%add3A_11, %dma_start3A_18] : memref<2097152x16xf32, #tpu.memory_space<hbm>> -> memref<128x16xf32, #tpu.memory_space<hbm>>
        tpu.enqueue_dma source(%arg6 : memref<128x16xf32, #tpu.memory_space<vmem>>) target(%dma_start3A_19 : memref<128x16xf32, #tpu.memory_space<hbm>>) target_semaphore(%run_scoped3A : memref<!tpu.dma_semaphore, #tpu.memory_space<semaphore_mem>>)
        %dma_wait3A_20 = arith.constant 0 : i32
        %dma_wait3A_21 = tpu.memref_slice %arg4[%add3A_11, %dma_wait3A_20] : memref<2097152x16xf32, #tpu.memory_space<hbm>> -> memref<128x16xf32, #tpu.memory_space<hbm>>
        %dma_wait3A_22 = arith.constant 0 : i32
        %dma_wait3A_23 = tpu.memref_slice %arg4[%add3A_11, %dma_wait3A_22] : memref<2097152x16xf32, #tpu.memory_space<hbm>> -> memref<128x16xf32, #tpu.memory_space<hbm>>
        tpu.wait_dma2 semaphore(%run_scoped3A : memref<!tpu.dma_semaphore, #tpu.memory_space<semaphore_mem>>) src(%arg6 : memref<128x16xf32, #tpu.memory_space<vmem>>) dst(%dma_wait3A_23 : memref<128x16xf32, #tpu.memory_space<hbm>>)
        tpu.yield
      }) : () -> ()
    }
    %scan3A_7 = arith.constant 512 : i32
    return
  }
}

module attributes {stable_mosaic.version = 14 : i64} {
  func.func @_neg_exp_body(%arg0: i32, %arg1: memref<8x256x128xf32, #tpu.memory_space<vmem>>, %arg2: memref<8x256x128xf32, #tpu.memory_space<vmem>>) attributes {dimension_semantics = [#tpu.dimension_semantics<arbitrary>], iteration_bounds = array<i64: 8>, scalar_prefetch = 0 : i64, scratch_operands = 0 : i64, tpu.core_type = #tpu.core_type<tc>, window_params = [{transform_indices = @transform_0, window_bounds = array<i64: 8, 256, 128>}, {transform_indices = @transform_1, window_bounds = array<i64: 8, 256, 128>}]} {
    %get3A = arith.constant 0 : index
    %get3A_0 = arith.constant 0 : index
    %get3A_1 = arith.constant 0 : index
    %get3A_2 = vector.load %arg1[%get3A, %get3A_0, %get3A_1] : memref<8x256x128xf32, #tpu.memory_space<vmem>>, vector<8x256x128xf32>
    %neg3A = arith.constant 0.000000e+00 : f32
    %neg3A_3 = vector.broadcast %neg3A : f32 to vector<8x256x128xf32>
    %neg3A_4 = arith.subf %neg3A_3, %get3A_2 : vector<8x256x128xf32>
    %exp3A = math.exp %neg3A_4 : vector<8x256x128xf32>
    %neg3A_5 = arith.constant 0.000000e+00 : f32
    %neg3A_6 = vector.broadcast %neg3A_5 : f32 to vector<8x256x128xf32>
    %neg3A_7 = arith.subf %neg3A_6, %exp3A : vector<8x256x128xf32>
    %swap3A = arith.constant 0 : index
    %swap3A_8 = arith.constant 0 : index
    %swap3A_9 = arith.constant 0 : index
    %swap3A_10 = vector.load %arg2[%swap3A, %swap3A_8, %swap3A_9] : memref<8x256x128xf32, #tpu.memory_space<vmem>>, vector<8x256x128xf32>
    tpu.vector_store %arg2[%swap3A, %swap3A_8, %swap3A_9], %neg3A_7 {strides = array<i32>} : memref<8x256x128xf32, #tpu.memory_space<vmem>>, vector<8x256x128xf32>,
    return
  }
  func.func @transform_0(%arg0: i32) -> (i32, i32, i32) {
    %c0_i32 = arith.constant 0 : i32
    %c0_i32_0 = arith.constant 0 : i32
    %c0_i32_1 = arith.constant 0 : i32
    return %arg0, %c0_i32, %c0_i32_0 : i32, i32, i32
  }
  func.func @transform_1(%arg0: i32) -> (i32, i32, i32) {
    %c0_i32 = arith.constant 0 : i32
    %c0_i32_0 = arith.constant 0 : i32
    %c0_i32_1 = arith.constant 0 : i32
    return %arg0, %c0_i32, %c0_i32_0 : i32, i32, i32
  }
}

module attributes {stable_mosaic.version = 14 : i64} {
  func.func @_sampler_body(%arg0: i32, %arg1: i32, %arg2: memref<1x256x128xf32, #tpu.memory_space<vmem>>, %arg3: memref<1x64x1xi32, #tpu.memory_space<vmem>>) attributes {dimension_semantics = [#tpu.dimension_semantics<arbitrary>, #tpu.dimension_semantics<arbitrary>], iteration_bounds = array<i64: 64, 512>, scalar_prefetch = 0 : i64, scratch_operands = 0 : i64, tpu.core_type = #tpu.core_type<tc>, window_params = [{transform_indices = @transform_0, window_bounds = array<i64: 1, 256, 128>}, {transform_indices = @transform_1, window_bounds = array<i64: 1, 64, 1>}]} {
    %mul3A = arith.constant 64 : i32
    %mul3A_0 = arith.muli %arg1, %mul3A : i32
    %shift_right_arithmetic3A = arith.constant 11 : i32
    %shift_right_arithmetic3A_1 = arith.shrsi %mul3A_0, %shift_right_arithmetic3A : i32
    %add3A = arith.constant 0 : i32
    %add3A_2 = arith.addi %shift_right_arithmetic3A_1, %add3A : i32
    %iota3A = tpu.iota {dimensions = array<i32: 0>} : vector<64x1xi32>
    %iota3A_3 = tpu.iota {dimensions = array<i32: 1>} : vector<1x128xi32>
    %and3A = arith.constant 2047 : i32
    %and3A_4 = arith.andi %mul3A_0, %and3A : i32
    %add3A_5 = vector.broadcast %and3A_4 : i32 to vector<64x1xi32>
    %add3A_6 = arith.addi %add3A_5, %iota3A : vector<64x1xi32>
    %shift_left3A = arith.constant 21 : i32
    %shift_left3A_7 = vector.broadcast %shift_left3A : i32 to vector<64x1xi32>
    %shift_left3A_8 = arith.shli %add3A_6, %shift_left3A_7 : vector<64x1xi32>
    %shift_left3A_9 = arith.constant 15 : i32
    %shift_left3A_10 = arith.shli %arg0, %shift_left3A_9 : i32
    %add3A_11 = vector.broadcast %shift_left3A_10 : i32 to vector<64x1xi32>
    %add3A_12 = arith.addi %shift_left3A_8, %add3A_11 : vector<64x1xi32>
    %add3A_13 = arith.constant 42 : i32
    %add3A_14 = vector.broadcast %add3A_13 : i32 to vector<64x1xi32>
    %add3A_15 = arith.addi %add3A_12, %add3A_14 : vector<64x1xi32>
    %add3A_16 = vector.broadcast %add3A_15 : vector<64x1xi32> to vector<64x128xi32>
    %add3A_17 = vector.broadcast %iota3A_3 : vector<1x128xi32> to vector<64x128xi32>
    %add3A_18 = arith.addi %add3A_16, %add3A_17 : vector<64x128xi32>
    %broadcast_in_dim3A = arith.constant 0x7F800000 : f32
    %broadcast_in_dim3A_19 = vector.broadcast %broadcast_in_dim3A : f32 to vector<64x128xf32>
    %broadcast_in_dim3A_20 = arith.constant 0 : i32
    %broadcast_in_dim3A_21 = vector.broadcast %broadcast_in_dim3A_20 : i32 to vector<64x128xi32>
    %scan3A = arith.constant 0 : i32
    %scan3A_22 = arith.constant 16 : i32
    %scan3A_23 = arith.addi %scan3A, %scan3A_22 : i32
    %scan3A_24 = arith.constant 1 : i32
    %scan3A_25:2 = scf.for %scan3A_48 = %scan3A to %scan3A_23 step %scan3A_24 iter_args(%scan3A_49 = %broadcast_in_dim3A_19, %scan3A_50 = %broadcast_in_dim3A_21) -> (vector<64x128xf32>, vector<64x128xi32>)  : i32 {
      %mul3A_51 = arith.constant 16 : i32
      %mul3A_52 = arith.muli %scan3A_48, %mul3A_51 : i32
      %add3A_53 = arith.constant 0 : i32
      %add3A_54 = arith.addi %mul3A_52, %add3A_53 : i32
      %mul3A_55 = arith.constant 128 : i32
      %mul3A_56 = arith.muli %add3A_54, %mul3A_55 : i32
      %add3A_57 = vector.broadcast %mul3A_56 : i32 to vector<64x128xi32>
      %add3A_58 = arith.addi %add3A_18, %add3A_57 : vector<64x128xi32>
      %add3A_59 = vector.broadcast %add3A_2 : i32 to vector<64x128xi32>
      %add3A_60 = arith.addi %add3A_59, %add3A_58 : vector<64x128xi32>
      %shift_left3A_61 = arith.constant 13 : i32
      %shift_left3A_62 = vector.broadcast %shift_left3A_61 : i32 to vector<64x128xi32>
      %shift_left3A_63 = arith.shli %add3A_58, %shift_left3A_62 : vector<64x128xi32>
      %shift_right_logical3A = arith.constant 19 : i32
      %shift_right_logical3A_64 = vector.broadcast %shift_right_logical3A : i32 to vector<64x128xi32>
      %shift_right_logical3A_65 = arith.shrui %add3A_58, %shift_right_logical3A_64 : vector<64x128xi32>
      %or3A = arith.ori %shift_left3A_63, %shift_right_logical3A_65 : vector<64x128xi32>
      %xor3A = arith.xori %add3A_60, %or3A : vector<64x128xi32>
      %add3A_66 = arith.addi %add3A_60, %xor3A : vector<64x128xi32>
      %shift_left3A_67 = arith.constant 15 : i32
      %shift_left3A_68 = vector.broadcast %shift_left3A_67 : i32 to vector<64x128xi32>
      %shift_left3A_69 = arith.shli %xor3A, %shift_left3A_68 : vector<64x128xi32>
      %shift_right_logical3A_70 = arith.constant 17 : i32
      %shift_right_logical3A_71 = vector.broadcast %shift_right_logical3A_70 : i32 to vector<64x128xi32>
      %shift_right_logical3A_72 = arith.shrui %xor3A, %shift_right_logical3A_71 : vector<64x128xi32>
      %or3A_73 = arith.ori %shift_left3A_69, %shift_right_logical3A_72 : vector<64x128xi32>
      %xor3A_74 = arith.xori %add3A_66, %or3A_73 : vector<64x128xi32>
      %add3A_75 = arith.addi %add3A_66, %xor3A_74 : vector<64x128xi32>
      %shift_left3A_76 = arith.constant 26 : i32
      %shift_left3A_77 = vector.broadcast %shift_left3A_76 : i32 to vector<64x128xi32>
      %shift_left3A_78 = arith.shli %xor3A_74, %shift_left3A_77 : vector<64x128xi32>
      %shift_right_logical3A_79 = arith.constant 6 : i32
      %shift_right_logical3A_80 = vector.broadcast %shift_right_logical3A_79 : i32 to vector<64x128xi32>
      %shift_right_logical3A_81 = arith.shrui %xor3A_74, %shift_right_logical3A_80 : vector<64x128xi32>
      %or3A_82 = arith.ori %shift_left3A_78, %shift_right_logical3A_81 : vector<64x128xi32>
      %xor3A_83 = arith.xori %add3A_75, %or3A_82 : vector<64x128xi32>
      %add3A_84 = arith.addi %add3A_75, %xor3A_83 : vector<64x128xi32>
      %shift_left3A_85 = arith.constant 6 : i32
      %shift_left3A_86 = vector.broadcast %shift_left3A_85 : i32 to vector<64x128xi32>
      %shift_left3A_87 = arith.shli %xor3A_83, %shift_left3A_86 : vector<64x128xi32>
      %shift_right_logical3A_88 = arith.constant 26 : i32
      %shift_right_logical3A_89 = vector.broadcast %shift_right_logical3A_88 : i32 to vector<64x128xi32>
      %shift_right_logical3A_90 = arith.shrui %xor3A_83, %shift_right_logical3A_89 : vector<64x128xi32>
      %or3A_91 = arith.ori %shift_left3A_87, %shift_right_logical3A_90 : vector<64x128xi32>
      %xor3A_92 = arith.xori %add3A_84, %or3A_91 : vector<64x128xi32>
      %add3A_93 = arith.constant 42 : i32
      %add3A_94 = vector.broadcast %add3A_93 : i32 to vector<64x128xi32>
      %add3A_95 = arith.addi %add3A_84, %add3A_94 : vector<64x128xi32>
      %add3A_96 = arith.constant 466689008 : i32
      %add3A_97 = vector.broadcast %add3A_96 : i32 to vector<64x128xi32>
      %add3A_98 = arith.addi %xor3A_92, %add3A_97 : vector<64x128xi32>
      %add3A_99 = arith.constant 1 : i32
      %add3A_100 = vector.broadcast %add3A_99 : i32 to vector<64x128xi32>
      %add3A_101 = arith.addi %add3A_98, %add3A_100 : vector<64x128xi32>
      %add3A_102 = arith.addi %add3A_95, %add3A_101 : vector<64x128xi32>
      %shift_left3A_103 = arith.constant 17 : i32
      %shift_left3A_104 = vector.broadcast %shift_left3A_103 : i32 to vector<64x128xi32>
      %shift_left3A_105 = arith.shli %add3A_101, %shift_left3A_104 : vector<64x128xi32>
      %shift_right_logical3A_106 = arith.constant 15 : i32
      %shift_right_logical3A_107 = vector.broadcast %shift_right_logical3A_106 : i32 to vector<64x128xi32>
      %shift_right_logical3A_108 = arith.shrui %add3A_101, %shift_right_logical3A_107 : vector<64x128xi32>
      %or3A_109 = arith.ori %shift_left3A_105, %shift_right_logical3A_108 : vector<64x128xi32>
      %xor3A_110 = arith.xori %add3A_102, %or3A_109 : vector<64x128xi32>
      %add3A_111 = arith.addi %add3A_102, %xor3A_110 : vector<64x128xi32>
      %shift_left3A_112 = arith.constant 29 : i32
      %shift_left3A_113 = vector.broadcast %shift_left3A_112 : i32 to vector<64x128xi32>
      %shift_left3A_114 = arith.shli %xor3A_110, %shift_left3A_113 : vector<64x128xi32>
      %shift_right_logical3A_115 = arith.constant 3 : i32
      %shift_right_logical3A_116 = vector.broadcast %shift_right_logical3A_115 : i32 to vector<64x128xi32>
      %shift_right_logical3A_117 = arith.shrui %xor3A_110, %shift_right_logical3A_116 : vector<64x128xi32>
      %or3A_118 = arith.ori %shift_left3A_114, %shift_right_logical3A_117 : vector<64x128xi32>
      %xor3A_119 = arith.xori %add3A_111, %or3A_118 : vector<64x128xi32>
      %add3A_120 = arith.addi %add3A_111, %xor3A_119 : vector<64x128xi32>
      %shift_left3A_121 = arith.constant 16 : i32
      %shift_left3A_122 = vector.broadcast %shift_left3A_121 : i32 to vector<64x128xi32>
      %shift_left3A_123 = arith.shli %xor3A_119, %shift_left3A_122 : vector<64x128xi32>
      %shift_right_logical3A_124 = arith.constant 16 : i32
      %shift_right_logical3A_125 = vector.broadcast %shift_right_logical3A_124 : i32 to vector<64x128xi32>
      %shift_right_logical3A_126 = arith.shrui %xor3A_119, %shift_right_logical3A_125 : vector<64x128xi32>
      %or3A_127 = arith.ori %shift_left3A_123, %shift_right_logical3A_126 : vector<64x128xi32>
      %xor3A_128 = arith.xori %add3A_120, %or3A_127 : vector<64x128xi32>
      %add3A_129 = arith.addi %add3A_120, %xor3A_128 : vector<64x128xi32>
      %shift_left3A_130 = arith.constant 24 : i32
      %shift_left3A_131 = vector.broadcast %shift_left3A_130 : i32 to vector<64x128xi32>
      %shift_left3A_132 = arith.shli %xor3A_128, %shift_left3A_131 : vector<64x128xi32>
      %shift_right_logical3A_133 = arith.constant 8 : i32
      %shift_right_logical3A_134 = vector.broadcast %shift_right_logical3A_133 : i32 to vector<64x128xi32>
      %shift_right_logical3A_135 = arith.shrui %xor3A_128, %shift_right_logical3A_134 : vector<64x128xi32>
      %or3A_136 = arith.ori %shift_left3A_132, %shift_right_logical3A_135 : vector<64x128xi32>
      %xor3A_137 = arith.xori %add3A_129, %or3A_136 : vector<64x128xi32>
      %add3A_138 = arith.constant 466689008 : i32
      %add3A_139 = vector.broadcast %add3A_138 : i32 to vector<64x128xi32>
      %add3A_140 = arith.addi %add3A_129, %add3A_139 : vector<64x128xi32>
      %add3A_141 = arith.constant 0 : i32
      %add3A_142 = vector.broadcast %add3A_141 : i32 to vector<64x128xi32>
      %add3A_143 = arith.addi %xor3A_137, %add3A_142 : vector<64x128xi32>
      %add3A_144 = arith.constant 2 : i32
      %add3A_145 = vector.broadcast %add3A_144 : i32 to vector<64x128xi32>
      %add3A_146 = arith.addi %add3A_143, %add3A_145 : vector<64x128xi32>
      %add3A_147 = arith.addi %add3A_140, %add3A_146 : vector<64x128xi32>
      %shift_left3A_148 = arith.constant 13 : i32
      %shift_left3A_149 = vector.broadcast %shift_left3A_148 : i32 to vector<64x128xi32>
      %shift_left3A_150 = arith.shli %add3A_146, %shift_left3A_149 : vector<64x128xi32>
      %shift_right_logical3A_151 = arith.constant 19 : i32
      %shift_right_logical3A_152 = vector.broadcast %shift_right_logical3A_151 : i32 to vector<64x128xi32>
      %shift_right_logical3A_153 = arith.shrui %add3A_146, %shift_right_logical3A_152 : vector<64x128xi32>
      %or3A_154 = arith.ori %shift_left3A_150, %shift_right_logical3A_153 : vector<64x128xi32>
      %xor3A_155 = arith.xori %add3A_147, %or3A_154 : vector<64x128xi32>
      %add3A_156 = arith.addi %add3A_147, %xor3A_155 : vector<64x128xi32>
      %shift_left3A_157 = arith.constant 15 : i32
      %shift_left3A_158 = vector.broadcast %shift_left3A_157 : i32 to vector<64x128xi32>
      %shift_left3A_159 = arith.shli %xor3A_155, %shift_left3A_158 : vector<64x128xi32>
      %shift_right_logical3A_160 = arith.constant 17 : i32
      %shift_right_logical3A_161 = vector.broadcast %shift_right_logical3A_160 : i32 to vector<64x128xi32>
      %shift_right_logical3A_162 = arith.shrui %xor3A_155, %shift_right_logical3A_161 : vector<64x128xi32>
      %or3A_163 = arith.ori %shift_left3A_159, %shift_right_logical3A_162 : vector<64x128xi32>
      %xor3A_164 = arith.xori %add3A_156, %or3A_163 : vector<64x128xi32>
      %add3A_165 = arith.addi %add3A_156, %xor3A_164 : vector<64x128xi32>
      %shift_left3A_166 = arith.constant 26 : i32
      %shift_left3A_167 = vector.broadcast %shift_left3A_166 : i32 to vector<64x128xi32>
      %shift_left3A_168 = arith.shli %xor3A_164, %shift_left3A_167 : vector<64x128xi32>
      %shift_right_logical3A_169 = arith.constant 6 : i32
      %shift_right_logical3A_170 = vector.broadcast %shift_right_logical3A_169 : i32 to vector<64x128xi32>
      %shift_right_logical3A_171 = arith.shrui %xor3A_164, %shift_right_logical3A_170 : vector<64x128xi32>
      %or3A_172 = arith.ori %shift_left3A_168, %shift_right_logical3A_171 : vector<64x128xi32>
      %xor3A_173 = arith.xori %add3A_165, %or3A_172 : vector<64x128xi32>
      %add3A_174 = arith.addi %add3A_165, %xor3A_173 : vector<64x128xi32>
      %shift_left3A_175 = arith.constant 6 : i32
      %shift_left3A_176 = vector.broadcast %shift_left3A_175 : i32 to vector<64x128xi32>
      %shift_left3A_177 = arith.shli %xor3A_173, %shift_left3A_176 : vector<64x128xi32>
      %shift_right_logical3A_178 = arith.constant 26 : i32
      %shift_right_logical3A_179 = vector.broadcast %shift_right_logical3A_178 : i32 to vector<64x128xi32>
      %shift_right_logical3A_180 = arith.shrui %xor3A_173, %shift_right_logical3A_179 : vector<64x128xi32>
      %or3A_181 = arith.ori %shift_left3A_177, %shift_right_logical3A_180 : vector<64x128xi32>
      %xor3A_182 = arith.xori %add3A_174, %or3A_181 : vector<64x128xi32>
      %add3A_183 = arith.constant 0 : i32
      %add3A_184 = vector.broadcast %add3A_183 : i32 to vector<64x128xi32>
      %add3A_185 = arith.addi %add3A_174, %add3A_184 : vector<64x128xi32>
      %add3A_186 = arith.constant 42 : i32
      %add3A_187 = vector.broadcast %add3A_186 : i32 to vector<64x128xi32>
      %add3A_188 = arith.addi %xor3A_182, %add3A_187 : vector<64x128xi32>
      %add3A_189 = arith.constant 3 : i32
      %add3A_190 = vector.broadcast %add3A_189 : i32 to vector<64x128xi32>
      %add3A_191 = arith.addi %add3A_188, %add3A_190 : vector<64x128xi32>
      %add3A_192 = arith.addi %add3A_185, %add3A_191 : vector<64x128xi32>
      %shift_left3A_193 = arith.constant 17 : i32
      %shift_left3A_194 = vector.broadcast %shift_left3A_193 : i32 to vector<64x128xi32>
      %shift_left3A_195 = arith.shli %add3A_191, %shift_left3A_194 : vector<64x128xi32>
      %shift_right_logical3A_196 = arith.constant 15 : i32
      %shift_right_logical3A_197 = vector.broadcast %shift_right_logical3A_196 : i32 to vector<64x128xi32>
      %shift_right_logical3A_198 = arith.shrui %add3A_191, %shift_right_logical3A_197 : vector<64x128xi32>
      %or3A_199 = arith.ori %shift_left3A_195, %shift_right_logical3A_198 : vector<64x128xi32>
      %xor3A_200 = arith.xori %add3A_192, %or3A_199 : vector<64x128xi32>
      %add3A_201 = arith.addi %add3A_192, %xor3A_200 : vector<64x128xi32>
      %shift_left3A_202 = arith.constant 29 : i32
      %shift_left3A_203 = vector.broadcast %shift_left3A_202 : i32 to vector<64x128xi32>
      %shift_left3A_204 = arith.shli %xor3A_200, %shift_left3A_203 : vector<64x128xi32>
      %shift_right_logical3A_205 = arith.constant 3 : i32
      %shift_right_logical3A_206 = vector.broadcast %shift_right_logical3A_205 : i32 to vector<64x128xi32>
      %shift_right_logical3A_207 = arith.shrui %xor3A_200, %shift_right_logical3A_206 : vector<64x128xi32>
      %or3A_208 = arith.ori %shift_left3A_204, %shift_right_logical3A_207 : vector<64x128xi32>
      %xor3A_209 = arith.xori %add3A_201, %or3A_208 : vector<64x128xi32>
      %add3A_210 = arith.addi %add3A_201, %xor3A_209 : vector<64x128xi32>
      %shift_left3A_211 = arith.constant 16 : i32
      %shift_left3A_212 = vector.broadcast %shift_left3A_211 : i32 to vector<64x128xi32>
      %shift_left3A_213 = arith.shli %xor3A_209, %shift_left3A_212 : vector<64x128xi32>
      %shift_right_logical3A_214 = arith.constant 16 : i32
      %shift_right_logical3A_215 = vector.broadcast %shift_right_logical3A_214 : i32 to vector<64x128xi32>
      %shift_right_logical3A_216 = arith.shrui %xor3A_209, %shift_right_logical3A_215 : vector<64x128xi32>
      %or3A_217 = arith.ori %shift_left3A_213, %shift_right_logical3A_216 : vector<64x128xi32>
      %xor3A_218 = arith.xori %add3A_210, %or3A_217 : vector<64x128xi32>
      %add3A_219 = arith.addi %add3A_210, %xor3A_218 : vector<64x128xi32>
      %shift_left3A_220 = arith.constant 24 : i32
      %shift_left3A_221 = vector.broadcast %shift_left3A_220 : i32 to vector<64x128xi32>
      %shift_left3A_222 = arith.shli %xor3A_218, %shift_left3A_221 : vector<64x128xi32>
      %shift_right_logical3A_223 = arith.constant 8 : i32
      %shift_right_logical3A_224 = vector.broadcast %shift_right_logical3A_223 : i32 to vector<64x128xi32>
      %shift_right_logical3A_225 = arith.shrui %xor3A_218, %shift_right_logical3A_224 : vector<64x128xi32>
      %or3A_226 = arith.ori %shift_left3A_222, %shift_right_logical3A_225 : vector<64x128xi32>
      %xor3A_227 = arith.xori %add3A_219, %or3A_226 : vector<64x128xi32>
      %add3A_228 = arith.constant 42 : i32
      %add3A_229 = vector.broadcast %add3A_228 : i32 to vector<64x128xi32>
      %add3A_230 = arith.addi %add3A_219, %add3A_229 : vector<64x128xi32>
      %add3A_231 = arith.constant 466689008 : i32
      %add3A_232 = vector.broadcast %add3A_231 : i32 to vector<64x128xi32>
      %add3A_233 = arith.addi %xor3A_227, %add3A_232 : vector<64x128xi32>
      %add3A_234 = arith.constant 4 : i32
      %add3A_235 = vector.broadcast %add3A_234 : i32 to vector<64x128xi32>
      %add3A_236 = arith.addi %add3A_233, %add3A_235 : vector<64x128xi32>
      %add3A_237 = arith.addi %add3A_230, %add3A_236 : vector<64x128xi32>
      %shift_left3A_238 = arith.constant 13 : i32
      %shift_left3A_239 = vector.broadcast %shift_left3A_238 : i32 to vector<64x128xi32>
      %shift_left3A_240 = arith.shli %add3A_236, %shift_left3A_239 : vector<64x128xi32>
      %shift_right_logical3A_241 = arith.constant 19 : i32
      %shift_right_logical3A_242 = vector.broadcast %shift_right_logical3A_241 : i32 to vector<64x128xi32>
      %shift_right_logical3A_243 = arith.shrui %add3A_236, %shift_right_logical3A_242 : vector<64x128xi32>
      %or3A_244 = arith.ori %shift_left3A_240, %shift_right_logical3A_243 : vector<64x128xi32>
      %xor3A_245 = arith.xori %add3A_237, %or3A_244 : vector<64x128xi32>
      %add3A_246 = arith.addi %add3A_237, %xor3A_245 : vector<64x128xi32>
      %shift_left3A_247 = arith.constant 15 : i32
      %shift_left3A_248 = vector.broadcast %shift_left3A_247 : i32 to vector<64x128xi32>
      %shift_left3A_249 = arith.shli %xor3A_245, %shift_left3A_248 : vector<64x128xi32>
      %shift_right_logical3A_250 = arith.constant 17 : i32
      %shift_right_logical3A_251 = vector.broadcast %shift_right_logical3A_250 : i32 to vector<64x128xi32>
      %shift_right_logical3A_252 = arith.shrui %xor3A_245, %shift_right_logical3A_251 : vector<64x128xi32>
      %or3A_253 = arith.ori %shift_left3A_249, %shift_right_logical3A_252 : vector<64x128xi32>
      %xor3A_254 = arith.xori %add3A_246, %or3A_253 : vector<64x128xi32>
      %add3A_255 = arith.addi %add3A_246, %xor3A_254 : vector<64x128xi32>
      %shift_left3A_256 = arith.constant 26 : i32
      %shift_left3A_257 = vector.broadcast %shift_left3A_256 : i32 to vector<64x128xi32>
      %shift_left3A_258 = arith.shli %xor3A_254, %shift_left3A_257 : vector<64x128xi32>
      %shift_right_logical3A_259 = arith.constant 6 : i32
      %shift_right_logical3A_260 = vector.broadcast %shift_right_logical3A_259 : i32 to vector<64x128xi32>
      %shift_right_logical3A_261 = arith.shrui %xor3A_254, %shift_right_logical3A_260 : vector<64x128xi32>
      %or3A_262 = arith.ori %shift_left3A_258, %shift_right_logical3A_261 : vector<64x128xi32>
      %xor3A_263 = arith.xori %add3A_255, %or3A_262 : vector<64x128xi32>
      %add3A_264 = arith.addi %add3A_255, %xor3A_263 : vector<64x128xi32>
      %shift_left3A_265 = arith.constant 6 : i32
      %shift_left3A_266 = vector.broadcast %shift_left3A_265 : i32 to vector<64x128xi32>
      %shift_left3A_267 = arith.shli %xor3A_263, %shift_left3A_266 : vector<64x128xi32>
      %shift_right_logical3A_268 = arith.constant 26 : i32
      %shift_right_logical3A_269 = vector.broadcast %shift_right_logical3A_268 : i32 to vector<64x128xi32>
      %shift_right_logical3A_270 = arith.shrui %xor3A_263, %shift_right_logical3A_269 : vector<64x128xi32>
      %or3A_271 = arith.ori %shift_left3A_267, %shift_right_logical3A_270 : vector<64x128xi32>
      %xor3A_272 = arith.xori %add3A_264, %or3A_271 : vector<64x128xi32>
      %add3A_273 = arith.constant 466689008 : i32
      %add3A_274 = vector.broadcast %add3A_273 : i32 to vector<64x128xi32>
      %add3A_275 = arith.addi %add3A_264, %add3A_274 : vector<64x128xi32>
      %add3A_276 = arith.constant 0 : i32
      %add3A_277 = vector.broadcast %add3A_276 : i32 to vector<64x128xi32>
      %add3A_278 = arith.addi %xor3A_272, %add3A_277 : vector<64x128xi32>
      %add3A_279 = arith.constant 5 : i32
      %add3A_280 = vector.broadcast %add3A_279 : i32 to vector<64x128xi32>
      %add3A_281 = arith.addi %add3A_278, %add3A_280 : vector<64x128xi32>
      %xor3A_282 = arith.xori %add3A_275, %add3A_281 : vector<64x128xi32>
      %shift_right_logical3A_283 = arith.constant 9 : i32
      %shift_right_logical3A_284 = vector.broadcast %shift_right_logical3A_283 : i32 to vector<64x128xi32>
      %shift_right_logical3A_285 = arith.shrui %xor3A_282, %shift_right_logical3A_284 : vector<64x128xi32>
      %or3A_286 = arith.constant 1065353216 : i32
      %or3A_287 = vector.broadcast %or3A_286 : i32 to vector<64x128xi32>
      %or3A_288 = arith.ori %shift_right_logical3A_285, %or3A_287 : vector<64x128xi32>
      %bitcast_convert_type3A = tpu.bitcast %or3A_288 : vector<64x128xi32> -> vector<64x128xf32>
      %sub3A = arith.constant 1.000000e+00 : f32
      %sub3A_289 = vector.broadcast %sub3A : f32 to vector<64x128xf32>
      %sub3A_290 = arith.subf %bitcast_convert_type3A, %sub3A_289 : vector<64x128xf32>
      %get3A = arith.constant 0 : index
      %get3A_291 = arith.index_cast %add3A_54 : i32 to index
      %get3A_292 = arith.constant 0 : index
      %get3A_293 = vector.load %arg2[%get3A, %get3A_291, %get3A_292] : memref<1x256x128xf32, #tpu.memory_space<vmem>>, vector<1x1x128xf32>
      %get3A_294 = vector.shape_cast %get3A_293 : vector<1x1x128xf32> to vector<1x128xf32>
      %log3A = math.log %sub3A_290 : vector<64x128xf32>
      %mul3A_295 = vector.broadcast %get3A_294 : vector<1x128xf32> to vector<64x128xf32>
      %mul3A_296 = arith.mulf %log3A, %mul3A_295 : vector<64x128xf32>
      %lt3A = arith.cmpf olt, %mul3A_296, %scan3A_49 : vector<64x128xf32>
      %select_n3A_297 = arith.select %lt3A, %mul3A_296, %scan3A_49 : vector<64x128xi1>, vector<64x128xf32>
      %broadcast_in_dim3A_298 = vector.broadcast %add3A_54 : i32 to vector<64x128xi32>
      %select_n3A_299 = arith.select %lt3A, %broadcast_in_dim3A_298, %scan3A_50 : vector<64x128xi1>, vector<64x128xi32>
      %mul3A_300 = arith.constant 16 : i32
      %mul3A_301 = arith.muli %scan3A_48, %mul3A_300 : i32
      %add3A_302 = arith.constant 1 : i32
      %add3A_303 = arith.addi %mul3A_301, %add3A_302 : i32
      %mul3A_304 = arith.constant 128 : i32
      %mul3A_305 = arith.muli %add3A_303, %mul3A_304 : i32
      %add3A_306 = vector.broadcast %mul3A_305 : i32 to vector<64x128xi32>
      %add3A_307 = arith.addi %add3A_18, %add3A_306 : vector<64x128xi32>
      %add3A_308 = vector.broadcast %add3A_2 : i32 to vector<64x128xi32>
      %add3A_309 = arith.addi %add3A_308, %add3A_307 : vector<64x128xi32>
      %shift_left3A_310 = arith.constant 13 : i32
      %shift_left3A_311 = vector.broadcast %shift_left3A_310 : i32 to vector<64x128xi32>
      %shift_left3A_312 = arith.shli %add3A_307, %shift_left3A_311 : vector<64x128xi32>
      %shift_right_logical3A_313 = arith.constant 19 : i32
      %shift_right_logical3A_314 = vector.broadcast %shift_right_logical3A_313 : i32 to vector<64x128xi32>
      %shift_right_logical3A_315 = arith.shrui %add3A_307, %shift_right_logical3A_314 : vector<64x128xi32>
      %or3A_316 = arith.ori %shift_left3A_312, %shift_right_logical3A_315 : vector<64x128xi32>
      %xor3A_317 = arith.xori %add3A_309, %or3A_316 : vector<64x128xi32>
      %add3A_318 = arith.addi %add3A_309, %xor3A_317 : vector<64x128xi32>
      %shift_left3A_319 = arith.constant 15 : i32
      %shift_left3A_320 = vector.broadcast %shift_left3A_319 : i32 to vector<64x128xi32>
      %shift_left3A_321 = arith.shli %xor3A_317, %shift_left3A_320 : vector<64x128xi32>
      %shift_right_logical3A_322 = arith.constant 17 : i32
      %shift_right_logical3A_323 = vector.broadcast %shift_right_logical3A_322 : i32 to vector<64x128xi32>
      %shift_right_logical3A_324 = arith.shrui %xor3A_317, %shift_right_logical3A_323 : vector<64x128xi32>
      %or3A_325 = arith.ori %shift_left3A_321, %shift_right_logical3A_324 : vector<64x128xi32>
      %xor3A_326 = arith.xori %add3A_318, %or3A_325 : vector<64x128xi32>
      %add3A_327 = arith.addi %add3A_318, %xor3A_326 : vector<64x128xi32>
      %shift_left3A_328 = arith.constant 26 : i32
      %shift_left3A_329 = vector.broadcast %shift_left3A_328 : i32 to vector<64x128xi32>
      %shift_left3A_330 = arith.shli %xor3A_326, %shift_left3A_329 : vector<64x128xi32>
      %shift_right_logical3A_331 = arith.constant 6 : i32
      %shift_right_logical3A_332 = vector.broadcast %shift_right_logical3A_331 : i32 to vector<64x128xi32>
      %shift_right_logical3A_333 = arith.shrui %xor3A_326, %shift_right_logical3A_332 : vector<64x128xi32>
      %or3A_334 = arith.ori %shift_left3A_330, %shift_right_logical3A_333 : vector<64x128xi32>
      %xor3A_335 = arith.xori %add3A_327, %or3A_334 : vector<64x128xi32>
      %add3A_336 = arith.addi %add3A_327, %xor3A_335 : vector<64x128xi32>
      %shift_left3A_337 = arith.constant 6 : i32
      %shift_left3A_338 = vector.broadcast %shift_left3A_337 : i32 to vector<64x128xi32>
      %shift_left3A_339 = arith.shli %xor3A_335, %shift_left3A_338 : vector<64x128xi32>
      %shift_right_logical3A_340 = arith.constant 26 : i32
      %shift_right_logical3A_341 = vector.broadcast %shift_right_logical3A_340 : i32 to vector<64x128xi32>
      %shift_right_logical3A_342 = arith.shrui %xor3A_335, %shift_right_logical3A_341 : vector<64x128xi32>
      %or3A_343 = arith.ori %shift_left3A_339, %shift_right_logical3A_342 : vector<64x128xi32>
      %xor3A_344 = arith.xori %add3A_336, %or3A_343 : vector<64x128xi32>
      %add3A_345 = arith.constant 42 : i32
      %add3A_346 = vector.broadcast %add3A_345 : i32 to vector<64x128xi32>
      %add3A_347 = arith.addi %add3A_336, %add3A_346 : vector<64x128xi32>
      %add3A_348 = arith.constant 466689008 : i32
      %add3A_349 = vector.broadcast %add3A_348 : i32 to vector<64x128xi32>
      %add3A_350 = arith.addi %xor3A_344, %add3A_349 : vector<64x128xi32>
      %add3A_351 = arith.constant 1 : i32
      %add3A_352 = vector.broadcast %add3A_351 : i32 to vector<64x128xi32>
      %add3A_353 = arith.addi %add3A_350, %add3A_352 : vector<64x128xi32>
      %add3A_354 = arith.addi %add3A_347, %add3A_353 : vector<64x128xi32>
      %shift_left3A_355 = arith.constant 17 : i32
      %shift_left3A_356 = vector.broadcast %shift_left3A_355 : i32 to vector<64x128xi32>
      %shift_left3A_357 = arith.shli %add3A_353, %shift_left3A_356 : vector<64x128xi32>
      %shift_right_logical3A_358 = arith.constant 15 : i32
      %shift_right_logical3A_359 = vector.broadcast %shift_right_logical3A_358 : i32 to vector<64x128xi32>
      %shift_right_logical3A_360 = arith.shrui %add3A_353, %shift_right_logical3A_359 : vector<64x128xi32>
      %or3A_361 = arith.ori %shift_left3A_357, %shift_right_logical3A_360 : vector<64x128xi32>
      %xor3A_362 = arith.xori %add3A_354, %or3A_361 : vector<64x128xi32>
      %add3A_363 = arith.addi %add3A_354, %xor3A_362 : vector<64x128xi32>
      %shift_left3A_364 = arith.constant 29 : i32
      %shift_left3A_365 = vector.broadcast %shift_left3A_364 : i32 to vector<64x128xi32>
      %shift_left3A_366 = arith.shli %xor3A_362, %shift_left3A_365 : vector<64x128xi32>
      %shift_right_logical3A_367 = arith.constant 3 : i32
      %shift_right_logical3A_368 = vector.broadcast %shift_right_logical3A_367 : i32 to vector<64x128xi32>
      %shift_right_logical3A_369 = arith.shrui %xor3A_362, %shift_right_logical3A_368 : vector<64x128xi32>
      %or3A_370 = arith.ori %shift_left3A_366, %shift_right_logical3A_369 : vector<64x128xi32>
      %xor3A_371 = arith.xori %add3A_363, %or3A_370 : vector<64x128xi32>
      %add3A_372 = arith.addi %add3A_363, %xor3A_371 : vector<64x128xi32>
      %shift_left3A_373 = arith.constant 16 : i32
      %shift_left3A_374 = vector.broadcast %shift_left3A_373 : i32 to vector<64x128xi32>
      %shift_left3A_375 = arith.shli %xor3A_371, %shift_left3A_374 : vector<64x128xi32>
      %shift_right_logical3A_376 = arith.constant 16 : i32
      %shift_right_logical3A_377 = vector.broadcast %shift_right_logical3A_376 : i32 to vector<64x128xi32>
      %shift_right_logical3A_378 = arith.shrui %xor3A_371, %shift_right_logical3A_377 : vector<64x128xi32>
      %or3A_379 = arith.ori %shift_left3A_375, %shift_right_logical3A_378 : vector<64x128xi32>
      %xor3A_380 = arith.xori %add3A_372, %or3A_379 : vector<64x128xi32>
      %add3A_381 = arith.addi %add3A_372, %xor3A_380 : vector<64x128xi32>
      %shift_left3A_382 = arith.constant 24 : i32
      %shift_left3A_383 = vector.broadcast %shift_left3A_382 : i32 to vector<64x128xi32>
      %shift_left3A_384 = arith.shli %xor3A_380, %shift_left3A_383 : vector<64x128xi32>
      %shift_right_logical3A_385 = arith.constant 8 : i32
      %shift_right_logical3A_386 = vector.broadcast %shift_right_logical3A_385 : i32 to vector<64x128xi32>
      %shift_right_logical3A_387 = arith.shrui %xor3A_380, %shift_right_logical3A_386 : vector<64x128xi32>
      %or3A_388 = arith.ori %shift_left3A_384, %shift_right_logical3A_387 : vector<64x128xi32>
      %xor3A_389 = arith.xori %add3A_381, %or3A_388 : vector<64x128xi32>
      %add3A_390 = arith.constant 466689008 : i32
      %add3A_391 = vector.broadcast %add3A_390 : i32 to vector<64x128xi32>
      %add3A_392 = arith.addi %add3A_381, %add3A_391 : vector<64x128xi32>
      %add3A_393 = arith.constant 0 : i32
      %add3A_394 = vector.broadcast %add3A_393 : i32 to vector<64x128xi32>
      %add3A_395 = arith.addi %xor3A_389, %add3A_394 : vector<64x128xi32>
      %add3A_396 = arith.constant 2 : i32
      %add3A_397 = vector.broadcast %add3A_396 : i32 to vector<64x128xi32>
      %add3A_398 = arith.addi %add3A_395, %add3A_397 : vector<64x128xi32>
      %add3A_399 = arith.addi %add3A_392, %add3A_398 : vector<64x128xi32>
      %shift_left3A_400 = arith.constant 13 : i32
      %shift_left3A_401 = vector.broadcast %shift_left3A_400 : i32 to vector<64x128xi32>
      %shift_left3A_402 = arith.shli %add3A_398, %shift_left3A_401 : vector<64x128xi32>
      %shift_right_logical3A_403 = arith.constant 19 : i32
      %shift_right_logical3A_404 = vector.broadcast %shift_right_logical3A_403 : i32 to vector<64x128xi32>
      %shift_right_logical3A_405 = arith.shrui %add3A_398, %shift_right_logical3A_404 : vector<64x128xi32>
      %or3A_406 = arith.ori %shift_left3A_402, %shift_right_logical3A_405 : vector<64x128xi32>
      %xor3A_407 = arith.xori %add3A_399, %or3A_406 : vector<64x128xi32>
      %add3A_408 = arith.addi %add3A_399, %xor3A_407 : vector<64x128xi32>
      %shift_left3A_409 = arith.constant 15 : i32
      %shift_left3A_410 = vector.broadcast %shift_left3A_409 : i32 to vector<64x128xi32>
      %shift_left3A_411 = arith.shli %xor3A_407, %shift_left3A_410 : vector<64x128xi32>
      %shift_right_logical3A_412 = arith.constant 17 : i32
      %shift_right_logical3A_413 = vector.broadcast %shift_right_logical3A_412 : i32 to vector<64x128xi32>
      %shift_right_logical3A_414 = arith.shrui %xor3A_407, %shift_right_logical3A_413 : vector<64x128xi32>
      %or3A_415 = arith.ori %shift_left3A_411, %shift_right_logical3A_414 : vector<64x128xi32>
      %xor3A_416 = arith.xori %add3A_408, %or3A_415 : vector<64x128xi32>
      %add3A_417 = arith.addi %add3A_408, %xor3A_416 : vector<64x128xi32>
      %shift_left3A_418 = arith.constant 26 : i32
      %shift_left3A_419 = vector.broadcast %shift_left3A_418 : i32 to vector<64x128xi32>
      %shift_left3A_420 = arith.shli %xor3A_416, %shift_left3A_419 : vector<64x128xi32>
      %shift_right_logical3A_421 = arith.constant 6 : i32
      %shift_right_logical3A_422 = vector.broadcast %shift_right_logical3A_421 : i32 to vector<64x128xi32>
      %shift_right_logical3A_423 = arith.shrui %xor3A_416, %shift_right_logical3A_422 : vector<64x128xi32>
      %or3A_424 = arith.ori %shift_left3A_420, %shift_right_logical3A_423 : vector<64x128xi32>
      %xor3A_425 = arith.xori %add3A_417, %or3A_424 : vector<64x128xi32>
      %add3A_426 = arith.addi %add3A_417, %xor3A_425 : vector<64x128xi32>
      %shift_left3A_427 = arith.constant 6 : i32
      %shift_left3A_428 = vector.broadcast %shift_left3A_427 : i32 to vector<64x128xi32>
      %shift_left3A_429 = arith.shli %xor3A_425, %shift_left3A_428 : vector<64x128xi32>
      %shift_right_logical3A_430 = arith.constant 26 : i32
      %shift_right_logical3A_431 = vector.broadcast %shift_right_logical3A_430 : i32 to vector<64x128xi32>
      %shift_right_logical3A_432 = arith.shrui %xor3A_425, %shift_right_logical3A_431 : vector<64x128xi32>
      %or3A_433 = arith.ori %shift_left3A_429, %shift_right_logical3A_432 : vector<64x128xi32>
      %xor3A_434 = arith.xori %add3A_426, %or3A_433 : vector<64x128xi32>
      %add3A_435 = arith.constant 0 : i32
      %add3A_436 = vector.broadcast %add3A_435 : i32 to vector<64x128xi32>
      %add3A_437 = arith.addi %add3A_426, %add3A_436 : vector<64x128xi32>
      %add3A_438 = arith.constant 42 : i32
      %add3A_439 = vector.broadcast %add3A_438 : i32 to vector<64x128xi32>
      %add3A_440 = arith.addi %xor3A_434, %add3A_439 : vector<64x128xi32>
      %add3A_441 = arith.constant 3 : i32
      %add3A_442 = vector.broadcast %add3A_441 : i32 to vector<64x128xi32>
      %add3A_443 = arith.addi %add3A_440, %add3A_442 : vector<64x128xi32>
      %add3A_444 = arith.addi %add3A_437, %add3A_443 : vector<64x128xi32>
      %shift_left3A_445 = arith.constant 17 : i32
      %shift_left3A_446 = vector.broadcast %shift_left3A_445 : i32 to vector<64x128xi32>
      %shift_left3A_447 = arith.shli %add3A_443, %shift_left3A_446 : vector<64x128xi32>
      %shift_right_logical3A_448 = arith.constant 15 : i32
      %shift_right_logical3A_449 = vector.broadcast %shift_right_logical3A_448 : i32 to vector<64x128xi32>
      %shift_right_logical3A_450 = arith.shrui %add3A_443, %shift_right_logical3A_449 : vector<64x128xi32>
      %or3A_451 = arith.ori %shift_left3A_447, %shift_right_logical3A_450 : vector<64x128xi32>
      %xor3A_452 = arith.xori %add3A_444, %or3A_451 : vector<64x128xi32>
      %add3A_453 = arith.addi %add3A_444, %xor3A_452 : vector<64x128xi32>
      %shift_left3A_454 = arith.constant 29 : i32
      %shift_left3A_455 = vector.broadcast %shift_left3A_454 : i32 to vector<64x128xi32>
      %shift_left3A_456 = arith.shli %xor3A_452, %shift_left3A_455 : vector<64x128xi32>
      %shift_right_logical3A_457 = arith.constant 3 : i32
      %shift_right_logical3A_458 = vector.broadcast %shift_right_logical3A_457 : i32 to vector<64x128xi32>
      %shift_right_logical3A_459 = arith.shrui %xor3A_452, %shift_right_logical3A_458 : vector<64x128xi32>
      %or3A_460 = arith.ori %shift_left3A_456, %shift_right_logical3A_459 : vector<64x128xi32>
      %xor3A_461 = arith.xori %add3A_453, %or3A_460 : vector<64x128xi32>
      %add3A_462 = arith.addi %add3A_453, %xor3A_461 : vector<64x128xi32>
      %shift_left3A_463 = arith.constant 16 : i32
      %shift_left3A_464 = vector.broadcast %shift_left3A_463 : i32 to vector<64x128xi32>
      %shift_left3A_465 = arith.shli %xor3A_461, %shift_left3A_464 : vector<64x128xi32>
      %shift_right_logical3A_466 = arith.constant 16 : i32
      %shift_right_logical3A_467 = vector.broadcast %shift_right_logical3A_466 : i32 to vector<64x128xi32>
      %shift_right_logical3A_468 = arith.shrui %xor3A_461, %shift_right_logical3A_467 : vector<64x128xi32>
      %or3A_469 = arith.ori %shift_left3A_465, %shift_right_logical3A_468 : vector<64x128xi32>
      %xor3A_470 = arith.xori %add3A_462, %or3A_469 : vector<64x128xi32>
      %add3A_471 = arith.addi %add3A_462, %xor3A_470 : vector<64x128xi32>
      %shift_left3A_472 = arith.constant 24 : i32
      %shift_left3A_473 = vector.broadcast %shift_left3A_472 : i32 to vector<64x128xi32>
      %shift_left3A_474 = arith.shli %xor3A_470, %shift_left3A_473 : vector<64x128xi32>
      %shift_right_logical3A_475 = arith.constant 8 : i32
      %shift_right_logical3A_476 = vector.broadcast %shift_right_logical3A_475 : i32 to vector<64x128xi32>
      %shift_right_logical3A_477 = arith.shrui %xor3A_470, %shift_right_logical3A_476 : vector<64x128xi32>
      %or3A_478 = arith.ori %shift_left3A_474, %shift_right_logical3A_477 : vector<64x128xi32>
      %xor3A_479 = arith.xori %add3A_471, %or3A_478 : vector<64x128xi32>
      %add3A_480 = arith.constant 42 : i32
      %add3A_481 = vector.broadcast %add3A_480 : i32 to vector<64x128xi32>
      %add3A_482 = arith.addi %add3A_471, %add3A_481 : vector<64x128xi32>
      %add3A_483 = arith.constant 466689008 : i32
      %add3A_484 = vector.broadcast %add3A_483 : i32 to vector<64x128xi32>
      %add3A_485 = arith.addi %xor3A_479, %add3A_484 : vector<64x128xi32>
      %add3A_486 = arith.constant 4 : i32
      %add3A_487 = vector.broadcast %add3A_486 : i32 to vector<64x128xi32>
      %add3A_488 = arith.addi %add3A_485, %add3A_487 : vector<64x128xi32>
      %add3A_489 = arith.addi %add3A_482, %add3A_488 : vector<64x128xi32>
      %shift_left3A_490 = arith.constant 13 : i32
      %shift_left3A_491 = vector.broadcast %shift_left3A_490 : i32 to vector<64x128xi32>
      %shift_left3A_492 = arith.shli %add3A_488, %shift_left3A_491 : vector<64x128xi32>
      %shift_right_logical3A_493 = arith.constant 19 : i32
      %shift_right_logical3A_494 = vector.broadcast %shift_right_logical3A_493 : i32 to vector<64x128xi32>
      %shift_right_logical3A_495 = arith.shrui %add3A_488, %shift_right_logical3A_494 : vector<64x128xi32>
      %or3A_496 = arith.ori %shift_left3A_492, %shift_right_logical3A_495 : vector<64x128xi32>
      %xor3A_497 = arith.xori %add3A_489, %or3A_496 : vector<64x128xi32>
      %add3A_498 = arith.addi %add3A_489, %xor3A_497 : vector<64x128xi32>
      %shift_left3A_499 = arith.constant 15 : i32
      %shift_left3A_500 = vector.broadcast %shift_left3A_499 : i32 to vector<64x128xi32>
      %shift_left3A_501 = arith.shli %xor3A_497, %shift_left3A_500 : vector<64x128xi32>
      %shift_right_logical3A_502 = arith.constant 17 : i32
      %shift_right_logical3A_503 = vector.broadcast %shift_right_logical3A_502 : i32 to vector<64x128xi32>
      %shift_right_logical3A_504 = arith.shrui %xor3A_497, %shift_right_logical3A_503 : vector<64x128xi32>
      %or3A_505 = arith.ori %shift_left3A_501, %shift_right_logical3A_504 : vector<64x128xi32>
      %xor3A_506 = arith.xori %add3A_498, %or3A_505 : vector<64x128xi32>
      %add3A_507 = arith.addi %add3A_498, %xor3A_506 : vector<64x128xi32>
      %shift_left3A_508 = arith.constant 26 : i32
      %shift_left3A_509 = vector.broadcast %shift_left3A_508 : i32 to vector<64x128xi32>
      %shift_left3A_510 = arith.shli %xor3A_506, %shift_left3A_509 : vector<64x128xi32>
      %shift_right_logical3A_511 = arith.constant 6 : i32
      %shift_right_logical3A_512 = vector.broadcast %shift_right_logical3A_511 : i32 to vector<64x128xi32>
      %shift_right_logical3A_513 = arith.shrui %xor3A_506, %shift_right_logical3A_512 : vector<64x128xi32>
      %or3A_514 = arith.ori %shift_left3A_510, %shift_right_logical3A_513 : vector<64x128xi32>
      %xor3A_515 = arith.xori %add3A_507, %or3A_514 : vector<64x128xi32>
      %add3A_516 = arith.addi %add3A_507, %xor3A_515 : vector<64x128xi32>
      %shift_left3A_517 = arith.constant 6 : i32
      %shift_left3A_518 = vector.broadcast %shift_left3A_517 : i32 to vector<64x128xi32>
      %shift_left3A_519 = arith.shli %xor3A_515, %shift_left3A_518 : vector<64x128xi32>
      %shift_right_logical3A_520 = arith.constant 26 : i32
      %shift_right_logical3A_521 = vector.broadcast %shift_right_logical3A_520 : i32 to vector<64x128xi32>
      %shift_right_logical3A_522 = arith.shrui %xor3A_515, %shift_right_logical3A_521 : vector<64x128xi32>
      %or3A_523 = arith.ori %shift_left3A_519, %shift_right_logical3A_522 : vector<64x128xi32>
      %xor3A_524 = arith.xori %add3A_516, %or3A_523 : vector<64x128xi32>
      %add3A_525 = arith.constant 466689008 : i32
      %add3A_526 = vector.broadcast %add3A_525 : i32 to vector<64x128xi32>
      %add3A_527 = arith.addi %add3A_516, %add3A_526 : vector<64x128xi32>
      %add3A_528 = arith.constant 0 : i32
      %add3A_529 = vector.broadcast %add3A_528 : i32 to vector<64x128xi32>
      %add3A_530 = arith.addi %xor3A_524, %add3A_529 : vector<64x128xi32>
      %add3A_531 = arith.constant 5 : i32
      %add3A_532 = vector.broadcast %add3A_531 : i32 to vector<64x128xi32>
      %add3A_533 = arith.addi %add3A_530, %add3A_532 : vector<64x128xi32>
      %xor3A_534 = arith.xori %add3A_527, %add3A_533 : vector<64x128xi32>
      %shift_right_logical3A_535 = arith.constant 9 : i32
      %shift_right_logical3A_536 = vector.broadcast %shift_right_logical3A_535 : i32 to vector<64x128xi32>
      %shift_right_logical3A_537 = arith.shrui %xor3A_534, %shift_right_logical3A_536 : vector<64x128xi32>
      %or3A_538 = arith.constant 1065353216 : i32
      %or3A_539 = vector.broadcast %or3A_538 : i32 to vector<64x128xi32>
      %or3A_540 = arith.ori %shift_right_logical3A_537, %or3A_539 : vector<64x128xi32>
      %bitcast_convert_type3A_541 = tpu.bitcast %or3A_540 : vector<64x128xi32> -> vector<64x128xf32>
      %sub3A_542 = arith.constant 1.000000e+00 : f32
      %sub3A_543 = vector.broadcast %sub3A_542 : f32 to vector<64x128xf32>
      %sub3A_544 = arith.subf %bitcast_convert_type3A_541, %sub3A_543 : vector<64x128xf32>
      %get3A_545 = arith.constant 0 : index
      %get3A_546 = arith.index_cast %add3A_303 : i32 to index
      %get3A_547 = arith.constant 0 : index
      %get3A_548 = vector.load %arg2[%get3A_545, %get3A_546, %get3A_547] : memref<1x256x128xf32, #tpu.memory_space<vmem>>, vector<1x1x128xf32>
      %get3A_549 = vector.shape_cast %get3A_548 : vector<1x1x128xf32> to vector<1x128xf32>
      %log3A_550 = math.log %sub3A_544 : vector<64x128xf32>
      %mul3A_551 = vector.broadcast %get3A_549 : vector<1x128xf32> to vector<64x128xf32>
      %mul3A_552 = arith.mulf %log3A_550, %mul3A_551 : vector<64x128xf32>
      %lt3A_553 = arith.cmpf olt, %mul3A_552, %select_n3A_297 : vector<64x128xf32>
      %select_n3A_554 = arith.select %lt3A_553, %mul3A_552, %select_n3A_297 : vector<64x128xi1>, vector<64x128xf32>
      %broadcast_in_dim3A_555 = vector.broadcast %add3A_303 : i32 to vector<64x128xi32>
      %select_n3A_556 = arith.select %lt3A_553, %broadcast_in_dim3A_555, %select_n3A_299 : vector<64x128xi1>, vector<64x128xi32>
      %mul3A_557 = arith.constant 16 : i32
      %mul3A_558 = arith.muli %scan3A_48, %mul3A_557 : i32
      %add3A_559 = arith.constant 2 : i32
      %add3A_560 = arith.addi %mul3A_558, %add3A_559 : i32
      %mul3A_561 = arith.constant 128 : i32
      %mul3A_562 = arith.muli %add3A_560, %mul3A_561 : i32
      %add3A_563 = vector.broadcast %mul3A_562 : i32 to vector<64x128xi32>
      %add3A_564 = arith.addi %add3A_18, %add3A_563 : vector<64x128xi32>
      %add3A_565 = vector.broadcast %add3A_2 : i32 to vector<64x128xi32>
      %add3A_566 = arith.addi %add3A_565, %add3A_564 : vector<64x128xi32>
      %shift_left3A_567 = arith.constant 13 : i32
      %shift_left3A_568 = vector.broadcast %shift_left3A_567 : i32 to vector<64x128xi32>
      %shift_left3A_569 = arith.shli %add3A_564, %shift_left3A_568 : vector<64x128xi32>
      %shift_right_logical3A_570 = arith.constant 19 : i32
      %shift_right_logical3A_571 = vector.broadcast %shift_right_logical3A_570 : i32 to vector<64x128xi32>
      %shift_right_logical3A_572 = arith.shrui %add3A_564, %shift_right_logical3A_571 : vector<64x128xi32>
      %or3A_573 = arith.ori %shift_left3A_569, %shift_right_logical3A_572 : vector<64x128xi32>
      %xor3A_574 = arith.xori %add3A_566, %or3A_573 : vector<64x128xi32>
      %add3A_575 = arith.addi %add3A_566, %xor3A_574 : vector<64x128xi32>
      %shift_left3A_576 = arith.constant 15 : i32
      %shift_left3A_577 = vector.broadcast %shift_left3A_576 : i32 to vector<64x128xi32>
      %shift_left3A_578 = arith.shli %xor3A_574, %shift_left3A_577 : vector<64x128xi32>
      %shift_right_logical3A_579 = arith.constant 17 : i32
      %shift_right_logical3A_580 = vector.broadcast %shift_right_logical3A_579 : i32 to vector<64x128xi32>
      %shift_right_logical3A_581 = arith.shrui %xor3A_574, %shift_right_logical3A_580 : vector<64x128xi32>
      %or3A_582 = arith.ori %shift_left3A_578, %shift_right_logical3A_581 : vector<64x128xi32>
      %xor3A_583 = arith.xori %add3A_575, %or3A_582 : vector<64x128xi32>
      %add3A_584 = arith.addi %add3A_575, %xor3A_583 : vector<64x128xi32>
      %shift_left3A_585 = arith.constant 26 : i32
      %shift_left3A_586 = vector.broadcast %shift_left3A_585 : i32 to vector<64x128xi32>
      %shift_left3A_587 = arith.shli %xor3A_583, %shift_left3A_586 : vector<64x128xi32>
      %shift_right_logical3A_588 = arith.constant 6 : i32
      %shift_right_logical3A_589 = vector.broadcast %shift_right_logical3A_588 : i32 to vector<64x128xi32>
      %shift_right_logical3A_590 = arith.shrui %xor3A_583, %shift_right_logical3A_589 : vector<64x128xi32>
      %or3A_591 = arith.ori %shift_left3A_587, %shift_right_logical3A_590 : vector<64x128xi32>
      %xor3A_592 = arith.xori %add3A_584, %or3A_591 : vector<64x128xi32>
      %add3A_593 = arith.addi %add3A_584, %xor3A_592 : vector<64x128xi32>
      %shift_left3A_594 = arith.constant 6 : i32
      %shift_left3A_595 = vector.broadcast %shift_left3A_594 : i32 to vector<64x128xi32>
      %shift_left3A_596 = arith.shli %xor3A_592, %shift_left3A_595 : vector<64x128xi32>
      %shift_right_logical3A_597 = arith.constant 26 : i32
      %shift_right_logical3A_598 = vector.broadcast %shift_right_logical3A_597 : i32 to vector<64x128xi32>
      %shift_right_logical3A_599 = arith.shrui %xor3A_592, %shift_right_logical3A_598 : vector<64x128xi32>
      %or3A_600 = arith.ori %shift_left3A_596, %shift_right_logical3A_599 : vector<64x128xi32>
      %xor3A_601 = arith.xori %add3A_593, %or3A_600 : vector<64x128xi32>
      %add3A_602 = arith.constant 42 : i32
      %add3A_603 = vector.broadcast %add3A_602 : i32 to vector<64x128xi32>
      %add3A_604 = arith.addi %add3A_593, %add3A_603 : vector<64x128xi32>
      %add3A_605 = arith.constant 466689008 : i32
      %add3A_606 = vector.broadcast %add3A_605 : i32 to vector<64x128xi32>
      %add3A_607 = arith.addi %xor3A_601, %add3A_606 : vector<64x128xi32>
      %add3A_608 = arith.constant 1 : i32
      %add3A_609 = vector.broadcast %add3A_608 : i32 to vector<64x128xi32>
      %add3A_610 = arith.addi %add3A_607, %add3A_609 : vector<64x128xi32>
      %add3A_611 = arith.addi %add3A_604, %add3A_610 : vector<64x128xi32>
      %shift_left3A_612 = arith.constant 17 : i32
      %shift_left3A_613 = vector.broadcast %shift_left3A_612 : i32 to vector<64x128xi32>
      %shift_left3A_614 = arith.shli %add3A_610, %shift_left3A_613 : vector<64x128xi32>
      %shift_right_logical3A_615 = arith.constant 15 : i32
      %shift_right_logical3A_616 = vector.broadcast %shift_right_logical3A_615 : i32 to vector<64x128xi32>
      %shift_right_logical3A_617 = arith.shrui %add3A_610, %shift_right_logical3A_616 : vector<64x128xi32>
      %or3A_618 = arith.ori %shift_left3A_614, %shift_right_logical3A_617 : vector<64x128xi32>
      %xor3A_619 = arith.xori %add3A_611, %or3A_618 : vector<64x128xi32>
      %add3A_620 = arith.addi %add3A_611, %xor3A_619 : vector<64x128xi32>
      %shift_left3A_621 = arith.constant 29 : i32
      %shift_left3A_622 = vector.broadcast %shift_left3A_621 : i32 to vector<64x128xi32>
      %shift_left3A_623 = arith.shli %xor3A_619, %shift_left3A_622 : vector<64x128xi32>
      %shift_right_logical3A_624 = arith.constant 3 : i32
      %shift_right_logical3A_625 = vector.broadcast %shift_right_logical3A_624 : i32 to vector<64x128xi32>
      %shift_right_logical3A_626 = arith.shrui %xor3A_619, %shift_right_logical3A_625 : vector<64x128xi32>
      %or3A_627 = arith.ori %shift_left3A_623, %shift_right_logical3A_626 : vector<64x128xi32>
      %xor3A_628 = arith.xori %add3A_620, %or3A_627 : vector<64x128xi32>
      %add3A_629 = arith.addi %add3A_620, %xor3A_628 : vector<64x128xi32>
      %shift_left3A_630 = arith.constant 16 : i32
      %shift_left3A_631 = vector.broadcast %shift_left3A_630 : i32 to vector<64x128xi32>
      %shift_left3A_632 = arith.shli %xor3A_628, %shift_left3A_631 : vector<64x128xi32>
      %shift_right_logical3A_633 = arith.constant 16 : i32
      %shift_right_logical3A_634 = vector.broadcast %shift_right_logical3A_633 : i32 to vector<64x128xi32>
      %shift_right_logical3A_635 = arith.shrui %xor3A_628, %shift_right_logical3A_634 : vector<64x128xi32>
      %or3A_636 = arith.ori %shift_left3A_632, %shift_right_logical3A_635 : vector<64x128xi32>
      %xor3A_637 = arith.xori %add3A_629, %or3A_636 : vector<64x128xi32>
      %add3A_638 = arith.addi %add3A_629, %xor3A_637 : vector<64x128xi32>
      %shift_left3A_639 = arith.constant 24 : i32
      %shift_left3A_640 = vector.broadcast %shift_left3A_639 : i32 to vector<64x128xi32>
      %shift_left3A_641 = arith.shli %xor3A_637, %shift_left3A_640 : vector<64x128xi32>
      %shift_right_logical3A_642 = arith.constant 8 : i32
      %shift_right_logical3A_643 = vector.broadcast %shift_right_logical3A_642 : i32 to vector<64x128xi32>
      %shift_right_logical3A_644 = arith.shrui %xor3A_637, %shift_right_logical3A_643 : vector<64x128xi32>
      %or3A_645 = arith.ori %shift_left3A_641, %shift_right_logical3A_644 : vector<64x128xi32>
      %xor3A_646 = arith.xori %add3A_638, %or3A_645 : vector<64x128xi32>
      %add3A_647 = arith.constant 466689008 : i32
      %add3A_648 = vector.broadcast %add3A_647 : i32 to vector<64x128xi32>
      %add3A_649 = arith.addi %add3A_638, %add3A_648 : vector<64x128xi32>
      %add3A_650 = arith.constant 0 : i32
      %add3A_651 = vector.broadcast %add3A_650 : i32 to vector<64x128xi32>
      %add3A_652 = arith.addi %xor3A_646, %add3A_651 : vector<64x128xi32>
      %add3A_653 = arith.constant 2 : i32
      %add3A_654 = vector.broadcast %add3A_653 : i32 to vector<64x128xi32>
      %add3A_655 = arith.addi %add3A_652, %add3A_654 : vector<64x128xi32>
      %add3A_656 = arith.addi %add3A_649, %add3A_655 : vector<64x128xi32>
      %shift_left3A_657 = arith.constant 13 : i32
      %shift_left3A_658 = vector.broadcast %shift_left3A_657 : i32 to vector<64x128xi32>
      %shift_left3A_659 = arith.shli %add3A_655, %shift_left3A_658 : vector<64x128xi32>
      %shift_right_logical3A_660 = arith.constant 19 : i32
      %shift_right_logical3A_661 = vector.broadcast %shift_right_logical3A_660 : i32 to vector<64x128xi32>
      %shift_right_logical3A_662 = arith.shrui %add3A_655, %shift_right_logical3A_661 : vector<64x128xi32>
      %or3A_663 = arith.ori %shift_left3A_659, %shift_right_logical3A_662 : vector<64x128xi32>
      %xor3A_664 = arith.xori %add3A_656, %or3A_663 : vector<64x128xi32>
      %add3A_665 = arith.addi %add3A_656, %xor3A_664 : vector<64x128xi32>
      %shift_left3A_666 = arith.constant 15 : i32
      %shift_left3A_667 = vector.broadcast %shift_left3A_666 : i32 to vector<64x128xi32>
      %shift_left3A_668 = arith.shli %xor3A_664, %shift_left3A_667 : vector<64x128xi32>
      %shift_right_logical3A_669 = arith.constant 17 : i32
      %shift_right_logical3A_670 = vector.broadcast %shift_right_logical3A_669 : i32 to vector<64x128xi32>
      %shift_right_logical3A_671 = arith.shrui %xor3A_664, %shift_right_logical3A_670 : vector<64x128xi32>
      %or3A_672 = arith.ori %shift_left3A_668, %shift_right_logical3A_671 : vector<64x128xi32>
      %xor3A_673 = arith.xori %add3A_665, %or3A_672 : vector<64x128xi32>
      %add3A_674 = arith.addi %add3A_665, %xor3A_673 : vector<64x128xi32>
      %shift_left3A_675 = arith.constant 26 : i32
      %shift_left3A_676 = vector.broadcast %shift_left3A_675 : i32 to vector<64x128xi32>
      %shift_left3A_677 = arith.shli %xor3A_673, %shift_left3A_676 : vector<64x128xi32>
      %shift_right_logical3A_678 = arith.constant 6 : i32
      %shift_right_logical3A_679 = vector.broadcast %shift_right_logical3A_678 : i32 to vector<64x128xi32>
      %shift_right_logical3A_680 = arith.shrui %xor3A_673, %shift_right_logical3A_679 : vector<64x128xi32>
      %or3A_681 = arith.ori %shift_left3A_677, %shift_right_logical3A_680 : vector<64x128xi32>
      %xor3A_682 = arith.xori %add3A_674, %or3A_681 : vector<64x128xi32>
      %add3A_683 = arith.addi %add3A_674, %xor3A_682 : vector<64x128xi32>
      %shift_left3A_684 = arith.constant 6 : i32
      %shift_left3A_685 = vector.broadcast %shift_left3A_684 : i32 to vector<64x128xi32>
      %shift_left3A_686 = arith.shli %xor3A_682, %shift_left3A_685 : vector<64x128xi32>
      %shift_right_logical3A_687 = arith.constant 26 : i32
      %shift_right_logical3A_688 = vector.broadcast %shift_right_logical3A_687 : i32 to vector<64x128xi32>
      %shift_right_logical3A_689 = arith.shrui %xor3A_682, %shift_right_logical3A_688 : vector<64x128xi32>
      %or3A_690 = arith.ori %shift_left3A_686, %shift_right_logical3A_689 : vector<64x128xi32>
      %xor3A_691 = arith.xori %add3A_683, %or3A_690 : vector<64x128xi32>
      %add3A_692 = arith.constant 0 : i32
      %add3A_693 = vector.broadcast %add3A_692 : i32 to vector<64x128xi32>
      %add3A_694 = arith.addi %add3A_683, %add3A_693 : vector<64x128xi32>
      %add3A_695 = arith.constant 42 : i32
      %add3A_696 = vector.broadcast %add3A_695 : i32 to vector<64x128xi32>
      %add3A_697 = arith.addi %xor3A_691, %add3A_696 : vector<64x128xi32>
      %add3A_698 = arith.constant 3 : i32
      %add3A_699 = vector.broadcast %add3A_698 : i32 to vector<64x128xi32>
      %add3A_700 = arith.addi %add3A_697, %add3A_699 : vector<64x128xi32>
      %add3A_701 = arith.addi %add3A_694, %add3A_700 : vector<64x128xi32>
      %shift_left3A_702 = arith.constant 17 : i32
      %shift_left3A_703 = vector.broadcast %shift_left3A_702 : i32 to vector<64x128xi32>
      %shift_left3A_704 = arith.shli %add3A_700, %shift_left3A_703 : vector<64x128xi32>
      %shift_right_logical3A_705 = arith.constant 15 : i32
      %shift_right_logical3A_706 = vector.broadcast %shift_right_logical3A_705 : i32 to vector<64x128xi32>
      %shift_right_logical3A_707 = arith.shrui %add3A_700, %shift_right_logical3A_706 : vector<64x128xi32>
      %or3A_708 = arith.ori %shift_left3A_704, %shift_right_logical3A_707 : vector<64x128xi32>
      %xor3A_709 = arith.xori %add3A_701, %or3A_708 : vector<64x128xi32>
      %add3A_710 = arith.addi %add3A_701, %xor3A_709 : vector<64x128xi32>
      %shift_left3A_711 = arith.constant 29 : i32
      %shift_left3A_712 = vector.broadcast %shift_left3A_711 : i32 to vector<64x128xi32>
      %shift_left3A_713 = arith.shli %xor3A_709, %shift_left3A_712 : vector<64x128xi32>
      %shift_right_logical3A_714 = arith.constant 3 : i32
      %shift_right_logical3A_715 = vector.broadcast %shift_right_logical3A_714 : i32 to vector<64x128xi32>
      %shift_right_logical3A_716 = arith.shrui %xor3A_709, %shift_right_logical3A_715 : vector<64x128xi32>
      %or3A_717 = arith.ori %shift_left3A_713, %shift_right_logical3A_716 : vector<64x128xi32>
      %xor3A_718 = arith.xori %add3A_710, %or3A_717 : vector<64x128xi32>
      %add3A_719 = arith.addi %add3A_710, %xor3A_718 : vector<64x128xi32>
      %shift_left3A_720 = arith.constant 16 : i32
      %shift_left3A_721 = vector.broadcast %shift_left3A_720 : i32 to vector<64x128xi32>
      %shift_left3A_722 = arith.shli %xor3A_718, %shift_left3A_721 : vector<64x128xi32>
      %shift_right_logical3A_723 = arith.constant 16 : i32
      %shift_right_logical3A_724 = vector.broadcast %shift_right_logical3A_723 : i32 to vector<64x128xi32>
      %shift_right_logical3A_725 = arith.shrui %xor3A_718, %shift_right_logical3A_724 : vector<64x128xi32>
      %or3A_726 = arith.ori %shift_left3A_722, %shift_right_logical3A_725 : vector<64x128xi32>
      %xor3A_727 = arith.xori %add3A_719, %or3A_726 : vector<64x128xi32>
      %add3A_728 = arith.addi %add3A_719, %xor3A_727 : vector<64x128xi32>
      %shift_left3A_729 = arith.constant 24 : i32
      %shift_left3A_730 = vector.broadcast %shift_left3A_729 : i32 to vector<64x128xi32>
      %shift_left3A_731 = arith.shli %xor3A_727, %shift_left3A_730 : vector<64x128xi32>
      %shift_right_logical3A_732 = arith.constant 8 : i32
      %shift_right_logical3A_733 = vector.broadcast %shift_right_logical3A_732 : i32 to vector<64x128xi32>
      %shift_right_logical3A_734 = arith.shrui %xor3A_727, %shift_right_logical3A_733 : vector<64x128xi32>
      %or3A_735 = arith.ori %shift_left3A_731, %shift_right_logical3A_734 : vector<64x128xi32>
      %xor3A_736 = arith.xori %add3A_728, %or3A_735 : vector<64x128xi32>
      %add3A_737 = arith.constant 42 : i32
      %add3A_738 = vector.broadcast %add3A_737 : i32 to vector<64x128xi32>
      %add3A_739 = arith.addi %add3A_728, %add3A_738 : vector<64x128xi32>
      %add3A_740 = arith.constant 466689008 : i32
      %add3A_741 = vector.broadcast %add3A_740 : i32 to vector<64x128xi32>
      %add3A_742 = arith.addi %xor3A_736, %add3A_741 : vector<64x128xi32>
      %add3A_743 = arith.constant 4 : i32
      %add3A_744 = vector.broadcast %add3A_743 : i32 to vector<64x128xi32>
      %add3A_745 = arith.addi %add3A_742, %add3A_744 : vector<64x128xi32>
      %add3A_746 = arith.addi %add3A_739, %add3A_745 : vector<64x128xi32>
      %shift_left3A_747 = arith.constant 13 : i32
      %shift_left3A_748 = vector.broadcast %shift_left3A_747 : i32 to vector<64x128xi32>
      %shift_left3A_749 = arith.shli %add3A_745, %shift_left3A_748 : vector<64x128xi32>
      %shift_right_logical3A_750 = arith.constant 19 : i32
      %shift_right_logical3A_751 = vector.broadcast %shift_right_logical3A_750 : i32 to vector<64x128xi32>
      %shift_right_logical3A_752 = arith.shrui %add3A_745, %shift_right_logical3A_751 : vector<64x128xi32>
      %or3A_753 = arith.ori %shift_left3A_749, %shift_right_logical3A_752 : vector<64x128xi32>
      %xor3A_754 = arith.xori %add3A_746, %or3A_753 : vector<64x128xi32>
      %add3A_755 = arith.addi %add3A_746, %xor3A_754 : vector<64x128xi32>
      %shift_left3A_756 = arith.constant 15 : i32
      %shift_left3A_757 = vector.broadcast %shift_left3A_756 : i32 to vector<64x128xi32>
      %shift_left3A_758 = arith.shli %xor3A_754, %shift_left3A_757 : vector<64x128xi32>
      %shift_right_logical3A_759 = arith.constant 17 : i32
      %shift_right_logical3A_760 = vector.broadcast %shift_right_logical3A_759 : i32 to vector<64x128xi32>
      %shift_right_logical3A_761 = arith.shrui %xor3A_754, %shift_right_logical3A_760 : vector<64x128xi32>
      %or3A_762 = arith.ori %shift_left3A_758, %shift_right_logical3A_761 : vector<64x128xi32>
      %xor3A_763 = arith.xori %add3A_755, %or3A_762 : vector<64x128xi32>
      %add3A_764 = arith.addi %add3A_755, %xor3A_763 : vector<64x128xi32>
      %shift_left3A_765 = arith.constant 26 : i32
      %shift_left3A_766 = vector.broadcast %shift_left3A_765 : i32 to vector<64x128xi32>
      %shift_left3A_767 = arith.shli %xor3A_763, %shift_left3A_766 : vector<64x128xi32>
      %shift_right_logical3A_768 = arith.constant 6 : i32
      %shift_right_logical3A_769 = vector.broadcast %shift_right_logical3A_768 : i32 to vector<64x128xi32>
      %shift_right_logical3A_770 = arith.shrui %xor3A_763, %shift_right_logical3A_769 : vector<64x128xi32>
      %or3A_771 = arith.ori %shift_left3A_767, %shift_right_logical3A_770 : vector<64x128xi32>
      %xor3A_772 = arith.xori %add3A_764, %or3A_771 : vector<64x128xi32>
      %add3A_773 = arith.addi %add3A_764, %xor3A_772 : vector<64x128xi32>
      %shift_left3A_774 = arith.constant 6 : i32
      %shift_left3A_775 = vector.broadcast %shift_left3A_774 : i32 to vector<64x128xi32>
      %shift_left3A_776 = arith.shli %xor3A_772, %shift_left3A_775 : vector<64x128xi32>
      %shift_right_logical3A_777 = arith.constant 26 : i32
      %shift_right_logical3A_778 = vector.broadcast %shift_right_logical3A_777 : i32 to vector<64x128xi32>
      %shift_right_logical3A_779 = arith.shrui %xor3A_772, %shift_right_logical3A_778 : vector<64x128xi32>
      %or3A_780 = arith.ori %shift_left3A_776, %shift_right_logical3A_779 : vector<64x128xi32>
      %xor3A_781 = arith.xori %add3A_773, %or3A_780 : vector<64x128xi32>
      %add3A_782 = arith.constant 466689008 : i32
      %add3A_783 = vector.broadcast %add3A_782 : i32 to vector<64x128xi32>
      %add3A_784 = arith.addi %add3A_773, %add3A_783 : vector<64x128xi32>
      %add3A_785 = arith.constant 0 : i32
      %add3A_786 = vector.broadcast %add3A_785 : i32 to vector<64x128xi32>
      %add3A_787 = arith.addi %xor3A_781, %add3A_786 : vector<64x128xi32>
      %add3A_788 = arith.constant 5 : i32
      %add3A_789 = vector.broadcast %add3A_788 : i32 to vector<64x128xi32>
      %add3A_790 = arith.addi %add3A_787, %add3A_789 : vector<64x128xi32>
      %xor3A_791 = arith.xori %add3A_784, %add3A_790 : vector<64x128xi32>
      %shift_right_logical3A_792 = arith.constant 9 : i32
      %shift_right_logical3A_793 = vector.broadcast %shift_right_logical3A_792 : i32 to vector<64x128xi32>
      %shift_right_logical3A_794 = arith.shrui %xor3A_791, %shift_right_logical3A_793 : vector<64x128xi32>
      %or3A_795 = arith.constant 1065353216 : i32
      %or3A_796 = vector.broadcast %or3A_795 : i32 to vector<64x128xi32>
      %or3A_797 = arith.ori %shift_right_logical3A_794, %or3A_796 : vector<64x128xi32>
      %bitcast_convert_type3A_798 = tpu.bitcast %or3A_797 : vector<64x128xi32> -> vector<64x128xf32>
      %sub3A_799 = arith.constant 1.000000e+00 : f32
      %sub3A_800 = vector.broadcast %sub3A_799 : f32 to vector<64x128xf32>
      %sub3A_801 = arith.subf %bitcast_convert_type3A_798, %sub3A_800 : vector<64x128xf32>
      %get3A_802 = arith.constant 0 : index
      %get3A_803 = arith.index_cast %add3A_560 : i32 to index
      %get3A_804 = arith.constant 0 : index
      %get3A_805 = vector.load %arg2[%get3A_802, %get3A_803, %get3A_804] : memref<1x256x128xf32, #tpu.memory_space<vmem>>, vector<1x1x128xf32>
      %get3A_806 = vector.shape_cast %get3A_805 : vector<1x1x128xf32> to vector<1x128xf32>
      %log3A_807 = math.log %sub3A_801 : vector<64x128xf32>
      %mul3A_808 = vector.broadcast %get3A_806 : vector<1x128xf32> to vector<64x128xf32>
      %mul3A_809 = arith.mulf %log3A_807, %mul3A_808 : vector<64x128xf32>
      %lt3A_810 = arith.cmpf olt, %mul3A_809, %select_n3A_554 : vector<64x128xf32>
      %select_n3A_811 = arith.select %lt3A_810, %mul3A_809, %select_n3A_554 : vector<64x128xi1>, vector<64x128xf32>
      %broadcast_in_dim3A_812 = vector.broadcast %add3A_560 : i32 to vector<64x128xi32>
      %select_n3A_813 = arith.select %lt3A_810, %broadcast_in_dim3A_812, %select_n3A_556 : vector<64x128xi1>, vector<64x128xi32>
      %mul3A_814 = arith.constant 16 : i32
      %mul3A_815 = arith.muli %scan3A_48, %mul3A_814 : i32
      %add3A_816 = arith.constant 3 : i32
      %add3A_817 = arith.addi %mul3A_815, %add3A_816 : i32
      %mul3A_818 = arith.constant 128 : i32
      %mul3A_819 = arith.muli %add3A_817, %mul3A_818 : i32
      %add3A_820 = vector.broadcast %mul3A_819 : i32 to vector<64x128xi32>
      %add3A_821 = arith.addi %add3A_18, %add3A_820 : vector<64x128xi32>
      %add3A_822 = vector.broadcast %add3A_2 : i32 to vector<64x128xi32>
      %add3A_823 = arith.addi %add3A_822, %add3A_821 : vector<64x128xi32>
      %shift_left3A_824 = arith.constant 13 : i32
      %shift_left3A_825 = vector.broadcast %shift_left3A_824 : i32 to vector<64x128xi32>
      %shift_left3A_826 = arith.shli %add3A_821, %shift_left3A_825 : vector<64x128xi32>
      %shift_right_logical3A_827 = arith.constant 19 : i32
      %shift_right_logical3A_828 = vector.broadcast %shift_right_logical3A_827 : i32 to vector<64x128xi32>
      %shift_right_logical3A_829 = arith.shrui %add3A_821, %shift_right_logical3A_828 : vector<64x128xi32>
      %or3A_830 = arith.ori %shift_left3A_826, %shift_right_logical3A_829 : vector<64x128xi32>
      %xor3A_831 = arith.xori %add3A_823, %or3A_830 : vector<64x128xi32>
      %add3A_832 = arith.addi %add3A_823, %xor3A_831 : vector<64x128xi32>
      %shift_left3A_833 = arith.constant 15 : i32
      %shift_left3A_834 = vector.broadcast %shift_left3A_833 : i32 to vector<64x128xi32>
      %shift_left3A_835 = arith.shli %xor3A_831, %shift_left3A_834 : vector<64x128xi32>
      %shift_right_logical3A_836 = arith.constant 17 : i32
      %shift_right_logical3A_837 = vector.broadcast %shift_right_logical3A_836 : i32 to vector<64x128xi32>
      %shift_right_logical3A_838 = arith.shrui %xor3A_831, %shift_right_logical3A_837 : vector<64x128xi32>
      %or3A_839 = arith.ori %shift_left3A_835, %shift_right_logical3A_838 : vector<64x128xi32>
      %xor3A_840 = arith.xori %add3A_832, %or3A_839 : vector<64x128xi32>
      %add3A_841 = arith.addi %add3A_832, %xor3A_840 : vector<64x128xi32>
      %shift_left3A_842 = arith.constant 26 : i32
      %shift_left3A_843 = vector.broadcast %shift_left3A_842 : i32 to vector<64x128xi32>
      %shift_left3A_844 = arith.shli %xor3A_840, %shift_left3A_843 : vector<64x128xi32>
      %shift_right_logical3A_845 = arith.constant 6 : i32
      %shift_right_logical3A_846 = vector.broadcast %shift_right_logical3A_845 : i32 to vector<64x128xi32>
      %shift_right_logical3A_847 = arith.shrui %xor3A_840, %shift_right_logical3A_846 : vector<64x128xi32>
      %or3A_848 = arith.ori %shift_left3A_844, %shift_right_logical3A_847 : vector<64x128xi32>
      %xor3A_849 = arith.xori %add3A_841, %or3A_848 : vector<64x128xi32>
      %add3A_850 = arith.addi %add3A_841, %xor3A_849 : vector<64x128xi32>
      %shift_left3A_851 = arith.constant 6 : i32
      %shift_left3A_852 = vector.broadcast %shift_left3A_851 : i32 to vector<64x128xi32>
      %shift_left3A_853 = arith.shli %xor3A_849, %shift_left3A_852 : vector<64x128xi32>
      %shift_right_logical3A_854 = arith.constant 26 : i32
      %shift_right_logical3A_855 = vector.broadcast %shift_right_logical3A_854 : i32 to vector<64x128xi32>
      %shift_right_logical3A_856 = arith.shrui %xor3A_849, %shift_right_logical3A_855 : vector<64x128xi32>
      %or3A_857 = arith.ori %shift_left3A_853, %shift_right_logical3A_856 : vector<64x128xi32>
      %xor3A_858 = arith.xori %add3A_850, %or3A_857 : vector<64x128xi32>
      %add3A_859 = arith.constant 42 : i32
      %add3A_860 = vector.broadcast %add3A_859 : i32 to vector<64x128xi32>
      %add3A_861 = arith.addi %add3A_850, %add3A_860 : vector<64x128xi32>
      %add3A_862 = arith.constant 466689008 : i32
      %add3A_863 = vector.broadcast %add3A_862 : i32 to vector<64x128xi32>
      %add3A_864 = arith.addi %xor3A_858, %add3A_863 : vector<64x128xi32>
      %add3A_865 = arith.constant 1 : i32
      %add3A_866 = vector.broadcast %add3A_865 : i32 to vector<64x128xi32>
      %add3A_867 = arith.addi %add3A_864, %add3A_866 : vector<64x128xi32>
      %add3A_868 = arith.addi %add3A_861, %add3A_867 : vector<64x128xi32>
      %shift_left3A_869 = arith.constant 17 : i32
      %shift_left3A_870 = vector.broadcast %shift_left3A_869 : i32 to vector<64x128xi32>
      %shift_left3A_871 = arith.shli %add3A_867, %shift_left3A_870 : vector<64x128xi32>
      %shift_right_logical3A_872 = arith.constant 15 : i32
      %shift_right_logical3A_873 = vector.broadcast %shift_right_logical3A_872 : i32 to vector<64x128xi32>
      %shift_right_logical3A_874 = arith.shrui %add3A_867, %shift_right_logical3A_873 : vector<64x128xi32>
      %or3A_875 = arith.ori %shift_left3A_871, %shift_right_logical3A_874 : vector<64x128xi32>
      %xor3A_876 = arith.xori %add3A_868, %or3A_875 : vector<64x128xi32>
      %add3A_877 = arith.addi %add3A_868, %xor3A_876 : vector<64x128xi32>
      %shift_left3A_878 = arith.constant 29 : i32
      %shift_left3A_879 = vector.broadcast %shift_left3A_878 : i32 to vector<64x128xi32>
      %shift_left3A_880 = arith.shli %xor3A_876, %shift_left3A_879 : vector<64x128xi32>
      %shift_right_logical3A_881 = arith.constant 3 : i32
      %shift_right_logical3A_882 = vector.broadcast %shift_right_logical3A_881 : i32 to vector<64x128xi32>
      %shift_right_logical3A_883 = arith.shrui %xor3A_876, %shift_right_logical3A_882 : vector<64x128xi32>
      %or3A_884 = arith.ori %shift_left3A_880, %shift_right_logical3A_883 : vector<64x128xi32>
      %xor3A_885 = arith.xori %add3A_877, %or3A_884 : vector<64x128xi32>
      %add3A_886 = arith.addi %add3A_877, %xor3A_885 : vector<64x128xi32>
      %shift_left3A_887 = arith.constant 16 : i32
      %shift_left3A_888 = vector.broadcast %shift_left3A_887 : i32 to vector<64x128xi32>
      %shift_left3A_889 = arith.shli %xor3A_885, %shift_left3A_888 : vector<64x128xi32>
      %shift_right_logical3A_890 = arith.constant 16 : i32
      %shift_right_logical3A_891 = vector.broadcast %shift_right_logical3A_890 : i32 to vector<64x128xi32>
      %shift_right_logical3A_892 = arith.shrui %xor3A_885, %shift_right_logical3A_891 : vector<64x128xi32>
      %or3A_893 = arith.ori %shift_left3A_889, %shift_right_logical3A_892 : vector<64x128xi32>
      %xor3A_894 = arith.xori %add3A_886, %or3A_893 : vector<64x128xi32>
      %add3A_895 = arith.addi %add3A_886, %xor3A_894 : vector<64x128xi32>
      %shift_left3A_896 = arith.constant 24 : i32
      %shift_left3A_897 = vector.broadcast %shift_left3A_896 : i32 to vector<64x128xi32>
      %shift_left3A_898 = arith.shli %xor3A_894, %shift_left3A_897 : vector<64x128xi32>
      %shift_right_logical3A_899 = arith.constant 8 : i32
      %shift_right_logical3A_900 = vector.broadcast %shift_right_logical3A_899 : i32 to vector<64x128xi32>
      %shift_right_logical3A_901 = arith.shrui %xor3A_894, %shift_right_logical3A_900 : vector<64x128xi32>
      %or3A_902 = arith.ori %shift_left3A_898, %shift_right_logical3A_901 : vector<64x128xi32>
      %xor3A_903 = arith.xori %add3A_895, %or3A_902 : vector<64x128xi32>
      %add3A_904 = arith.constant 466689008 : i32
      %add3A_905 = vector.broadcast %add3A_904 : i32 to vector<64x128xi32>
      %add3A_906 = arith.addi %add3A_895, %add3A_905 : vector<64x128xi32>
      %add3A_907 = arith.constant 0 : i32
      %add3A_908 = vector.broadcast %add3A_907 : i32 to vector<64x128xi32>
      %add3A_909 = arith.addi %xor3A_903, %add3A_908 : vector<64x128xi32>
      %add3A_910 = arith.constant 2 : i32
      %add3A_911 = vector.broadcast %add3A_910 : i32 to vector<64x128xi32>
      %add3A_912 = arith.addi %add3A_909, %add3A_911 : vector<64x128xi32>
      %add3A_913 = arith.addi %add3A_906, %add3A_912 : vector<64x128xi32>
      %shift_left3A_914 = arith.constant 13 : i32
      %shift_left3A_915 = vector.broadcast %shift_left3A_914 : i32 to vector<64x128xi32>
      %shift_left3A_916 = arith.shli %add3A_912, %shift_left3A_915 : vector<64x128xi32>
      %shift_right_logical3A_917 = arith.constant 19 : i32
      %shift_right_logical3A_918 = vector.broadcast %shift_right_logical3A_917 : i32 to vector<64x128xi32>
      %shift_right_logical3A_919 = arith.shrui %add3A_912, %shift_right_logical3A_918 : vector<64x128xi32>
      %or3A_920 = arith.ori %shift_left3A_916, %shift_right_logical3A_919 : vector<64x128xi32>
      %xor3A_921 = arith.xori %add3A_913, %or3A_920 : vector<64x128xi32>
      %add3A_922 = arith.addi %add3A_913, %xor3A_921 : vector<64x128xi32>
      %shift_left3A_923 = arith.constant 15 : i32
      %shift_left3A_924 = vector.broadcast %shift_left3A_923 : i32 to vector<64x128xi32>
      %shift_left3A_925 = arith.shli %xor3A_921, %shift_left3A_924 : vector<64x128xi32>
      %shift_right_logical3A_926 = arith.constant 17 : i32
      %shift_right_logical3A_927 = vector.broadcast %shift_right_logical3A_926 : i32 to vector<64x128xi32>
      %shift_right_logical3A_928 = arith.shrui %xor3A_921, %shift_right_logical3A_927 : vector<64x128xi32>
      %or3A_929 = arith.ori %shift_left3A_925, %shift_right_logical3A_928 : vector<64x128xi32>
      %xor3A_930 = arith.xori %add3A_922, %or3A_929 : vector<64x128xi32>
      %add3A_931 = arith.addi %add3A_922, %xor3A_930 : vector<64x128xi32>
      %shift_left3A_932 = arith.constant 26 : i32
      %shift_left3A_933 = vector.broadcast %shift_left3A_932 : i32 to vector<64x128xi32>
      %shift_left3A_934 = arith.shli %xor3A_930, %shift_left3A_933 : vector<64x128xi32>
      %shift_right_logical3A_935 = arith.constant 6 : i32
      %shift_right_logical3A_936 = vector.broadcast %shift_right_logical3A_935 : i32 to vector<64x128xi32>
      %shift_right_logical3A_937 = arith.shrui %xor3A_930, %shift_right_logical3A_936 : vector<64x128xi32>
      %or3A_938 = arith.ori %shift_left3A_934, %shift_right_logical3A_937 : vector<64x128xi32>
      %xor3A_939 = arith.xori %add3A_931, %or3A_938 : vector<64x128xi32>
      %add3A_940 = arith.addi %add3A_931, %xor3A_939 : vector<64x128xi32>
      %shift_left3A_941 = arith.constant 6 : i32
      %shift_left3A_942 = vector.broadcast %shift_left3A_941 : i32 to vector<64x128xi32>
      %shift_left3A_943 = arith.shli %xor3A_939, %shift_left3A_942 : vector<64x128xi32>
      %shift_right_logical3A_944 = arith.constant 26 : i32
      %shift_right_logical3A_945 = vector.broadcast %shift_right_logical3A_944 : i32 to vector<64x128xi32>
      %shift_right_logical3A_946 = arith.shrui %xor3A_939, %shift_right_logical3A_945 : vector<64x128xi32>
      %or3A_947 = arith.ori %shift_left3A_943, %shift_right_logical3A_946 : vector<64x128xi32>
      %xor3A_948 = arith.xori %add3A_940, %or3A_947 : vector<64x128xi32>
      %add3A_949 = arith.constant 0 : i32
      %add3A_950 = vector.broadcast %add3A_949 : i32 to vector<64x128xi32>
      %add3A_951 = arith.addi %add3A_940, %add3A_950 : vector<64x128xi32>
      %add3A_952 = arith.constant 42 : i32
      %add3A_953 = vector.broadcast %add3A_952 : i32 to vector<64x128xi32>
      %add3A_954 = arith.addi %xor3A_948, %add3A_953 : vector<64x128xi32>
      %add3A_955 = arith.constant 3 : i32
      %add3A_956 = vector.broadcast %add3A_955 : i32 to vector<64x128xi32>
      %add3A_957 = arith.addi %add3A_954, %add3A_956 : vector<64x128xi32>
      %add3A_958 = arith.addi %add3A_951, %add3A_957 : vector<64x128xi32>
      %shift_left3A_959 = arith.constant 17 : i32
      %shift_left3A_960 = vector.broadcast %shift_left3A_959 : i32 to vector<64x128xi32>
      %shift_left3A_961 = arith.shli %add3A_957, %shift_left3A_960 : vector<64x128xi32>
      %shift_right_logical3A_962 = arith.constant 15 : i32
      %shift_right_logical3A_963 = vector.broadcast %shift_right_logical3A_962 : i32 to vector<64x128xi32>
      %shift_right_logical3A_964 = arith.shrui %add3A_957, %shift_right_logical3A_963 : vector<64x128xi32>
      %or3A_965 = arith.ori %shift_left3A_961, %shift_right_logical3A_964 : vector<64x128xi32>
      %xor3A_966 = arith.xori %add3A_958, %or3A_965 : vector<64x128xi32>
      %add3A_967 = arith.addi %add3A_958, %xor3A_966 : vector<64x128xi32>
      %shift_left3A_968 = arith.constant 29 : i32
      %shift_left3A_969 = vector.broadcast %shift_left3A_968 : i32 to vector<64x128xi32>
      %shift_left3A_970 = arith.shli %xor3A_966, %shift_left3A_969 : vector<64x128xi32>
      %shift_right_logical3A_971 = arith.constant 3 : i32
      %shift_right_logical3A_972 = vector.broadcast %shift_right_logical3A_971 : i32 to vector<64x128xi32>
      %shift_right_logical3A_973 = arith.shrui %xor3A_966, %shift_right_logical3A_972 : vector<64x128xi32>
      %or3A_974 = arith.ori %shift_left3A_970, %shift_right_logical3A_973 : vector<64x128xi32>
      %xor3A_975 = arith.xori %add3A_967, %or3A_974 : vector<64x128xi32>
      %add3A_976 = arith.addi %add3A_967, %xor3A_975 : vector<64x128xi32>
      %shift_left3A_977 = arith.constant 16 : i32
      %shift_left3A_978 = vector.broadcast %shift_left3A_977 : i32 to vector<64x128xi32>
      %shift_left3A_979 = arith.shli %xor3A_975, %shift_left3A_978 : vector<64x128xi32>
      %shift_right_logical3A_980 = arith.constant 16 : i32
      %shift_right_logical3A_981 = vector.broadcast %shift_right_logical3A_980 : i32 to vector<64x128xi32>
      %shift_right_logical3A_982 = arith.shrui %xor3A_975, %shift_right_logical3A_981 : vector<64x128xi32>
      %or3A_983 = arith.ori %shift_left3A_979, %shift_right_logical3A_982 : vector<64x128xi32>
      %xor3A_984 = arith.xori %add3A_976, %or3A_983 : vector<64x128xi32>
      %add3A_985 = arith.addi %add3A_976, %xor3A_984 : vector<64x128xi32>
      %shift_left3A_986 = arith.constant 24 : i32
      %shift_left3A_987 = vector.broadcast %shift_left3A_986 : i32 to vector<64x128xi32>
      %shift_left3A_988 = arith.shli %xor3A_984, %shift_left3A_987 : vector<64x128xi32>
      %shift_right_logical3A_989 = arith.constant 8 : i32
      %shift_right_logical3A_990 = vector.broadcast %shift_right_logical3A_989 : i32 to vector<64x128xi32>
      %shift_right_logical3A_991 = arith.shrui %xor3A_984, %shift_right_logical3A_990 : vector<64x128xi32>
      %or3A_992 = arith.ori %shift_left3A_988, %shift_right_logical3A_991 : vector<64x128xi32>
      %xor3A_993 = arith.xori %add3A_985, %or3A_992 : vector<64x128xi32>
      %add3A_994 = arith.constant 42 : i32
      %add3A_995 = vector.broadcast %add3A_994 : i32 to vector<64x128xi32>
      %add3A_996 = arith.addi %add3A_985, %add3A_995 : vector<64x128xi32>
      %add3A_997 = arith.constant 466689008 : i32
      %add3A_998 = vector.broadcast %add3A_997 : i32 to vector<64x128xi32>
      %add3A_999 = arith.addi %xor3A_993, %add3A_998 : vector<64x128xi32>
      %add3A_1000 = arith.constant 4 : i32
      %add3A_1001 = vector.broadcast %add3A_1000 : i32 to vector<64x128xi32>
      %add3A_1002 = arith.addi %add3A_999, %add3A_1001 : vector<64x128xi32>
      %add3A_1003 = arith.addi %add3A_996, %add3A_1002 : vector<64x128xi32>
      %shift_left3A_1004 = arith.constant 13 : i32
      %shift_left3A_1005 = vector.broadcast %shift_left3A_1004 : i32 to vector<64x128xi32>
      %shift_left3A_1006 = arith.shli %add3A_1002, %shift_left3A_1005 : vector<64x128xi32>
      %shift_right_logical3A_1007 = arith.constant 19 : i32
      %shift_right_logical3A_1008 = vector.broadcast %shift_right_logical3A_1007 : i32 to vector<64x128xi32>
      %shift_right_logical3A_1009 = arith.shrui %add3A_1002, %shift_right_logical3A_1008 : vector<64x128xi32>
      %or3A_1010 = arith.ori %shift_left3A_1006, %shift_right_logical3A_1009 : vector<64x128xi32>
      %xor3A_1011 = arith.xori %add3A_1003, %or3A_1010 : vector<64x128xi32>
      %add3A_1012 = arith.addi %add3A_1003, %xor3A_1011 : vector<64x128xi32>
      %shift_left3A_1013 = arith.constant 15 : i32
      %shift_left3A_1014 = vector.broadcast %shift_left3A_1013 : i32 to vector<64x128xi32>
      %shift_left3A_1015 = arith.shli %xor3A_1011, %shift_left3A_1014 : vector<64x128xi32>
      %shift_right_logical3A_1016 = arith.constant 17 : i32
      %shift_right_logical3A_1017 = vector.broadcast %shift_right_logical3A_1016 : i32 to vector<64x128xi32>
      %shift_right_logical3A_1018 = arith.shrui %xor3A_1011, %shift_right_logical3A_1017 : vector<64x128xi32>
      %or3A_1019 = arith.ori %shift_left3A_1015, %shift_right_logical3A_1018 : vector<64x128xi32>
      %xor3A_1020 = arith.xori %add3A_1012, %or3A_1019 : vector<64x128xi32>
      %add3A_1021 = arith.addi %add3A_1012, %xor3A_1020 : vector<64x128xi32>
      %shift_left3A_1022 = arith.constant 26 : i32
      %shift_left3A_1023 = vector.broadcast %shift_left3A_1022 : i32 to vector<64x128xi32>
      %shift_left3A_1024 = arith.shli %xor3A_1020, %shift_left3A_1023 : vector<64x128xi32>
      %shift_right_logical3A_1025 = arith.constant 6 : i32
      %shift_right_logical3A_1026 = vector.broadcast %shift_right_logical3A_1025 : i32 to vector<64x128xi32>
      %shift_right_logical3A_1027 = arith.shrui %xor3A_1020, %shift_right_logical3A_1026 : vector<64x128xi32>
      %or3A_1028 = arith.ori %shift_left3A_1024, %shift_right_logical3A_1027 : vector<64x128xi32>
      %xor3A_1029 = arith.xori %add3A_1021, %or3A_1028 : vector<64x128xi32>
      %add3A_1030 = arith.addi %add3A_1021, %xor3A_1029 : vector<64x128xi32>
      %shift_left3A_1031 = arith.constant 6 : i32
      %shift_left3A_1032 = vector.broadcast %shift_left3A_1031 : i32 to vector<64x128xi32>
      %shift_left3A_1033 = arith.shli %xor3A_1029, %shift_left3A_1032 : vector<64x128xi32>
      %shift_right_logical3A_1034 = arith.constant 26 : i32
      %shift_right_logical3A_1035 = vector.broadcast %shift_right_logical3A_1034 : i32 to vector<64x128xi32>
      %shift_right_logical3A_1036 = arith.shrui %xor3A_1029, %shift_right_logical3A_1035 : vector<64x128xi32>
      %or3A_1037 = arith.ori %shift_left3A_1033, %shift_right_logical3A_1036 : vector<64x128xi32>
      %xor3A_1038 = arith.xori %add3A_1030, %or3A_1037 : vector<64x128xi32>
      %add3A_1039 = arith.constant 466689008 : i32
      %add3A_1040 = vector.broadcast %add3A_1039 : i32 to vector<64x128xi32>
      %add3A_1041 = arith.addi %add3A_1030, %add3A_1040 : vector<64x128xi32>
      %add3A_1042 = arith.constant 0 : i32
      %add3A_1043 = vector.broadcast %add3A_1042 : i32 to vector<64x128xi32>
      %add3A_1044 = arith.addi %xor3A_1038, %add3A_1043 : vector<64x128xi32>
      %add3A_1045 = arith.constant 5 : i32
      %add3A_1046 = vector.broadcast %add3A_1045 : i32 to vector<64x128xi32>
      %add3A_1047 = arith.addi %add3A_1044, %add3A_1046 : vector<64x128xi32>
      %xor3A_1048 = arith.xori %add3A_1041, %add3A_1047 : vector<64x128xi32>
      %shift_right_logical3A_1049 = arith.constant 9 : i32
      %shift_right_logical3A_1050 = vector.broadcast %shift_right_logical3A_1049 : i32 to vector<64x128xi32>
      %shift_right_logical3A_1051 = arith.shrui %xor3A_1048, %shift_right_logical3A_1050 : vector<64x128xi32>
      %or3A_1052 = arith.constant 1065353216 : i32
      %or3A_1053 = vector.broadcast %or3A_1052 : i32 to vector<64x128xi32>
      %or3A_1054 = arith.ori %shift_right_logical3A_1051, %or3A_1053 : vector<64x128xi32>
      %bitcast_convert_type3A_1055 = tpu.bitcast %or3A_1054 : vector<64x128xi32> -> vector<64x128xf32>
      %sub3A_1056 = arith.constant 1.000000e+00 : f32
      %sub3A_1057 = vector.broadcast %sub3A_1056 : f32 to vector<64x128xf32>
      %sub3A_1058 = arith.subf %bitcast_convert_type3A_1055, %sub3A_1057 : vector<64x128xf32>
      %get3A_1059 = arith.constant 0 : index
      %get3A_1060 = arith.index_cast %add3A_817 : i32 to index
      %get3A_1061 = arith.constant 0 : index
      %get3A_1062 = vector.load %arg2[%get3A_1059, %get3A_1060, %get3A_1061] : memref<1x256x128xf32, #tpu.memory_space<vmem>>, vector<1x1x128xf32>
      %get3A_1063 = vector.shape_cast %get3A_1062 : vector<1x1x128xf32> to vector<1x128xf32>
      %log3A_1064 = math.log %sub3A_1058 : vector<64x128xf32>
      %mul3A_1065 = vector.broadcast %get3A_1063 : vector<1x128xf32> to vector<64x128xf32>
      %mul3A_1066 = arith.mulf %log3A_1064, %mul3A_1065 : vector<64x128xf32>
      %lt3A_1067 = arith.cmpf olt, %mul3A_1066, %select_n3A_811 : vector<64x128xf32>
      %select_n3A_1068 = arith.select %lt3A_1067, %mul3A_1066, %select_n3A_811 : vector<64x128xi1>, vector<64x128xf32>
      %broadcast_in_dim3A_1069 = vector.broadcast %add3A_817 : i32 to vector<64x128xi32>
      %select_n3A_1070 = arith.select %lt3A_1067, %broadcast_in_dim3A_1069, %select_n3A_813 : vector<64x128xi1>, vector<64x128xi32>
      %mul3A_1071 = arith.constant 16 : i32
      %mul3A_1072 = arith.muli %scan3A_48, %mul3A_1071 : i32
      %add3A_1073 = arith.constant 4 : i32
      %add3A_1074 = arith.addi %mul3A_1072, %add3A_1073 : i32
      %mul3A_1075 = arith.constant 128 : i32
      %mul3A_1076 = arith.muli %add3A_1074, %mul3A_1075 : i32
      %add3A_1077 = vector.broadcast %mul3A_1076 : i32 to vector<64x128xi32>
      %add3A_1078 = arith.addi %add3A_18, %add3A_1077 : vector<64x128xi32>
      %add3A_1079 = vector.broadcast %add3A_2 : i32 to vector<64x128xi32>
      %add3A_1080 = arith.addi %add3A_1079, %add3A_1078 : vector<64x128xi32>
      %shift_left3A_1081 = arith.constant 13 : i32
      %shift_left3A_1082 = vector.broadcast %shift_left3A_1081 : i32 to vector<64x128xi32>
      %shift_left3A_1083 = arith.shli %add3A_1078, %shift_left3A_1082 : vector<64x128xi32>
      %shift_right_logical3A_1084 = arith.constant 19 : i32
      %shift_right_logical3A_1085 = vector.broadcast %shift_right_logical3A_1084 : i32 to vector<64x128xi32>
      %shift_right_logical3A_1086 = arith.shrui %add3A_1078, %shift_right_logical3A_1085 : vector<64x128xi32>
      %or3A_1087 = arith.ori %shift_left3A_1083, %shift_right_logical3A_1086 : vector<64x128xi32>
      %xor3A_1088 = arith.xori %add3A_1080, %or3A_1087 : vector<64x128xi32>
      %add3A_1089 = arith.addi %add3A_1080, %xor3A_1088 : vector<64x128xi32>
      %shift_left3A_1090 = arith.constant 15 : i32
      %shift_left3A_1091 = vector.broadcast %shift_left3A_1090 : i32 to vector<64x128xi32>
      %shift_left3A_1092 = arith.shli %xor3A_1088, %shift_left3A_1091 : vector<64x128xi32>
      %shift_right_logical3A_1093 = arith.constant 17 : i32
      %shift_right_logical3A_1094 = vector.broadcast %shift_right_logical3A_1093 : i32 to vector<64x128xi32>
      %shift_right_logical3A_1095 = arith.shrui %xor3A_1088, %shift_right_logical3A_1094 : vector<64x128xi32>
      %or3A_1096 = arith.ori %shift_left3A_1092, %shift_right_logical3A_1095 : vector<64x128xi32>
      %xor3A_1097 = arith.xori %add3A_1089, %or3A_1096 : vector<64x128xi32>
      %add3A_1098 = arith.addi %add3A_1089, %xor3A_1097 : vector<64x128xi32>
      %shift_left3A_1099 = arith.constant 26 : i32
      %shift_left3A_1100 = vector.broadcast %shift_left3A_1099 : i32 to vector<64x128xi32>
      %shift_left3A_1101 = arith.shli %xor3A_1097, %shift_left3A_1100 : vector<64x128xi32>
      %shift_right_logical3A_1102 = arith.constant 6 : i32
      %shift_right_logical3A_1103 = vector.broadcast %shift_right_logical3A_1102 : i32 to vector<64x128xi32>
      %shift_right_logical3A_1104 = arith.shrui %xor3A_1097, %shift_right_logical3A_1103 : vector<64x128xi32>
      %or3A_1105 = arith.ori %shift_left3A_1101, %shift_right_logical3A_1104 : vector<64x128xi32>
      %xor3A_1106 = arith.xori %add3A_1098, %or3A_1105 : vector<64x128xi32>
      %add3A_1107 = arith.addi %add3A_1098, %xor3A_1106 : vector<64x128xi32>
      %shift_left3A_1108 = arith.constant 6 : i32
      %shift_left3A_1109 = vector.broadcast %shift_left3A_1108 : i32 to vector<64x128xi32>
      %shift_left3A_1110 = arith.shli %xor3A_1106, %shift_left3A_1109 : vector<64x128xi32>
      %shift_right_logical3A_1111 = arith.constant 26 : i32
      %shift_right_logical3A_1112 = vector.broadcast %shift_right_logical3A_1111 : i32 to vector<64x128xi32>
      %shift_right_logical3A_1113 = arith.shrui %xor3A_1106, %shift_right_logical3A_1112 : vector<64x128xi32>
      %or3A_1114 = arith.ori %shift_left3A_1110, %shift_right_logical3A_1113 : vector<64x128xi32>
      %xor3A_1115 = arith.xori %add3A_1107, %or3A_1114 : vector<64x128xi32>
      %add3A_1116 = arith.constant 42 : i32
      %add3A_1117 = vector.broadcast %add3A_1116 : i32 to vector<64x128xi32>
      %add3A_1118 = arith.addi %add3A_1107, %add3A_1117 : vector<64x128xi32>
      %add3A_1119 = arith.constant 466689008 : i32
      %add3A_1120 = vector.broadcast %add3A_1119 : i32 to vector<64x128xi32>
      %add3A_1121 = arith.addi %xor3A_1115, %add3A_1120 : vector<64x128xi32>
      %add3A_1122 = arith.constant 1 : i32
      %add3A_1123 = vector.broadcast %add3A_1122 : i32 to vector<64x128xi32>
      %add3A_1124 = arith.addi %add3A_1121, %add3A_1123 : vector<64x128xi32>
      %add3A_1125 = arith.addi %add3A_1118, %add3A_1124 : vector<64x128xi32>
      %shift_left3A_1126 = arith.constant 17 : i32
      %shift_left3A_1127 = vector.broadcast %shift_left3A_1126 : i32 to vector<64x128xi32>
      %shift_left3A_1128 = arith.shli %add3A_1124, %shift_left3A_1127 : vector<64x128xi32>
      %shift_right_logical3A_1129 = arith.constant 15 : i32
      %shift_right_logical3A_1130 = vector.broadcast %shift_right_logical3A_1129 : i32 to vector<64x128xi32>
      %shift_right_logical3A_1131 = arith.shrui %add3A_1124, %shift_right_logical3A_1130 : vector<64x128xi32>
      %or3A_1132 = arith.ori %shift_left3A_1128, %shift_right_logical3A_1131 : vector<64x128xi32>
      %xor3A_1133 = arith.xori %add3A_1125, %or3A_1132 : vector<64x128xi32>
      %add3A_1134 = arith.addi %add3A_1125, %xor3A_1133 : vector<64x128xi32>
      %shift_left3A_1135 = arith.constant 29 : i32
      %shift_left3A_1136 = vector.broadcast %shift_left3A_1135 : i32 to vector<64x128xi32>
      %shift_left3A_1137 = arith.shli %xor3A_1133, %shift_left3A_1136 : vector<64x128xi32>
      %shift_right_logical3A_1138 = arith.constant 3 : i32
      %shift_right_logical3A_1139 = vector.broadcast %shift_right_logical3A_1138 : i32 to vector<64x128xi32>
      %shift_right_logical3A_1140 = arith.shrui %xor3A_1133, %shift_right_logical3A_1139 : vector<64x128xi32>
      %or3A_1141 = arith.ori %shift_left3A_1137, %shift_right_logical3A_1140 : vector<64x128xi32>
      %xor3A_1142 = arith.xori %add3A_1134, %or3A_1141 : vector<64x128xi32>
      %add3A_1143 = arith.addi %add3A_1134, %xor3A_1142 : vector<64x128xi32>
      %shift_left3A_1144 = arith.constant 16 : i32
      %shift_left3A_1145 = vector.broadcast %shift_left3A_1144 : i32 to vector<64x128xi32>
      %shift_left3A_1146 = arith.shli %xor3A_1142, %shift_left3A_1145 : vector<64x128xi32>
      %shift_right_logical3A_1147 = arith.constant 16 : i32
      %shift_right_logical3A_1148 = vector.broadcast %shift_right_logical3A_1147 : i32 to vector<64x128xi32>
      %shift_right_logical3A_1149 = arith.shrui %xor3A_1142, %shift_right_logical3A_1148 : vector<64x128xi32>
      %or3A_1150 = arith.ori %shift_left3A_1146, %shift_right_logical3A_1149 : vector<64x128xi32>
      %xor3A_1151 = arith.xori %add3A_1143, %or3A_1150 : vector<64x128xi32>
      %add3A_1152 = arith.addi %add3A_1143, %xor3A_1151 : vector<64x128xi32>
      %shift_left3A_1153 = arith.constant 24 : i32
      %shift_left3A_1154 = vector.broadcast %shift_left3A_1153 : i32 to vector<64x128xi32>
      %shift_left3A_1155 = arith.shli %xor3A_1151, %shift_left3A_1154 : vector<64x128xi32>
      %shift_right_logical3A_1156 = arith.constant 8 : i32
      %shift_right_logical3A_1157 = vector.broadcast %shift_right_logical3A_1156 : i32 to vector<64x128xi32>
      %shift_right_logical3A_1158 = arith.shrui %xor3A_1151, %shift_right_logical3A_1157 : vector<64x128xi32>
      %or3A_1159 = arith.ori %shift_left3A_1155, %shift_right_logical3A_1158 : vector<64x128xi32>
      %xor3A_1160 = arith.xori %add3A_1152, %or3A_1159 : vector<64x128xi32>
      %add3A_1161 = arith.constant 466689008 : i32
      %add3A_1162 = vector.broadcast %add3A_1161 : i32 to vector<64x128xi32>
      %add3A_1163 = arith.addi %add3A_1152, %add3A_1162 : vector<64x128xi32>
      %add3A_1164 = arith.constant 0 : i32
      %add3A_1165 = vector.broadcast %add3A_1164 : i32 to vector<64x128xi32>
      %add3A_1166 = arith.addi %xor3A_1160, %add3A_1165 : vector<64x128xi32>
      %add3A_1167 = arith.constant 2 : i32
      %add3A_1168 = vector.broadcast %add3A_1167 : i32 to vector<64x128xi32>
      %add3A_1169 = arith.addi %add3A_1166, %add3A_1168 : vector<64x128xi32>
      %add3A_1170 = arith.addi %add3A_1163, %add3A_1169 : vector<64x128xi32>
      %shift_left3A_1171 = arith.constant 13 : i32
      %shift_left3A_1172 = vector.broadcast %shift_left3A_1171 : i32 to vector<64x128xi32>
      %shift_left3A_1173 = arith.shli %add3A_1169, %shift_left3A_1172 : vector<64x128xi32>
      %shift_right_logical3A_1174 = arith.constant 19 : i32
      %shift_right_logical3A_1175 = vector.broadcast %shift_right_logical3A_1174 : i32 to vector<64x128xi32>
      %shift_right_logical3A_1176 = arith.shrui %add3A_1169, %shift_right_logical3A_1175 : vector<64x128xi32>
      %or3A_1177 = arith.ori %shift_left3A_1173, %shift_right_logical3A_1176 : vector<64x128xi32>
      %xor3A_1178 = arith.xori %add3A_1170, %or3A_1177 : vector<64x128xi32>
      %add3A_1179 = arith.addi %add3A_1170, %xor3A_1178 : vector<64x128xi32>
      %shift_left3A_1180 = arith.constant 15 : i32
      %shift_left3A_1181 = vector.broadcast %shift_left3A_1180 : i32 to vector<64x128xi32>
      %shift_left3A_1182 = arith.shli %xor3A_1178, %shift_left3A_1181 : vector<64x128xi32>
      %shift_right_logical3A_1183 = arith.constant 17 : i32
      %shift_right_logical3A_1184 = vector.broadcast %shift_right_logical3A_1183 : i32 to vector<64x128xi32>
      %shift_right_logical3A_1185 = arith.shrui %xor3A_1178, %shift_right_logical3A_1184 : vector<64x128xi32>
      %or3A_1186 = arith.ori %shift_left3A_1182, %shift_right_logical3A_1185 : vector<64x128xi32>
      %xor3A_1187 = arith.xori %add3A_1179, %or3A_1186 : vector<64x128xi32>
      %add3A_1188 = arith.addi %add3A_1179, %xor3A_1187 : vector<64x128xi32>
      %shift_left3A_1189 = arith.constant 26 : i32
      %shift_left3A_1190 = vector.broadcast %shift_left3A_1189 : i32 to vector<64x128xi32>
      %shift_left3A_1191 = arith.shli %xor3A_1187, %shift_left3A_1190 : vector<64x128xi32>
      %shift_right_logical3A_1192 = arith.constant 6 : i32
      %shift_right_logical3A_1193 = vector.broadcast %shift_right_logical3A_1192 : i32 to vector<64x128xi32>
      %shift_right_logical3A_1194 = arith.shrui %xor3A_1187, %shift_right_logical3A_1193 : vector<64x128xi32>
      %or3A_1195 = arith.ori %shift_left3A_1191, %shift_right_logical3A_1194 : vector<64x128xi32>
      %xor3A_1196 = arith.xori %add3A_1188, %or3A_1195 : vector<64x128xi32>
      %add3A_1197 = arith.addi %add3A_1188, %xor3A_1196 : vector<64x128xi32>
      %shift_left3A_1198 = arith.constant 6 : i32
      %shift_left3A_1199 = vector.broadcast %shift_left3A_1198 : i32 to vector<64x128xi32>
      %shift_left3A_1200 = arith.shli %xor3A_1196, %shift_left3A_1199 : vector<64x128xi32>
      %shift_right_logical3A_1201 = arith.constant 26 : i32
      %shift_right_logical3A_1202 = vector.broadcast %shift_right_logical3A_1201 : i32 to vector<64x128xi32>
      %shift_right_logical3A_1203 = arith.shrui %xor3A_1196, %shift_right_logical3A_1202 : vector<64x128xi32>
      %or3A_1204 = arith.ori %shift_left3A_1200, %shift_right_logical3A_1203 : vector<64x128xi32>
      %xor3A_1205 = arith.xori %add3A_1197, %or3A_1204 : vector<64x128xi32>
      %add3A_1206 = arith.constant 0 : i32
      %add3A_1207 = vector.broadcast %add3A_1206 : i32 to vector<64x128xi32>
      %add3A_1208 = arith.addi %add3A_1197, %add3A_1207 : vector<64x128xi32>
      %add3A_1209 = arith.constant 42 : i32
      %add3A_1210 = vector.broadcast %add3A_1209 : i32 to vector<64x128xi32>
      %add3A_1211 = arith.addi %xor3A_1205, %add3A_1210 : vector<64x128xi32>
      %add3A_1212 = arith.constant 3 : i32
      %add3A_1213 = vector.broadcast %add3A_1212 : i32 to vector<64x128xi32>
      %add3A_1214 = arith.addi %add3A_1211, %add3A_1213 : vector<64x128xi32>
      %add3A_1215 = arith.addi %add3A_1208, %add3A_1214 : vector<64x128xi32>
      %shift_left3A_1216 = arith.constant 17 : i32
      %shift_left3A_1217 = vector.broadcast %shift_left3A_1216 : i32 to vector<64x128xi32>
      %shift_left3A_1218 = arith.shli %add3A_1214, %shift_left3A_1217 : vector<64x128xi32>
      %shift_right_logical3A_1219 = arith.constant 15 : i32
      %shift_right_logical3A_1220 = vector.broadcast %shift_right_logical3A_1219 : i32 to vector<64x128xi32>
      %shift_right_logical3A_1221 = arith.shrui %add3A_1214, %shift_right_logical3A_1220 : vector<64x128xi32>
      %or3A_1222 = arith.ori %shift_left3A_1218, %shift_right_logical3A_1221 : vector<64x128xi32>
      %xor3A_1223 = arith.xori %add3A_1215, %or3A_1222 : vector<64x128xi32>
      %add3A_1224 = arith.addi %add3A_1215, %xor3A_1223 : vector<64x128xi32>
      %shift_left3A_1225 = arith.constant 29 : i32
      %shift_left3A_1226 = vector.broadcast %shift_left3A_1225 : i32 to vector<64x128xi32>
      %shift_left3A_1227 = arith.shli %xor3A_1223, %shift_left3A_1226 : vector<64x128xi32>
      %shift_right_logical3A_1228 = arith.constant 3 : i32
      %shift_right_logical3A_1229 = vector.broadcast %shift_right_logical3A_1228 : i32 to vector<64x128xi32>
      %shift_right_logical3A_1230 = arith.shrui %xor3A_1223, %shift_right_logical3A_1229 : vector<64x128xi32>
      %or3A_1231 = arith.ori %shift_left3A_1227, %shift_right_logical3A_1230 : vector<64x128xi32>
      %xor3A_1232 = arith.xori %add3A_1224, %or3A_1231 : vector<64x128xi32>
      %add3A_1233 = arith.addi %add3A_1224, %xor3A_1232 : vector<64x128xi32>
      %shift_left3A_1234 = arith.constant 16 : i32
      %shift_left3A_1235 = vector.broadcast %shift_left3A_1234 : i32 to vector<64x128xi32>
      %shift_left3A_1236 = arith.shli %xor3A_1232, %shift_left3A_1235 : vector<64x128xi32>
      %shift_right_logical3A_1237 = arith.constant 16 : i32
      %shift_right_logical3A_1238 = vector.broadcast %shift_right_logical3A_1237 : i32 to vector<64x128xi32>
      %shift_right_logical3A_1239 = arith.shrui %xor3A_1232, %shift_right_logical3A_1238 : vector<64x128xi32>
      %or3A_1240 = arith.ori %shift_left3A_1236, %shift_right_logical3A_1239 : vector<64x128xi32>
      %xor3A_1241 = arith.xori %add3A_1233, %or3A_1240 : vector<64x128xi32>
      %add3A_1242 = arith.addi %add3A_1233, %xor3A_1241 : vector<64x128xi32>
      %shift_left3A_1243 = arith.constant 24 : i32
      %shift_left3A_1244 = vector.broadcast %shift_left3A_1243 : i32 to vector<64x128xi32>
      %shift_left3A_1245 = arith.shli %xor3A_1241, %shift_left3A_1244 : vector<64x128xi32>
      %shift_right_logical3A_1246 = arith.constant 8 : i32
      %shift_right_logical3A_1247 = vector.broadcast %shift_right_logical3A_1246 : i32 to vector<64x128xi32>
      %shift_right_logical3A_1248 = arith.shrui %xor3A_1241, %shift_right_logical3A_1247 : vector<64x128xi32>
      %or3A_1249 = arith.ori %shift_left3A_1245, %shift_right_logical3A_1248 : vector<64x128xi32>
      %xor3A_1250 = arith.xori %add3A_1242, %or3A_1249 : vector<64x128xi32>
      %add3A_1251 = arith.constant 42 : i32
      %add3A_1252 = vector.broadcast %add3A_1251 : i32 to vector<64x128xi32>
      %add3A_1253 = arith.addi %add3A_1242, %add3A_1252 : vector<64x128xi32>
      %add3A_1254 = arith.constant 466689008 : i32
      %add3A_1255 = vector.broadcast %add3A_1254 : i32 to vector<64x128xi32>
      %add3A_1256 = arith.addi %xor3A_1250, %add3A_1255 : vector<64x128xi32>
      %add3A_1257 = arith.constant 4 : i32
      %add3A_1258 = vector.broadcast %add3A_1257 : i32 to vector<64x128xi32>
      %add3A_1259 = arith.addi %add3A_1256, %add3A_1258 : vector<64x128xi32>
      %add3A_1260 = arith.addi %add3A_1253, %add3A_1259 : vector<64x128xi32>
      %shift_left3A_1261 = arith.constant 13 : i32
      %shift_left3A_1262 = vector.broadcast %shift_left3A_1261 : i32 to vector<64x128xi32>
      %shift_left3A_1263 = arith.shli %add3A_1259, %shift_left3A_1262 : vector<64x128xi32>
      %shift_right_logical3A_1264 = arith.constant 19 : i32
      %shift_right_logical3A_1265 = vector.broadcast %shift_right_logical3A_1264 : i32 to vector<64x128xi32>
      %shift_right_logical3A_1266 = arith.shrui %add3A_1259, %shift_right_logical3A_1265 : vector<64x128xi32>
      %or3A_1267 = arith.ori %shift_left3A_1263, %shift_right_logical3A_1266 : vector<64x128xi32>
      %xor3A_1268 = arith.xori %add3A_1260, %or3A_1267 : vector<64x128xi32>
      %add3A_1269 = arith.addi %add3A_1260, %xor3A_1268 : vector<64x128xi32>
      %shift_left3A_1270 = arith.constant 15 : i32
      %shift_left3A_1271 = vector.broadcast %shift_left3A_1270 : i32 to vector<64x128xi32>
      %shift_left3A_1272 = arith.shli %xor3A_1268, %shift_left3A_1271 : vector<64x128xi32>
      %shift_right_logical3A_1273 = arith.constant 17 : i32
      %shift_right_logical3A_1274 = vector.broadcast %shift_right_logical3A_1273 : i32 to vector<64x128xi32>
      %shift_right_logical3A_1275 = arith.shrui %xor3A_1268, %shift_right_logical3A_1274 : vector<64x128xi32>
      %or3A_1276 = arith.ori %shift_left3A_1272, %shift_right_logical3A_1275 : vector<64x128xi32>
      %xor3A_1277 = arith.xori %add3A_1269, %or3A_1276 : vector<64x128xi32>
      %add3A_1278 = arith.addi %add3A_1269, %xor3A_1277 : vector<64x128xi32>
      %shift_left3A_1279 = arith.constant 26 : i32
      %shift_left3A_1280 = vector.broadcast %shift_left3A_1279 : i32 to vector<64x128xi32>
      %shift_left3A_1281 = arith.shli %xor3A_1277, %shift_left3A_1280 : vector<64x128xi32>
      %shift_right_logical3A_1282 = arith.constant 6 : i32
      %shift_right_logical3A_1283 = vector.broadcast %shift_right_logical3A_1282 : i32 to vector<64x128xi32>
      %shift_right_logical3A_1284 = arith.shrui %xor3A_1277, %shift_right_logical3A_1283 : vector<64x128xi32>
      %or3A_1285 = arith.ori %shift_left3A_1281, %shift_right_logical3A_1284 : vector<64x128xi32>
      %xor3A_1286 = arith.xori %add3A_1278, %or3A_1285 : vector<64x128xi32>
      %add3A_1287 = arith.addi %add3A_1278, %xor3A_1286 : vector<64x128xi32>
      %shift_left3A_1288 = arith.constant 6 : i32
      %shift_left3A_1289 = vector.broadcast %shift_left3A_1288 : i32 to vector<64x128xi32>
      %shift_left3A_1290 = arith.shli %xor3A_1286, %shift_left3A_1289 : vector<64x128xi32>
      %shift_right_logical3A_1291 = arith.constant 26 : i32
      %shift_right_logical3A_1292 = vector.broadcast %shift_right_logical3A_1291 : i32 to vector<64x128xi32>
      %shift_right_logical3A_1293 = arith.shrui %xor3A_1286, %shift_right_logical3A_1292 : vector<64x128xi32>
      %or3A_1294 = arith.ori %shift_left3A_1290, %shift_right_logical3A_1293 : vector<64x128xi32>
      %xor3A_1295 = arith.xori %add3A_1287, %or3A_1294 : vector<64x128xi32>
      %add3A_1296 = arith.constant 466689008 : i32
      %add3A_1297 = vector.broadcast %add3A_1296 : i32 to vector<64x128xi32>
      %add3A_1298 = arith.addi %add3A_1287, %add3A_1297 : vector<64x128xi32>
      %add3A_1299 = arith.constant 0 : i32
      %add3A_1300 = vector.broadcast %add3A_1299 : i32 to vector<64x128xi32>
      %add3A_1301 = arith.addi %xor3A_1295, %add3A_1300 : vector<64x128xi32>
      %add3A_1302 = arith.constant 5 : i32
      %add3A_1303 = vector.broadcast %add3A_1302 : i32 to vector<64x128xi32>
      %add3A_1304 = arith.addi %add3A_1301, %add3A_1303 : vector<64x128xi32>
      %xor3A_1305 = arith.xori %add3A_1298, %add3A_1304 : vector<64x128xi32>
      %shift_right_logical3A_1306 = arith.constant 9 : i32
      %shift_right_logical3A_1307 = vector.broadcast %shift_right_logical3A_1306 : i32 to vector<64x128xi32>
      %shift_right_logical3A_1308 = arith.shrui %xor3A_1305, %shift_right_logical3A_1307 : vector<64x128xi32>
      %or3A_1309 = arith.constant 1065353216 : i32
      %or3A_1310 = vector.broadcast %or3A_1309 : i32 to vector<64x128xi32>
      %or3A_1311 = arith.ori %shift_right_logical3A_1308, %or3A_1310 : vector<64x128xi32>
      %bitcast_convert_type3A_1312 = tpu.bitcast %or3A_1311 : vector<64x128xi32> -> vector<64x128xf32>
      %sub3A_1313 = arith.constant 1.000000e+00 : f32
      %sub3A_1314 = vector.broadcast %sub3A_1313 : f32 to vector<64x128xf32>
      %sub3A_1315 = arith.subf %bitcast_convert_type3A_1312, %sub3A_1314 : vector<64x128xf32>
      %get3A_1316 = arith.constant 0 : index
      %get3A_1317 = arith.index_cast %add3A_1074 : i32 to index
      %get3A_1318 = arith.constant 0 : index
      %get3A_1319 = vector.load %arg2[%get3A_1316, %get3A_1317, %get3A_1318] : memref<1x256x128xf32, #tpu.memory_space<vmem>>, vector<1x1x128xf32>
      %get3A_1320 = vector.shape_cast %get3A_1319 : vector<1x1x128xf32> to vector<1x128xf32>
      %log3A_1321 = math.log %sub3A_1315 : vector<64x128xf32>
      %mul3A_1322 = vector.broadcast %get3A_1320 : vector<1x128xf32> to vector<64x128xf32>
      %mul3A_1323 = arith.mulf %log3A_1321, %mul3A_1322 : vector<64x128xf32>
      %lt3A_1324 = arith.cmpf olt, %mul3A_1323, %select_n3A_1068 : vector<64x128xf32>
      %select_n3A_1325 = arith.select %lt3A_1324, %mul3A_1323, %select_n3A_1068 : vector<64x128xi1>, vector<64x128xf32>
      %broadcast_in_dim3A_1326 = vector.broadcast %add3A_1074 : i32 to vector<64x128xi32>
      %select_n3A_1327 = arith.select %lt3A_1324, %broadcast_in_dim3A_1326, %select_n3A_1070 : vector<64x128xi1>, vector<64x128xi32>
      %mul3A_1328 = arith.constant 16 : i32
      %mul3A_1329 = arith.muli %scan3A_48, %mul3A_1328 : i32
      %add3A_1330 = arith.constant 5 : i32
      %add3A_1331 = arith.addi %mul3A_1329, %add3A_1330 : i32
      %mul3A_1332 = arith.constant 128 : i32
      %mul3A_1333 = arith.muli %add3A_1331, %mul3A_1332 : i32
      %add3A_1334 = vector.broadcast %mul3A_1333 : i32 to vector<64x128xi32>
      %add3A_1335 = arith.addi %add3A_18, %add3A_1334 : vector<64x128xi32>
      %add3A_1336 = vector.broadcast %add3A_2 : i32 to vector<64x128xi32>
      %add3A_1337 = arith.addi %add3A_1336, %add3A_1335 : vector<64x128xi32>
      %shift_left3A_1338 = arith.constant 13 : i32
      %shift_left3A_1339 = vector.broadcast %shift_left3A_1338 : i32 to vector<64x128xi32>
      %shift_left3A_1340 = arith.shli %add3A_1335, %shift_left3A_1339 : vector<64x128xi32>
      %shift_right_logical3A_1341 = arith.constant 19 : i32
      %shift_right_logical3A_1342 = vector.broadcast %shift_right_logical3A_1341 : i32 to vector<64x128xi32>
      %shift_right_logical3A_1343 = arith.shrui %add3A_1335, %shift_right_logical3A_1342 : vector<64x128xi32>
      %or3A_1344 = arith.ori %shift_left3A_1340, %shift_right_logical3A_1343 : vector<64x128xi32>
      %xor3A_1345 = arith.xori %add3A_1337, %or3A_1344 : vector<64x128xi32>
      %add3A_1346 = arith.addi %add3A_1337, %xor3A_1345 : vector<64x128xi32>
      %shift_left3A_1347 = arith.constant 15 : i32
      %shift_left3A_1348 = vector.broadcast %shift_left3A_1347 : i32 to vector<64x128xi32>
      %shift_left3A_1349 = arith.shli %xor3A_1345, %shift_left3A_1348 : vector<64x128xi32>
      %shift_right_logical3A_1350 = arith.constant 17 : i32
      %shift_right_logical3A_1351 = vector.broadcast %shift_right_logical3A_1350 : i32 to vector<64x128xi32>
      %shift_right_logical3A_1352 = arith.shrui %xor3A_1345, %shift_right_logical3A_1351 : vector<64x128xi32>
      %or3A_1353 = arith.ori %shift_left3A_1349, %shift_right_logical3A_1352 : vector<64x128xi32>
      %xor3A_1354 = arith.xori %add3A_1346, %or3A_1353 : vector<64x128xi32>
      %add3A_1355 = arith.addi %add3A_1346, %xor3A_1354 : vector<64x128xi32>
      %shift_left3A_1356 = arith.constant 26 : i32
      %shift_left3A_1357 = vector.broadcast %shift_left3A_1356 : i32 to vector<64x128xi32>
      %shift_left3A_1358 = arith.shli %xor3A_1354, %shift_left3A_1357 : vector<64x128xi32>
      %shift_right_logical3A_1359 = arith.constant 6 : i32
      %shift_right_logical3A_1360 = vector.broadcast %shift_right_logical3A_1359 : i32 to vector<64x128xi32>
      %shift_right_logical3A_1361 = arith.shrui %xor3A_1354, %shift_right_logical3A_1360 : vector<64x128xi32>
      %or3A_1362 = arith.ori %shift_left3A_1358, %shift_right_logical3A_1361 : vector<64x128xi32>
      %xor3A_1363 = arith.xori %add3A_1355, %or3A_1362 : vector<64x128xi32>
      %add3A_1364 = arith.addi %add3A_1355, %xor3A_1363 : vector<64x128xi32>
      %shift_left3A_1365 = arith.constant 6 : i32
      %shift_left3A_1366 = vector.broadcast %shift_left3A_1365 : i32 to vector<64x128xi32>
      %shift_left3A_1367 = arith.shli %xor3A_1363, %shift_left3A_1366 : vector<64x128xi32>
      %shift_right_logical3A_1368 = arith.constant 26 : i32
      %shift_right_logical3A_1369 = vector.broadcast %shift_right_logical3A_1368 : i32 to vector<64x128xi32>
      %shift_right_logical3A_1370 = arith.shrui %xor3A_1363, %shift_right_logical3A_1369 : vector<64x128xi32>
      %or3A_1371 = arith.ori %shift_left3A_1367, %shift_right_logical3A_1370 : vector<64x128xi32>
      %xor3A_1372 = arith.xori %add3A_1364, %or3A_1371 : vector<64x128xi32>
      %add3A_1373 = arith.constant 42 : i32
      %add3A_1374 = vector.broadcast %add3A_1373 : i32 to vector<64x128xi32>
      %add3A_1375 = arith.addi %add3A_1364, %add3A_1374 : vector<64x128xi32>
      %add3A_1376 = arith.constant 466689008 : i32
      %add3A_1377 = vector.broadcast %add3A_1376 : i32 to vector<64x128xi32>
      %add3A_1378 = arith.addi %xor3A_1372, %add3A_1377 : vector<64x128xi32>
      %add3A_1379 = arith.constant 1 : i32
      %add3A_1380 = vector.broadcast %add3A_1379 : i32 to vector<64x128xi32>
      %add3A_1381 = arith.addi %add3A_1378, %add3A_1380 : vector<64x128xi32>
      %add3A_1382 = arith.addi %add3A_1375, %add3A_1381 : vector<64x128xi32>
      %shift_left3A_1383 = arith.constant 17 : i32
      %shift_left3A_1384 = vector.broadcast %shift_left3A_1383 : i32 to vector<64x128xi32>
      %shift_left3A_1385 = arith.shli %add3A_1381, %shift_left3A_1384 : vector<64x128xi32>
      %shift_right_logical3A_1386 = arith.constant 15 : i32
      %shift_right_logical3A_1387 = vector.broadcast %shift_right_logical3A_1386 : i32 to vector<64x128xi32>
      %shift_right_logical3A_1388 = arith.shrui %add3A_1381, %shift_right_logical3A_1387 : vector<64x128xi32>
      %or3A_1389 = arith.ori %shift_left3A_1385, %shift_right_logical3A_1388 : vector<64x128xi32>
      %xor3A_1390 = arith.xori %add3A_1382, %or3A_1389 : vector<64x128xi32>
      %add3A_1391 = arith.addi %add3A_1382, %xor3A_1390 : vector<64x128xi32>
      %shift_left3A_1392 = arith.constant 29 : i32
      %shift_left3A_1393 = vector.broadcast %shift_left3A_1392 : i32 to vector<64x128xi32>
      %shift_left3A_1394 = arith.shli %xor3A_1390, %shift_left3A_1393 : vector<64x128xi32>
      %shift_right_logical3A_1395 = arith.constant 3 : i32
      %shift_right_logical3A_1396 = vector.broadcast %shift_right_logical3A_1395 : i32 to vector<64x128xi32>
      %shift_right_logical3A_1397 = arith.shrui %xor3A_1390, %shift_right_logical3A_1396 : vector<64x128xi32>
      %or3A_1398 = arith.ori %shift_left3A_1394, %shift_right_logical3A_1397 : vector<64x128xi32>
      %xor3A_1399 = arith.xori %add3A_1391, %or3A_1398 : vector<64x128xi32>
      %add3A_1400 = arith.addi %add3A_1391, %xor3A_1399 : vector<64x128xi32>
      %shift_left3A_1401 = arith.constant 16 : i32
      %shift_left3A_1402 = vector.broadcast %shift_left3A_1401 : i32 to vector<64x128xi32>
      %shift_left3A_1403 = arith.shli %xor3A_1399, %shift_left3A_1402 : vector<64x128xi32>
      %shift_right_logical3A_1404 = arith.constant 16 : i32
      %shift_right_logical3A_1405 = vector.broadcast %shift_right_logical3A_1404 : i32 to vector<64x128xi32>
      %shift_right_logical3A_1406 = arith.shrui %xor3A_1399, %shift_right_logical3A_1405 : vector<64x128xi32>
      %or3A_1407 = arith.ori %shift_left3A_1403, %shift_right_logical3A_1406 : vector<64x128xi32>
      %xor3A_1408 = arith.xori %add3A_1400, %or3A_1407 : vector<64x128xi32>
      %add3A_1409 = arith.addi %add3A_1400, %xor3A_1408 : vector<64x128xi32>
      %shift_left3A_1410 = arith.constant 24 : i32
      %shift_left3A_1411 = vector.broadcast %shift_left3A_1410 : i32 to vector<64x128xi32>
      %shift_left3A_1412 = arith.shli %xor3A_1408, %shift_left3A_1411 : vector<64x128xi32>
      %shift_right_logical3A_1413 = arith.constant 8 : i32
      %shift_right_logical3A_1414 = vector.broadcast %shift_right_logical3A_1413 : i32 to vector<64x128xi32>
      %shift_right_logical3A_1415 = arith.shrui %xor3A_1408, %shift_right_logical3A_1414 : vector<64x128xi32>
      %or3A_1416 = arith.ori %shift_left3A_1412, %shift_right_logical3A_1415 : vector<64x128xi32>
      %xor3A_1417 = arith.xori %add3A_1409, %or3A_1416 : vector<64x128xi32>
      %add3A_1418 = arith.constant 466689008 : i32
      %add3A_1419 = vector.broadcast %add3A_1418 : i32 to vector<64x128xi32>
      %add3A_1420 = arith.addi %add3A_1409, %add3A_1419 : vector<64x128xi32>
      %add3A_1421 = arith.constant 0 : i32
      %add3A_1422 = vector.broadcast %add3A_1421 : i32 to vector<64x128xi32>
      %add3A_1423 = arith.addi %xor3A_1417, %add3A_1422 : vector<64x128xi32>
      %add3A_1424 = arith.constant 2 : i32
      %add3A_1425 = vector.broadcast %add3A_1424 : i32 to vector<64x128xi32>
      %add3A_1426 = arith.addi %add3A_1423, %add3A_1425 : vector<64x128xi32>
      %add3A_1427 = arith.addi %add3A_1420, %add3A_1426 : vector<64x128xi32>
      %shift_left3A_1428 = arith.constant 13 : i32
      %shift_left3A_1429 = vector.broadcast %shift_left3A_1428 : i32 to vector<64x128xi32>
      %shift_left3A_1430 = arith.shli %add3A_1426, %shift_left3A_1429 : vector<64x128xi32>
      %shift_right_logical3A_1431 = arith.constant 19 : i32
      %shift_right_logical3A_1432 = vector.broadcast %shift_right_logical3A_1431 : i32 to vector<64x128xi32>
      %shift_right_logical3A_1433 = arith.shrui %add3A_1426, %shift_right_logical3A_1432 : vector<64x128xi32>
      %or3A_1434 = arith.ori %shift_left3A_1430, %shift_right_logical3A_1433 : vector<64x128xi32>
      %xor3A_1435 = arith.xori %add3A_1427, %or3A_1434 : vector<64x128xi32>
      %add3A_1436 = arith.addi %add3A_1427, %xor3A_1435 : vector<64x128xi32>
      %shift_left3A_1437 = arith.constant 15 : i32
      %shift_left3A_1438 = vector.broadcast %shift_left3A_1437 : i32 to vector<64x128xi32>
      %shift_left3A_1439 = arith.shli %xor3A_1435, %shift_left3A_1438 : vector<64x128xi32>
      %shift_right_logical3A_1440 = arith.constant 17 : i32
      %shift_right_logical3A_1441 = vector.broadcast %shift_right_logical3A_1440 : i32 to vector<64x128xi32>
      %shift_right_logical3A_1442 = arith.shrui %xor3A_1435, %shift_right_logical3A_1441 : vector<64x128xi32>
      %or3A_1443 = arith.ori %shift_left3A_1439, %shift_right_logical3A_1442 : vector<64x128xi32>
      %xor3A_1444 = arith.xori %add3A_1436, %or3A_1443 : vector<64x128xi32>
      %add3A_1445 = arith.addi %add3A_1436, %xor3A_1444 : vector<64x128xi32>
      %shift_left3A_1446 = arith.constant 26 : i32
      %shift_left3A_1447 = vector.broadcast %shift_left3A_1446 : i32 to vector<64x128xi32>
      %shift_left3A_1448 = arith.shli %xor3A_1444, %shift_left3A_1447 : vector<64x128xi32>
      %shift_right_logical3A_1449 = arith.constant 6 : i32
      %shift_right_logical3A_1450 = vector.broadcast %shift_right_logical3A_1449 : i32 to vector<64x128xi32>
      %shift_right_logical3A_1451 = arith.shrui %xor3A_1444, %shift_right_logical3A_1450 : vector<64x128xi32>
      %or3A_1452 = arith.ori %shift_left3A_1448, %shift_right_logical3A_1451 : vector<64x128xi32>
      %xor3A_1453 = arith.xori %add3A_1445, %or3A_1452 : vector<64x128xi32>
      %add3A_1454 = arith.addi %add3A_1445, %xor3A_1453 : vector<64x128xi32>
      %shift_left3A_1455 = arith.constant 6 : i32
      %shift_left3A_1456 = vector.broadcast %shift_left3A_1455 : i32 to vector<64x128xi32>
      %shift_left3A_1457 = arith.shli %xor3A_1453, %shift_left3A_1456 : vector<64x128xi32>
      %shift_right_logical3A_1458 = arith.constant 26 : i32
      %shift_right_logical3A_1459 = vector.broadcast %shift_right_logical3A_1458 : i32 to vector<64x128xi32>
      %shift_right_logical3A_1460 = arith.shrui %xor3A_1453, %shift_right_logical3A_1459 : vector<64x128xi32>
      %or3A_1461 = arith.ori %shift_left3A_1457, %shift_right_logical3A_1460 : vector<64x128xi32>
      %xor3A_1462 = arith.xori %add3A_1454, %or3A_1461 : vector<64x128xi32>
      %add3A_1463 = arith.constant 0 : i32
      %add3A_1464 = vector.broadcast %add3A_1463 : i32 to vector<64x128xi32>
      %add3A_1465 = arith.addi %add3A_1454, %add3A_1464 : vector<64x128xi32>
      %add3A_1466 = arith.constant 42 : i32
      %add3A_1467 = vector.broadcast %add3A_1466 : i32 to vector<64x128xi32>
      %add3A_1468 = arith.addi %xor3A_1462, %add3A_1467 : vector<64x128xi32>
      %add3A_1469 = arith.constant 3 : i32
      %add3A_1470 = vector.broadcast %add3A_1469 : i32 to vector<64x128xi32>
      %add3A_1471 = arith.addi %add3A_1468, %add3A_1470 : vector<64x128xi32>
      %add3A_1472 = arith.addi %add3A_1465, %add3A_1471 : vector<64x128xi32>
      %shift_left3A_1473 = arith.constant 17 : i32
      %shift_left3A_1474 = vector.broadcast %shift_left3A_1473 : i32 to vector<64x128xi32>
      %shift_left3A_1475 = arith.shli %add3A_1471, %shift_left3A_1474 : vector<64x128xi32>
      %shift_right_logical3A_1476 = arith.constant 15 : i32
      %shift_right_logical3A_1477 = vector.broadcast %shift_right_logical3A_1476 : i32 to vector<64x128xi32>
      %shift_right_logical3A_1478 = arith.shrui %add3A_1471, %shift_right_logical3A_1477 : vector<64x128xi32>
      %or3A_1479 = arith.ori %shift_left3A_1475, %shift_right_logical3A_1478 : vector<64x128xi32>
      %xor3A_1480 = arith.xori %add3A_1472, %or3A_1479 : vector<64x128xi32>
      %add3A_1481 = arith.addi %add3A_1472, %xor3A_1480 : vector<64x128xi32>
      %shift_left3A_1482 = arith.constant 29 : i32
      %shift_left3A_1483 = vector.broadcast %shift_left3A_1482 : i32 to vector<64x128xi32>
      %shift_left3A_1484 = arith.shli %xor3A_1480, %shift_left3A_1483 : vector<64x128xi32>
      %shift_right_logical3A_1485 = arith.constant 3 : i32
      %shift_right_logical3A_1486 = vector.broadcast %shift_right_logical3A_1485 : i32 to vector<64x128xi32>
      %shift_right_logical3A_1487 = arith.shrui %xor3A_1480, %shift_right_logical3A_1486 : vector<64x128xi32>
      %or3A_1488 = arith.ori %shift_left3A_1484, %shift_right_logical3A_1487 : vector<64x128xi32>
      %xor3A_1489 = arith.xori %add3A_1481, %or3A_1488 : vector<64x128xi32>
      %add3A_1490 = arith.addi %add3A_1481, %xor3A_1489 : vector<64x128xi32>
      %shift_left3A_1491 = arith.constant 16 : i32
      %shift_left3A_1492 = vector.broadcast %shift_left3A_1491 : i32 to vector<64x128xi32>
      %shift_left3A_1493 = arith.shli %xor3A_1489, %shift_left3A_1492 : vector<64x128xi32>
      %shift_right_logical3A_1494 = arith.constant 16 : i32
      %shift_right_logical3A_1495 = vector.broadcast %shift_right_logical3A_1494 : i32 to vector<64x128xi32>
      %shift_right_logical3A_1496 = arith.shrui %xor3A_1489, %shift_right_logical3A_1495 : vector<64x128xi32>
      %or3A_1497 = arith.ori %shift_left3A_1493, %shift_right_logical3A_1496 : vector<64x128xi32>
      %xor3A_1498 = arith.xori %add3A_1490, %or3A_1497 : vector<64x128xi32>
      %add3A_1499 = arith.addi %add3A_1490, %xor3A_1498 : vector<64x128xi32>
      %shift_left3A_1500 = arith.constant 24 : i32
      %shift_left3A_1501 = vector.broadcast %shift_left3A_1500 : i32 to vector<64x128xi32>
      %shift_left3A_1502 = arith.shli %xor3A_1498, %shift_left3A_1501 : vector<64x128xi32>
      %shift_right_logical3A_1503 = arith.constant 8 : i32
      %shift_right_logical3A_1504 = vector.broadcast %shift_right_logical3A_1503 : i32 to vector<64x128xi32>
      %shift_right_logical3A_1505 = arith.shrui %xor3A_1498, %shift_right_logical3A_1504 : vector<64x128xi32>
      %or3A_1506 = arith.ori %shift_left3A_1502, %shift_right_logical3A_1505 : vector<64x128xi32>
      %xor3A_1507 = arith.xori %add3A_1499, %or3A_1506 : vector<64x128xi32>
      %add3A_1508 = arith.constant 42 : i32
      %add3A_1509 = vector.broadcast %add3A_1508 : i32 to vector<64x128xi32>
      %add3A_1510 = arith.addi %add3A_1499, %add3A_1509 : vector<64x128xi32>
      %add3A_1511 = arith.constant 466689008 : i32
      %add3A_1512 = vector.broadcast %add3A_1511 : i32 to vector<64x128xi32>
      %add3A_1513 = arith.addi %xor3A_1507, %add3A_1512 : vector<64x128xi32>
      %add3A_1514 = arith.constant 4 : i32
      %add3A_1515 = vector.broadcast %add3A_1514 : i32 to vector<64x128xi32>
      %add3A_1516 = arith.addi %add3A_1513, %add3A_1515 : vector<64x128xi32>
      %add3A_1517 = arith.addi %add3A_1510, %add3A_1516 : vector<64x128xi32>
      %shift_left3A_1518 = arith.constant 13 : i32
      %shift_left3A_1519 = vector.broadcast %shift_left3A_1518 : i32 to vector<64x128xi32>
      %shift_left3A_1520 = arith.shli %add3A_1516, %shift_left3A_1519 : vector<64x128xi32>
      %shift_right_logical3A_1521 = arith.constant 19 : i32
      %shift_right_logical3A_1522 = vector.broadcast %shift_right_logical3A_1521 : i32 to vector<64x128xi32>
      %shift_right_logical3A_1523 = arith.shrui %add3A_1516, %shift_right_logical3A_1522 : vector<64x128xi32>
      %or3A_1524 = arith.ori %shift_left3A_1520, %shift_right_logical3A_1523 : vector<64x128xi32>
      %xor3A_1525 = arith.xori %add3A_1517, %or3A_1524 : vector<64x128xi32>
      %add3A_1526 = arith.addi %add3A_1517, %xor3A_1525 : vector<64x128xi32>
      %shift_left3A_1527 = arith.constant 15 : i32
      %shift_left3A_1528 = vector.broadcast %shift_left3A_1527 : i32 to vector<64x128xi32>
      %shift_left3A_1529 = arith.shli %xor3A_1525, %shift_left3A_1528 : vector<64x128xi32>
      %shift_right_logical3A_1530 = arith.constant 17 : i32
      %shift_right_logical3A_1531 = vector.broadcast %shift_right_logical3A_1530 : i32 to vector<64x128xi32>
      %shift_right_logical3A_1532 = arith.shrui %xor3A_1525, %shift_right_logical3A_1531 : vector<64x128xi32>
      %or3A_1533 = arith.ori %shift_left3A_1529, %shift_right_logical3A_1532 : vector<64x128xi32>
      %xor3A_1534 = arith.xori %add3A_1526, %or3A_1533 : vector<64x128xi32>
      %add3A_1535 = arith.addi %add3A_1526, %xor3A_1534 : vector<64x128xi32>
      %shift_left3A_1536 = arith.constant 26 : i32
      %shift_left3A_1537 = vector.broadcast %shift_left3A_1536 : i32 to vector<64x128xi32>
      %shift_left3A_1538 = arith.shli %xor3A_1534, %shift_left3A_1537 : vector<64x128xi32>
      %shift_right_logical3A_1539 = arith.constant 6 : i32
      %shift_right_logical3A_1540 = vector.broadcast %shift_right_logical3A_1539 : i32 to vector<64x128xi32>
      %shift_right_logical3A_1541 = arith.shrui %xor3A_1534, %shift_right_logical3A_1540 : vector<64x128xi32>
      %or3A_1542 = arith.ori %shift_left3A_1538, %shift_right_logical3A_1541 : vector<64x128xi32>
      %xor3A_1543 = arith.xori %add3A_1535, %or3A_1542 : vector<64x128xi32>
      %add3A_1544 = arith.addi %add3A_1535, %xor3A_1543 : vector<64x128xi32>
      %shift_left3A_1545 = arith.constant 6 : i32
      %shift_left3A_1546 = vector.broadcast %shift_left3A_1545 : i32 to vector<64x128xi32>
      %shift_left3A_1547 = arith.shli %xor3A_1543, %shift_left3A_1546 : vector<64x128xi32>
      %shift_right_logical3A_1548 = arith.constant 26 : i32
      %shift_right_logical3A_1549 = vector.broadcast %shift_right_logical3A_1548 : i32 to vector<64x128xi32>
      %shift_right_logical3A_1550 = arith.shrui %xor3A_1543, %shift_right_logical3A_1549 : vector<64x128xi32>
      %or3A_1551 = arith.ori %shift_left3A_1547, %shift_right_logical3A_1550 : vector<64x128xi32>
      %xor3A_1552 = arith.xori %add3A_1544, %or3A_1551 : vector<64x128xi32>
      %add3A_1553 = arith.constant 466689008 : i32
      %add3A_1554 = vector.broadcast %add3A_1553 : i32 to vector<64x128xi32>
      %add3A_1555 = arith.addi %add3A_1544, %add3A_1554 : vector<64x128xi32>
      %add3A_1556 = arith.constant 0 : i32
      %add3A_1557 = vector.broadcast %add3A_1556 : i32 to vector<64x128xi32>
      %add3A_1558 = arith.addi %xor3A_1552, %add3A_1557 : vector<64x128xi32>
      %add3A_1559 = arith.constant 5 : i32
      %add3A_1560 = vector.broadcast %add3A_1559 : i32 to vector<64x128xi32>
      %add3A_1561 = arith.addi %add3A_1558, %add3A_1560 : vector<64x128xi32>
      %xor3A_1562 = arith.xori %add3A_1555, %add3A_1561 : vector<64x128xi32>
      %shift_right_logical3A_1563 = arith.constant 9 : i32
      %shift_right_logical3A_1564 = vector.broadcast %shift_right_logical3A_1563 : i32 to vector<64x128xi32>
      %shift_right_logical3A_1565 = arith.shrui %xor3A_1562, %shift_right_logical3A_1564 : vector<64x128xi32>
      %or3A_1566 = arith.constant 1065353216 : i32
      %or3A_1567 = vector.broadcast %or3A_1566 : i32 to vector<64x128xi32>
      %or3A_1568 = arith.ori %shift_right_logical3A_1565, %or3A_1567 : vector<64x128xi32>
      %bitcast_convert_type3A_1569 = tpu.bitcast %or3A_1568 : vector<64x128xi32> -> vector<64x128xf32>
      %sub3A_1570 = arith.constant 1.000000e+00 : f32
      %sub3A_1571 = vector.broadcast %sub3A_1570 : f32 to vector<64x128xf32>
      %sub3A_1572 = arith.subf %bitcast_convert_type3A_1569, %sub3A_1571 : vector<64x128xf32>
      %get3A_1573 = arith.constant 0 : index
      %get3A_1574 = arith.index_cast %add3A_1331 : i32 to index
      %get3A_1575 = arith.constant 0 : index
      %get3A_1576 = vector.load %arg2[%get3A_1573, %get3A_1574, %get3A_1575] : memref<1x256x128xf32, #tpu.memory_space<vmem>>, vector<1x1x128xf32>
      %get3A_1577 = vector.shape_cast %get3A_1576 : vector<1x1x128xf32> to vector<1x128xf32>
      %log3A_1578 = math.log %sub3A_1572 : vector<64x128xf32>
      %mul3A_1579 = vector.broadcast %get3A_1577 : vector<1x128xf32> to vector<64x128xf32>
      %mul3A_1580 = arith.mulf %log3A_1578, %mul3A_1579 : vector<64x128xf32>
      %lt3A_1581 = arith.cmpf olt, %mul3A_1580, %select_n3A_1325 : vector<64x128xf32>
      %select_n3A_1582 = arith.select %lt3A_1581, %mul3A_1580, %select_n3A_1325 : vector<64x128xi1>, vector<64x128xf32>
      %broadcast_in_dim3A_1583 = vector.broadcast %add3A_1331 : i32 to vector<64x128xi32>
      %select_n3A_1584 = arith.select %lt3A_1581, %broadcast_in_dim3A_1583, %select_n3A_1327 : vector<64x128xi1>, vector<64x128xi32>
      %mul3A_1585 = arith.constant 16 : i32
      %mul3A_1586 = arith.muli %scan3A_48, %mul3A_1585 : i32
      %add3A_1587 = arith.constant 6 : i32
      %add3A_1588 = arith.addi %mul3A_1586, %add3A_1587 : i32
      %mul3A_1589 = arith.constant 128 : i32
      %mul3A_1590 = arith.muli %add3A_1588, %mul3A_1589 : i32
      %add3A_1591 = vector.broadcast %mul3A_1590 : i32 to vector<64x128xi32>
      %add3A_1592 = arith.addi %add3A_18, %add3A_1591 : vector<64x128xi32>
      %add3A_1593 = vector.broadcast %add3A_2 : i32 to vector<64x128xi32>
      %add3A_1594 = arith.addi %add3A_1593, %add3A_1592 : vector<64x128xi32>
      %shift_left3A_1595 = arith.constant 13 : i32
      %shift_left3A_1596 = vector.broadcast %shift_left3A_1595 : i32 to vector<64x128xi32>
      %shift_left3A_1597 = arith.shli %add3A_1592, %shift_left3A_1596 : vector<64x128xi32>
      %shift_right_logical3A_1598 = arith.constant 19 : i32
      %shift_right_logical3A_1599 = vector.broadcast %shift_right_logical3A_1598 : i32 to vector<64x128xi32>
      %shift_right_logical3A_1600 = arith.shrui %add3A_1592, %shift_right_logical3A_1599 : vector<64x128xi32>
      %or3A_1601 = arith.ori %shift_left3A_1597, %shift_right_logical3A_1600 : vector<64x128xi32>
      %xor3A_1602 = arith.xori %add3A_1594, %or3A_1601 : vector<64x128xi32>
      %add3A_1603 = arith.addi %add3A_1594, %xor3A_1602 : vector<64x128xi32>
      %shift_left3A_1604 = arith.constant 15 : i32
      %shift_left3A_1605 = vector.broadcast %shift_left3A_1604 : i32 to vector<64x128xi32>
      %shift_left3A_1606 = arith.shli %xor3A_1602, %shift_left3A_1605 : vector<64x128xi32>
      %shift_right_logical3A_1607 = arith.constant 17 : i32
      %shift_right_logical3A_1608 = vector.broadcast %shift_right_logical3A_1607 : i32 to vector<64x128xi32>
      %shift_right_logical3A_1609 = arith.shrui %xor3A_1602, %shift_right_logical3A_1608 : vector<64x128xi32>
      %or3A_1610 = arith.ori %shift_left3A_1606, %shift_right_logical3A_1609 : vector<64x128xi32>
      %xor3A_1611 = arith.xori %add3A_1603, %or3A_1610 : vector<64x128xi32>
      %add3A_1612 = arith.addi %add3A_1603, %xor3A_1611 : vector<64x128xi32>
      %shift_left3A_1613 = arith.constant 26 : i32
      %shift_left3A_1614 = vector.broadcast %shift_left3A_1613 : i32 to vector<64x128xi32>
      %shift_left3A_1615 = arith.shli %xor3A_1611, %shift_left3A_1614 : vector<64x128xi32>
      %shift_right_logical3A_1616 = arith.constant 6 : i32
      %shift_right_logical3A_1617 = vector.broadcast %shift_right_logical3A_1616 : i32 to vector<64x128xi32>
      %shift_right_logical3A_1618 = arith.shrui %xor3A_1611, %shift_right_logical3A_1617 : vector<64x128xi32>
      %or3A_1619 = arith.ori %shift_left3A_1615, %shift_right_logical3A_1618 : vector<64x128xi32>
      %xor3A_1620 = arith.xori %add3A_1612, %or3A_1619 : vector<64x128xi32>
      %add3A_1621 = arith.addi %add3A_1612, %xor3A_1620 : vector<64x128xi32>
      %shift_left3A_1622 = arith.constant 6 : i32
      %shift_left3A_1623 = vector.broadcast %shift_left3A_1622 : i32 to vector<64x128xi32>
      %shift_left3A_1624 = arith.shli %xor3A_1620, %shift_left3A_1623 : vector<64x128xi32>
      %shift_right_logical3A_1625 = arith.constant 26 : i32
      %shift_right_logical3A_1626 = vector.broadcast %shift_right_logical3A_1625 : i32 to vector<64x128xi32>
      %shift_right_logical3A_1627 = arith.shrui %xor3A_1620, %shift_right_logical3A_1626 : vector<64x128xi32>
      %or3A_1628 = arith.ori %shift_left3A_1624, %shift_right_logical3A_1627 : vector<64x128xi32>
      %xor3A_1629 = arith.xori %add3A_1621, %or3A_1628 : vector<64x128xi32>
      %add3A_1630 = arith.constant 42 : i32
      %add3A_1631 = vector.broadcast %add3A_1630 : i32 to vector<64x128xi32>
      %add3A_1632 = arith.addi %add3A_1621, %add3A_1631 : vector<64x128xi32>
      %add3A_1633 = arith.constant 466689008 : i32
      %add3A_1634 = vector.broadcast %add3A_1633 : i32 to vector<64x128xi32>
      %add3A_1635 = arith.addi %xor3A_1629, %add3A_1634 : vector<64x128xi32>
      %add3A_1636 = arith.constant 1 : i32
      %add3A_1637 = vector.broadcast %add3A_1636 : i32 to vector<64x128xi32>
      %add3A_1638 = arith.addi %add3A_1635, %add3A_1637 : vector<64x128xi32>
      %add3A_1639 = arith.addi %add3A_1632, %add3A_1638 : vector<64x128xi32>
      %shift_left3A_1640 = arith.constant 17 : i32
      %shift_left3A_1641 = vector.broadcast %shift_left3A_1640 : i32 to vector<64x128xi32>
      %shift_left3A_1642 = arith.shli %add3A_1638, %shift_left3A_1641 : vector<64x128xi32>
      %shift_right_logical3A_1643 = arith.constant 15 : i32
      %shift_right_logical3A_1644 = vector.broadcast %shift_right_logical3A_1643 : i32 to vector<64x128xi32>
      %shift_right_logical3A_1645 = arith.shrui %add3A_1638, %shift_right_logical3A_1644 : vector<64x128xi32>
      %or3A_1646 = arith.ori %shift_left3A_1642, %shift_right_logical3A_1645 : vector<64x128xi32>
      %xor3A_1647 = arith.xori %add3A_1639, %or3A_1646 : vector<64x128xi32>
      %add3A_1648 = arith.addi %add3A_1639, %xor3A_1647 : vector<64x128xi32>
      %shift_left3A_1649 = arith.constant 29 : i32
      %shift_left3A_1650 = vector.broadcast %shift_left3A_1649 : i32 to vector<64x128xi32>
      %shift_left3A_1651 = arith.shli %xor3A_1647, %shift_left3A_1650 : vector<64x128xi32>
      %shift_right_logical3A_1652 = arith.constant 3 : i32
      %shift_right_logical3A_1653 = vector.broadcast %shift_right_logical3A_1652 : i32 to vector<64x128xi32>
      %shift_right_logical3A_1654 = arith.shrui %xor3A_1647, %shift_right_logical3A_1653 : vector<64x128xi32>
      %or3A_1655 = arith.ori %shift_left3A_1651, %shift_right_logical3A_1654 : vector<64x128xi32>
      %xor3A_1656 = arith.xori %add3A_1648, %or3A_1655 : vector<64x128xi32>
      %add3A_1657 = arith.addi %add3A_1648, %xor3A_1656 : vector<64x128xi32>
      %shift_left3A_1658 = arith.constant 16 : i32
      %shift_left3A_1659 = vector.broadcast %shift_left3A_1658 : i32 to vector<64x128xi32>
      %shift_left3A_1660 = arith.shli %xor3A_1656, %shift_left3A_1659 : vector<64x128xi32>
      %shift_right_logical3A_1661 = arith.constant 16 : i32
      %shift_right_logical3A_1662 = vector.broadcast %shift_right_logical3A_1661 : i32 to vector<64x128xi32>
      %shift_right_logical3A_1663 = arith.shrui %xor3A_1656, %shift_right_logical3A_1662 : vector<64x128xi32>
      %or3A_1664 = arith.ori %shift_left3A_1660, %shift_right_logical3A_1663 : vector<64x128xi32>
      %xor3A_1665 = arith.xori %add3A_1657, %or3A_1664 : vector<64x128xi32>
      %add3A_1666 = arith.addi %add3A_1657, %xor3A_1665 : vector<64x128xi32>
      %shift_left3A_1667 = arith.constant 24 : i32
      %shift_left3A_1668 = vector.broadcast %shift_left3A_1667 : i32 to vector<64x128xi32>
      %shift_left3A_1669 = arith.shli %xor3A_1665, %shift_left3A_1668 : vector<64x128xi32>
      %shift_right_logical3A_1670 = arith.constant 8 : i32
      %shift_right_logical3A_1671 = vector.broadcast %shift_right_logical3A_1670 : i32 to vector<64x128xi32>
      %shift_right_logical3A_1672 = arith.shrui %xor3A_1665, %shift_right_logical3A_1671 : vector<64x128xi32>
      %or3A_1673 = arith.ori %shift_left3A_1669, %shift_right_logical3A_1672 : vector<64x128xi32>
      %xor3A_1674 = arith.xori %add3A_1666, %or3A_1673 : vector<64x128xi32>
      %add3A_1675 = arith.constant 466689008 : i32
      %add3A_1676 = vector.broadcast %add3A_1675 : i32 to vector<64x128xi32>
      %add3A_1677 = arith.addi %add3A_1666, %add3A_1676 : vector<64x128xi32>
      %add3A_1678 = arith.constant 0 : i32
      %add3A_1679 = vector.broadcast %add3A_1678 : i32 to vector<64x128xi32>
      %add3A_1680 = arith.addi %xor3A_1674, %add3A_1679 : vector<64x128xi32>
      %add3A_1681 = arith.constant 2 : i32
      %add3A_1682 = vector.broadcast %add3A_1681 : i32 to vector<64x128xi32>
      %add3A_1683 = arith.addi %add3A_1680, %add3A_1682 : vector<64x128xi32>
      %add3A_1684 = arith.addi %add3A_1677, %add3A_1683 : vector<64x128xi32>
      %shift_left3A_1685 = arith.constant 13 : i32
      %shift_left3A_1686 = vector.broadcast %shift_left3A_1685 : i32 to vector<64x128xi32>
      %shift_left3A_1687 = arith.shli %add3A_1683, %shift_left3A_1686 : vector<64x128xi32>
      %shift_right_logical3A_1688 = arith.constant 19 : i32
      %shift_right_logical3A_1689 = vector.broadcast %shift_right_logical3A_1688 : i32 to vector<64x128xi32>
      %shift_right_logical3A_1690 = arith.shrui %add3A_1683, %shift_right_logical3A_1689 : vector<64x128xi32>
      %or3A_1691 = arith.ori %shift_left3A_1687, %shift_right_logical3A_1690 : vector<64x128xi32>
      %xor3A_1692 = arith.xori %add3A_1684, %or3A_1691 : vector<64x128xi32>
      %add3A_1693 = arith.addi %add3A_1684, %xor3A_1692 : vector<64x128xi32>
      %shift_left3A_1694 = arith.constant 15 : i32
      %shift_left3A_1695 = vector.broadcast %shift_left3A_1694 : i32 to vector<64x128xi32>
      %shift_left3A_1696 = arith.shli %xor3A_1692, %shift_left3A_1695 : vector<64x128xi32>
      %shift_right_logical3A_1697 = arith.constant 17 : i32
      %shift_right_logical3A_1698 = vector.broadcast %shift_right_logical3A_1697 : i32 to vector<64x128xi32>
      %shift_right_logical3A_1699 = arith.shrui %xor3A_1692, %shift_right_logical3A_1698 : vector<64x128xi32>
      %or3A_1700 = arith.ori %shift_left3A_1696, %shift_right_logical3A_1699 : vector<64x128xi32>
      %xor3A_1701 = arith.xori %add3A_1693, %or3A_1700 : vector<64x128xi32>
      %add3A_1702 = arith.addi %add3A_1693, %xor3A_1701 : vector<64x128xi32>
      %shift_left3A_1703 = arith.constant 26 : i32
      %shift_left3A_1704 = vector.broadcast %shift_left3A_1703 : i32 to vector<64x128xi32>
      %shift_left3A_1705 = arith.shli %xor3A_1701, %shift_left3A_1704 : vector<64x128xi32>
      %shift_right_logical3A_1706 = arith.constant 6 : i32
      %shift_right_logical3A_1707 = vector.broadcast %shift_right_logical3A_1706 : i32 to vector<64x128xi32>
      %shift_right_logical3A_1708 = arith.shrui %xor3A_1701, %shift_right_logical3A_1707 : vector<64x128xi32>
      %or3A_1709 = arith.ori %shift_left3A_1705, %shift_right_logical3A_1708 : vector<64x128xi32>
      %xor3A_1710 = arith.xori %add3A_1702, %or3A_1709 : vector<64x128xi32>
      %add3A_1711 = arith.addi %add3A_1702, %xor3A_1710 : vector<64x128xi32>
      %shift_left3A_1712 = arith.constant 6 : i32
      %shift_left3A_1713 = vector.broadcast %shift_left3A_1712 : i32 to vector<64x128xi32>
      %shift_left3A_1714 = arith.shli %xor3A_1710, %shift_left3A_1713 : vector<64x128xi32>
      %shift_right_logical3A_1715 = arith.constant 26 : i32
      %shift_right_logical3A_1716 = vector.broadcast %shift_right_logical3A_1715 : i32 to vector<64x128xi32>
      %shift_right_logical3A_1717 = arith.shrui %xor3A_1710, %shift_right_logical3A_1716 : vector<64x128xi32>
      %or3A_1718 = arith.ori %shift_left3A_1714, %shift_right_logical3A_1717 : vector<64x128xi32>
      %xor3A_1719 = arith.xori %add3A_1711, %or3A_1718 : vector<64x128xi32>
      %add3A_1720 = arith.constant 0 : i32
      %add3A_1721 = vector.broadcast %add3A_1720 : i32 to vector<64x128xi32>
      %add3A_1722 = arith.addi %add3A_1711, %add3A_1721 : vector<64x128xi32>
      %add3A_1723 = arith.constant 42 : i32
      %add3A_1724 = vector.broadcast %add3A_1723 : i32 to vector<64x128xi32>
      %add3A_1725 = arith.addi %xor3A_1719, %add3A_1724 : vector<64x128xi32>
      %add3A_1726 = arith.constant 3 : i32
      %add3A_1727 = vector.broadcast %add3A_1726 : i32 to vector<64x128xi32>
      %add3A_1728 = arith.addi %add3A_1725, %add3A_1727 : vector<64x128xi32>
      %add3A_1729 = arith.addi %add3A_1722, %add3A_1728 : vector<64x128xi32>
      %shift_left3A_1730 = arith.constant 17 : i32
      %shift_left3A_1731 = vector.broadcast %shift_left3A_1730 : i32 to vector<64x128xi32>
      %shift_left3A_1732 = arith.shli %add3A_1728, %shift_left3A_1731 : vector<64x128xi32>
      %shift_right_logical3A_1733 = arith.constant 15 : i32
      %shift_right_logical3A_1734 = vector.broadcast %shift_right_logical3A_1733 : i32 to vector<64x128xi32>
      %shift_right_logical3A_1735 = arith.shrui %add3A_1728, %shift_right_logical3A_1734 : vector<64x128xi32>
      %or3A_1736 = arith.ori %shift_left3A_1732, %shift_right_logical3A_1735 : vector<64x128xi32>
      %xor3A_1737 = arith.xori %add3A_1729, %or3A_1736 : vector<64x128xi32>
      %add3A_1738 = arith.addi %add3A_1729, %xor3A_1737 : vector<64x128xi32>
      %shift_left3A_1739 = arith.constant 29 : i32
      %shift_left3A_1740 = vector.broadcast %shift_left3A_1739 : i32 to vector<64x128xi32>
      %shift_left3A_1741 = arith.shli %xor3A_1737, %shift_left3A_1740 : vector<64x128xi32>
      %shift_right_logical3A_1742 = arith.constant 3 : i32
      %shift_right_logical3A_1743 = vector.broadcast %shift_right_logical3A_1742 : i32 to vector<64x128xi32>
      %shift_right_logical3A_1744 = arith.shrui %xor3A_1737, %shift_right_logical3A_1743 : vector<64x128xi32>
      %or3A_1745 = arith.ori %shift_left3A_1741, %shift_right_logical3A_1744 : vector<64x128xi32>
      %xor3A_1746 = arith.xori %add3A_1738, %or3A_1745 : vector<64x128xi32>
      %add3A_1747 = arith.addi %add3A_1738, %xor3A_1746 : vector<64x128xi32>
      %shift_left3A_1748 = arith.constant 16 : i32
      %shift_left3A_1749 = vector.broadcast %shift_left3A_1748 : i32 to vector<64x128xi32>
      %shift_left3A_1750 = arith.shli %xor3A_1746, %shift_left3A_1749 : vector<64x128xi32>
      %shift_right_logical3A_1751 = arith.constant 16 : i32
      %shift_right_logical3A_1752 = vector.broadcast %shift_right_logical3A_1751 : i32 to vector<64x128xi32>
      %shift_right_logical3A_1753 = arith.shrui %xor3A_1746, %shift_right_logical3A_1752 : vector<64x128xi32>
      %or3A_1754 = arith.ori %shift_left3A_1750, %shift_right_logical3A_1753 : vector<64x128xi32>
      %xor3A_1755 = arith.xori %add3A_1747, %or3A_1754 : vector<64x128xi32>
      %add3A_1756 = arith.addi %add3A_1747, %xor3A_1755 : vector<64x128xi32>
      %shift_left3A_1757 = arith.constant 24 : i32
      %shift_left3A_1758 = vector.broadcast %shift_left3A_1757 : i32 to vector<64x128xi32>
      %shift_left3A_1759 = arith.shli %xor3A_1755, %shift_left3A_1758 : vector<64x128xi32>
      %shift_right_logical3A_1760 = arith.constant 8 : i32
      %shift_right_logical3A_1761 = vector.broadcast %shift_right_logical3A_1760 : i32 to vector<64x128xi32>
      %shift_right_logical3A_1762 = arith.shrui %xor3A_1755, %shift_right_logical3A_1761 : vector<64x128xi32>
      %or3A_1763 = arith.ori %shift_left3A_1759, %shift_right_logical3A_1762 : vector<64x128xi32>
      %xor3A_1764 = arith.xori %add3A_1756, %or3A_1763 : vector<64x128xi32>
      %add3A_1765 = arith.constant 42 : i32
      %add3A_1766 = vector.broadcast %add3A_1765 : i32 to vector<64x128xi32>
      %add3A_1767 = arith.addi %add3A_1756, %add3A_1766 : vector<64x128xi32>
      %add3A_1768 = arith.constant 466689008 : i32
      %add3A_1769 = vector.broadcast %add3A_1768 : i32 to vector<64x128xi32>
      %add3A_1770 = arith.addi %xor3A_1764, %add3A_1769 : vector<64x128xi32>
      %add3A_1771 = arith.constant 4 : i32
      %add3A_1772 = vector.broadcast %add3A_1771 : i32 to vector<64x128xi32>
      %add3A_1773 = arith.addi %add3A_1770, %add3A_1772 : vector<64x128xi32>
      %add3A_1774 = arith.addi %add3A_1767, %add3A_1773 : vector<64x128xi32>
      %shift_left3A_1775 = arith.constant 13 : i32
      %shift_left3A_1776 = vector.broadcast %shift_left3A_1775 : i32 to vector<64x128xi32>
      %shift_left3A_1777 = arith.shli %add3A_1773, %shift_left3A_1776 : vector<64x128xi32>
      %shift_right_logical3A_1778 = arith.constant 19 : i32
      %shift_right_logical3A_1779 = vector.broadcast %shift_right_logical3A_1778 : i32 to vector<64x128xi32>
      %shift_right_logical3A_1780 = arith.shrui %add3A_1773, %shift_right_logical3A_1779 : vector<64x128xi32>
      %or3A_1781 = arith.ori %shift_left3A_1777, %shift_right_logical3A_1780 : vector<64x128xi32>
      %xor3A_1782 = arith.xori %add3A_1774, %or3A_1781 : vector<64x128xi32>
      %add3A_1783 = arith.addi %add3A_1774, %xor3A_1782 : vector<64x128xi32>
      %shift_left3A_1784 = arith.constant 15 : i32
      %shift_left3A_1785 = vector.broadcast %shift_left3A_1784 : i32 to vector<64x128xi32>
      %shift_left3A_1786 = arith.shli %xor3A_1782, %shift_left3A_1785 : vector<64x128xi32>
      %shift_right_logical3A_1787 = arith.constant 17 : i32
      %shift_right_logical3A_1788 = vector.broadcast %shift_right_logical3A_1787 : i32 to vector<64x128xi32>
      %shift_right_logical3A_1789 = arith.shrui %xor3A_1782, %shift_right_logical3A_1788 : vector<64x128xi32>
      %or3A_1790 = arith.ori %shift_left3A_1786, %shift_right_logical3A_1789 : vector<64x128xi32>
      %xor3A_1791 = arith.xori %add3A_1783, %or3A_1790 : vector<64x128xi32>
      %add3A_1792 = arith.addi %add3A_1783, %xor3A_1791 : vector<64x128xi32>
      %shift_left3A_1793 = arith.constant 26 : i32
      %shift_left3A_1794 = vector.broadcast %shift_left3A_1793 : i32 to vector<64x128xi32>
      %shift_left3A_1795 = arith.shli %xor3A_1791, %shift_left3A_1794 : vector<64x128xi32>
      %shift_right_logical3A_1796 = arith.constant 6 : i32
      %shift_right_logical3A_1797 = vector.broadcast %shift_right_logical3A_1796 : i32 to vector<64x128xi32>
      %shift_right_logical3A_1798 = arith.shrui %xor3A_1791, %shift_right_logical3A_1797 : vector<64x128xi32>
      %or3A_1799 = arith.ori %shift_left3A_1795, %shift_right_logical3A_1798 : vector<64x128xi32>
      %xor3A_1800 = arith.xori %add3A_1792, %or3A_1799 : vector<64x128xi32>
      %add3A_1801 = arith.addi %add3A_1792, %xor3A_1800 : vector<64x128xi32>
      %shift_left3A_1802 = arith.constant 6 : i32
      %shift_left3A_1803 = vector.broadcast %shift_left3A_1802 : i32 to vector<64x128xi32>
      %shift_left3A_1804 = arith.shli %xor3A_1800, %shift_left3A_1803 : vector<64x128xi32>
      %shift_right_logical3A_1805 = arith.constant 26 : i32
      %shift_right_logical3A_1806 = vector.broadcast %shift_right_logical3A_1805 : i32 to vector<64x128xi32>
      %shift_right_logical3A_1807 = arith.shrui %xor3A_1800, %shift_right_logical3A_1806 : vector<64x128xi32>
      %or3A_1808 = arith.ori %shift_left3A_1804, %shift_right_logical3A_1807 : vector<64x128xi32>
      %xor3A_1809 = arith.xori %add3A_1801, %or3A_1808 : vector<64x128xi32>
      %add3A_1810 = arith.constant 466689008 : i32
      %add3A_1811 = vector.broadcast %add3A_1810 : i32 to vector<64x128xi32>
      %add3A_1812 = arith.addi %add3A_1801, %add3A_1811 : vector<64x128xi32>
      %add3A_1813 = arith.constant 0 : i32
      %add3A_1814 = vector.broadcast %add3A_1813 : i32 to vector<64x128xi32>
      %add3A_1815 = arith.addi %xor3A_1809, %add3A_1814 : vector<64x128xi32>
      %add3A_1816 = arith.constant 5 : i32
      %add3A_1817 = vector.broadcast %add3A_1816 : i32 to vector<64x128xi32>
      %add3A_1818 = arith.addi %add3A_1815, %add3A_1817 : vector<64x128xi32>
      %xor3A_1819 = arith.xori %add3A_1812, %add3A_1818 : vector<64x128xi32>
      %shift_right_logical3A_1820 = arith.constant 9 : i32
      %shift_right_logical3A_1821 = vector.broadcast %shift_right_logical3A_1820 : i32 to vector<64x128xi32>
      %shift_right_logical3A_1822 = arith.shrui %xor3A_1819, %shift_right_logical3A_1821 : vector<64x128xi32>
      %or3A_1823 = arith.constant 1065353216 : i32
      %or3A_1824 = vector.broadcast %or3A_1823 : i32 to vector<64x128xi32>
      %or3A_1825 = arith.ori %shift_right_logical3A_1822, %or3A_1824 : vector<64x128xi32>
      %bitcast_convert_type3A_1826 = tpu.bitcast %or3A_1825 : vector<64x128xi32> -> vector<64x128xf32>
      %sub3A_1827 = arith.constant 1.000000e+00 : f32
      %sub3A_1828 = vector.broadcast %sub3A_1827 : f32 to vector<64x128xf32>
      %sub3A_1829 = arith.subf %bitcast_convert_type3A_1826, %sub3A_1828 : vector<64x128xf32>
      %get3A_1830 = arith.constant 0 : index
      %get3A_1831 = arith.index_cast %add3A_1588 : i32 to index
      %get3A_1832 = arith.constant 0 : index
      %get3A_1833 = vector.load %arg2[%get3A_1830, %get3A_1831, %get3A_1832] : memref<1x256x128xf32, #tpu.memory_space<vmem>>, vector<1x1x128xf32>
      %get3A_1834 = vector.shape_cast %get3A_1833 : vector<1x1x128xf32> to vector<1x128xf32>
      %log3A_1835 = math.log %sub3A_1829 : vector<64x128xf32>
      %mul3A_1836 = vector.broadcast %get3A_1834 : vector<1x128xf32> to vector<64x128xf32>
      %mul3A_1837 = arith.mulf %log3A_1835, %mul3A_1836 : vector<64x128xf32>
      %lt3A_1838 = arith.cmpf olt, %mul3A_1837, %select_n3A_1582 : vector<64x128xf32>
      %select_n3A_1839 = arith.select %lt3A_1838, %mul3A_1837, %select_n3A_1582 : vector<64x128xi1>, vector<64x128xf32>
      %broadcast_in_dim3A_1840 = vector.broadcast %add3A_1588 : i32 to vector<64x128xi32>
      %select_n3A_1841 = arith.select %lt3A_1838, %broadcast_in_dim3A_1840, %select_n3A_1584 : vector<64x128xi1>, vector<64x128xi32>
      %mul3A_1842 = arith.constant 16 : i32
      %mul3A_1843 = arith.muli %scan3A_48, %mul3A_1842 : i32
      %add3A_1844 = arith.constant 7 : i32
      %add3A_1845 = arith.addi %mul3A_1843, %add3A_1844 : i32
      %mul3A_1846 = arith.constant 128 : i32
      %mul3A_1847 = arith.muli %add3A_1845, %mul3A_1846 : i32
      %add3A_1848 = vector.broadcast %mul3A_1847 : i32 to vector<64x128xi32>
      %add3A_1849 = arith.addi %add3A_18, %add3A_1848 : vector<64x128xi32>
      %add3A_1850 = vector.broadcast %add3A_2 : i32 to vector<64x128xi32>
      %add3A_1851 = arith.addi %add3A_1850, %add3A_1849 : vector<64x128xi32>
      %shift_left3A_1852 = arith.constant 13 : i32
      %shift_left3A_1853 = vector.broadcast %shift_left3A_1852 : i32 to vector<64x128xi32>
      %shift_left3A_1854 = arith.shli %add3A_1849, %shift_left3A_1853 : vector<64x128xi32>
      %shift_right_logical3A_1855 = arith.constant 19 : i32
      %shift_right_logical3A_1856 = vector.broadcast %shift_right_logical3A_1855 : i32 to vector<64x128xi32>
      %shift_right_logical3A_1857 = arith.shrui %add3A_1849, %shift_right_logical3A_1856 : vector<64x128xi32>
      %or3A_1858 = arith.ori %shift_left3A_1854, %shift_right_logical3A_1857 : vector<64x128xi32>
      %xor3A_1859 = arith.xori %add3A_1851, %or3A_1858 : vector<64x128xi32>
      %add3A_1860 = arith.addi %add3A_1851, %xor3A_1859 : vector<64x128xi32>
      %shift_left3A_1861 = arith.constant 15 : i32
      %shift_left3A_1862 = vector.broadcast %shift_left3A_1861 : i32 to vector<64x128xi32>
      %shift_left3A_1863 = arith.shli %xor3A_1859, %shift_left3A_1862 : vector<64x128xi32>
      %shift_right_logical3A_1864 = arith.constant 17 : i32
      %shift_right_logical3A_1865 = vector.broadcast %shift_right_logical3A_1864 : i32 to vector<64x128xi32>
      %shift_right_logical3A_1866 = arith.shrui %xor3A_1859, %shift_right_logical3A_1865 : vector<64x128xi32>
      %or3A_1867 = arith.ori %shift_left3A_1863, %shift_right_logical3A_1866 : vector<64x128xi32>
      %xor3A_1868 = arith.xori %add3A_1860, %or3A_1867 : vector<64x128xi32>
      %add3A_1869 = arith.addi %add3A_1860, %xor3A_1868 : vector<64x128xi32>
      %shift_left3A_1870 = arith.constant 26 : i32
      %shift_left3A_1871 = vector.broadcast %shift_left3A_1870 : i32 to vector<64x128xi32>
      %shift_left3A_1872 = arith.shli %xor3A_1868, %shift_left3A_1871 : vector<64x128xi32>
      %shift_right_logical3A_1873 = arith.constant 6 : i32
      %shift_right_logical3A_1874 = vector.broadcast %shift_right_logical3A_1873 : i32 to vector<64x128xi32>
      %shift_right_logical3A_1875 = arith.shrui %xor3A_1868, %shift_right_logical3A_1874 : vector<64x128xi32>
      %or3A_1876 = arith.ori %shift_left3A_1872, %shift_right_logical3A_1875 : vector<64x128xi32>
      %xor3A_1877 = arith.xori %add3A_1869, %or3A_1876 : vector<64x128xi32>
      %add3A_1878 = arith.addi %add3A_1869, %xor3A_1877 : vector<64x128xi32>
      %shift_left3A_1879 = arith.constant 6 : i32
      %shift_left3A_1880 = vector.broadcast %shift_left3A_1879 : i32 to vector<64x128xi32>
      %shift_left3A_1881 = arith.shli %xor3A_1877, %shift_left3A_1880 : vector<64x128xi32>
      %shift_right_logical3A_1882 = arith.constant 26 : i32
      %shift_right_logical3A_1883 = vector.broadcast %shift_right_logical3A_1882 : i32 to vector<64x128xi32>
      %shift_right_logical3A_1884 = arith.shrui %xor3A_1877, %shift_right_logical3A_1883 : vector<64x128xi32>
      %or3A_1885 = arith.ori %shift_left3A_1881, %shift_right_logical3A_1884 : vector<64x128xi32>
      %xor3A_1886 = arith.xori %add3A_1878, %or3A_1885 : vector<64x128xi32>
      %add3A_1887 = arith.constant 42 : i32
      %add3A_1888 = vector.broadcast %add3A_1887 : i32 to vector<64x128xi32>
      %add3A_1889 = arith.addi %add3A_1878, %add3A_1888 : vector<64x128xi32>
      %add3A_1890 = arith.constant 466689008 : i32
      %add3A_1891 = vector.broadcast %add3A_1890 : i32 to vector<64x128xi32>
      %add3A_1892 = arith.addi %xor3A_1886, %add3A_1891 : vector<64x128xi32>
      %add3A_1893 = arith.constant 1 : i32
      %add3A_1894 = vector.broadcast %add3A_1893 : i32 to vector<64x128xi32>
      %add3A_1895 = arith.addi %add3A_1892, %add3A_1894 : vector<64x128xi32>
      %add3A_1896 = arith.addi %add3A_1889, %add3A_1895 : vector<64x128xi32>
      %shift_left3A_1897 = arith.constant 17 : i32
      %shift_left3A_1898 = vector.broadcast %shift_left3A_1897 : i32 to vector<64x128xi32>
      %shift_left3A_1899 = arith.shli %add3A_1895, %shift_left3A_1898 : vector<64x128xi32>
      %shift_right_logical3A_1900 = arith.constant 15 : i32
      %shift_right_logical3A_1901 = vector.broadcast %shift_right_logical3A_1900 : i32 to vector<64x128xi32>
      %shift_right_logical3A_1902 = arith.shrui %add3A_1895, %shift_right_logical3A_1901 : vector<64x128xi32>
      %or3A_1903 = arith.ori %shift_left3A_1899, %shift_right_logical3A_1902 : vector<64x128xi32>
      %xor3A_1904 = arith.xori %add3A_1896, %or3A_1903 : vector<64x128xi32>
      %add3A_1905 = arith.addi %add3A_1896, %xor3A_1904 : vector<64x128xi32>
      %shift_left3A_1906 = arith.constant 29 : i32
      %shift_left3A_1907 = vector.broadcast %shift_left3A_1906 : i32 to vector<64x128xi32>
      %shift_left3A_1908 = arith.shli %xor3A_1904, %shift_left3A_1907 : vector<64x128xi32>
      %shift_right_logical3A_1909 = arith.constant 3 : i32
      %shift_right_logical3A_1910 = vector.broadcast %shift_right_logical3A_1909 : i32 to vector<64x128xi32>
      %shift_right_logical3A_1911 = arith.shrui %xor3A_1904, %shift_right_logical3A_1910 : vector<64x128xi32>
      %or3A_1912 = arith.ori %shift_left3A_1908, %shift_right_logical3A_1911 : vector<64x128xi32>
      %xor3A_1913 = arith.xori %add3A_1905, %or3A_1912 : vector<64x128xi32>
      %add3A_1914 = arith.addi %add3A_1905, %xor3A_1913 : vector<64x128xi32>
      %shift_left3A_1915 = arith.constant 16 : i32
      %shift_left3A_1916 = vector.broadcast %shift_left3A_1915 : i32 to vector<64x128xi32>
      %shift_left3A_1917 = arith.shli %xor3A_1913, %shift_left3A_1916 : vector<64x128xi32>
      %shift_right_logical3A_1918 = arith.constant 16 : i32
      %shift_right_logical3A_1919 = vector.broadcast %shift_right_logical3A_1918 : i32 to vector<64x128xi32>
      %shift_right_logical3A_1920 = arith.shrui %xor3A_1913, %shift_right_logical3A_1919 : vector<64x128xi32>
      %or3A_1921 = arith.ori %shift_left3A_1917, %shift_right_logical3A_1920 : vector<64x128xi32>
      %xor3A_1922 = arith.xori %add3A_1914, %or3A_1921 : vector<64x128xi32>
      %add3A_1923 = arith.addi %add3A_1914, %xor3A_1922 : vector<64x128xi32>
      %shift_left3A_1924 = arith.constant 24 : i32
      %shift_left3A_1925 = vector.broadcast %shift_left3A_1924 : i32 to vector<64x128xi32>
      %shift_left3A_1926 = arith.shli %xor3A_1922, %shift_left3A_1925 : vector<64x128xi32>
      %shift_right_logical3A_1927 = arith.constant 8 : i32
      %shift_right_logical3A_1928 = vector.broadcast %shift_right_logical3A_1927 : i32 to vector<64x128xi32>
      %shift_right_logical3A_1929 = arith.shrui %xor3A_1922, %shift_right_logical3A_1928 : vector<64x128xi32>
      %or3A_1930 = arith.ori %shift_left3A_1926, %shift_right_logical3A_1929 : vector<64x128xi32>
      %xor3A_1931 = arith.xori %add3A_1923, %or3A_1930 : vector<64x128xi32>
      %add3A_1932 = arith.constant 466689008 : i32
      %add3A_1933 = vector.broadcast %add3A_1932 : i32 to vector<64x128xi32>
      %add3A_1934 = arith.addi %add3A_1923, %add3A_1933 : vector<64x128xi32>
      %add3A_1935 = arith.constant 0 : i32
      %add3A_1936 = vector.broadcast %add3A_1935 : i32 to vector<64x128xi32>
      %add3A_1937 = arith.addi %xor3A_1931, %add3A_1936 : vector<64x128xi32>
      %add3A_1938 = arith.constant 2 : i32
      %add3A_1939 = vector.broadcast %add3A_1938 : i32 to vector<64x128xi32>
      %add3A_1940 = arith.addi %add3A_1937, %add3A_1939 : vector<64x128xi32>
      %add3A_1941 = arith.addi %add3A_1934, %add3A_1940 : vector<64x128xi32>
      %shift_left3A_1942 = arith.constant 13 : i32
      %shift_left3A_1943 = vector.broadcast %shift_left3A_1942 : i32 to vector<64x128xi32>
      %shift_left3A_1944 = arith.shli %add3A_1940, %shift_left3A_1943 : vector<64x128xi32>
      %shift_right_logical3A_1945 = arith.constant 19 : i32
      %shift_right_logical3A_1946 = vector.broadcast %shift_right_logical3A_1945 : i32 to vector<64x128xi32>
      %shift_right_logical3A_1947 = arith.shrui %add3A_1940, %shift_right_logical3A_1946 : vector<64x128xi32>
      %or3A_1948 = arith.ori %shift_left3A_1944, %shift_right_logical3A_1947 : vector<64x128xi32>
      %xor3A_1949 = arith.xori %add3A_1941, %or3A_1948 : vector<64x128xi32>
      %add3A_1950 = arith.addi %add3A_1941, %xor3A_1949 : vector<64x128xi32>
      %shift_left3A_1951 = arith.constant 15 : i32
      %shift_left3A_1952 = vector.broadcast %shift_left3A_1951 : i32 to vector<64x128xi32>
      %shift_left3A_1953 = arith.shli %xor3A_1949, %shift_left3A_1952 : vector<64x128xi32>
      %shift_right_logical3A_1954 = arith.constant 17 : i32
      %shift_right_logical3A_1955 = vector.broadcast %shift_right_logical3A_1954 : i32 to vector<64x128xi32>
      %shift_right_logical3A_1956 = arith.shrui %xor3A_1949, %shift_right_logical3A_1955 : vector<64x128xi32>
      %or3A_1957 = arith.ori %shift_left3A_1953, %shift_right_logical3A_1956 : vector<64x128xi32>
      %xor3A_1958 = arith.xori %add3A_1950, %or3A_1957 : vector<64x128xi32>
      %add3A_1959 = arith.addi %add3A_1950, %xor3A_1958 : vector<64x128xi32>
      %shift_left3A_1960 = arith.constant 26 : i32
      %shift_left3A_1961 = vector.broadcast %shift_left3A_1960 : i32 to vector<64x128xi32>
      %shift_left3A_1962 = arith.shli %xor3A_1958, %shift_left3A_1961 : vector<64x128xi32>
      %shift_right_logical3A_1963 = arith.constant 6 : i32
      %shift_right_logical3A_1964 = vector.broadcast %shift_right_logical3A_1963 : i32 to vector<64x128xi32>
      %shift_right_logical3A_1965 = arith.shrui %xor3A_1958, %shift_right_logical3A_1964 : vector<64x128xi32>
      %or3A_1966 = arith.ori %shift_left3A_1962, %shift_right_logical3A_1965 : vector<64x128xi32>
      %xor3A_1967 = arith.xori %add3A_1959, %or3A_1966 : vector<64x128xi32>
      %add3A_1968 = arith.addi %add3A_1959, %xor3A_1967 : vector<64x128xi32>
      %shift_left3A_1969 = arith.constant 6 : i32
      %shift_left3A_1970 = vector.broadcast %shift_left3A_1969 : i32 to vector<64x128xi32>
      %shift_left3A_1971 = arith.shli %xor3A_1967, %shift_left3A_1970 : vector<64x128xi32>
      %shift_right_logical3A_1972 = arith.constant 26 : i32
      %shift_right_logical3A_1973 = vector.broadcast %shift_right_logical3A_1972 : i32 to vector<64x128xi32>
      %shift_right_logical3A_1974 = arith.shrui %xor3A_1967, %shift_right_logical3A_1973 : vector<64x128xi32>
      %or3A_1975 = arith.ori %shift_left3A_1971, %shift_right_logical3A_1974 : vector<64x128xi32>
      %xor3A_1976 = arith.xori %add3A_1968, %or3A_1975 : vector<64x128xi32>
      %add3A_1977 = arith.constant 0 : i32
      %add3A_1978 = vector.broadcast %add3A_1977 : i32 to vector<64x128xi32>
      %add3A_1979 = arith.addi %add3A_1968, %add3A_1978 : vector<64x128xi32>
      %add3A_1980 = arith.constant 42 : i32
      %add3A_1981 = vector.broadcast %add3A_1980 : i32 to vector<64x128xi32>
      %add3A_1982 = arith.addi %xor3A_1976, %add3A_1981 : vector<64x128xi32>
      %add3A_1983 = arith.constant 3 : i32
      %add3A_1984 = vector.broadcast %add3A_1983 : i32 to vector<64x128xi32>
      %add3A_1985 = arith.addi %add3A_1982, %add3A_1984 : vector<64x128xi32>
      %add3A_1986 = arith.addi %add3A_1979, %add3A_1985 : vector<64x128xi32>
      %shift_left3A_1987 = arith.constant 17 : i32
      %shift_left3A_1988 = vector.broadcast %shift_left3A_1987 : i32 to vector<64x128xi32>
      %shift_left3A_1989 = arith.shli %add3A_1985, %shift_left3A_1988 : vector<64x128xi32>
      %shift_right_logical3A_1990 = arith.constant 15 : i32
      %shift_right_logical3A_1991 = vector.broadcast %shift_right_logical3A_1990 : i32 to vector<64x128xi32>
      %shift_right_logical3A_1992 = arith.shrui %add3A_1985, %shift_right_logical3A_1991 : vector<64x128xi32>
      %or3A_1993 = arith.ori %shift_left3A_1989, %shift_right_logical3A_1992 : vector<64x128xi32>
      %xor3A_1994 = arith.xori %add3A_1986, %or3A_1993 : vector<64x128xi32>
      %add3A_1995 = arith.addi %add3A_1986, %xor3A_1994 : vector<64x128xi32>
      %shift_left3A_1996 = arith.constant 29 : i32
      %shift_left3A_1997 = vector.broadcast %shift_left3A_1996 : i32 to vector<64x128xi32>
      %shift_left3A_1998 = arith.shli %xor3A_1994, %shift_left3A_1997 : vector<64x128xi32>
      %shift_right_logical3A_1999 = arith.constant 3 : i32
      %shift_right_logical3A_2000 = vector.broadcast %shift_right_logical3A_1999 : i32 to vector<64x128xi32>
      %shift_right_logical3A_2001 = arith.shrui %xor3A_1994, %shift_right_logical3A_2000 : vector<64x128xi32>
      %or3A_2002 = arith.ori %shift_left3A_1998, %shift_right_logical3A_2001 : vector<64x128xi32>
      %xor3A_2003 = arith.xori %add3A_1995, %or3A_2002 : vector<64x128xi32>
      %add3A_2004 = arith.addi %add3A_1995, %xor3A_2003 : vector<64x128xi32>
      %shift_left3A_2005 = arith.constant 16 : i32
      %shift_left3A_2006 = vector.broadcast %shift_left3A_2005 : i32 to vector<64x128xi32>
      %shift_left3A_2007 = arith.shli %xor3A_2003, %shift_left3A_2006 : vector<64x128xi32>
      %shift_right_logical3A_2008 = arith.constant 16 : i32
      %shift_right_logical3A_2009 = vector.broadcast %shift_right_logical3A_2008 : i32 to vector<64x128xi32>
      %shift_right_logical3A_2010 = arith.shrui %xor3A_2003, %shift_right_logical3A_2009 : vector<64x128xi32>
      %or3A_2011 = arith.ori %shift_left3A_2007, %shift_right_logical3A_2010 : vector<64x128xi32>
      %xor3A_2012 = arith.xori %add3A_2004, %or3A_2011 : vector<64x128xi32>
      %add3A_2013 = arith.addi %add3A_2004, %xor3A_2012 : vector<64x128xi32>
      %shift_left3A_2014 = arith.constant 24 : i32
      %shift_left3A_2015 = vector.broadcast %shift_left3A_2014 : i32 to vector<64x128xi32>
      %shift_left3A_2016 = arith.shli %xor3A_2012, %shift_left3A_2015 : vector<64x128xi32>
      %shift_right_logical3A_2017 = arith.constant 8 : i32
      %shift_right_logical3A_2018 = vector.broadcast %shift_right_logical3A_2017 : i32 to vector<64x128xi32>
      %shift_right_logical3A_2019 = arith.shrui %xor3A_2012, %shift_right_logical3A_2018 : vector<64x128xi32>
      %or3A_2020 = arith.ori %shift_left3A_2016, %shift_right_logical3A_2019 : vector<64x128xi32>
      %xor3A_2021 = arith.xori %add3A_2013, %or3A_2020 : vector<64x128xi32>
      %add3A_2022 = arith.constant 42 : i32
      %add3A_2023 = vector.broadcast %add3A_2022 : i32 to vector<64x128xi32>
      %add3A_2024 = arith.addi %add3A_2013, %add3A_2023 : vector<64x128xi32>
      %add3A_2025 = arith.constant 466689008 : i32
      %add3A_2026 = vector.broadcast %add3A_2025 : i32 to vector<64x128xi32>
      %add3A_2027 = arith.addi %xor3A_2021, %add3A_2026 : vector<64x128xi32>
      %add3A_2028 = arith.constant 4 : i32
      %add3A_2029 = vector.broadcast %add3A_2028 : i32 to vector<64x128xi32>
      %add3A_2030 = arith.addi %add3A_2027, %add3A_2029 : vector<64x128xi32>
      %add3A_2031 = arith.addi %add3A_2024, %add3A_2030 : vector<64x128xi32>
      %shift_left3A_2032 = arith.constant 13 : i32
      %shift_left3A_2033 = vector.broadcast %shift_left3A_2032 : i32 to vector<64x128xi32>
      %shift_left3A_2034 = arith.shli %add3A_2030, %shift_left3A_2033 : vector<64x128xi32>
      %shift_right_logical3A_2035 = arith.constant 19 : i32
      %shift_right_logical3A_2036 = vector.broadcast %shift_right_logical3A_2035 : i32 to vector<64x128xi32>
      %shift_right_logical3A_2037 = arith.shrui %add3A_2030, %shift_right_logical3A_2036 : vector<64x128xi32>
      %or3A_2038 = arith.ori %shift_left3A_2034, %shift_right_logical3A_2037 : vector<64x128xi32>
      %xor3A_2039 = arith.xori %add3A_2031, %or3A_2038 : vector<64x128xi32>
      %add3A_2040 = arith.addi %add3A_2031, %xor3A_2039 : vector<64x128xi32>
      %shift_left3A_2041 = arith.constant 15 : i32
      %shift_left3A_2042 = vector.broadcast %shift_left3A_2041 : i32 to vector<64x128xi32>
      %shift_left3A_2043 = arith.shli %xor3A_2039, %shift_left3A_2042 : vector<64x128xi32>
      %shift_right_logical3A_2044 = arith.constant 17 : i32
      %shift_right_logical3A_2045 = vector.broadcast %shift_right_logical3A_2044 : i32 to vector<64x128xi32>
      %shift_right_logical3A_2046 = arith.shrui %xor3A_2039, %shift_right_logical3A_2045 : vector<64x128xi32>
      %or3A_2047 = arith.ori %shift_left3A_2043, %shift_right_logical3A_2046 : vector<64x128xi32>
      %xor3A_2048 = arith.xori %add3A_2040, %or3A_2047 : vector<64x128xi32>
      %add3A_2049 = arith.addi %add3A_2040, %xor3A_2048 : vector<64x128xi32>
      %shift_left3A_2050 = arith.constant 26 : i32
      %shift_left3A_2051 = vector.broadcast %shift_left3A_2050 : i32 to vector<64x128xi32>
      %shift_left3A_2052 = arith.shli %xor3A_2048, %shift_left3A_2051 : vector<64x128xi32>
      %shift_right_logical3A_2053 = arith.constant 6 : i32
      %shift_right_logical3A_2054 = vector.broadcast %shift_right_logical3A_2053 : i32 to vector<64x128xi32>
      %shift_right_logical3A_2055 = arith.shrui %xor3A_2048, %shift_right_logical3A_2054 : vector<64x128xi32>
      %or3A_2056 = arith.ori %shift_left3A_2052, %shift_right_logical3A_2055 : vector<64x128xi32>
      %xor3A_2057 = arith.xori %add3A_2049, %or3A_2056 : vector<64x128xi32>
      %add3A_2058 = arith.addi %add3A_2049, %xor3A_2057 : vector<64x128xi32>
      %shift_left3A_2059 = arith.constant 6 : i32
      %shift_left3A_2060 = vector.broadcast %shift_left3A_2059 : i32 to vector<64x128xi32>
      %shift_left3A_2061 = arith.shli %xor3A_2057, %shift_left3A_2060 : vector<64x128xi32>
      %shift_right_logical3A_2062 = arith.constant 26 : i32
      %shift_right_logical3A_2063 = vector.broadcast %shift_right_logical3A_2062 : i32 to vector<64x128xi32>
      %shift_right_logical3A_2064 = arith.shrui %xor3A_2057, %shift_right_logical3A_2063 : vector<64x128xi32>
      %or3A_2065 = arith.ori %shift_left3A_2061, %shift_right_logical3A_2064 : vector<64x128xi32>
      %xor3A_2066 = arith.xori %add3A_2058, %or3A_2065 : vector<64x128xi32>
      %add3A_2067 = arith.constant 466689008 : i32
      %add3A_2068 = vector.broadcast %add3A_2067 : i32 to vector<64x128xi32>
      %add3A_2069 = arith.addi %add3A_2058, %add3A_2068 : vector<64x128xi32>
      %add3A_2070 = arith.constant 0 : i32
      %add3A_2071 = vector.broadcast %add3A_2070 : i32 to vector<64x128xi32>
      %add3A_2072 = arith.addi %xor3A_2066, %add3A_2071 : vector<64x128xi32>
      %add3A_2073 = arith.constant 5 : i32
      %add3A_2074 = vector.broadcast %add3A_2073 : i32 to vector<64x128xi32>
      %add3A_2075 = arith.addi %add3A_2072, %add3A_2074 : vector<64x128xi32>
      %xor3A_2076 = arith.xori %add3A_2069, %add3A_2075 : vector<64x128xi32>
      %shift_right_logical3A_2077 = arith.constant 9 : i32
      %shift_right_logical3A_2078 = vector.broadcast %shift_right_logical3A_2077 : i32 to vector<64x128xi32>
      %shift_right_logical3A_2079 = arith.shrui %xor3A_2076, %shift_right_logical3A_2078 : vector<64x128xi32>
      %or3A_2080 = arith.constant 1065353216 : i32
      %or3A_2081 = vector.broadcast %or3A_2080 : i32 to vector<64x128xi32>
      %or3A_2082 = arith.ori %shift_right_logical3A_2079, %or3A_2081 : vector<64x128xi32>
      %bitcast_convert_type3A_2083 = tpu.bitcast %or3A_2082 : vector<64x128xi32> -> vector<64x128xf32>
      %sub3A_2084 = arith.constant 1.000000e+00 : f32
      %sub3A_2085 = vector.broadcast %sub3A_2084 : f32 to vector<64x128xf32>
      %sub3A_2086 = arith.subf %bitcast_convert_type3A_2083, %sub3A_2085 : vector<64x128xf32>
      %get3A_2087 = arith.constant 0 : index
      %get3A_2088 = arith.index_cast %add3A_1845 : i32 to index
      %get3A_2089 = arith.constant 0 : index
      %get3A_2090 = vector.load %arg2[%get3A_2087, %get3A_2088, %get3A_2089] : memref<1x256x128xf32, #tpu.memory_space<vmem>>, vector<1x1x128xf32>
      %get3A_2091 = vector.shape_cast %get3A_2090 : vector<1x1x128xf32> to vector<1x128xf32>
      %log3A_2092 = math.log %sub3A_2086 : vector<64x128xf32>
      %mul3A_2093 = vector.broadcast %get3A_2091 : vector<1x128xf32> to vector<64x128xf32>
      %mul3A_2094 = arith.mulf %log3A_2092, %mul3A_2093 : vector<64x128xf32>
      %lt3A_2095 = arith.cmpf olt, %mul3A_2094, %select_n3A_1839 : vector<64x128xf32>
      %select_n3A_2096 = arith.select %lt3A_2095, %mul3A_2094, %select_n3A_1839 : vector<64x128xi1>, vector<64x128xf32>
      %broadcast_in_dim3A_2097 = vector.broadcast %add3A_1845 : i32 to vector<64x128xi32>
      %select_n3A_2098 = arith.select %lt3A_2095, %broadcast_in_dim3A_2097, %select_n3A_1841 : vector<64x128xi1>, vector<64x128xi32>
      %mul3A_2099 = arith.constant 16 : i32
      %mul3A_2100 = arith.muli %scan3A_48, %mul3A_2099 : i32
      %add3A_2101 = arith.constant 8 : i32
      %add3A_2102 = arith.addi %mul3A_2100, %add3A_2101 : i32
      %mul3A_2103 = arith.constant 128 : i32
      %mul3A_2104 = arith.muli %add3A_2102, %mul3A_2103 : i32
      %add3A_2105 = vector.broadcast %mul3A_2104 : i32 to vector<64x128xi32>
      %add3A_2106 = arith.addi %add3A_18, %add3A_2105 : vector<64x128xi32>
      %add3A_2107 = vector.broadcast %add3A_2 : i32 to vector<64x128xi32>
      %add3A_2108 = arith.addi %add3A_2107, %add3A_2106 : vector<64x128xi32>
      %shift_left3A_2109 = arith.constant 13 : i32
      %shift_left3A_2110 = vector.broadcast %shift_left3A_2109 : i32 to vector<64x128xi32>
      %shift_left3A_2111 = arith.shli %add3A_2106, %shift_left3A_2110 : vector<64x128xi32>
      %shift_right_logical3A_2112 = arith.constant 19 : i32
      %shift_right_logical3A_2113 = vector.broadcast %shift_right_logical3A_2112 : i32 to vector<64x128xi32>
      %shift_right_logical3A_2114 = arith.shrui %add3A_2106, %shift_right_logical3A_2113 : vector<64x128xi32>
      %or3A_2115 = arith.ori %shift_left3A_2111, %shift_right_logical3A_2114 : vector<64x128xi32>
      %xor3A_2116 = arith.xori %add3A_2108, %or3A_2115 : vector<64x128xi32>
      %add3A_2117 = arith.addi %add3A_2108, %xor3A_2116 : vector<64x128xi32>
      %shift_left3A_2118 = arith.constant 15 : i32
      %shift_left3A_2119 = vector.broadcast %shift_left3A_2118 : i32 to vector<64x128xi32>
      %shift_left3A_2120 = arith.shli %xor3A_2116, %shift_left3A_2119 : vector<64x128xi32>
      %shift_right_logical3A_2121 = arith.constant 17 : i32
      %shift_right_logical3A_2122 = vector.broadcast %shift_right_logical3A_2121 : i32 to vector<64x128xi32>
      %shift_right_logical3A_2123 = arith.shrui %xor3A_2116, %shift_right_logical3A_2122 : vector<64x128xi32>
      %or3A_2124 = arith.ori %shift_left3A_2120, %shift_right_logical3A_2123 : vector<64x128xi32>
      %xor3A_2125 = arith.xori %add3A_2117, %or3A_2124 : vector<64x128xi32>
      %add3A_2126 = arith.addi %add3A_2117, %xor3A_2125 : vector<64x128xi32>
      %shift_left3A_2127 = arith.constant 26 : i32
      %shift_left3A_2128 = vector.broadcast %shift_left3A_2127 : i32 to vector<64x128xi32>
      %shift_left3A_2129 = arith.shli %xor3A_2125, %shift_left3A_2128 : vector<64x128xi32>
      %shift_right_logical3A_2130 = arith.constant 6 : i32
      %shift_right_logical3A_2131 = vector.broadcast %shift_right_logical3A_2130 : i32 to vector<64x128xi32>
      %shift_right_logical3A_2132 = arith.shrui %xor3A_2125, %shift_right_logical3A_2131 : vector<64x128xi32>
      %or3A_2133 = arith.ori %shift_left3A_2129, %shift_right_logical3A_2132 : vector<64x128xi32>
      %xor3A_2134 = arith.xori %add3A_2126, %or3A_2133 : vector<64x128xi32>
      %add3A_2135 = arith.addi %add3A_2126, %xor3A_2134 : vector<64x128xi32>
      %shift_left3A_2136 = arith.constant 6 : i32
      %shift_left3A_2137 = vector.broadcast %shift_left3A_2136 : i32 to vector<64x128xi32>
      %shift_left3A_2138 = arith.shli %xor3A_2134, %shift_left3A_2137 : vector<64x128xi32>
      %shift_right_logical3A_2139 = arith.constant 26 : i32
      %shift_right_logical3A_2140 = vector.broadcast %shift_right_logical3A_2139 : i32 to vector<64x128xi32>
      %shift_right_logical3A_2141 = arith.shrui %xor3A_2134, %shift_right_logical3A_2140 : vector<64x128xi32>
      %or3A_2142 = arith.ori %shift_left3A_2138, %shift_right_logical3A_2141 : vector<64x128xi32>
      %xor3A_2143 = arith.xori %add3A_2135, %or3A_2142 : vector<64x128xi32>
      %add3A_2144 = arith.constant 42 : i32
      %add3A_2145 = vector.broadcast %add3A_2144 : i32 to vector<64x128xi32>
      %add3A_2146 = arith.addi %add3A_2135, %add3A_2145 : vector<64x128xi32>
      %add3A_2147 = arith.constant 466689008 : i32
      %add3A_2148 = vector.broadcast %add3A_2147 : i32 to vector<64x128xi32>
      %add3A_2149 = arith.addi %xor3A_2143, %add3A_2148 : vector<64x128xi32>
      %add3A_2150 = arith.constant 1 : i32
      %add3A_2151 = vector.broadcast %add3A_2150 : i32 to vector<64x128xi32>
      %add3A_2152 = arith.addi %add3A_2149, %add3A_2151 : vector<64x128xi32>
      %add3A_2153 = arith.addi %add3A_2146, %add3A_2152 : vector<64x128xi32>
      %shift_left3A_2154 = arith.constant 17 : i32
      %shift_left3A_2155 = vector.broadcast %shift_left3A_2154 : i32 to vector<64x128xi32>
      %shift_left3A_2156 = arith.shli %add3A_2152, %shift_left3A_2155 : vector<64x128xi32>
      %shift_right_logical3A_2157 = arith.constant 15 : i32
      %shift_right_logical3A_2158 = vector.broadcast %shift_right_logical3A_2157 : i32 to vector<64x128xi32>
      %shift_right_logical3A_2159 = arith.shrui %add3A_2152, %shift_right_logical3A_2158 : vector<64x128xi32>
      %or3A_2160 = arith.ori %shift_left3A_2156, %shift_right_logical3A_2159 : vector<64x128xi32>
      %xor3A_2161 = arith.xori %add3A_2153, %or3A_2160 : vector<64x128xi32>
      %add3A_2162 = arith.addi %add3A_2153, %xor3A_2161 : vector<64x128xi32>
      %shift_left3A_2163 = arith.constant 29 : i32
      %shift_left3A_2164 = vector.broadcast %shift_left3A_2163 : i32 to vector<64x128xi32>
      %shift_left3A_2165 = arith.shli %xor3A_2161, %shift_left3A_2164 : vector<64x128xi32>
      %shift_right_logical3A_2166 = arith.constant 3 : i32
      %shift_right_logical3A_2167 = vector.broadcast %shift_right_logical3A_2166 : i32 to vector<64x128xi32>
      %shift_right_logical3A_2168 = arith.shrui %xor3A_2161, %shift_right_logical3A_2167 : vector<64x128xi32>
      %or3A_2169 = arith.ori %shift_left3A_2165, %shift_right_logical3A_2168 : vector<64x128xi32>
      %xor3A_2170 = arith.xori %add3A_2162, %or3A_2169 : vector<64x128xi32>
      %add3A_2171 = arith.addi %add3A_2162, %xor3A_2170 : vector<64x128xi32>
      %shift_left3A_2172 = arith.constant 16 : i32
      %shift_left3A_2173 = vector.broadcast %shift_left3A_2172 : i32 to vector<64x128xi32>
      %shift_left3A_2174 = arith.shli %xor3A_2170, %shift_left3A_2173 : vector<64x128xi32>
      %shift_right_logical3A_2175 = arith.constant 16 : i32
      %shift_right_logical3A_2176 = vector.broadcast %shift_right_logical3A_2175 : i32 to vector<64x128xi32>
      %shift_right_logical3A_2177 = arith.shrui %xor3A_2170, %shift_right_logical3A_2176 : vector<64x128xi32>
      %or3A_2178 = arith.ori %shift_left3A_2174, %shift_right_logical3A_2177 : vector<64x128xi32>
      %xor3A_2179 = arith.xori %add3A_2171, %or3A_2178 : vector<64x128xi32>
      %add3A_2180 = arith.addi %add3A_2171, %xor3A_2179 : vector<64x128xi32>
      %shift_left3A_2181 = arith.constant 24 : i32
      %shift_left3A_2182 = vector.broadcast %shift_left3A_2181 : i32 to vector<64x128xi32>
      %shift_left3A_2183 = arith.shli %xor3A_2179, %shift_left3A_2182 : vector<64x128xi32>
      %shift_right_logical3A_2184 = arith.constant 8 : i32
      %shift_right_logical3A_2185 = vector.broadcast %shift_right_logical3A_2184 : i32 to vector<64x128xi32>
      %shift_right_logical3A_2186 = arith.shrui %xor3A_2179, %shift_right_logical3A_2185 : vector<64x128xi32>
      %or3A_2187 = arith.ori %shift_left3A_2183, %shift_right_logical3A_2186 : vector<64x128xi32>
      %xor3A_2188 = arith.xori %add3A_2180, %or3A_2187 : vector<64x128xi32>
      %add3A_2189 = arith.constant 466689008 : i32
      %add3A_2190 = vector.broadcast %add3A_2189 : i32 to vector<64x128xi32>
      %add3A_2191 = arith.addi %add3A_2180, %add3A_2190 : vector<64x128xi32>
      %add3A_2192 = arith.constant 0 : i32
      %add3A_2193 = vector.broadcast %add3A_2192 : i32 to vector<64x128xi32>
      %add3A_2194 = arith.addi %xor3A_2188, %add3A_2193 : vector<64x128xi32>
      %add3A_2195 = arith.constant 2 : i32
      %add3A_2196 = vector.broadcast %add3A_2195 : i32 to vector<64x128xi32>
      %add3A_2197 = arith.addi %add3A_2194, %add3A_2196 : vector<64x128xi32>
      %add3A_2198 = arith.addi %add3A_2191, %add3A_2197 : vector<64x128xi32>
      %shift_left3A_2199 = arith.constant 13 : i32
      %shift_left3A_2200 = vector.broadcast %shift_left3A_2199 : i32 to vector<64x128xi32>
      %shift_left3A_2201 = arith.shli %add3A_2197, %shift_left3A_2200 : vector<64x128xi32>
      %shift_right_logical3A_2202 = arith.constant 19 : i32
      %shift_right_logical3A_2203 = vector.broadcast %shift_right_logical3A_2202 : i32 to vector<64x128xi32>
      %shift_right_logical3A_2204 = arith.shrui %add3A_2197, %shift_right_logical3A_2203 : vector<64x128xi32>
      %or3A_2205 = arith.ori %shift_left3A_2201, %shift_right_logical3A_2204 : vector<64x128xi32>
      %xor3A_2206 = arith.xori %add3A_2198, %or3A_2205 : vector<64x128xi32>
      %add3A_2207 = arith.addi %add3A_2198, %xor3A_2206 : vector<64x128xi32>
      %shift_left3A_2208 = arith.constant 15 : i32
      %shift_left3A_2209 = vector.broadcast %shift_left3A_2208 : i32 to vector<64x128xi32>
      %shift_left3A_2210 = arith.shli %xor3A_2206, %shift_left3A_2209 : vector<64x128xi32>
      %shift_right_logical3A_2211 = arith.constant 17 : i32
      %shift_right_logical3A_2212 = vector.broadcast %shift_right_logical3A_2211 : i32 to vector<64x128xi32>
      %shift_right_logical3A_2213 = arith.shrui %xor3A_2206, %shift_right_logical3A_2212 : vector<64x128xi32>
      %or3A_2214 = arith.ori %shift_left3A_2210, %shift_right_logical3A_2213 : vector<64x128xi32>
      %xor3A_2215 = arith.xori %add3A_2207, %or3A_2214 : vector<64x128xi32>
      %add3A_2216 = arith.addi %add3A_2207, %xor3A_2215 : vector<64x128xi32>
      %shift_left3A_2217 = arith.constant 26 : i32
      %shift_left3A_2218 = vector.broadcast %shift_left3A_2217 : i32 to vector<64x128xi32>
      %shift_left3A_2219 = arith.shli %xor3A_2215, %shift_left3A_2218 : vector<64x128xi32>
      %shift_right_logical3A_2220 = arith.constant 6 : i32
      %shift_right_logical3A_2221 = vector.broadcast %shift_right_logical3A_2220 : i32 to vector<64x128xi32>
      %shift_right_logical3A_2222 = arith.shrui %xor3A_2215, %shift_right_logical3A_2221 : vector<64x128xi32>
      %or3A_2223 = arith.ori %shift_left3A_2219, %shift_right_logical3A_2222 : vector<64x128xi32>
      %xor3A_2224 = arith.xori %add3A_2216, %or3A_2223 : vector<64x128xi32>
      %add3A_2225 = arith.addi %add3A_2216, %xor3A_2224 : vector<64x128xi32>
      %shift_left3A_2226 = arith.constant 6 : i32
      %shift_left3A_2227 = vector.broadcast %shift_left3A_2226 : i32 to vector<64x128xi32>
      %shift_left3A_2228 = arith.shli %xor3A_2224, %shift_left3A_2227 : vector<64x128xi32>
      %shift_right_logical3A_2229 = arith.constant 26 : i32
      %shift_right_logical3A_2230 = vector.broadcast %shift_right_logical3A_2229 : i32 to vector<64x128xi32>
      %shift_right_logical3A_2231 = arith.shrui %xor3A_2224, %shift_right_logical3A_2230 : vector<64x128xi32>
      %or3A_2232 = arith.ori %shift_left3A_2228, %shift_right_logical3A_2231 : vector<64x128xi32>
      %xor3A_2233 = arith.xori %add3A_2225, %or3A_2232 : vector<64x128xi32>
      %add3A_2234 = arith.constant 0 : i32
      %add3A_2235 = vector.broadcast %add3A_2234 : i32 to vector<64x128xi32>
      %add3A_2236 = arith.addi %add3A_2225, %add3A_2235 : vector<64x128xi32>
      %add3A_2237 = arith.constant 42 : i32
      %add3A_2238 = vector.broadcast %add3A_2237 : i32 to vector<64x128xi32>
      %add3A_2239 = arith.addi %xor3A_2233, %add3A_2238 : vector<64x128xi32>
      %add3A_2240 = arith.constant 3 : i32
      %add3A_2241 = vector.broadcast %add3A_2240 : i32 to vector<64x128xi32>
      %add3A_2242 = arith.addi %add3A_2239, %add3A_2241 : vector<64x128xi32>
      %add3A_2243 = arith.addi %add3A_2236, %add3A_2242 : vector<64x128xi32>
      %shift_left3A_2244 = arith.constant 17 : i32
      %shift_left3A_2245 = vector.broadcast %shift_left3A_2244 : i32 to vector<64x128xi32>
      %shift_left3A_2246 = arith.shli %add3A_2242, %shift_left3A_2245 : vector<64x128xi32>
      %shift_right_logical3A_2247 = arith.constant 15 : i32
      %shift_right_logical3A_2248 = vector.broadcast %shift_right_logical3A_2247 : i32 to vector<64x128xi32>
      %shift_right_logical3A_2249 = arith.shrui %add3A_2242, %shift_right_logical3A_2248 : vector<64x128xi32>
      %or3A_2250 = arith.ori %shift_left3A_2246, %shift_right_logical3A_2249 : vector<64x128xi32>
      %xor3A_2251 = arith.xori %add3A_2243, %or3A_2250 : vector<64x128xi32>
      %add3A_2252 = arith.addi %add3A_2243, %xor3A_2251 : vector<64x128xi32>
      %shift_left3A_2253 = arith.constant 29 : i32
      %shift_left3A_2254 = vector.broadcast %shift_left3A_2253 : i32 to vector<64x128xi32>
      %shift_left3A_2255 = arith.shli %xor3A_2251, %shift_left3A_2254 : vector<64x128xi32>
      %shift_right_logical3A_2256 = arith.constant 3 : i32
      %shift_right_logical3A_2257 = vector.broadcast %shift_right_logical3A_2256 : i32 to vector<64x128xi32>
      %shift_right_logical3A_2258 = arith.shrui %xor3A_2251, %shift_right_logical3A_2257 : vector<64x128xi32>
      %or3A_2259 = arith.ori %shift_left3A_2255, %shift_right_logical3A_2258 : vector<64x128xi32>
      %xor3A_2260 = arith.xori %add3A_2252, %or3A_2259 : vector<64x128xi32>
      %add3A_2261 = arith.addi %add3A_2252, %xor3A_2260 : vector<64x128xi32>
      %shift_left3A_2262 = arith.constant 16 : i32
      %shift_left3A_2263 = vector.broadcast %shift_left3A_2262 : i32 to vector<64x128xi32>
      %shift_left3A_2264 = arith.shli %xor3A_2260, %shift_left3A_2263 : vector<64x128xi32>
      %shift_right_logical3A_2265 = arith.constant 16 : i32
      %shift_right_logical3A_2266 = vector.broadcast %shift_right_logical3A_2265 : i32 to vector<64x128xi32>
      %shift_right_logical3A_2267 = arith.shrui %xor3A_2260, %shift_right_logical3A_2266 : vector<64x128xi32>
      %or3A_2268 = arith.ori %shift_left3A_2264, %shift_right_logical3A_2267 : vector<64x128xi32>
      %xor3A_2269 = arith.xori %add3A_2261, %or3A_2268 : vector<64x128xi32>
      %add3A_2270 = arith.addi %add3A_2261, %xor3A_2269 : vector<64x128xi32>
      %shift_left3A_2271 = arith.constant 24 : i32
      %shift_left3A_2272 = vector.broadcast %shift_left3A_2271 : i32 to vector<64x128xi32>
      %shift_left3A_2273 = arith.shli %xor3A_2269, %shift_left3A_2272 : vector<64x128xi32>
      %shift_right_logical3A_2274 = arith.constant 8 : i32
      %shift_right_logical3A_2275 = vector.broadcast %shift_right_logical3A_2274 : i32 to vector<64x128xi32>
      %shift_right_logical3A_2276 = arith.shrui %xor3A_2269, %shift_right_logical3A_2275 : vector<64x128xi32>
      %or3A_2277 = arith.ori %shift_left3A_2273, %shift_right_logical3A_2276 : vector<64x128xi32>
      %xor3A_2278 = arith.xori %add3A_2270, %or3A_2277 : vector<64x128xi32>
      %add3A_2279 = arith.constant 42 : i32
      %add3A_2280 = vector.broadcast %add3A_2279 : i32 to vector<64x128xi32>
      %add3A_2281 = arith.addi %add3A_2270, %add3A_2280 : vector<64x128xi32>
      %add3A_2282 = arith.constant 466689008 : i32
      %add3A_2283 = vector.broadcast %add3A_2282 : i32 to vector<64x128xi32>
      %add3A_2284 = arith.addi %xor3A_2278, %add3A_2283 : vector<64x128xi32>
      %add3A_2285 = arith.constant 4 : i32
      %add3A_2286 = vector.broadcast %add3A_2285 : i32 to vector<64x128xi32>
      %add3A_2287 = arith.addi %add3A_2284, %add3A_2286 : vector<64x128xi32>
      %add3A_2288 = arith.addi %add3A_2281, %add3A_2287 : vector<64x128xi32>
      %shift_left3A_2289 = arith.constant 13 : i32
      %shift_left3A_2290 = vector.broadcast %shift_left3A_2289 : i32 to vector<64x128xi32>
      %shift_left3A_2291 = arith.shli %add3A_2287, %shift_left3A_2290 : vector<64x128xi32>
      %shift_right_logical3A_2292 = arith.constant 19 : i32
      %shift_right_logical3A_2293 = vector.broadcast %shift_right_logical3A_2292 : i32 to vector<64x128xi32>
      %shift_right_logical3A_2294 = arith.shrui %add3A_2287, %shift_right_logical3A_2293 : vector<64x128xi32>
      %or3A_2295 = arith.ori %shift_left3A_2291, %shift_right_logical3A_2294 : vector<64x128xi32>
      %xor3A_2296 = arith.xori %add3A_2288, %or3A_2295 : vector<64x128xi32>
      %add3A_2297 = arith.addi %add3A_2288, %xor3A_2296 : vector<64x128xi32>
      %shift_left3A_2298 = arith.constant 15 : i32
      %shift_left3A_2299 = vector.broadcast %shift_left3A_2298 : i32 to vector<64x128xi32>
      %shift_left3A_2300 = arith.shli %xor3A_2296, %shift_left3A_2299 : vector<64x128xi32>
      %shift_right_logical3A_2301 = arith.constant 17 : i32
      %shift_right_logical3A_2302 = vector.broadcast %shift_right_logical3A_2301 : i32 to vector<64x128xi32>
      %shift_right_logical3A_2303 = arith.shrui %xor3A_2296, %shift_right_logical3A_2302 : vector<64x128xi32>
      %or3A_2304 = arith.ori %shift_left3A_2300, %shift_right_logical3A_2303 : vector<64x128xi32>
      %xor3A_2305 = arith.xori %add3A_2297, %or3A_2304 : vector<64x128xi32>
      %add3A_2306 = arith.addi %add3A_2297, %xor3A_2305 : vector<64x128xi32>
      %shift_left3A_2307 = arith.constant 26 : i32
      %shift_left3A_2308 = vector.broadcast %shift_left3A_2307 : i32 to vector<64x128xi32>
      %shift_left3A_2309 = arith.shli %xor3A_2305, %shift_left3A_2308 : vector<64x128xi32>
      %shift_right_logical3A_2310 = arith.constant 6 : i32
      %shift_right_logical3A_2311 = vector.broadcast %shift_right_logical3A_2310 : i32 to vector<64x128xi32>
      %shift_right_logical3A_2312 = arith.shrui %xor3A_2305, %shift_right_logical3A_2311 : vector<64x128xi32>
      %or3A_2313 = arith.ori %shift_left3A_2309, %shift_right_logical3A_2312 : vector<64x128xi32>
      %xor3A_2314 = arith.xori %add3A_2306, %or3A_2313 : vector<64x128xi32>
      %add3A_2315 = arith.addi %add3A_2306, %xor3A_2314 : vector<64x128xi32>
      %shift_left3A_2316 = arith.constant 6 : i32
      %shift_left3A_2317 = vector.broadcast %shift_left3A_2316 : i32 to vector<64x128xi32>
      %shift_left3A_2318 = arith.shli %xor3A_2314, %shift_left3A_2317 : vector<64x128xi32>
      %shift_right_logical3A_2319 = arith.constant 26 : i32
      %shift_right_logical3A_2320 = vector.broadcast %shift_right_logical3A_2319 : i32 to vector<64x128xi32>
      %shift_right_logical3A_2321 = arith.shrui %xor3A_2314, %shift_right_logical3A_2320 : vector<64x128xi32>
      %or3A_2322 = arith.ori %shift_left3A_2318, %shift_right_logical3A_2321 : vector<64x128xi32>
      %xor3A_2323 = arith.xori %add3A_2315, %or3A_2322 : vector<64x128xi32>
      %add3A_2324 = arith.constant 466689008 : i32
      %add3A_2325 = vector.broadcast %add3A_2324 : i32 to vector<64x128xi32>
      %add3A_2326 = arith.addi %add3A_2315, %add3A_2325 : vector<64x128xi32>
      %add3A_2327 = arith.constant 0 : i32
      %add3A_2328 = vector.broadcast %add3A_2327 : i32 to vector<64x128xi32>
      %add3A_2329 = arith.addi %xor3A_2323, %add3A_2328 : vector<64x128xi32>
      %add3A_2330 = arith.constant 5 : i32
      %add3A_2331 = vector.broadcast %add3A_2330 : i32 to vector<64x128xi32>
      %add3A_2332 = arith.addi %add3A_2329, %add3A_2331 : vector<64x128xi32>
      %xor3A_2333 = arith.xori %add3A_2326, %add3A_2332 : vector<64x128xi32>
      %shift_right_logical3A_2334 = arith.constant 9 : i32
      %shift_right_logical3A_2335 = vector.broadcast %shift_right_logical3A_2334 : i32 to vector<64x128xi32>
      %shift_right_logical3A_2336 = arith.shrui %xor3A_2333, %shift_right_logical3A_2335 : vector<64x128xi32>
      %or3A_2337 = arith.constant 1065353216 : i32
      %or3A_2338 = vector.broadcast %or3A_2337 : i32 to vector<64x128xi32>
      %or3A_2339 = arith.ori %shift_right_logical3A_2336, %or3A_2338 : vector<64x128xi32>
      %bitcast_convert_type3A_2340 = tpu.bitcast %or3A_2339 : vector<64x128xi32> -> vector<64x128xf32>
      %sub3A_2341 = arith.constant 1.000000e+00 : f32
      %sub3A_2342 = vector.broadcast %sub3A_2341 : f32 to vector<64x128xf32>
      %sub3A_2343 = arith.subf %bitcast_convert_type3A_2340, %sub3A_2342 : vector<64x128xf32>
      %get3A_2344 = arith.constant 0 : index
      %get3A_2345 = arith.index_cast %add3A_2102 : i32 to index
      %get3A_2346 = arith.constant 0 : index
      %get3A_2347 = vector.load %arg2[%get3A_2344, %get3A_2345, %get3A_2346] : memref<1x256x128xf32, #tpu.memory_space<vmem>>, vector<1x1x128xf32>
      %get3A_2348 = vector.shape_cast %get3A_2347 : vector<1x1x128xf32> to vector<1x128xf32>
      %log3A_2349 = math.log %sub3A_2343 : vector<64x128xf32>
      %mul3A_2350 = vector.broadcast %get3A_2348 : vector<1x128xf32> to vector<64x128xf32>
      %mul3A_2351 = arith.mulf %log3A_2349, %mul3A_2350 : vector<64x128xf32>
      %lt3A_2352 = arith.cmpf olt, %mul3A_2351, %select_n3A_2096 : vector<64x128xf32>
      %select_n3A_2353 = arith.select %lt3A_2352, %mul3A_2351, %select_n3A_2096 : vector<64x128xi1>, vector<64x128xf32>
      %broadcast_in_dim3A_2354 = vector.broadcast %add3A_2102 : i32 to vector<64x128xi32>
      %select_n3A_2355 = arith.select %lt3A_2352, %broadcast_in_dim3A_2354, %select_n3A_2098 : vector<64x128xi1>, vector<64x128xi32>
      %mul3A_2356 = arith.constant 16 : i32
      %mul3A_2357 = arith.muli %scan3A_48, %mul3A_2356 : i32
      %add3A_2358 = arith.constant 9 : i32
      %add3A_2359 = arith.addi %mul3A_2357, %add3A_2358 : i32
      %mul3A_2360 = arith.constant 128 : i32
      %mul3A_2361 = arith.muli %add3A_2359, %mul3A_2360 : i32
      %add3A_2362 = vector.broadcast %mul3A_2361 : i32 to vector<64x128xi32>
      %add3A_2363 = arith.addi %add3A_18, %add3A_2362 : vector<64x128xi32>
      %add3A_2364 = vector.broadcast %add3A_2 : i32 to vector<64x128xi32>
      %add3A_2365 = arith.addi %add3A_2364, %add3A_2363 : vector<64x128xi32>
      %shift_left3A_2366 = arith.constant 13 : i32
      %shift_left3A_2367 = vector.broadcast %shift_left3A_2366 : i32 to vector<64x128xi32>
      %shift_left3A_2368 = arith.shli %add3A_2363, %shift_left3A_2367 : vector<64x128xi32>
      %shift_right_logical3A_2369 = arith.constant 19 : i32
      %shift_right_logical3A_2370 = vector.broadcast %shift_right_logical3A_2369 : i32 to vector<64x128xi32>
      %shift_right_logical3A_2371 = arith.shrui %add3A_2363, %shift_right_logical3A_2370 : vector<64x128xi32>
      %or3A_2372 = arith.ori %shift_left3A_2368, %shift_right_logical3A_2371 : vector<64x128xi32>
      %xor3A_2373 = arith.xori %add3A_2365, %or3A_2372 : vector<64x128xi32>
      %add3A_2374 = arith.addi %add3A_2365, %xor3A_2373 : vector<64x128xi32>
      %shift_left3A_2375 = arith.constant 15 : i32
      %shift_left3A_2376 = vector.broadcast %shift_left3A_2375 : i32 to vector<64x128xi32>
      %shift_left3A_2377 = arith.shli %xor3A_2373, %shift_left3A_2376 : vector<64x128xi32>
      %shift_right_logical3A_2378 = arith.constant 17 : i32
      %shift_right_logical3A_2379 = vector.broadcast %shift_right_logical3A_2378 : i32 to vector<64x128xi32>
      %shift_right_logical3A_2380 = arith.shrui %xor3A_2373, %shift_right_logical3A_2379 : vector<64x128xi32>
      %or3A_2381 = arith.ori %shift_left3A_2377, %shift_right_logical3A_2380 : vector<64x128xi32>
      %xor3A_2382 = arith.xori %add3A_2374, %or3A_2381 : vector<64x128xi32>
      %add3A_2383 = arith.addi %add3A_2374, %xor3A_2382 : vector<64x128xi32>
      %shift_left3A_2384 = arith.constant 26 : i32
      %shift_left3A_2385 = vector.broadcast %shift_left3A_2384 : i32 to vector<64x128xi32>
      %shift_left3A_2386 = arith.shli %xor3A_2382, %shift_left3A_2385 : vector<64x128xi32>
      %shift_right_logical3A_2387 = arith.constant 6 : i32
      %shift_right_logical3A_2388 = vector.broadcast %shift_right_logical3A_2387 : i32 to vector<64x128xi32>
      %shift_right_logical3A_2389 = arith.shrui %xor3A_2382, %shift_right_logical3A_2388 : vector<64x128xi32>
      %or3A_2390 = arith.ori %shift_left3A_2386, %shift_right_logical3A_2389 : vector<64x128xi32>
      %xor3A_2391 = arith.xori %add3A_2383, %or3A_2390 : vector<64x128xi32>
      %add3A_2392 = arith.addi %add3A_2383, %xor3A_2391 : vector<64x128xi32>
      %shift_left3A_2393 = arith.constant 6 : i32
      %shift_left3A_2394 = vector.broadcast %shift_left3A_2393 : i32 to vector<64x128xi32>
      %shift_left3A_2395 = arith.shli %xor3A_2391, %shift_left3A_2394 : vector<64x128xi32>
      %shift_right_logical3A_2396 = arith.constant 26 : i32
      %shift_right_logical3A_2397 = vector.broadcast %shift_right_logical3A_2396 : i32 to vector<64x128xi32>
      %shift_right_logical3A_2398 = arith.shrui %xor3A_2391, %shift_right_logical3A_2397 : vector<64x128xi32>
      %or3A_2399 = arith.ori %shift_left3A_2395, %shift_right_logical3A_2398 : vector<64x128xi32>
      %xor3A_2400 = arith.xori %add3A_2392, %or3A_2399 : vector<64x128xi32>
      %add3A_2401 = arith.constant 42 : i32
      %add3A_2402 = vector.broadcast %add3A_2401 : i32 to vector<64x128xi32>
      %add3A_2403 = arith.addi %add3A_2392, %add3A_2402 : vector<64x128xi32>
      %add3A_2404 = arith.constant 466689008 : i32
      %add3A_2405 = vector.broadcast %add3A_2404 : i32 to vector<64x128xi32>
      %add3A_2406 = arith.addi %xor3A_2400, %add3A_2405 : vector<64x128xi32>
      %add3A_2407 = arith.constant 1 : i32
      %add3A_2408 = vector.broadcast %add3A_2407 : i32 to vector<64x128xi32>
      %add3A_2409 = arith.addi %add3A_2406, %add3A_2408 : vector<64x128xi32>
      %add3A_2410 = arith.addi %add3A_2403, %add3A_2409 : vector<64x128xi32>
      %shift_left3A_2411 = arith.constant 17 : i32
      %shift_left3A_2412 = vector.broadcast %shift_left3A_2411 : i32 to vector<64x128xi32>
      %shift_left3A_2413 = arith.shli %add3A_2409, %shift_left3A_2412 : vector<64x128xi32>
      %shift_right_logical3A_2414 = arith.constant 15 : i32
      %shift_right_logical3A_2415 = vector.broadcast %shift_right_logical3A_2414 : i32 to vector<64x128xi32>
      %shift_right_logical3A_2416 = arith.shrui %add3A_2409, %shift_right_logical3A_2415 : vector<64x128xi32>
      %or3A_2417 = arith.ori %shift_left3A_2413, %shift_right_logical3A_2416 : vector<64x128xi32>
      %xor3A_2418 = arith.xori %add3A_2410, %or3A_2417 : vector<64x128xi32>
      %add3A_2419 = arith.addi %add3A_2410, %xor3A_2418 : vector<64x128xi32>
      %shift_left3A_2420 = arith.constant 29 : i32
      %shift_left3A_2421 = vector.broadcast %shift_left3A_2420 : i32 to vector<64x128xi32>
      %shift_left3A_2422 = arith.shli %xor3A_2418, %shift_left3A_2421 : vector<64x128xi32>
      %shift_right_logical3A_2423 = arith.constant 3 : i32
      %shift_right_logical3A_2424 = vector.broadcast %shift_right_logical3A_2423 : i32 to vector<64x128xi32>
      %shift_right_logical3A_2425 = arith.shrui %xor3A_2418, %shift_right_logical3A_2424 : vector<64x128xi32>
      %or3A_2426 = arith.ori %shift_left3A_2422, %shift_right_logical3A_2425 : vector<64x128xi32>
      %xor3A_2427 = arith.xori %add3A_2419, %or3A_2426 : vector<64x128xi32>
      %add3A_2428 = arith.addi %add3A_2419, %xor3A_2427 : vector<64x128xi32>
      %shift_left3A_2429 = arith.constant 16 : i32
      %shift_left3A_2430 = vector.broadcast %shift_left3A_2429 : i32 to vector<64x128xi32>
      %shift_left3A_2431 = arith.shli %xor3A_2427, %shift_left3A_2430 : vector<64x128xi32>
      %shift_right_logical3A_2432 = arith.constant 16 : i32
      %shift_right_logical3A_2433 = vector.broadcast %shift_right_logical3A_2432 : i32 to vector<64x128xi32>
      %shift_right_logical3A_2434 = arith.shrui %xor3A_2427, %shift_right_logical3A_2433 : vector<64x128xi32>
      %or3A_2435 = arith.ori %shift_left3A_2431, %shift_right_logical3A_2434 : vector<64x128xi32>
      %xor3A_2436 = arith.xori %add3A_2428, %or3A_2435 : vector<64x128xi32>
      %add3A_2437 = arith.addi %add3A_2428, %xor3A_2436 : vector<64x128xi32>
      %shift_left3A_2438 = arith.constant 24 : i32
      %shift_left3A_2439 = vector.broadcast %shift_left3A_2438 : i32 to vector<64x128xi32>
      %shift_left3A_2440 = arith.shli %xor3A_2436, %shift_left3A_2439 : vector<64x128xi32>
      %shift_right_logical3A_2441 = arith.constant 8 : i32
      %shift_right_logical3A_2442 = vector.broadcast %shift_right_logical3A_2441 : i32 to vector<64x128xi32>
      %shift_right_logical3A_2443 = arith.shrui %xor3A_2436, %shift_right_logical3A_2442 : vector<64x128xi32>
      %or3A_2444 = arith.ori %shift_left3A_2440, %shift_right_logical3A_2443 : vector<64x128xi32>
      %xor3A_2445 = arith.xori %add3A_2437, %or3A_2444 : vector<64x128xi32>
      %add3A_2446 = arith.constant 466689008 : i32
      %add3A_2447 = vector.broadcast %add3A_2446 : i32 to vector<64x128xi32>
      %add3A_2448 = arith.addi %add3A_2437, %add3A_2447 : vector<64x128xi32>
      %add3A_2449 = arith.constant 0 : i32
      %add3A_2450 = vector.broadcast %add3A_2449 : i32 to vector<64x128xi32>
      %add3A_2451 = arith.addi %xor3A_2445, %add3A_2450 : vector<64x128xi32>
      %add3A_2452 = arith.constant 2 : i32
      %add3A_2453 = vector.broadcast %add3A_2452 : i32 to vector<64x128xi32>
      %add3A_2454 = arith.addi %add3A_2451, %add3A_2453 : vector<64x128xi32>
      %add3A_2455 = arith.addi %add3A_2448, %add3A_2454 : vector<64x128xi32>
      %shift_left3A_2456 = arith.constant 13 : i32
      %shift_left3A_2457 = vector.broadcast %shift_left3A_2456 : i32 to vector<64x128xi32>
      %shift_left3A_2458 = arith.shli %add3A_2454, %shift_left3A_2457 : vector<64x128xi32>
      %shift_right_logical3A_2459 = arith.constant 19 : i32
      %shift_right_logical3A_2460 = vector.broadcast %shift_right_logical3A_2459 : i32 to vector<64x128xi32>
      %shift_right_logical3A_2461 = arith.shrui %add3A_2454, %shift_right_logical3A_2460 : vector<64x128xi32>
      %or3A_2462 = arith.ori %shift_left3A_2458, %shift_right_logical3A_2461 : vector<64x128xi32>
      %xor3A_2463 = arith.xori %add3A_2455, %or3A_2462 : vector<64x128xi32>
      %add3A_2464 = arith.addi %add3A_2455, %xor3A_2463 : vector<64x128xi32>
      %shift_left3A_2465 = arith.constant 15 : i32
      %shift_left3A_2466 = vector.broadcast %shift_left3A_2465 : i32 to vector<64x128xi32>
      %shift_left3A_2467 = arith.shli %xor3A_2463, %shift_left3A_2466 : vector<64x128xi32>
      %shift_right_logical3A_2468 = arith.constant 17 : i32
      %shift_right_logical3A_2469 = vector.broadcast %shift_right_logical3A_2468 : i32 to vector<64x128xi32>
      %shift_right_logical3A_2470 = arith.shrui %xor3A_2463, %shift_right_logical3A_2469 : vector<64x128xi32>
      %or3A_2471 = arith.ori %shift_left3A_2467, %shift_right_logical3A_2470 : vector<64x128xi32>
      %xor3A_2472 = arith.xori %add3A_2464, %or3A_2471 : vector<64x128xi32>
      %add3A_2473 = arith.addi %add3A_2464, %xor3A_2472 : vector<64x128xi32>
      %shift_left3A_2474 = arith.constant 26 : i32
      %shift_left3A_2475 = vector.broadcast %shift_left3A_2474 : i32 to vector<64x128xi32>
      %shift_left3A_2476 = arith.shli %xor3A_2472, %shift_left3A_2475 : vector<64x128xi32>
      %shift_right_logical3A_2477 = arith.constant 6 : i32
      %shift_right_logical3A_2478 = vector.broadcast %shift_right_logical3A_2477 : i32 to vector<64x128xi32>
      %shift_right_logical3A_2479 = arith.shrui %xor3A_2472, %shift_right_logical3A_2478 : vector<64x128xi32>
      %or3A_2480 = arith.ori %shift_left3A_2476, %shift_right_logical3A_2479 : vector<64x128xi32>
      %xor3A_2481 = arith.xori %add3A_2473, %or3A_2480 : vector<64x128xi32>
      %add3A_2482 = arith.addi %add3A_2473, %xor3A_2481 : vector<64x128xi32>
      %shift_left3A_2483 = arith.constant 6 : i32
      %shift_left3A_2484 = vector.broadcast %shift_left3A_2483 : i32 to vector<64x128xi32>
      %shift_left3A_2485 = arith.shli %xor3A_2481, %shift_left3A_2484 : vector<64x128xi32>
      %shift_right_logical3A_2486 = arith.constant 26 : i32
      %shift_right_logical3A_2487 = vector.broadcast %shift_right_logical3A_2486 : i32 to vector<64x128xi32>
      %shift_right_logical3A_2488 = arith.shrui %xor3A_2481, %shift_right_logical3A_2487 : vector<64x128xi32>
      %or3A_2489 = arith.ori %shift_left3A_2485, %shift_right_logical3A_2488 : vector<64x128xi32>
      %xor3A_2490 = arith.xori %add3A_2482, %or3A_2489 : vector<64x128xi32>
      %add3A_2491 = arith.constant 0 : i32
      %add3A_2492 = vector.broadcast %add3A_2491 : i32 to vector<64x128xi32>
      %add3A_2493 = arith.addi %add3A_2482, %add3A_2492 : vector<64x128xi32>
      %add3A_2494 = arith.constant 42 : i32
      %add3A_2495 = vector.broadcast %add3A_2494 : i32 to vector<64x128xi32>
      %add3A_2496 = arith.addi %xor3A_2490, %add3A_2495 : vector<64x128xi32>
      %add3A_2497 = arith.constant 3 : i32
      %add3A_2498 = vector.broadcast %add3A_2497 : i32 to vector<64x128xi32>
      %add3A_2499 = arith.addi %add3A_2496, %add3A_2498 : vector<64x128xi32>
      %add3A_2500 = arith.addi %add3A_2493, %add3A_2499 : vector<64x128xi32>
      %shift_left3A_2501 = arith.constant 17 : i32
      %shift_left3A_2502 = vector.broadcast %shift_left3A_2501 : i32 to vector<64x128xi32>
      %shift_left3A_2503 = arith.shli %add3A_2499, %shift_left3A_2502 : vector<64x128xi32>
      %shift_right_logical3A_2504 = arith.constant 15 : i32
      %shift_right_logical3A_2505 = vector.broadcast %shift_right_logical3A_2504 : i32 to vector<64x128xi32>
      %shift_right_logical3A_2506 = arith.shrui %add3A_2499, %shift_right_logical3A_2505 : vector<64x128xi32>
      %or3A_2507 = arith.ori %shift_left3A_2503, %shift_right_logical3A_2506 : vector<64x128xi32>
      %xor3A_2508 = arith.xori %add3A_2500, %or3A_2507 : vector<64x128xi32>
      %add3A_2509 = arith.addi %add3A_2500, %xor3A_2508 : vector<64x128xi32>
      %shift_left3A_2510 = arith.constant 29 : i32
      %shift_left3A_2511 = vector.broadcast %shift_left3A_2510 : i32 to vector<64x128xi32>
      %shift_left3A_2512 = arith.shli %xor3A_2508, %shift_left3A_2511 : vector<64x128xi32>
      %shift_right_logical3A_2513 = arith.constant 3 : i32
      %shift_right_logical3A_2514 = vector.broadcast %shift_right_logical3A_2513 : i32 to vector<64x128xi32>
      %shift_right_logical3A_2515 = arith.shrui %xor3A_2508, %shift_right_logical3A_2514 : vector<64x128xi32>
      %or3A_2516 = arith.ori %shift_left3A_2512, %shift_right_logical3A_2515 : vector<64x128xi32>
      %xor3A_2517 = arith.xori %add3A_2509, %or3A_2516 : vector<64x128xi32>
      %add3A_2518 = arith.addi %add3A_2509, %xor3A_2517 : vector<64x128xi32>
      %shift_left3A_2519 = arith.constant 16 : i32
      %shift_left3A_2520 = vector.broadcast %shift_left3A_2519 : i32 to vector<64x128xi32>
      %shift_left3A_2521 = arith.shli %xor3A_2517, %shift_left3A_2520 : vector<64x128xi32>
      %shift_right_logical3A_2522 = arith.constant 16 : i32
      %shift_right_logical3A_2523 = vector.broadcast %shift_right_logical3A_2522 : i32 to vector<64x128xi32>
      %shift_right_logical3A_2524 = arith.shrui %xor3A_2517, %shift_right_logical3A_2523 : vector<64x128xi32>
      %or3A_2525 = arith.ori %shift_left3A_2521, %shift_right_logical3A_2524 : vector<64x128xi32>
      %xor3A_2526 = arith.xori %add3A_2518, %or3A_2525 : vector<64x128xi32>
      %add3A_2527 = arith.addi %add3A_2518, %xor3A_2526 : vector<64x128xi32>
      %shift_left3A_2528 = arith.constant 24 : i32
      %shift_left3A_2529 = vector.broadcast %shift_left3A_2528 : i32 to vector<64x128xi32>
      %shift_left3A_2530 = arith.shli %xor3A_2526, %shift_left3A_2529 : vector<64x128xi32>
      %shift_right_logical3A_2531 = arith.constant 8 : i32
      %shift_right_logical3A_2532 = vector.broadcast %shift_right_logical3A_2531 : i32 to vector<64x128xi32>
      %shift_right_logical3A_2533 = arith.shrui %xor3A_2526, %shift_right_logical3A_2532 : vector<64x128xi32>
      %or3A_2534 = arith.ori %shift_left3A_2530, %shift_right_logical3A_2533 : vector<64x128xi32>
      %xor3A_2535 = arith.xori %add3A_2527, %or3A_2534 : vector<64x128xi32>
      %add3A_2536 = arith.constant 42 : i32
      %add3A_2537 = vector.broadcast %add3A_2536 : i32 to vector<64x128xi32>
      %add3A_2538 = arith.addi %add3A_2527, %add3A_2537 : vector<64x128xi32>
      %add3A_2539 = arith.constant 466689008 : i32
      %add3A_2540 = vector.broadcast %add3A_2539 : i32 to vector<64x128xi32>
      %add3A_2541 = arith.addi %xor3A_2535, %add3A_2540 : vector<64x128xi32>
      %add3A_2542 = arith.constant 4 : i32
      %add3A_2543 = vector.broadcast %add3A_2542 : i32 to vector<64x128xi32>
      %add3A_2544 = arith.addi %add3A_2541, %add3A_2543 : vector<64x128xi32>
      %add3A_2545 = arith.addi %add3A_2538, %add3A_2544 : vector<64x128xi32>
      %shift_left3A_2546 = arith.constant 13 : i32
      %shift_left3A_2547 = vector.broadcast %shift_left3A_2546 : i32 to vector<64x128xi32>
      %shift_left3A_2548 = arith.shli %add3A_2544, %shift_left3A_2547 : vector<64x128xi32>
      %shift_right_logical3A_2549 = arith.constant 19 : i32
      %shift_right_logical3A_2550 = vector.broadcast %shift_right_logical3A_2549 : i32 to vector<64x128xi32>
      %shift_right_logical3A_2551 = arith.shrui %add3A_2544, %shift_right_logical3A_2550 : vector<64x128xi32>
      %or3A_2552 = arith.ori %shift_left3A_2548, %shift_right_logical3A_2551 : vector<64x128xi32>
      %xor3A_2553 = arith.xori %add3A_2545, %or3A_2552 : vector<64x128xi32>
      %add3A_2554 = arith.addi %add3A_2545, %xor3A_2553 : vector<64x128xi32>
      %shift_left3A_2555 = arith.constant 15 : i32
      %shift_left3A_2556 = vector.broadcast %shift_left3A_2555 : i32 to vector<64x128xi32>
      %shift_left3A_2557 = arith.shli %xor3A_2553, %shift_left3A_2556 : vector<64x128xi32>
      %shift_right_logical3A_2558 = arith.constant 17 : i32
      %shift_right_logical3A_2559 = vector.broadcast %shift_right_logical3A_2558 : i32 to vector<64x128xi32>
      %shift_right_logical3A_2560 = arith.shrui %xor3A_2553, %shift_right_logical3A_2559 : vector<64x128xi32>
      %or3A_2561 = arith.ori %shift_left3A_2557, %shift_right_logical3A_2560 : vector<64x128xi32>
      %xor3A_2562 = arith.xori %add3A_2554, %or3A_2561 : vector<64x128xi32>
      %add3A_2563 = arith.addi %add3A_2554, %xor3A_2562 : vector<64x128xi32>
      %shift_left3A_2564 = arith.constant 26 : i32
      %shift_left3A_2565 = vector.broadcast %shift_left3A_2564 : i32 to vector<64x128xi32>
      %shift_left3A_2566 = arith.shli %xor3A_2562, %shift_left3A_2565 : vector<64x128xi32>
      %shift_right_logical3A_2567 = arith.constant 6 : i32
      %shift_right_logical3A_2568 = vector.broadcast %shift_right_logical3A_2567 : i32 to vector<64x128xi32>
      %shift_right_logical3A_2569 = arith.shrui %xor3A_2562, %shift_right_logical3A_2568 : vector<64x128xi32>
      %or3A_2570 = arith.ori %shift_left3A_2566, %shift_right_logical3A_2569 : vector<64x128xi32>
      %xor3A_2571 = arith.xori %add3A_2563, %or3A_2570 : vector<64x128xi32>
      %add3A_2572 = arith.addi %add3A_2563, %xor3A_2571 : vector<64x128xi32>
      %shift_left3A_2573 = arith.constant 6 : i32
      %shift_left3A_2574 = vector.broadcast %shift_left3A_2573 : i32 to vector<64x128xi32>
      %shift_left3A_2575 = arith.shli %xor3A_2571, %shift_left3A_2574 : vector<64x128xi32>
      %shift_right_logical3A_2576 = arith.constant 26 : i32
      %shift_right_logical3A_2577 = vector.broadcast %shift_right_logical3A_2576 : i32 to vector<64x128xi32>
      %shift_right_logical3A_2578 = arith.shrui %xor3A_2571, %shift_right_logical3A_2577 : vector<64x128xi32>
      %or3A_2579 = arith.ori %shift_left3A_2575, %shift_right_logical3A_2578 : vector<64x128xi32>
      %xor3A_2580 = arith.xori %add3A_2572, %or3A_2579 : vector<64x128xi32>
      %add3A_2581 = arith.constant 466689008 : i32
      %add3A_2582 = vector.broadcast %add3A_2581 : i32 to vector<64x128xi32>
      %add3A_2583 = arith.addi %add3A_2572, %add3A_2582 : vector<64x128xi32>
      %add3A_2584 = arith.constant 0 : i32
      %add3A_2585 = vector.broadcast %add3A_2584 : i32 to vector<64x128xi32>
      %add3A_2586 = arith.addi %xor3A_2580, %add3A_2585 : vector<64x128xi32>
      %add3A_2587 = arith.constant 5 : i32
      %add3A_2588 = vector.broadcast %add3A_2587 : i32 to vector<64x128xi32>
      %add3A_2589 = arith.addi %add3A_2586, %add3A_2588 : vector<64x128xi32>
      %xor3A_2590 = arith.xori %add3A_2583, %add3A_2589 : vector<64x128xi32>
      %shift_right_logical3A_2591 = arith.constant 9 : i32
      %shift_right_logical3A_2592 = vector.broadcast %shift_right_logical3A_2591 : i32 to vector<64x128xi32>
      %shift_right_logical3A_2593 = arith.shrui %xor3A_2590, %shift_right_logical3A_2592 : vector<64x128xi32>
      %or3A_2594 = arith.constant 1065353216 : i32
      %or3A_2595 = vector.broadcast %or3A_2594 : i32 to vector<64x128xi32>
      %or3A_2596 = arith.ori %shift_right_logical3A_2593, %or3A_2595 : vector<64x128xi32>
      %bitcast_convert_type3A_2597 = tpu.bitcast %or3A_2596 : vector<64x128xi32> -> vector<64x128xf32>
      %sub3A_2598 = arith.constant 1.000000e+00 : f32
      %sub3A_2599 = vector.broadcast %sub3A_2598 : f32 to vector<64x128xf32>
      %sub3A_2600 = arith.subf %bitcast_convert_type3A_2597, %sub3A_2599 : vector<64x128xf32>
      %get3A_2601 = arith.constant 0 : index
      %get3A_2602 = arith.index_cast %add3A_2359 : i32 to index
      %get3A_2603 = arith.constant 0 : index
      %get3A_2604 = vector.load %arg2[%get3A_2601, %get3A_2602, %get3A_2603] : memref<1x256x128xf32, #tpu.memory_space<vmem>>, vector<1x1x128xf32>
      %get3A_2605 = vector.shape_cast %get3A_2604 : vector<1x1x128xf32> to vector<1x128xf32>
      %log3A_2606 = math.log %sub3A_2600 : vector<64x128xf32>
      %mul3A_2607 = vector.broadcast %get3A_2605 : vector<1x128xf32> to vector<64x128xf32>
      %mul3A_2608 = arith.mulf %log3A_2606, %mul3A_2607 : vector<64x128xf32>
      %lt3A_2609 = arith.cmpf olt, %mul3A_2608, %select_n3A_2353 : vector<64x128xf32>
      %select_n3A_2610 = arith.select %lt3A_2609, %mul3A_2608, %select_n3A_2353 : vector<64x128xi1>, vector<64x128xf32>
      %broadcast_in_dim3A_2611 = vector.broadcast %add3A_2359 : i32 to vector<64x128xi32>
      %select_n3A_2612 = arith.select %lt3A_2609, %broadcast_in_dim3A_2611, %select_n3A_2355 : vector<64x128xi1>, vector<64x128xi32>
      %mul3A_2613 = arith.constant 16 : i32
      %mul3A_2614 = arith.muli %scan3A_48, %mul3A_2613 : i32
      %add3A_2615 = arith.constant 10 : i32
      %add3A_2616 = arith.addi %mul3A_2614, %add3A_2615 : i32
      %mul3A_2617 = arith.constant 128 : i32
      %mul3A_2618 = arith.muli %add3A_2616, %mul3A_2617 : i32
      %add3A_2619 = vector.broadcast %mul3A_2618 : i32 to vector<64x128xi32>
      %add3A_2620 = arith.addi %add3A_18, %add3A_2619 : vector<64x128xi32>
      %add3A_2621 = vector.broadcast %add3A_2 : i32 to vector<64x128xi32>
      %add3A_2622 = arith.addi %add3A_2621, %add3A_2620 : vector<64x128xi32>
      %shift_left3A_2623 = arith.constant 13 : i32
      %shift_left3A_2624 = vector.broadcast %shift_left3A_2623 : i32 to vector<64x128xi32>
      %shift_left3A_2625 = arith.shli %add3A_2620, %shift_left3A_2624 : vector<64x128xi32>
      %shift_right_logical3A_2626 = arith.constant 19 : i32
      %shift_right_logical3A_2627 = vector.broadcast %shift_right_logical3A_2626 : i32 to vector<64x128xi32>
      %shift_right_logical3A_2628 = arith.shrui %add3A_2620, %shift_right_logical3A_2627 : vector<64x128xi32>
      %or3A_2629 = arith.ori %shift_left3A_2625, %shift_right_logical3A_2628 : vector<64x128xi32>
      %xor3A_2630 = arith.xori %add3A_2622, %or3A_2629 : vector<64x128xi32>
      %add3A_2631 = arith.addi %add3A_2622, %xor3A_2630 : vector<64x128xi32>
      %shift_left3A_2632 = arith.constant 15 : i32
      %shift_left3A_2633 = vector.broadcast %shift_left3A_2632 : i32 to vector<64x128xi32>
      %shift_left3A_2634 = arith.shli %xor3A_2630, %shift_left3A_2633 : vector<64x128xi32>
      %shift_right_logical3A_2635 = arith.constant 17 : i32
      %shift_right_logical3A_2636 = vector.broadcast %shift_right_logical3A_2635 : i32 to vector<64x128xi32>
      %shift_right_logical3A_2637 = arith.shrui %xor3A_2630, %shift_right_logical3A_2636 : vector<64x128xi32>
      %or3A_2638 = arith.ori %shift_left3A_2634, %shift_right_logical3A_2637 : vector<64x128xi32>
      %xor3A_2639 = arith.xori %add3A_2631, %or3A_2638 : vector<64x128xi32>
      %add3A_2640 = arith.addi %add3A_2631, %xor3A_2639 : vector<64x128xi32>
      %shift_left3A_2641 = arith.constant 26 : i32
      %shift_left3A_2642 = vector.broadcast %shift_left3A_2641 : i32 to vector<64x128xi32>
      %shift_left3A_2643 = arith.shli %xor3A_2639, %shift_left3A_2642 : vector<64x128xi32>
      %shift_right_logical3A_2644 = arith.constant 6 : i32
      %shift_right_logical3A_2645 = vector.broadcast %shift_right_logical3A_2644 : i32 to vector<64x128xi32>
      %shift_right_logical3A_2646 = arith.shrui %xor3A_2639, %shift_right_logical3A_2645 : vector<64x128xi32>
      %or3A_2647 = arith.ori %shift_left3A_2643, %shift_right_logical3A_2646 : vector<64x128xi32>
      %xor3A_2648 = arith.xori %add3A_2640, %or3A_2647 : vector<64x128xi32>
      %add3A_2649 = arith.addi %add3A_2640, %xor3A_2648 : vector<64x128xi32>
      %shift_left3A_2650 = arith.constant 6 : i32
      %shift_left3A_2651 = vector.broadcast %shift_left3A_2650 : i32 to vector<64x128xi32>
      %shift_left3A_2652 = arith.shli %xor3A_2648, %shift_left3A_2651 : vector<64x128xi32>
      %shift_right_logical3A_2653 = arith.constant 26 : i32
      %shift_right_logical3A_2654 = vector.broadcast %shift_right_logical3A_2653 : i32 to vector<64x128xi32>
      %shift_right_logical3A_2655 = arith.shrui %xor3A_2648, %shift_right_logical3A_2654 : vector<64x128xi32>
      %or3A_2656 = arith.ori %shift_left3A_2652, %shift_right_logical3A_2655 : vector<64x128xi32>
      %xor3A_2657 = arith.xori %add3A_2649, %or3A_2656 : vector<64x128xi32>
      %add3A_2658 = arith.constant 42 : i32
      %add3A_2659 = vector.broadcast %add3A_2658 : i32 to vector<64x128xi32>
      %add3A_2660 = arith.addi %add3A_2649, %add3A_2659 : vector<64x128xi32>
      %add3A_2661 = arith.constant 466689008 : i32
      %add3A_2662 = vector.broadcast %add3A_2661 : i32 to vector<64x128xi32>
      %add3A_2663 = arith.addi %xor3A_2657, %add3A_2662 : vector<64x128xi32>
      %add3A_2664 = arith.constant 1 : i32
      %add3A_2665 = vector.broadcast %add3A_2664 : i32 to vector<64x128xi32>
      %add3A_2666 = arith.addi %add3A_2663, %add3A_2665 : vector<64x128xi32>
      %add3A_2667 = arith.addi %add3A_2660, %add3A_2666 : vector<64x128xi32>
      %shift_left3A_2668 = arith.constant 17 : i32
      %shift_left3A_2669 = vector.broadcast %shift_left3A_2668 : i32 to vector<64x128xi32>
      %shift_left3A_2670 = arith.shli %add3A_2666, %shift_left3A_2669 : vector<64x128xi32>
      %shift_right_logical3A_2671 = arith.constant 15 : i32
      %shift_right_logical3A_2672 = vector.broadcast %shift_right_logical3A_2671 : i32 to vector<64x128xi32>
      %shift_right_logical3A_2673 = arith.shrui %add3A_2666, %shift_right_logical3A_2672 : vector<64x128xi32>
      %or3A_2674 = arith.ori %shift_left3A_2670, %shift_right_logical3A_2673 : vector<64x128xi32>
      %xor3A_2675 = arith.xori %add3A_2667, %or3A_2674 : vector<64x128xi32>
      %add3A_2676 = arith.addi %add3A_2667, %xor3A_2675 : vector<64x128xi32>
      %shift_left3A_2677 = arith.constant 29 : i32
      %shift_left3A_2678 = vector.broadcast %shift_left3A_2677 : i32 to vector<64x128xi32>
      %shift_left3A_2679 = arith.shli %xor3A_2675, %shift_left3A_2678 : vector<64x128xi32>
      %shift_right_logical3A_2680 = arith.constant 3 : i32
      %shift_right_logical3A_2681 = vector.broadcast %shift_right_logical3A_2680 : i32 to vector<64x128xi32>
      %shift_right_logical3A_2682 = arith.shrui %xor3A_2675, %shift_right_logical3A_2681 : vector<64x128xi32>
      %or3A_2683 = arith.ori %shift_left3A_2679, %shift_right_logical3A_2682 : vector<64x128xi32>
      %xor3A_2684 = arith.xori %add3A_2676, %or3A_2683 : vector<64x128xi32>
      %add3A_2685 = arith.addi %add3A_2676, %xor3A_2684 : vector<64x128xi32>
      %shift_left3A_2686 = arith.constant 16 : i32
      %shift_left3A_2687 = vector.broadcast %shift_left3A_2686 : i32 to vector<64x128xi32>
      %shift_left3A_2688 = arith.shli %xor3A_2684, %shift_left3A_2687 : vector<64x128xi32>
      %shift_right_logical3A_2689 = arith.constant 16 : i32
      %shift_right_logical3A_2690 = vector.broadcast %shift_right_logical3A_2689 : i32 to vector<64x128xi32>
      %shift_right_logical3A_2691 = arith.shrui %xor3A_2684, %shift_right_logical3A_2690 : vector<64x128xi32>
      %or3A_2692 = arith.ori %shift_left3A_2688, %shift_right_logical3A_2691 : vector<64x128xi32>
      %xor3A_2693 = arith.xori %add3A_2685, %or3A_2692 : vector<64x128xi32>
      %add3A_2694 = arith.addi %add3A_2685, %xor3A_2693 : vector<64x128xi32>
      %shift_left3A_2695 = arith.constant 24 : i32
      %shift_left3A_2696 = vector.broadcast %shift_left3A_2695 : i32 to vector<64x128xi32>
      %shift_left3A_2697 = arith.shli %xor3A_2693, %shift_left3A_2696 : vector<64x128xi32>
      %shift_right_logical3A_2698 = arith.constant 8 : i32
      %shift_right_logical3A_2699 = vector.broadcast %shift_right_logical3A_2698 : i32 to vector<64x128xi32>
      %shift_right_logical3A_2700 = arith.shrui %xor3A_2693, %shift_right_logical3A_2699 : vector<64x128xi32>
      %or3A_2701 = arith.ori %shift_left3A_2697, %shift_right_logical3A_2700 : vector<64x128xi32>
      %xor3A_2702 = arith.xori %add3A_2694, %or3A_2701 : vector<64x128xi32>
      %add3A_2703 = arith.constant 466689008 : i32
      %add3A_2704 = vector.broadcast %add3A_2703 : i32 to vector<64x128xi32>
      %add3A_2705 = arith.addi %add3A_2694, %add3A_2704 : vector<64x128xi32>
      %add3A_2706 = arith.constant 0 : i32
      %add3A_2707 = vector.broadcast %add3A_2706 : i32 to vector<64x128xi32>
      %add3A_2708 = arith.addi %xor3A_2702, %add3A_2707 : vector<64x128xi32>
      %add3A_2709 = arith.constant 2 : i32
      %add3A_2710 = vector.broadcast %add3A_2709 : i32 to vector<64x128xi32>
      %add3A_2711 = arith.addi %add3A_2708, %add3A_2710 : vector<64x128xi32>
      %add3A_2712 = arith.addi %add3A_2705, %add3A_2711 : vector<64x128xi32>
      %shift_left3A_2713 = arith.constant 13 : i32
      %shift_left3A_2714 = vector.broadcast %shift_left3A_2713 : i32 to vector<64x128xi32>
      %shift_left3A_2715 = arith.shli %add3A_2711, %shift_left3A_2714 : vector<64x128xi32>
      %shift_right_logical3A_2716 = arith.constant 19 : i32
      %shift_right_logical3A_2717 = vector.broadcast %shift_right_logical3A_2716 : i32 to vector<64x128xi32>
      %shift_right_logical3A_2718 = arith.shrui %add3A_2711, %shift_right_logical3A_2717 : vector<64x128xi32>
      %or3A_2719 = arith.ori %shift_left3A_2715, %shift_right_logical3A_2718 : vector<64x128xi32>
      %xor3A_2720 = arith.xori %add3A_2712, %or3A_2719 : vector<64x128xi32>
      %add3A_2721 = arith.addi %add3A_2712, %xor3A_2720 : vector<64x128xi32>
      %shift_left3A_2722 = arith.constant 15 : i32
      %shift_left3A_2723 = vector.broadcast %shift_left3A_2722 : i32 to vector<64x128xi32>
      %shift_left3A_2724 = arith.shli %xor3A_2720, %shift_left3A_2723 : vector<64x128xi32>
      %shift_right_logical3A_2725 = arith.constant 17 : i32
      %shift_right_logical3A_2726 = vector.broadcast %shift_right_logical3A_2725 : i32 to vector<64x128xi32>
      %shift_right_logical3A_2727 = arith.shrui %xor3A_2720, %shift_right_logical3A_2726 : vector<64x128xi32>
      %or3A_2728 = arith.ori %shift_left3A_2724, %shift_right_logical3A_2727 : vector<64x128xi32>
      %xor3A_2729 = arith.xori %add3A_2721, %or3A_2728 : vector<64x128xi32>
      %add3A_2730 = arith.addi %add3A_2721, %xor3A_2729 : vector<64x128xi32>
      %shift_left3A_2731 = arith.constant 26 : i32
      %shift_left3A_2732 = vector.broadcast %shift_left3A_2731 : i32 to vector<64x128xi32>
      %shift_left3A_2733 = arith.shli %xor3A_2729, %shift_left3A_2732 : vector<64x128xi32>
      %shift_right_logical3A_2734 = arith.constant 6 : i32
      %shift_right_logical3A_2735 = vector.broadcast %shift_right_logical3A_2734 : i32 to vector<64x128xi32>
      %shift_right_logical3A_2736 = arith.shrui %xor3A_2729, %shift_right_logical3A_2735 : vector<64x128xi32>
      %or3A_2737 = arith.ori %shift_left3A_2733, %shift_right_logical3A_2736 : vector<64x128xi32>
      %xor3A_2738 = arith.xori %add3A_2730, %or3A_2737 : vector<64x128xi32>
      %add3A_2739 = arith.addi %add3A_2730, %xor3A_2738 : vector<64x128xi32>
      %shift_left3A_2740 = arith.constant 6 : i32
      %shift_left3A_2741 = vector.broadcast %shift_left3A_2740 : i32 to vector<64x128xi32>
      %shift_left3A_2742 = arith.shli %xor3A_2738, %shift_left3A_2741 : vector<64x128xi32>
      %shift_right_logical3A_2743 = arith.constant 26 : i32
      %shift_right_logical3A_2744 = vector.broadcast %shift_right_logical3A_2743 : i32 to vector<64x128xi32>
      %shift_right_logical3A_2745 = arith.shrui %xor3A_2738, %shift_right_logical3A_2744 : vector<64x128xi32>
      %or3A_2746 = arith.ori %shift_left3A_2742, %shift_right_logical3A_2745 : vector<64x128xi32>
      %xor3A_2747 = arith.xori %add3A_2739, %or3A_2746 : vector<64x128xi32>
      %add3A_2748 = arith.constant 0 : i32
      %add3A_2749 = vector.broadcast %add3A_2748 : i32 to vector<64x128xi32>
      %add3A_2750 = arith.addi %add3A_2739, %add3A_2749 : vector<64x128xi32>
      %add3A_2751 = arith.constant 42 : i32
      %add3A_2752 = vector.broadcast %add3A_2751 : i32 to vector<64x128xi32>
      %add3A_2753 = arith.addi %xor3A_2747, %add3A_2752 : vector<64x128xi32>
      %add3A_2754 = arith.constant 3 : i32
      %add3A_2755 = vector.broadcast %add3A_2754 : i32 to vector<64x128xi32>
      %add3A_2756 = arith.addi %add3A_2753, %add3A_2755 : vector<64x128xi32>
      %add3A_2757 = arith.addi %add3A_2750, %add3A_2756 : vector<64x128xi32>
      %shift_left3A_2758 = arith.constant 17 : i32
      %shift_left3A_2759 = vector.broadcast %shift_left3A_2758 : i32 to vector<64x128xi32>
      %shift_left3A_2760 = arith.shli %add3A_2756, %shift_left3A_2759 : vector<64x128xi32>
      %shift_right_logical3A_2761 = arith.constant 15 : i32
      %shift_right_logical3A_2762 = vector.broadcast %shift_right_logical3A_2761 : i32 to vector<64x128xi32>
      %shift_right_logical3A_2763 = arith.shrui %add3A_2756, %shift_right_logical3A_2762 : vector<64x128xi32>
      %or3A_2764 = arith.ori %shift_left3A_2760, %shift_right_logical3A_2763 : vector<64x128xi32>
      %xor3A_2765 = arith.xori %add3A_2757, %or3A_2764 : vector<64x128xi32>
      %add3A_2766 = arith.addi %add3A_2757, %xor3A_2765 : vector<64x128xi32>
      %shift_left3A_2767 = arith.constant 29 : i32
      %shift_left3A_2768 = vector.broadcast %shift_left3A_2767 : i32 to vector<64x128xi32>
      %shift_left3A_2769 = arith.shli %xor3A_2765, %shift_left3A_2768 : vector<64x128xi32>
      %shift_right_logical3A_2770 = arith.constant 3 : i32
      %shift_right_logical3A_2771 = vector.broadcast %shift_right_logical3A_2770 : i32 to vector<64x128xi32>
      %shift_right_logical3A_2772 = arith.shrui %xor3A_2765, %shift_right_logical3A_2771 : vector<64x128xi32>
      %or3A_2773 = arith.ori %shift_left3A_2769, %shift_right_logical3A_2772 : vector<64x128xi32>
      %xor3A_2774 = arith.xori %add3A_2766, %or3A_2773 : vector<64x128xi32>
      %add3A_2775 = arith.addi %add3A_2766, %xor3A_2774 : vector<64x128xi32>
      %shift_left3A_2776 = arith.constant 16 : i32
      %shift_left3A_2777 = vector.broadcast %shift_left3A_2776 : i32 to vector<64x128xi32>
      %shift_left3A_2778 = arith.shli %xor3A_2774, %shift_left3A_2777 : vector<64x128xi32>
      %shift_right_logical3A_2779 = arith.constant 16 : i32
      %shift_right_logical3A_2780 = vector.broadcast %shift_right_logical3A_2779 : i32 to vector<64x128xi32>
      %shift_right_logical3A_2781 = arith.shrui %xor3A_2774, %shift_right_logical3A_2780 : vector<64x128xi32>
      %or3A_2782 = arith.ori %shift_left3A_2778, %shift_right_logical3A_2781 : vector<64x128xi32>
      %xor3A_2783 = arith.xori %add3A_2775, %or3A_2782 : vector<64x128xi32>
      %add3A_2784 = arith.addi %add3A_2775, %xor3A_2783 : vector<64x128xi32>
      %shift_left3A_2785 = arith.constant 24 : i32
      %shift_left3A_2786 = vector.broadcast %shift_left3A_2785 : i32 to vector<64x128xi32>
      %shift_left3A_2787 = arith.shli %xor3A_2783, %shift_left3A_2786 : vector<64x128xi32>
      %shift_right_logical3A_2788 = arith.constant 8 : i32
      %shift_right_logical3A_2789 = vector.broadcast %shift_right_logical3A_2788 : i32 to vector<64x128xi32>
      %shift_right_logical3A_2790 = arith.shrui %xor3A_2783, %shift_right_logical3A_2789 : vector<64x128xi32>
      %or3A_2791 = arith.ori %shift_left3A_2787, %shift_right_logical3A_2790 : vector<64x128xi32>
      %xor3A_2792 = arith.xori %add3A_2784, %or3A_2791 : vector<64x128xi32>
      %add3A_2793 = arith.constant 42 : i32
      %add3A_2794 = vector.broadcast %add3A_2793 : i32 to vector<64x128xi32>
      %add3A_2795 = arith.addi %add3A_2784, %add3A_2794 : vector<64x128xi32>
      %add3A_2796 = arith.constant 466689008 : i32
      %add3A_2797 = vector.broadcast %add3A_2796 : i32 to vector<64x128xi32>
      %add3A_2798 = arith.addi %xor3A_2792, %add3A_2797 : vector<64x128xi32>
      %add3A_2799 = arith.constant 4 : i32
      %add3A_2800 = vector.broadcast %add3A_2799 : i32 to vector<64x128xi32>
      %add3A_2801 = arith.addi %add3A_2798, %add3A_2800 : vector<64x128xi32>
      %add3A_2802 = arith.addi %add3A_2795, %add3A_2801 : vector<64x128xi32>
      %shift_left3A_2803 = arith.constant 13 : i32
      %shift_left3A_2804 = vector.broadcast %shift_left3A_2803 : i32 to vector<64x128xi32>
      %shift_left3A_2805 = arith.shli %add3A_2801, %shift_left3A_2804 : vector<64x128xi32>
      %shift_right_logical3A_2806 = arith.constant 19 : i32
      %shift_right_logical3A_2807 = vector.broadcast %shift_right_logical3A_2806 : i32 to vector<64x128xi32>
      %shift_right_logical3A_2808 = arith.shrui %add3A_2801, %shift_right_logical3A_2807 : vector<64x128xi32>
      %or3A_2809 = arith.ori %shift_left3A_2805, %shift_right_logical3A_2808 : vector<64x128xi32>
      %xor3A_2810 = arith.xori %add3A_2802, %or3A_2809 : vector<64x128xi32>
      %add3A_2811 = arith.addi %add3A_2802, %xor3A_2810 : vector<64x128xi32>
      %shift_left3A_2812 = arith.constant 15 : i32
      %shift_left3A_2813 = vector.broadcast %shift_left3A_2812 : i32 to vector<64x128xi32>
      %shift_left3A_2814 = arith.shli %xor3A_2810, %shift_left3A_2813 : vector<64x128xi32>
      %shift_right_logical3A_2815 = arith.constant 17 : i32
      %shift_right_logical3A_2816 = vector.broadcast %shift_right_logical3A_2815 : i32 to vector<64x128xi32>
      %shift_right_logical3A_2817 = arith.shrui %xor3A_2810, %shift_right_logical3A_2816 : vector<64x128xi32>
      %or3A_2818 = arith.ori %shift_left3A_2814, %shift_right_logical3A_2817 : vector<64x128xi32>
      %xor3A_2819 = arith.xori %add3A_2811, %or3A_2818 : vector<64x128xi32>
      %add3A_2820 = arith.addi %add3A_2811, %xor3A_2819 : vector<64x128xi32>
      %shift_left3A_2821 = arith.constant 26 : i32
      %shift_left3A_2822 = vector.broadcast %shift_left3A_2821 : i32 to vector<64x128xi32>
      %shift_left3A_2823 = arith.shli %xor3A_2819, %shift_left3A_2822 : vector<64x128xi32>
      %shift_right_logical3A_2824 = arith.constant 6 : i32
      %shift_right_logical3A_2825 = vector.broadcast %shift_right_logical3A_2824 : i32 to vector<64x128xi32>
      %shift_right_logical3A_2826 = arith.shrui %xor3A_2819, %shift_right_logical3A_2825 : vector<64x128xi32>
      %or3A_2827 = arith.ori %shift_left3A_2823, %shift_right_logical3A_2826 : vector<64x128xi32>
      %xor3A_2828 = arith.xori %add3A_2820, %or3A_2827 : vector<64x128xi32>
      %add3A_2829 = arith.addi %add3A_2820, %xor3A_2828 : vector<64x128xi32>
      %shift_left3A_2830 = arith.constant 6 : i32
      %shift_left3A_2831 = vector.broadcast %shift_left3A_2830 : i32 to vector<64x128xi32>
      %shift_left3A_2832 = arith.shli %xor3A_2828, %shift_left3A_2831 : vector<64x128xi32>
      %shift_right_logical3A_2833 = arith.constant 26 : i32
      %shift_right_logical3A_2834 = vector.broadcast %shift_right_logical3A_2833 : i32 to vector<64x128xi32>
      %shift_right_logical3A_2835 = arith.shrui %xor3A_2828, %shift_right_logical3A_2834 : vector<64x128xi32>
      %or3A_2836 = arith.ori %shift_left3A_2832, %shift_right_logical3A_2835 : vector<64x128xi32>
      %xor3A_2837 = arith.xori %add3A_2829, %or3A_2836 : vector<64x128xi32>
      %add3A_2838 = arith.constant 466689008 : i32
      %add3A_2839 = vector.broadcast %add3A_2838 : i32 to vector<64x128xi32>
      %add3A_2840 = arith.addi %add3A_2829, %add3A_2839 : vector<64x128xi32>
      %add3A_2841 = arith.constant 0 : i32
      %add3A_2842 = vector.broadcast %add3A_2841 : i32 to vector<64x128xi32>
      %add3A_2843 = arith.addi %xor3A_2837, %add3A_2842 : vector<64x128xi32>
      %add3A_2844 = arith.constant 5 : i32
      %add3A_2845 = vector.broadcast %add3A_2844 : i32 to vector<64x128xi32>
      %add3A_2846 = arith.addi %add3A_2843, %add3A_2845 : vector<64x128xi32>
      %xor3A_2847 = arith.xori %add3A_2840, %add3A_2846 : vector<64x128xi32>
      %shift_right_logical3A_2848 = arith.constant 9 : i32
      %shift_right_logical3A_2849 = vector.broadcast %shift_right_logical3A_2848 : i32 to vector<64x128xi32>
      %shift_right_logical3A_2850 = arith.shrui %xor3A_2847, %shift_right_logical3A_2849 : vector<64x128xi32>
      %or3A_2851 = arith.constant 1065353216 : i32
      %or3A_2852 = vector.broadcast %or3A_2851 : i32 to vector<64x128xi32>
      %or3A_2853 = arith.ori %shift_right_logical3A_2850, %or3A_2852 : vector<64x128xi32>
      %bitcast_convert_type3A_2854 = tpu.bitcast %or3A_2853 : vector<64x128xi32> -> vector<64x128xf32>
      %sub3A_2855 = arith.constant 1.000000e+00 : f32
      %sub3A_2856 = vector.broadcast %sub3A_2855 : f32 to vector<64x128xf32>
      %sub3A_2857 = arith.subf %bitcast_convert_type3A_2854, %sub3A_2856 : vector<64x128xf32>
      %get3A_2858 = arith.constant 0 : index
      %get3A_2859 = arith.index_cast %add3A_2616 : i32 to index
      %get3A_2860 = arith.constant 0 : index
      %get3A_2861 = vector.load %arg2[%get3A_2858, %get3A_2859, %get3A_2860] : memref<1x256x128xf32, #tpu.memory_space<vmem>>, vector<1x1x128xf32>
      %get3A_2862 = vector.shape_cast %get3A_2861 : vector<1x1x128xf32> to vector<1x128xf32>
      %log3A_2863 = math.log %sub3A_2857 : vector<64x128xf32>
      %mul3A_2864 = vector.broadcast %get3A_2862 : vector<1x128xf32> to vector<64x128xf32>
      %mul3A_2865 = arith.mulf %log3A_2863, %mul3A_2864 : vector<64x128xf32>
      %lt3A_2866 = arith.cmpf olt, %mul3A_2865, %select_n3A_2610 : vector<64x128xf32>
      %select_n3A_2867 = arith.select %lt3A_2866, %mul3A_2865, %select_n3A_2610 : vector<64x128xi1>, vector<64x128xf32>
      %broadcast_in_dim3A_2868 = vector.broadcast %add3A_2616 : i32 to vector<64x128xi32>
      %select_n3A_2869 = arith.select %lt3A_2866, %broadcast_in_dim3A_2868, %select_n3A_2612 : vector<64x128xi1>, vector<64x128xi32>
      %mul3A_2870 = arith.constant 16 : i32
      %mul3A_2871 = arith.muli %scan3A_48, %mul3A_2870 : i32
      %add3A_2872 = arith.constant 11 : i32
      %add3A_2873 = arith.addi %mul3A_2871, %add3A_2872 : i32
      %mul3A_2874 = arith.constant 128 : i32
      %mul3A_2875 = arith.muli %add3A_2873, %mul3A_2874 : i32
      %add3A_2876 = vector.broadcast %mul3A_2875 : i32 to vector<64x128xi32>
      %add3A_2877 = arith.addi %add3A_18, %add3A_2876 : vector<64x128xi32>
      %add3A_2878 = vector.broadcast %add3A_2 : i32 to vector<64x128xi32>
      %add3A_2879 = arith.addi %add3A_2878, %add3A_2877 : vector<64x128xi32>
      %shift_left3A_2880 = arith.constant 13 : i32
      %shift_left3A_2881 = vector.broadcast %shift_left3A_2880 : i32 to vector<64x128xi32>
      %shift_left3A_2882 = arith.shli %add3A_2877, %shift_left3A_2881 : vector<64x128xi32>
      %shift_right_logical3A_2883 = arith.constant 19 : i32
      %shift_right_logical3A_2884 = vector.broadcast %shift_right_logical3A_2883 : i32 to vector<64x128xi32>
      %shift_right_logical3A_2885 = arith.shrui %add3A_2877, %shift_right_logical3A_2884 : vector<64x128xi32>
      %or3A_2886 = arith.ori %shift_left3A_2882, %shift_right_logical3A_2885 : vector<64x128xi32>
      %xor3A_2887 = arith.xori %add3A_2879, %or3A_2886 : vector<64x128xi32>
      %add3A_2888 = arith.addi %add3A_2879, %xor3A_2887 : vector<64x128xi32>
      %shift_left3A_2889 = arith.constant 15 : i32
      %shift_left3A_2890 = vector.broadcast %shift_left3A_2889 : i32 to vector<64x128xi32>
      %shift_left3A_2891 = arith.shli %xor3A_2887, %shift_left3A_2890 : vector<64x128xi32>
      %shift_right_logical3A_2892 = arith.constant 17 : i32
      %shift_right_logical3A_2893 = vector.broadcast %shift_right_logical3A_2892 : i32 to vector<64x128xi32>
      %shift_right_logical3A_2894 = arith.shrui %xor3A_2887, %shift_right_logical3A_2893 : vector<64x128xi32>
      %or3A_2895 = arith.ori %shift_left3A_2891, %shift_right_logical3A_2894 : vector<64x128xi32>
      %xor3A_2896 = arith.xori %add3A_2888, %or3A_2895 : vector<64x128xi32>
      %add3A_2897 = arith.addi %add3A_2888, %xor3A_2896 : vector<64x128xi32>
      %shift_left3A_2898 = arith.constant 26 : i32
      %shift_left3A_2899 = vector.broadcast %shift_left3A_2898 : i32 to vector<64x128xi32>
      %shift_left3A_2900 = arith.shli %xor3A_2896, %shift_left3A_2899 : vector<64x128xi32>
      %shift_right_logical3A_2901 = arith.constant 6 : i32
      %shift_right_logical3A_2902 = vector.broadcast %shift_right_logical3A_2901 : i32 to vector<64x128xi32>
      %shift_right_logical3A_2903 = arith.shrui %xor3A_2896, %shift_right_logical3A_2902 : vector<64x128xi32>
      %or3A_2904 = arith.ori %shift_left3A_2900, %shift_right_logical3A_2903 : vector<64x128xi32>
      %xor3A_2905 = arith.xori %add3A_2897, %or3A_2904 : vector<64x128xi32>
      %add3A_2906 = arith.addi %add3A_2897, %xor3A_2905 : vector<64x128xi32>
      %shift_left3A_2907 = arith.constant 6 : i32
      %shift_left3A_2908 = vector.broadcast %shift_left3A_2907 : i32 to vector<64x128xi32>
      %shift_left3A_2909 = arith.shli %xor3A_2905, %shift_left3A_2908 : vector<64x128xi32>
      %shift_right_logical3A_2910 = arith.constant 26 : i32
      %shift_right_logical3A_2911 = vector.broadcast %shift_right_logical3A_2910 : i32 to vector<64x128xi32>
      %shift_right_logical3A_2912 = arith.shrui %xor3A_2905, %shift_right_logical3A_2911 : vector<64x128xi32>
      %or3A_2913 = arith.ori %shift_left3A_2909, %shift_right_logical3A_2912 : vector<64x128xi32>
      %xor3A_2914 = arith.xori %add3A_2906, %or3A_2913 : vector<64x128xi32>
      %add3A_2915 = arith.constant 42 : i32
      %add3A_2916 = vector.broadcast %add3A_2915 : i32 to vector<64x128xi32>
      %add3A_2917 = arith.addi %add3A_2906, %add3A_2916 : vector<64x128xi32>
      %add3A_2918 = arith.constant 466689008 : i32
      %add3A_2919 = vector.broadcast %add3A_2918 : i32 to vector<64x128xi32>
      %add3A_2920 = arith.addi %xor3A_2914, %add3A_2919 : vector<64x128xi32>
      %add3A_2921 = arith.constant 1 : i32
      %add3A_2922 = vector.broadcast %add3A_2921 : i32 to vector<64x128xi32>
      %add3A_2923 = arith.addi %add3A_2920, %add3A_2922 : vector<64x128xi32>
      %add3A_2924 = arith.addi %add3A_2917, %add3A_2923 : vector<64x128xi32>
      %shift_left3A_2925 = arith.constant 17 : i32
      %shift_left3A_2926 = vector.broadcast %shift_left3A_2925 : i32 to vector<64x128xi32>
      %shift_left3A_2927 = arith.shli %add3A_2923, %shift_left3A_2926 : vector<64x128xi32>
      %shift_right_logical3A_2928 = arith.constant 15 : i32
      %shift_right_logical3A_2929 = vector.broadcast %shift_right_logical3A_2928 : i32 to vector<64x128xi32>
      %shift_right_logical3A_2930 = arith.shrui %add3A_2923, %shift_right_logical3A_2929 : vector<64x128xi32>
      %or3A_2931 = arith.ori %shift_left3A_2927, %shift_right_logical3A_2930 : vector<64x128xi32>
      %xor3A_2932 = arith.xori %add3A_2924, %or3A_2931 : vector<64x128xi32>
      %add3A_2933 = arith.addi %add3A_2924, %xor3A_2932 : vector<64x128xi32>
      %shift_left3A_2934 = arith.constant 29 : i32
      %shift_left3A_2935 = vector.broadcast %shift_left3A_2934 : i32 to vector<64x128xi32>
      %shift_left3A_2936 = arith.shli %xor3A_2932, %shift_left3A_2935 : vector<64x128xi32>
      %shift_right_logical3A_2937 = arith.constant 3 : i32
      %shift_right_logical3A_2938 = vector.broadcast %shift_right_logical3A_2937 : i32 to vector<64x128xi32>
      %shift_right_logical3A_2939 = arith.shrui %xor3A_2932, %shift_right_logical3A_2938 : vector<64x128xi32>
      %or3A_2940 = arith.ori %shift_left3A_2936, %shift_right_logical3A_2939 : vector<64x128xi32>
      %xor3A_2941 = arith.xori %add3A_2933, %or3A_2940 : vector<64x128xi32>
      %add3A_2942 = arith.addi %add3A_2933, %xor3A_2941 : vector<64x128xi32>
      %shift_left3A_2943 = arith.constant 16 : i32
      %shift_left3A_2944 = vector.broadcast %shift_left3A_2943 : i32 to vector<64x128xi32>
      %shift_left3A_2945 = arith.shli %xor3A_2941, %shift_left3A_2944 : vector<64x128xi32>
      %shift_right_logical3A_2946 = arith.constant 16 : i32
      %shift_right_logical3A_2947 = vector.broadcast %shift_right_logical3A_2946 : i32 to vector<64x128xi32>
      %shift_right_logical3A_2948 = arith.shrui %xor3A_2941, %shift_right_logical3A_2947 : vector<64x128xi32>
      %or3A_2949 = arith.ori %shift_left3A_2945, %shift_right_logical3A_2948 : vector<64x128xi32>
      %xor3A_2950 = arith.xori %add3A_2942, %or3A_2949 : vector<64x128xi32>
      %add3A_2951 = arith.addi %add3A_2942, %xor3A_2950 : vector<64x128xi32>
      %shift_left3A_2952 = arith.constant 24 : i32
      %shift_left3A_2953 = vector.broadcast %shift_left3A_2952 : i32 to vector<64x128xi32>
      %shift_left3A_2954 = arith.shli %xor3A_2950, %shift_left3A_2953 : vector<64x128xi32>
      %shift_right_logical3A_2955 = arith.constant 8 : i32
      %shift_right_logical3A_2956 = vector.broadcast %shift_right_logical3A_2955 : i32 to vector<64x128xi32>
      %shift_right_logical3A_2957 = arith.shrui %xor3A_2950, %shift_right_logical3A_2956 : vector<64x128xi32>
      %or3A_2958 = arith.ori %shift_left3A_2954, %shift_right_logical3A_2957 : vector<64x128xi32>
      %xor3A_2959 = arith.xori %add3A_2951, %or3A_2958 : vector<64x128xi32>
      %add3A_2960 = arith.constant 466689008 : i32
      %add3A_2961 = vector.broadcast %add3A_2960 : i32 to vector<64x128xi32>
      %add3A_2962 = arith.addi %add3A_2951, %add3A_2961 : vector<64x128xi32>
      %add3A_2963 = arith.constant 0 : i32
      %add3A_2964 = vector.broadcast %add3A_2963 : i32 to vector<64x128xi32>
      %add3A_2965 = arith.addi %xor3A_2959, %add3A_2964 : vector<64x128xi32>
      %add3A_2966 = arith.constant 2 : i32
      %add3A_2967 = vector.broadcast %add3A_2966 : i32 to vector<64x128xi32>
      %add3A_2968 = arith.addi %add3A_2965, %add3A_2967 : vector<64x128xi32>
      %add3A_2969 = arith.addi %add3A_2962, %add3A_2968 : vector<64x128xi32>
      %shift_left3A_2970 = arith.constant 13 : i32
      %shift_left3A_2971 = vector.broadcast %shift_left3A_2970 : i32 to vector<64x128xi32>
      %shift_left3A_2972 = arith.shli %add3A_2968, %shift_left3A_2971 : vector<64x128xi32>
      %shift_right_logical3A_2973 = arith.constant 19 : i32
      %shift_right_logical3A_2974 = vector.broadcast %shift_right_logical3A_2973 : i32 to vector<64x128xi32>
      %shift_right_logical3A_2975 = arith.shrui %add3A_2968, %shift_right_logical3A_2974 : vector<64x128xi32>
      %or3A_2976 = arith.ori %shift_left3A_2972, %shift_right_logical3A_2975 : vector<64x128xi32>
      %xor3A_2977 = arith.xori %add3A_2969, %or3A_2976 : vector<64x128xi32>
      %add3A_2978 = arith.addi %add3A_2969, %xor3A_2977 : vector<64x128xi32>
      %shift_left3A_2979 = arith.constant 15 : i32
      %shift_left3A_2980 = vector.broadcast %shift_left3A_2979 : i32 to vector<64x128xi32>
      %shift_left3A_2981 = arith.shli %xor3A_2977, %shift_left3A_2980 : vector<64x128xi32>
      %shift_right_logical3A_2982 = arith.constant 17 : i32
      %shift_right_logical3A_2983 = vector.broadcast %shift_right_logical3A_2982 : i32 to vector<64x128xi32>
      %shift_right_logical3A_2984 = arith.shrui %xor3A_2977, %shift_right_logical3A_2983 : vector<64x128xi32>
      %or3A_2985 = arith.ori %shift_left3A_2981, %shift_right_logical3A_2984 : vector<64x128xi32>
      %xor3A_2986 = arith.xori %add3A_2978, %or3A_2985 : vector<64x128xi32>
      %add3A_2987 = arith.addi %add3A_2978, %xor3A_2986 : vector<64x128xi32>
      %shift_left3A_2988 = arith.constant 26 : i32
      %shift_left3A_2989 = vector.broadcast %shift_left3A_2988 : i32 to vector<64x128xi32>
      %shift_left3A_2990 = arith.shli %xor3A_2986, %shift_left3A_2989 : vector<64x128xi32>
      %shift_right_logical3A_2991 = arith.constant 6 : i32
      %shift_right_logical3A_2992 = vector.broadcast %shift_right_logical3A_2991 : i32 to vector<64x128xi32>
      %shift_right_logical3A_2993 = arith.shrui %xor3A_2986, %shift_right_logical3A_2992 : vector<64x128xi32>
      %or3A_2994 = arith.ori %shift_left3A_2990, %shift_right_logical3A_2993 : vector<64x128xi32>
      %xor3A_2995 = arith.xori %add3A_2987, %or3A_2994 : vector<64x128xi32>
      %add3A_2996 = arith.addi %add3A_2987, %xor3A_2995 : vector<64x128xi32>
      %shift_left3A_2997 = arith.constant 6 : i32
      %shift_left3A_2998 = vector.broadcast %shift_left3A_2997 : i32 to vector<64x128xi32>
      %shift_left3A_2999 = arith.shli %xor3A_2995, %shift_left3A_2998 : vector<64x128xi32>
      %shift_right_logical3A_3000 = arith.constant 26 : i32
      %shift_right_logical3A_3001 = vector.broadcast %shift_right_logical3A_3000 : i32 to vector<64x128xi32>
      %shift_right_logical3A_3002 = arith.shrui %xor3A_2995, %shift_right_logical3A_3001 : vector<64x128xi32>
      %or3A_3003 = arith.ori %shift_left3A_2999, %shift_right_logical3A_3002 : vector<64x128xi32>
      %xor3A_3004 = arith.xori %add3A_2996, %or3A_3003 : vector<64x128xi32>
      %add3A_3005 = arith.constant 0 : i32
      %add3A_3006 = vector.broadcast %add3A_3005 : i32 to vector<64x128xi32>
      %add3A_3007 = arith.addi %add3A_2996, %add3A_3006 : vector<64x128xi32>
      %add3A_3008 = arith.constant 42 : i32
      %add3A_3009 = vector.broadcast %add3A_3008 : i32 to vector<64x128xi32>
      %add3A_3010 = arith.addi %xor3A_3004, %add3A_3009 : vector<64x128xi32>
      %add3A_3011 = arith.constant 3 : i32
      %add3A_3012 = vector.broadcast %add3A_3011 : i32 to vector<64x128xi32>
      %add3A_3013 = arith.addi %add3A_3010, %add3A_3012 : vector<64x128xi32>
      %add3A_3014 = arith.addi %add3A_3007, %add3A_3013 : vector<64x128xi32>
      %shift_left3A_3015 = arith.constant 17 : i32
      %shift_left3A_3016 = vector.broadcast %shift_left3A_3015 : i32 to vector<64x128xi32>
      %shift_left3A_3017 = arith.shli %add3A_3013, %shift_left3A_3016 : vector<64x128xi32>
      %shift_right_logical3A_3018 = arith.constant 15 : i32
      %shift_right_logical3A_3019 = vector.broadcast %shift_right_logical3A_3018 : i32 to vector<64x128xi32>
      %shift_right_logical3A_3020 = arith.shrui %add3A_3013, %shift_right_logical3A_3019 : vector<64x128xi32>
      %or3A_3021 = arith.ori %shift_left3A_3017, %shift_right_logical3A_3020 : vector<64x128xi32>
      %xor3A_3022 = arith.xori %add3A_3014, %or3A_3021 : vector<64x128xi32>
      %add3A_3023 = arith.addi %add3A_3014, %xor3A_3022 : vector<64x128xi32>
      %shift_left3A_3024 = arith.constant 29 : i32
      %shift_left3A_3025 = vector.broadcast %shift_left3A_3024 : i32 to vector<64x128xi32>
      %shift_left3A_3026 = arith.shli %xor3A_3022, %shift_left3A_3025 : vector<64x128xi32>
      %shift_right_logical3A_3027 = arith.constant 3 : i32
      %shift_right_logical3A_3028 = vector.broadcast %shift_right_logical3A_3027 : i32 to vector<64x128xi32>
      %shift_right_logical3A_3029 = arith.shrui %xor3A_3022, %shift_right_logical3A_3028 : vector<64x128xi32>
      %or3A_3030 = arith.ori %shift_left3A_3026, %shift_right_logical3A_3029 : vector<64x128xi32>
      %xor3A_3031 = arith.xori %add3A_3023, %or3A_3030 : vector<64x128xi32>
      %add3A_3032 = arith.addi %add3A_3023, %xor3A_3031 : vector<64x128xi32>
      %shift_left3A_3033 = arith.constant 16 : i32
      %shift_left3A_3034 = vector.broadcast %shift_left3A_3033 : i32 to vector<64x128xi32>
      %shift_left3A_3035 = arith.shli %xor3A_3031, %shift_left3A_3034 : vector<64x128xi32>
      %shift_right_logical3A_3036 = arith.constant 16 : i32
      %shift_right_logical3A_3037 = vector.broadcast %shift_right_logical3A_3036 : i32 to vector<64x128xi32>
      %shift_right_logical3A_3038 = arith.shrui %xor3A_3031, %shift_right_logical3A_3037 : vector<64x128xi32>
      %or3A_3039 = arith.ori %shift_left3A_3035, %shift_right_logical3A_3038 : vector<64x128xi32>
      %xor3A_3040 = arith.xori %add3A_3032, %or3A_3039 : vector<64x128xi32>
      %add3A_3041 = arith.addi %add3A_3032, %xor3A_3040 : vector<64x128xi32>
      %shift_left3A_3042 = arith.constant 24 : i32
      %shift_left3A_3043 = vector.broadcast %shift_left3A_3042 : i32 to vector<64x128xi32>
      %shift_left3A_3044 = arith.shli %xor3A_3040, %shift_left3A_3043 : vector<64x128xi32>
      %shift_right_logical3A_3045 = arith.constant 8 : i32
      %shift_right_logical3A_3046 = vector.broadcast %shift_right_logical3A_3045 : i32 to vector<64x128xi32>
      %shift_right_logical3A_3047 = arith.shrui %xor3A_3040, %shift_right_logical3A_3046 : vector<64x128xi32>
      %or3A_3048 = arith.ori %shift_left3A_3044, %shift_right_logical3A_3047 : vector<64x128xi32>
      %xor3A_3049 = arith.xori %add3A_3041, %or3A_3048 : vector<64x128xi32>
      %add3A_3050 = arith.constant 42 : i32
      %add3A_3051 = vector.broadcast %add3A_3050 : i32 to vector<64x128xi32>
      %add3A_3052 = arith.addi %add3A_3041, %add3A_3051 : vector<64x128xi32>
      %add3A_3053 = arith.constant 466689008 : i32
      %add3A_3054 = vector.broadcast %add3A_3053 : i32 to vector<64x128xi32>
      %add3A_3055 = arith.addi %xor3A_3049, %add3A_3054 : vector<64x128xi32>
      %add3A_3056 = arith.constant 4 : i32
      %add3A_3057 = vector.broadcast %add3A_3056 : i32 to vector<64x128xi32>
      %add3A_3058 = arith.addi %add3A_3055, %add3A_3057 : vector<64x128xi32>
      %add3A_3059 = arith.addi %add3A_3052, %add3A_3058 : vector<64x128xi32>
      %shift_left3A_3060 = arith.constant 13 : i32
      %shift_left3A_3061 = vector.broadcast %shift_left3A_3060 : i32 to vector<64x128xi32>
      %shift_left3A_3062 = arith.shli %add3A_3058, %shift_left3A_3061 : vector<64x128xi32>
      %shift_right_logical3A_3063 = arith.constant 19 : i32
      %shift_right_logical3A_3064 = vector.broadcast %shift_right_logical3A_3063 : i32 to vector<64x128xi32>
      %shift_right_logical3A_3065 = arith.shrui %add3A_3058, %shift_right_logical3A_3064 : vector<64x128xi32>
      %or3A_3066 = arith.ori %shift_left3A_3062, %shift_right_logical3A_3065 : vector<64x128xi32>
      %xor3A_3067 = arith.xori %add3A_3059, %or3A_3066 : vector<64x128xi32>
      %add3A_3068 = arith.addi %add3A_3059, %xor3A_3067 : vector<64x128xi32>
      %shift_left3A_3069 = arith.constant 15 : i32
      %shift_left3A_3070 = vector.broadcast %shift_left3A_3069 : i32 to vector<64x128xi32>
      %shift_left3A_3071 = arith.shli %xor3A_3067, %shift_left3A_3070 : vector<64x128xi32>
      %shift_right_logical3A_3072 = arith.constant 17 : i32
      %shift_right_logical3A_3073 = vector.broadcast %shift_right_logical3A_3072 : i32 to vector<64x128xi32>
      %shift_right_logical3A_3074 = arith.shrui %xor3A_3067, %shift_right_logical3A_3073 : vector<64x128xi32>
      %or3A_3075 = arith.ori %shift_left3A_3071, %shift_right_logical3A_3074 : vector<64x128xi32>
      %xor3A_3076 = arith.xori %add3A_3068, %or3A_3075 : vector<64x128xi32>
      %add3A_3077 = arith.addi %add3A_3068, %xor3A_3076 : vector<64x128xi32>
      %shift_left3A_3078 = arith.constant 26 : i32
      %shift_left3A_3079 = vector.broadcast %shift_left3A_3078 : i32 to vector<64x128xi32>
      %shift_left3A_3080 = arith.shli %xor3A_3076, %shift_left3A_3079 : vector<64x128xi32>
      %shift_right_logical3A_3081 = arith.constant 6 : i32
      %shift_right_logical3A_3082 = vector.broadcast %shift_right_logical3A_3081 : i32 to vector<64x128xi32>
      %shift_right_logical3A_3083 = arith.shrui %xor3A_3076, %shift_right_logical3A_3082 : vector<64x128xi32>
      %or3A_3084 = arith.ori %shift_left3A_3080, %shift_right_logical3A_3083 : vector<64x128xi32>
      %xor3A_3085 = arith.xori %add3A_3077, %or3A_3084 : vector<64x128xi32>
      %add3A_3086 = arith.addi %add3A_3077, %xor3A_3085 : vector<64x128xi32>
      %shift_left3A_3087 = arith.constant 6 : i32
      %shift_left3A_3088 = vector.broadcast %shift_left3A_3087 : i32 to vector<64x128xi32>
      %shift_left3A_3089 = arith.shli %xor3A_3085, %shift_left3A_3088 : vector<64x128xi32>
      %shift_right_logical3A_3090 = arith.constant 26 : i32
      %shift_right_logical3A_3091 = vector.broadcast %shift_right_logical3A_3090 : i32 to vector<64x128xi32>
      %shift_right_logical3A_3092 = arith.shrui %xor3A_3085, %shift_right_logical3A_3091 : vector<64x128xi32>
      %or3A_3093 = arith.ori %shift_left3A_3089, %shift_right_logical3A_3092 : vector<64x128xi32>
      %xor3A_3094 = arith.xori %add3A_3086, %or3A_3093 : vector<64x128xi32>
      %add3A_3095 = arith.constant 466689008 : i32
      %add3A_3096 = vector.broadcast %add3A_3095 : i32 to vector<64x128xi32>
      %add3A_3097 = arith.addi %add3A_3086, %add3A_3096 : vector<64x128xi32>
      %add3A_3098 = arith.constant 0 : i32
      %add3A_3099 = vector.broadcast %add3A_3098 : i32 to vector<64x128xi32>
      %add3A_3100 = arith.addi %xor3A_3094, %add3A_3099 : vector<64x128xi32>
      %add3A_3101 = arith.constant 5 : i32
      %add3A_3102 = vector.broadcast %add3A_3101 : i32 to vector<64x128xi32>
      %add3A_3103 = arith.addi %add3A_3100, %add3A_3102 : vector<64x128xi32>
      %xor3A_3104 = arith.xori %add3A_3097, %add3A_3103 : vector<64x128xi32>
      %shift_right_logical3A_3105 = arith.constant 9 : i32
      %shift_right_logical3A_3106 = vector.broadcast %shift_right_logical3A_3105 : i32 to vector<64x128xi32>
      %shift_right_logical3A_3107 = arith.shrui %xor3A_3104, %shift_right_logical3A_3106 : vector<64x128xi32>
      %or3A_3108 = arith.constant 1065353216 : i32
      %or3A_3109 = vector.broadcast %or3A_3108 : i32 to vector<64x128xi32>
      %or3A_3110 = arith.ori %shift_right_logical3A_3107, %or3A_3109 : vector<64x128xi32>
      %bitcast_convert_type3A_3111 = tpu.bitcast %or3A_3110 : vector<64x128xi32> -> vector<64x128xf32>
      %sub3A_3112 = arith.constant 1.000000e+00 : f32
      %sub3A_3113 = vector.broadcast %sub3A_3112 : f32 to vector<64x128xf32>
      %sub3A_3114 = arith.subf %bitcast_convert_type3A_3111, %sub3A_3113 : vector<64x128xf32>
      %get3A_3115 = arith.constant 0 : index
      %get3A_3116 = arith.index_cast %add3A_2873 : i32 to index
      %get3A_3117 = arith.constant 0 : index
      %get3A_3118 = vector.load %arg2[%get3A_3115, %get3A_3116, %get3A_3117] : memref<1x256x128xf32, #tpu.memory_space<vmem>>, vector<1x1x128xf32>
      %get3A_3119 = vector.shape_cast %get3A_3118 : vector<1x1x128xf32> to vector<1x128xf32>
      %log3A_3120 = math.log %sub3A_3114 : vector<64x128xf32>
      %mul3A_3121 = vector.broadcast %get3A_3119 : vector<1x128xf32> to vector<64x128xf32>
      %mul3A_3122 = arith.mulf %log3A_3120, %mul3A_3121 : vector<64x128xf32>
      %lt3A_3123 = arith.cmpf olt, %mul3A_3122, %select_n3A_2867 : vector<64x128xf32>
      %select_n3A_3124 = arith.select %lt3A_3123, %mul3A_3122, %select_n3A_2867 : vector<64x128xi1>, vector<64x128xf32>
      %broadcast_in_dim3A_3125 = vector.broadcast %add3A_2873 : i32 to vector<64x128xi32>
      %select_n3A_3126 = arith.select %lt3A_3123, %broadcast_in_dim3A_3125, %select_n3A_2869 : vector<64x128xi1>, vector<64x128xi32>
      %mul3A_3127 = arith.constant 16 : i32
      %mul3A_3128 = arith.muli %scan3A_48, %mul3A_3127 : i32
      %add3A_3129 = arith.constant 12 : i32
      %add3A_3130 = arith.addi %mul3A_3128, %add3A_3129 : i32
      %mul3A_3131 = arith.constant 128 : i32
      %mul3A_3132 = arith.muli %add3A_3130, %mul3A_3131 : i32
      %add3A_3133 = vector.broadcast %mul3A_3132 : i32 to vector<64x128xi32>
      %add3A_3134 = arith.addi %add3A_18, %add3A_3133 : vector<64x128xi32>
      %add3A_3135 = vector.broadcast %add3A_2 : i32 to vector<64x128xi32>
      %add3A_3136 = arith.addi %add3A_3135, %add3A_3134 : vector<64x128xi32>
      %shift_left3A_3137 = arith.constant 13 : i32
      %shift_left3A_3138 = vector.broadcast %shift_left3A_3137 : i32 to vector<64x128xi32>
      %shift_left3A_3139 = arith.shli %add3A_3134, %shift_left3A_3138 : vector<64x128xi32>
      %shift_right_logical3A_3140 = arith.constant 19 : i32
      %shift_right_logical3A_3141 = vector.broadcast %shift_right_logical3A_3140 : i32 to vector<64x128xi32>
      %shift_right_logical3A_3142 = arith.shrui %add3A_3134, %shift_right_logical3A_3141 : vector<64x128xi32>
      %or3A_3143 = arith.ori %shift_left3A_3139, %shift_right_logical3A_3142 : vector<64x128xi32>
      %xor3A_3144 = arith.xori %add3A_3136, %or3A_3143 : vector<64x128xi32>
      %add3A_3145 = arith.addi %add3A_3136, %xor3A_3144 : vector<64x128xi32>
      %shift_left3A_3146 = arith.constant 15 : i32
      %shift_left3A_3147 = vector.broadcast %shift_left3A_3146 : i32 to vector<64x128xi32>
      %shift_left3A_3148 = arith.shli %xor3A_3144, %shift_left3A_3147 : vector<64x128xi32>
      %shift_right_logical3A_3149 = arith.constant 17 : i32
      %shift_right_logical3A_3150 = vector.broadcast %shift_right_logical3A_3149 : i32 to vector<64x128xi32>
      %shift_right_logical3A_3151 = arith.shrui %xor3A_3144, %shift_right_logical3A_3150 : vector<64x128xi32>
      %or3A_3152 = arith.ori %shift_left3A_3148, %shift_right_logical3A_3151 : vector<64x128xi32>
      %xor3A_3153 = arith.xori %add3A_3145, %or3A_3152 : vector<64x128xi32>
      %add3A_3154 = arith.addi %add3A_3145, %xor3A_3153 : vector<64x128xi32>
      %shift_left3A_3155 = arith.constant 26 : i32
      %shift_left3A_3156 = vector.broadcast %shift_left3A_3155 : i32 to vector<64x128xi32>
      %shift_left3A_3157 = arith.shli %xor3A_3153, %shift_left3A_3156 : vector<64x128xi32>
      %shift_right_logical3A_3158 = arith.constant 6 : i32
      %shift_right_logical3A_3159 = vector.broadcast %shift_right_logical3A_3158 : i32 to vector<64x128xi32>
      %shift_right_logical3A_3160 = arith.shrui %xor3A_3153, %shift_right_logical3A_3159 : vector<64x128xi32>
      %or3A_3161 = arith.ori %shift_left3A_3157, %shift_right_logical3A_3160 : vector<64x128xi32>
      %xor3A_3162 = arith.xori %add3A_3154, %or3A_3161 : vector<64x128xi32>
      %add3A_3163 = arith.addi %add3A_3154, %xor3A_3162 : vector<64x128xi32>
      %shift_left3A_3164 = arith.constant 6 : i32
      %shift_left3A_3165 = vector.broadcast %shift_left3A_3164 : i32 to vector<64x128xi32>
      %shift_left3A_3166 = arith.shli %xor3A_3162, %shift_left3A_3165 : vector<64x128xi32>
      %shift_right_logical3A_3167 = arith.constant 26 : i32
      %shift_right_logical3A_3168 = vector.broadcast %shift_right_logical3A_3167 : i32 to vector<64x128xi32>
      %shift_right_logical3A_3169 = arith.shrui %xor3A_3162, %shift_right_logical3A_3168 : vector<64x128xi32>
      %or3A_3170 = arith.ori %shift_left3A_3166, %shift_right_logical3A_3169 : vector<64x128xi32>
      %xor3A_3171 = arith.xori %add3A_3163, %or3A_3170 : vector<64x128xi32>
      %add3A_3172 = arith.constant 42 : i32
      %add3A_3173 = vector.broadcast %add3A_3172 : i32 to vector<64x128xi32>
      %add3A_3174 = arith.addi %add3A_3163, %add3A_3173 : vector<64x128xi32>
      %add3A_3175 = arith.constant 466689008 : i32
      %add3A_3176 = vector.broadcast %add3A_3175 : i32 to vector<64x128xi32>
      %add3A_3177 = arith.addi %xor3A_3171, %add3A_3176 : vector<64x128xi32>
      %add3A_3178 = arith.constant 1 : i32
      %add3A_3179 = vector.broadcast %add3A_3178 : i32 to vector<64x128xi32>
      %add3A_3180 = arith.addi %add3A_3177, %add3A_3179 : vector<64x128xi32>
      %add3A_3181 = arith.addi %add3A_3174, %add3A_3180 : vector<64x128xi32>
      %shift_left3A_3182 = arith.constant 17 : i32
      %shift_left3A_3183 = vector.broadcast %shift_left3A_3182 : i32 to vector<64x128xi32>
      %shift_left3A_3184 = arith.shli %add3A_3180, %shift_left3A_3183 : vector<64x128xi32>
      %shift_right_logical3A_3185 = arith.constant 15 : i32
      %shift_right_logical3A_3186 = vector.broadcast %shift_right_logical3A_3185 : i32 to vector<64x128xi32>
      %shift_right_logical3A_3187 = arith.shrui %add3A_3180, %shift_right_logical3A_3186 : vector<64x128xi32>
      %or3A_3188 = arith.ori %shift_left3A_3184, %shift_right_logical3A_3187 : vector<64x128xi32>
      %xor3A_3189 = arith.xori %add3A_3181, %or3A_3188 : vector<64x128xi32>
      %add3A_3190 = arith.addi %add3A_3181, %xor3A_3189 : vector<64x128xi32>
      %shift_left3A_3191 = arith.constant 29 : i32
      %shift_left3A_3192 = vector.broadcast %shift_left3A_3191 : i32 to vector<64x128xi32>
      %shift_left3A_3193 = arith.shli %xor3A_3189, %shift_left3A_3192 : vector<64x128xi32>
      %shift_right_logical3A_3194 = arith.constant 3 : i32
      %shift_right_logical3A_3195 = vector.broadcast %shift_right_logical3A_3194 : i32 to vector<64x128xi32>
      %shift_right_logical3A_3196 = arith.shrui %xor3A_3189, %shift_right_logical3A_3195 : vector<64x128xi32>
      %or3A_3197 = arith.ori %shift_left3A_3193, %shift_right_logical3A_3196 : vector<64x128xi32>
      %xor3A_3198 = arith.xori %add3A_3190, %or3A_3197 : vector<64x128xi32>
      %add3A_3199 = arith.addi %add3A_3190, %xor3A_3198 : vector<64x128xi32>
      %shift_left3A_3200 = arith.constant 16 : i32
      %shift_left3A_3201 = vector.broadcast %shift_left3A_3200 : i32 to vector<64x128xi32>
      %shift_left3A_3202 = arith.shli %xor3A_3198, %shift_left3A_3201 : vector<64x128xi32>
      %shift_right_logical3A_3203 = arith.constant 16 : i32
      %shift_right_logical3A_3204 = vector.broadcast %shift_right_logical3A_3203 : i32 to vector<64x128xi32>
      %shift_right_logical3A_3205 = arith.shrui %xor3A_3198, %shift_right_logical3A_3204 : vector<64x128xi32>
      %or3A_3206 = arith.ori %shift_left3A_3202, %shift_right_logical3A_3205 : vector<64x128xi32>
      %xor3A_3207 = arith.xori %add3A_3199, %or3A_3206 : vector<64x128xi32>
      %add3A_3208 = arith.addi %add3A_3199, %xor3A_3207 : vector<64x128xi32>
      %shift_left3A_3209 = arith.constant 24 : i32
      %shift_left3A_3210 = vector.broadcast %shift_left3A_3209 : i32 to vector<64x128xi32>
      %shift_left3A_3211 = arith.shli %xor3A_3207, %shift_left3A_3210 : vector<64x128xi32>
      %shift_right_logical3A_3212 = arith.constant 8 : i32
      %shift_right_logical3A_3213 = vector.broadcast %shift_right_logical3A_3212 : i32 to vector<64x128xi32>
      %shift_right_logical3A_3214 = arith.shrui %xor3A_3207, %shift_right_logical3A_3213 : vector<64x128xi32>
      %or3A_3215 = arith.ori %shift_left3A_3211, %shift_right_logical3A_3214 : vector<64x128xi32>
      %xor3A_3216 = arith.xori %add3A_3208, %or3A_3215 : vector<64x128xi32>
      %add3A_3217 = arith.constant 466689008 : i32
      %add3A_3218 = vector.broadcast %add3A_3217 : i32 to vector<64x128xi32>
      %add3A_3219 = arith.addi %add3A_3208, %add3A_3218 : vector<64x128xi32>
      %add3A_3220 = arith.constant 0 : i32
      %add3A_3221 = vector.broadcast %add3A_3220 : i32 to vector<64x128xi32>
      %add3A_3222 = arith.addi %xor3A_3216, %add3A_3221 : vector<64x128xi32>
      %add3A_3223 = arith.constant 2 : i32
      %add3A_3224 = vector.broadcast %add3A_3223 : i32 to vector<64x128xi32>
      %add3A_3225 = arith.addi %add3A_3222, %add3A_3224 : vector<64x128xi32>
      %add3A_3226 = arith.addi %add3A_3219, %add3A_3225 : vector<64x128xi32>
      %shift_left3A_3227 = arith.constant 13 : i32
      %shift_left3A_3228 = vector.broadcast %shift_left3A_3227 : i32 to vector<64x128xi32>
      %shift_left3A_3229 = arith.shli %add3A_3225, %shift_left3A_3228 : vector<64x128xi32>
      %shift_right_logical3A_3230 = arith.constant 19 : i32
      %shift_right_logical3A_3231 = vector.broadcast %shift_right_logical3A_3230 : i32 to vector<64x128xi32>
      %shift_right_logical3A_3232 = arith.shrui %add3A_3225, %shift_right_logical3A_3231 : vector<64x128xi32>
      %or3A_3233 = arith.ori %shift_left3A_3229, %shift_right_logical3A_3232 : vector<64x128xi32>
      %xor3A_3234 = arith.xori %add3A_3226, %or3A_3233 : vector<64x128xi32>
      %add3A_3235 = arith.addi %add3A_3226, %xor3A_3234 : vector<64x128xi32>
      %shift_left3A_3236 = arith.constant 15 : i32
      %shift_left3A_3237 = vector.broadcast %shift_left3A_3236 : i32 to vector<64x128xi32>
      %shift_left3A_3238 = arith.shli %xor3A_3234, %shift_left3A_3237 : vector<64x128xi32>
      %shift_right_logical3A_3239 = arith.constant 17 : i32
      %shift_right_logical3A_3240 = vector.broadcast %shift_right_logical3A_3239 : i32 to vector<64x128xi32>
      %shift_right_logical3A_3241 = arith.shrui %xor3A_3234, %shift_right_logical3A_3240 : vector<64x128xi32>
      %or3A_3242 = arith.ori %shift_left3A_3238, %shift_right_logical3A_3241 : vector<64x128xi32>
      %xor3A_3243 = arith.xori %add3A_3235, %or3A_3242 : vector<64x128xi32>
      %add3A_3244 = arith.addi %add3A_3235, %xor3A_3243 : vector<64x128xi32>
      %shift_left3A_3245 = arith.constant 26 : i32
      %shift_left3A_3246 = vector.broadcast %shift_left3A_3245 : i32 to vector<64x128xi32>
      %shift_left3A_3247 = arith.shli %xor3A_3243, %shift_left3A_3246 : vector<64x128xi32>
      %shift_right_logical3A_3248 = arith.constant 6 : i32
      %shift_right_logical3A_3249 = vector.broadcast %shift_right_logical3A_3248 : i32 to vector<64x128xi32>
      %shift_right_logical3A_3250 = arith.shrui %xor3A_3243, %shift_right_logical3A_3249 : vector<64x128xi32>
      %or3A_3251 = arith.ori %shift_left3A_3247, %shift_right_logical3A_3250 : vector<64x128xi32>
      %xor3A_3252 = arith.xori %add3A_3244, %or3A_3251 : vector<64x128xi32>
      %add3A_3253 = arith.addi %add3A_3244, %xor3A_3252 : vector<64x128xi32>
      %shift_left3A_3254 = arith.constant 6 : i32
      %shift_left3A_3255 = vector.broadcast %shift_left3A_3254 : i32 to vector<64x128xi32>
      %shift_left3A_3256 = arith.shli %xor3A_3252, %shift_left3A_3255 : vector<64x128xi32>
      %shift_right_logical3A_3257 = arith.constant 26 : i32
      %shift_right_logical3A_3258 = vector.broadcast %shift_right_logical3A_3257 : i32 to vector<64x128xi32>
      %shift_right_logical3A_3259 = arith.shrui %xor3A_3252, %shift_right_logical3A_3258 : vector<64x128xi32>
      %or3A_3260 = arith.ori %shift_left3A_3256, %shift_right_logical3A_3259 : vector<64x128xi32>
      %xor3A_3261 = arith.xori %add3A_3253, %or3A_3260 : vector<64x128xi32>
      %add3A_3262 = arith.constant 0 : i32
      %add3A_3263 = vector.broadcast %add3A_3262 : i32 to vector<64x128xi32>
      %add3A_3264 = arith.addi %add3A_3253, %add3A_3263 : vector<64x128xi32>
      %add3A_3265 = arith.constant 42 : i32
      %add3A_3266 = vector.broadcast %add3A_3265 : i32 to vector<64x128xi32>
      %add3A_3267 = arith.addi %xor3A_3261, %add3A_3266 : vector<64x128xi32>
      %add3A_3268 = arith.constant 3 : i32
      %add3A_3269 = vector.broadcast %add3A_3268 : i32 to vector<64x128xi32>
      %add3A_3270 = arith.addi %add3A_3267, %add3A_3269 : vector<64x128xi32>
      %add3A_3271 = arith.addi %add3A_3264, %add3A_3270 : vector<64x128xi32>
      %shift_left3A_3272 = arith.constant 17 : i32
      %shift_left3A_3273 = vector.broadcast %shift_left3A_3272 : i32 to vector<64x128xi32>
      %shift_left3A_3274 = arith.shli %add3A_3270, %shift_left3A_3273 : vector<64x128xi32>
      %shift_right_logical3A_3275 = arith.constant 15 : i32
      %shift_right_logical3A_3276 = vector.broadcast %shift_right_logical3A_3275 : i32 to vector<64x128xi32>
      %shift_right_logical3A_3277 = arith.shrui %add3A_3270, %shift_right_logical3A_3276 : vector<64x128xi32>
      %or3A_3278 = arith.ori %shift_left3A_3274, %shift_right_logical3A_3277 : vector<64x128xi32>
      %xor3A_3279 = arith.xori %add3A_3271, %or3A_3278 : vector<64x128xi32>
      %add3A_3280 = arith.addi %add3A_3271, %xor3A_3279 : vector<64x128xi32>
      %shift_left3A_3281 = arith.constant 29 : i32
      %shift_left3A_3282 = vector.broadcast %shift_left3A_3281 : i32 to vector<64x128xi32>
      %shift_left3A_3283 = arith.shli %xor3A_3279, %shift_left3A_3282 : vector<64x128xi32>
      %shift_right_logical3A_3284 = arith.constant 3 : i32
      %shift_right_logical3A_3285 = vector.broadcast %shift_right_logical3A_3284 : i32 to vector<64x128xi32>
      %shift_right_logical3A_3286 = arith.shrui %xor3A_3279, %shift_right_logical3A_3285 : vector<64x128xi32>
      %or3A_3287 = arith.ori %shift_left3A_3283, %shift_right_logical3A_3286 : vector<64x128xi32>
      %xor3A_3288 = arith.xori %add3A_3280, %or3A_3287 : vector<64x128xi32>
      %add3A_3289 = arith.addi %add3A_3280, %xor3A_3288 : vector<64x128xi32>
      %shift_left3A_3290 = arith.constant 16 : i32
      %shift_left3A_3291 = vector.broadcast %shift_left3A_3290 : i32 to vector<64x128xi32>
      %shift_left3A_3292 = arith.shli %xor3A_3288, %shift_left3A_3291 : vector<64x128xi32>
      %shift_right_logical3A_3293 = arith.constant 16 : i32
      %shift_right_logical3A_3294 = vector.broadcast %shift_right_logical3A_3293 : i32 to vector<64x128xi32>
      %shift_right_logical3A_3295 = arith.shrui %xor3A_3288, %shift_right_logical3A_3294 : vector<64x128xi32>
      %or3A_3296 = arith.ori %shift_left3A_3292, %shift_right_logical3A_3295 : vector<64x128xi32>
      %xor3A_3297 = arith.xori %add3A_3289, %or3A_3296 : vector<64x128xi32>
      %add3A_3298 = arith.addi %add3A_3289, %xor3A_3297 : vector<64x128xi32>
      %shift_left3A_3299 = arith.constant 24 : i32
      %shift_left3A_3300 = vector.broadcast %shift_left3A_3299 : i32 to vector<64x128xi32>
      %shift_left3A_3301 = arith.shli %xor3A_3297, %shift_left3A_3300 : vector<64x128xi32>
      %shift_right_logical3A_3302 = arith.constant 8 : i32
      %shift_right_logical3A_3303 = vector.broadcast %shift_right_logical3A_3302 : i32 to vector<64x128xi32>
      %shift_right_logical3A_3304 = arith.shrui %xor3A_3297, %shift_right_logical3A_3303 : vector<64x128xi32>
      %or3A_3305 = arith.ori %shift_left3A_3301, %shift_right_logical3A_3304 : vector<64x128xi32>
      %xor3A_3306 = arith.xori %add3A_3298, %or3A_3305 : vector<64x128xi32>
      %add3A_3307 = arith.constant 42 : i32
      %add3A_3308 = vector.broadcast %add3A_3307 : i32 to vector<64x128xi32>
      %add3A_3309 = arith.addi %add3A_3298, %add3A_3308 : vector<64x128xi32>
      %add3A_3310 = arith.constant 466689008 : i32
      %add3A_3311 = vector.broadcast %add3A_3310 : i32 to vector<64x128xi32>
      %add3A_3312 = arith.addi %xor3A_3306, %add3A_3311 : vector<64x128xi32>
      %add3A_3313 = arith.constant 4 : i32
      %add3A_3314 = vector.broadcast %add3A_3313 : i32 to vector<64x128xi32>
      %add3A_3315 = arith.addi %add3A_3312, %add3A_3314 : vector<64x128xi32>
      %add3A_3316 = arith.addi %add3A_3309, %add3A_3315 : vector<64x128xi32>
      %shift_left3A_3317 = arith.constant 13 : i32
      %shift_left3A_3318 = vector.broadcast %shift_left3A_3317 : i32 to vector<64x128xi32>
      %shift_left3A_3319 = arith.shli %add3A_3315, %shift_left3A_3318 : vector<64x128xi32>
      %shift_right_logical3A_3320 = arith.constant 19 : i32
      %shift_right_logical3A_3321 = vector.broadcast %shift_right_logical3A_3320 : i32 to vector<64x128xi32>
      %shift_right_logical3A_3322 = arith.shrui %add3A_3315, %shift_right_logical3A_3321 : vector<64x128xi32>
      %or3A_3323 = arith.ori %shift_left3A_3319, %shift_right_logical3A_3322 : vector<64x128xi32>
      %xor3A_3324 = arith.xori %add3A_3316, %or3A_3323 : vector<64x128xi32>
      %add3A_3325 = arith.addi %add3A_3316, %xor3A_3324 : vector<64x128xi32>
      %shift_left3A_3326 = arith.constant 15 : i32
      %shift_left3A_3327 = vector.broadcast %shift_left3A_3326 : i32 to vector<64x128xi32>
      %shift_left3A_3328 = arith.shli %xor3A_3324, %shift_left3A_3327 : vector<64x128xi32>
      %shift_right_logical3A_3329 = arith.constant 17 : i32
      %shift_right_logical3A_3330 = vector.broadcast %shift_right_logical3A_3329 : i32 to vector<64x128xi32>
      %shift_right_logical3A_3331 = arith.shrui %xor3A_3324, %shift_right_logical3A_3330 : vector<64x128xi32>
      %or3A_3332 = arith.ori %shift_left3A_3328, %shift_right_logical3A_3331 : vector<64x128xi32>
      %xor3A_3333 = arith.xori %add3A_3325, %or3A_3332 : vector<64x128xi32>
      %add3A_3334 = arith.addi %add3A_3325, %xor3A_3333 : vector<64x128xi32>
      %shift_left3A_3335 = arith.constant 26 : i32
      %shift_left3A_3336 = vector.broadcast %shift_left3A_3335 : i32 to vector<64x128xi32>
      %shift_left3A_3337 = arith.shli %xor3A_3333, %shift_left3A_3336 : vector<64x128xi32>
      %shift_right_logical3A_3338 = arith.constant 6 : i32
      %shift_right_logical3A_3339 = vector.broadcast %shift_right_logical3A_3338 : i32 to vector<64x128xi32>
      %shift_right_logical3A_3340 = arith.shrui %xor3A_3333, %shift_right_logical3A_3339 : vector<64x128xi32>
      %or3A_3341 = arith.ori %shift_left3A_3337, %shift_right_logical3A_3340 : vector<64x128xi32>
      %xor3A_3342 = arith.xori %add3A_3334, %or3A_3341 : vector<64x128xi32>
      %add3A_3343 = arith.addi %add3A_3334, %xor3A_3342 : vector<64x128xi32>
      %shift_left3A_3344 = arith.constant 6 : i32
      %shift_left3A_3345 = vector.broadcast %shift_left3A_3344 : i32 to vector<64x128xi32>
      %shift_left3A_3346 = arith.shli %xor3A_3342, %shift_left3A_3345 : vector<64x128xi32>
      %shift_right_logical3A_3347 = arith.constant 26 : i32
      %shift_right_logical3A_3348 = vector.broadcast %shift_right_logical3A_3347 : i32 to vector<64x128xi32>
      %shift_right_logical3A_3349 = arith.shrui %xor3A_3342, %shift_right_logical3A_3348 : vector<64x128xi32>
      %or3A_3350 = arith.ori %shift_left3A_3346, %shift_right_logical3A_3349 : vector<64x128xi32>
      %xor3A_3351 = arith.xori %add3A_3343, %or3A_3350 : vector<64x128xi32>
      %add3A_3352 = arith.constant 466689008 : i32
      %add3A_3353 = vector.broadcast %add3A_3352 : i32 to vector<64x128xi32>
      %add3A_3354 = arith.addi %add3A_3343, %add3A_3353 : vector<64x128xi32>
      %add3A_3355 = arith.constant 0 : i32
      %add3A_3356 = vector.broadcast %add3A_3355 : i32 to vector<64x128xi32>
      %add3A_3357 = arith.addi %xor3A_3351, %add3A_3356 : vector<64x128xi32>
      %add3A_3358 = arith.constant 5 : i32
      %add3A_3359 = vector.broadcast %add3A_3358 : i32 to vector<64x128xi32>
      %add3A_3360 = arith.addi %add3A_3357, %add3A_3359 : vector<64x128xi32>
      %xor3A_3361 = arith.xori %add3A_3354, %add3A_3360 : vector<64x128xi32>
      %shift_right_logical3A_3362 = arith.constant 9 : i32
      %shift_right_logical3A_3363 = vector.broadcast %shift_right_logical3A_3362 : i32 to vector<64x128xi32>
      %shift_right_logical3A_3364 = arith.shrui %xor3A_3361, %shift_right_logical3A_3363 : vector<64x128xi32>
      %or3A_3365 = arith.constant 1065353216 : i32
      %or3A_3366 = vector.broadcast %or3A_3365 : i32 to vector<64x128xi32>
      %or3A_3367 = arith.ori %shift_right_logical3A_3364, %or3A_3366 : vector<64x128xi32>
      %bitcast_convert_type3A_3368 = tpu.bitcast %or3A_3367 : vector<64x128xi32> -> vector<64x128xf32>
      %sub3A_3369 = arith.constant 1.000000e+00 : f32
      %sub3A_3370 = vector.broadcast %sub3A_3369 : f32 to vector<64x128xf32>
      %sub3A_3371 = arith.subf %bitcast_convert_type3A_3368, %sub3A_3370 : vector<64x128xf32>
      %get3A_3372 = arith.constant 0 : index
      %get3A_3373 = arith.index_cast %add3A_3130 : i32 to index
      %get3A_3374 = arith.constant 0 : index
      %get3A_3375 = vector.load %arg2[%get3A_3372, %get3A_3373, %get3A_3374] : memref<1x256x128xf32, #tpu.memory_space<vmem>>, vector<1x1x128xf32>
      %get3A_3376 = vector.shape_cast %get3A_3375 : vector<1x1x128xf32> to vector<1x128xf32>
      %log3A_3377 = math.log %sub3A_3371 : vector<64x128xf32>
      %mul3A_3378 = vector.broadcast %get3A_3376 : vector<1x128xf32> to vector<64x128xf32>
      %mul3A_3379 = arith.mulf %log3A_3377, %mul3A_3378 : vector<64x128xf32>
      %lt3A_3380 = arith.cmpf olt, %mul3A_3379, %select_n3A_3124 : vector<64x128xf32>
      %select_n3A_3381 = arith.select %lt3A_3380, %mul3A_3379, %select_n3A_3124 : vector<64x128xi1>, vector<64x128xf32>
      %broadcast_in_dim3A_3382 = vector.broadcast %add3A_3130 : i32 to vector<64x128xi32>
      %select_n3A_3383 = arith.select %lt3A_3380, %broadcast_in_dim3A_3382, %select_n3A_3126 : vector<64x128xi1>, vector<64x128xi32>
      %mul3A_3384 = arith.constant 16 : i32
      %mul3A_3385 = arith.muli %scan3A_48, %mul3A_3384 : i32
      %add3A_3386 = arith.constant 13 : i32
      %add3A_3387 = arith.addi %mul3A_3385, %add3A_3386 : i32
      %mul3A_3388 = arith.constant 128 : i32
      %mul3A_3389 = arith.muli %add3A_3387, %mul3A_3388 : i32
      %add3A_3390 = vector.broadcast %mul3A_3389 : i32 to vector<64x128xi32>
      %add3A_3391 = arith.addi %add3A_18, %add3A_3390 : vector<64x128xi32>
      %add3A_3392 = vector.broadcast %add3A_2 : i32 to vector<64x128xi32>
      %add3A_3393 = arith.addi %add3A_3392, %add3A_3391 : vector<64x128xi32>
      %shift_left3A_3394 = arith.constant 13 : i32
      %shift_left3A_3395 = vector.broadcast %shift_left3A_3394 : i32 to vector<64x128xi32>
      %shift_left3A_3396 = arith.shli %add3A_3391, %shift_left3A_3395 : vector<64x128xi32>
      %shift_right_logical3A_3397 = arith.constant 19 : i32
      %shift_right_logical3A_3398 = vector.broadcast %shift_right_logical3A_3397 : i32 to vector<64x128xi32>
      %shift_right_logical3A_3399 = arith.shrui %add3A_3391, %shift_right_logical3A_3398 : vector<64x128xi32>
      %or3A_3400 = arith.ori %shift_left3A_3396, %shift_right_logical3A_3399 : vector<64x128xi32>
      %xor3A_3401 = arith.xori %add3A_3393, %or3A_3400 : vector<64x128xi32>
      %add3A_3402 = arith.addi %add3A_3393, %xor3A_3401 : vector<64x128xi32>
      %shift_left3A_3403 = arith.constant 15 : i32
      %shift_left3A_3404 = vector.broadcast %shift_left3A_3403 : i32 to vector<64x128xi32>
      %shift_left3A_3405 = arith.shli %xor3A_3401, %shift_left3A_3404 : vector<64x128xi32>
      %shift_right_logical3A_3406 = arith.constant 17 : i32
      %shift_right_logical3A_3407 = vector.broadcast %shift_right_logical3A_3406 : i32 to vector<64x128xi32>
      %shift_right_logical3A_3408 = arith.shrui %xor3A_3401, %shift_right_logical3A_3407 : vector<64x128xi32>
      %or3A_3409 = arith.ori %shift_left3A_3405, %shift_right_logical3A_3408 : vector<64x128xi32>
      %xor3A_3410 = arith.xori %add3A_3402, %or3A_3409 : vector<64x128xi32>
      %add3A_3411 = arith.addi %add3A_3402, %xor3A_3410 : vector<64x128xi32>
      %shift_left3A_3412 = arith.constant 26 : i32
      %shift_left3A_3413 = vector.broadcast %shift_left3A_3412 : i32 to vector<64x128xi32>
      %shift_left3A_3414 = arith.shli %xor3A_3410, %shift_left3A_3413 : vector<64x128xi32>
      %shift_right_logical3A_3415 = arith.constant 6 : i32
      %shift_right_logical3A_3416 = vector.broadcast %shift_right_logical3A_3415 : i32 to vector<64x128xi32>
      %shift_right_logical3A_3417 = arith.shrui %xor3A_3410, %shift_right_logical3A_3416 : vector<64x128xi32>
      %or3A_3418 = arith.ori %shift_left3A_3414, %shift_right_logical3A_3417 : vector<64x128xi32>
      %xor3A_3419 = arith.xori %add3A_3411, %or3A_3418 : vector<64x128xi32>
      %add3A_3420 = arith.addi %add3A_3411, %xor3A_3419 : vector<64x128xi32>
      %shift_left3A_3421 = arith.constant 6 : i32
      %shift_left3A_3422 = vector.broadcast %shift_left3A_3421 : i32 to vector<64x128xi32>
      %shift_left3A_3423 = arith.shli %xor3A_3419, %shift_left3A_3422 : vector<64x128xi32>
      %shift_right_logical3A_3424 = arith.constant 26 : i32
      %shift_right_logical3A_3425 = vector.broadcast %shift_right_logical3A_3424 : i32 to vector<64x128xi32>
      %shift_right_logical3A_3426 = arith.shrui %xor3A_3419, %shift_right_logical3A_3425 : vector<64x128xi32>
      %or3A_3427 = arith.ori %shift_left3A_3423, %shift_right_logical3A_3426 : vector<64x128xi32>
      %xor3A_3428 = arith.xori %add3A_3420, %or3A_3427 : vector<64x128xi32>
      %add3A_3429 = arith.constant 42 : i32
      %add3A_3430 = vector.broadcast %add3A_3429 : i32 to vector<64x128xi32>
      %add3A_3431 = arith.addi %add3A_3420, %add3A_3430 : vector<64x128xi32>
      %add3A_3432 = arith.constant 466689008 : i32
      %add3A_3433 = vector.broadcast %add3A_3432 : i32 to vector<64x128xi32>
      %add3A_3434 = arith.addi %xor3A_3428, %add3A_3433 : vector<64x128xi32>
      %add3A_3435 = arith.constant 1 : i32
      %add3A_3436 = vector.broadcast %add3A_3435 : i32 to vector<64x128xi32>
      %add3A_3437 = arith.addi %add3A_3434, %add3A_3436 : vector<64x128xi32>
      %add3A_3438 = arith.addi %add3A_3431, %add3A_3437 : vector<64x128xi32>
      %shift_left3A_3439 = arith.constant 17 : i32
      %shift_left3A_3440 = vector.broadcast %shift_left3A_3439 : i32 to vector<64x128xi32>
      %shift_left3A_3441 = arith.shli %add3A_3437, %shift_left3A_3440 : vector<64x128xi32>
      %shift_right_logical3A_3442 = arith.constant 15 : i32
      %shift_right_logical3A_3443 = vector.broadcast %shift_right_logical3A_3442 : i32 to vector<64x128xi32>
      %shift_right_logical3A_3444 = arith.shrui %add3A_3437, %shift_right_logical3A_3443 : vector<64x128xi32>
      %or3A_3445 = arith.ori %shift_left3A_3441, %shift_right_logical3A_3444 : vector<64x128xi32>
      %xor3A_3446 = arith.xori %add3A_3438, %or3A_3445 : vector<64x128xi32>
      %add3A_3447 = arith.addi %add3A_3438, %xor3A_3446 : vector<64x128xi32>
      %shift_left3A_3448 = arith.constant 29 : i32
      %shift_left3A_3449 = vector.broadcast %shift_left3A_3448 : i32 to vector<64x128xi32>
      %shift_left3A_3450 = arith.shli %xor3A_3446, %shift_left3A_3449 : vector<64x128xi32>
      %shift_right_logical3A_3451 = arith.constant 3 : i32
      %shift_right_logical3A_3452 = vector.broadcast %shift_right_logical3A_3451 : i32 to vector<64x128xi32>
      %shift_right_logical3A_3453 = arith.shrui %xor3A_3446, %shift_right_logical3A_3452 : vector<64x128xi32>
      %or3A_3454 = arith.ori %shift_left3A_3450, %shift_right_logical3A_3453 : vector<64x128xi32>
      %xor3A_3455 = arith.xori %add3A_3447, %or3A_3454 : vector<64x128xi32>
      %add3A_3456 = arith.addi %add3A_3447, %xor3A_3455 : vector<64x128xi32>
      %shift_left3A_3457 = arith.constant 16 : i32
      %shift_left3A_3458 = vector.broadcast %shift_left3A_3457 : i32 to vector<64x128xi32>
      %shift_left3A_3459 = arith.shli %xor3A_3455, %shift_left3A_3458 : vector<64x128xi32>
      %shift_right_logical3A_3460 = arith.constant 16 : i32
      %shift_right_logical3A_3461 = vector.broadcast %shift_right_logical3A_3460 : i32 to vector<64x128xi32>
      %shift_right_logical3A_3462 = arith.shrui %xor3A_3455, %shift_right_logical3A_3461 : vector<64x128xi32>
      %or3A_3463 = arith.ori %shift_left3A_3459, %shift_right_logical3A_3462 : vector<64x128xi32>
      %xor3A_3464 = arith.xori %add3A_3456, %or3A_3463 : vector<64x128xi32>
      %add3A_3465 = arith.addi %add3A_3456, %xor3A_3464 : vector<64x128xi32>
      %shift_left3A_3466 = arith.constant 24 : i32
      %shift_left3A_3467 = vector.broadcast %shift_left3A_3466 : i32 to vector<64x128xi32>
      %shift_left3A_3468 = arith.shli %xor3A_3464, %shift_left3A_3467 : vector<64x128xi32>
      %shift_right_logical3A_3469 = arith.constant 8 : i32
      %shift_right_logical3A_3470 = vector.broadcast %shift_right_logical3A_3469 : i32 to vector<64x128xi32>
      %shift_right_logical3A_3471 = arith.shrui %xor3A_3464, %shift_right_logical3A_3470 : vector<64x128xi32>
      %or3A_3472 = arith.ori %shift_left3A_3468, %shift_right_logical3A_3471 : vector<64x128xi32>
      %xor3A_3473 = arith.xori %add3A_3465, %or3A_3472 : vector<64x128xi32>
      %add3A_3474 = arith.constant 466689008 : i32
      %add3A_3475 = vector.broadcast %add3A_3474 : i32 to vector<64x128xi32>
      %add3A_3476 = arith.addi %add3A_3465, %add3A_3475 : vector<64x128xi32>
      %add3A_3477 = arith.constant 0 : i32
      %add3A_3478 = vector.broadcast %add3A_3477 : i32 to vector<64x128xi32>
      %add3A_3479 = arith.addi %xor3A_3473, %add3A_3478 : vector<64x128xi32>
      %add3A_3480 = arith.constant 2 : i32
      %add3A_3481 = vector.broadcast %add3A_3480 : i32 to vector<64x128xi32>
      %add3A_3482 = arith.addi %add3A_3479, %add3A_3481 : vector<64x128xi32>
      %add3A_3483 = arith.addi %add3A_3476, %add3A_3482 : vector<64x128xi32>
      %shift_left3A_3484 = arith.constant 13 : i32
      %shift_left3A_3485 = vector.broadcast %shift_left3A_3484 : i32 to vector<64x128xi32>
      %shift_left3A_3486 = arith.shli %add3A_3482, %shift_left3A_3485 : vector<64x128xi32>
      %shift_right_logical3A_3487 = arith.constant 19 : i32
      %shift_right_logical3A_3488 = vector.broadcast %shift_right_logical3A_3487 : i32 to vector<64x128xi32>
      %shift_right_logical3A_3489 = arith.shrui %add3A_3482, %shift_right_logical3A_3488 : vector<64x128xi32>
      %or3A_3490 = arith.ori %shift_left3A_3486, %shift_right_logical3A_3489 : vector<64x128xi32>
      %xor3A_3491 = arith.xori %add3A_3483, %or3A_3490 : vector<64x128xi32>
      %add3A_3492 = arith.addi %add3A_3483, %xor3A_3491 : vector<64x128xi32>
      %shift_left3A_3493 = arith.constant 15 : i32
      %shift_left3A_3494 = vector.broadcast %shift_left3A_3493 : i32 to vector<64x128xi32>
      %shift_left3A_3495 = arith.shli %xor3A_3491, %shift_left3A_3494 : vector<64x128xi32>
      %shift_right_logical3A_3496 = arith.constant 17 : i32
      %shift_right_logical3A_3497 = vector.broadcast %shift_right_logical3A_3496 : i32 to vector<64x128xi32>
      %shift_right_logical3A_3498 = arith.shrui %xor3A_3491, %shift_right_logical3A_3497 : vector<64x128xi32>
      %or3A_3499 = arith.ori %shift_left3A_3495, %shift_right_logical3A_3498 : vector<64x128xi32>
      %xor3A_3500 = arith.xori %add3A_3492, %or3A_3499 : vector<64x128xi32>
      %add3A_3501 = arith.addi %add3A_3492, %xor3A_3500 : vector<64x128xi32>
      %shift_left3A_3502 = arith.constant 26 : i32
      %shift_left3A_3503 = vector.broadcast %shift_left3A_3502 : i32 to vector<64x128xi32>
      %shift_left3A_3504 = arith.shli %xor3A_3500, %shift_left3A_3503 : vector<64x128xi32>
      %shift_right_logical3A_3505 = arith.constant 6 : i32
      %shift_right_logical3A_3506 = vector.broadcast %shift_right_logical3A_3505 : i32 to vector<64x128xi32>
      %shift_right_logical3A_3507 = arith.shrui %xor3A_3500, %shift_right_logical3A_3506 : vector<64x128xi32>
      %or3A_3508 = arith.ori %shift_left3A_3504, %shift_right_logical3A_3507 : vector<64x128xi32>
      %xor3A_3509 = arith.xori %add3A_3501, %or3A_3508 : vector<64x128xi32>
      %add3A_3510 = arith.addi %add3A_3501, %xor3A_3509 : vector<64x128xi32>
      %shift_left3A_3511 = arith.constant 6 : i32
      %shift_left3A_3512 = vector.broadcast %shift_left3A_3511 : i32 to vector<64x128xi32>
      %shift_left3A_3513 = arith.shli %xor3A_3509, %shift_left3A_3512 : vector<64x128xi32>
      %shift_right_logical3A_3514 = arith.constant 26 : i32
      %shift_right_logical3A_3515 = vector.broadcast %shift_right_logical3A_3514 : i32 to vector<64x128xi32>
      %shift_right_logical3A_3516 = arith.shrui %xor3A_3509, %shift_right_logical3A_3515 : vector<64x128xi32>
      %or3A_3517 = arith.ori %shift_left3A_3513, %shift_right_logical3A_3516 : vector<64x128xi32>
      %xor3A_3518 = arith.xori %add3A_3510, %or3A_3517 : vector<64x128xi32>
      %add3A_3519 = arith.constant 0 : i32
      %add3A_3520 = vector.broadcast %add3A_3519 : i32 to vector<64x128xi32>
      %add3A_3521 = arith.addi %add3A_3510, %add3A_3520 : vector<64x128xi32>
      %add3A_3522 = arith.constant 42 : i32
      %add3A_3523 = vector.broadcast %add3A_3522 : i32 to vector<64x128xi32>
      %add3A_3524 = arith.addi %xor3A_3518, %add3A_3523 : vector<64x128xi32>
      %add3A_3525 = arith.constant 3 : i32
      %add3A_3526 = vector.broadcast %add3A_3525 : i32 to vector<64x128xi32>
      %add3A_3527 = arith.addi %add3A_3524, %add3A_3526 : vector<64x128xi32>
      %add3A_3528 = arith.addi %add3A_3521, %add3A_3527 : vector<64x128xi32>
      %shift_left3A_3529 = arith.constant 17 : i32
      %shift_left3A_3530 = vector.broadcast %shift_left3A_3529 : i32 to vector<64x128xi32>
      %shift_left3A_3531 = arith.shli %add3A_3527, %shift_left3A_3530 : vector<64x128xi32>
      %shift_right_logical3A_3532 = arith.constant 15 : i32
      %shift_right_logical3A_3533 = vector.broadcast %shift_right_logical3A_3532 : i32 to vector<64x128xi32>
      %shift_right_logical3A_3534 = arith.shrui %add3A_3527, %shift_right_logical3A_3533 : vector<64x128xi32>
      %or3A_3535 = arith.ori %shift_left3A_3531, %shift_right_logical3A_3534 : vector<64x128xi32>
      %xor3A_3536 = arith.xori %add3A_3528, %or3A_3535 : vector<64x128xi32>
      %add3A_3537 = arith.addi %add3A_3528, %xor3A_3536 : vector<64x128xi32>
      %shift_left3A_3538 = arith.constant 29 : i32
      %shift_left3A_3539 = vector.broadcast %shift_left3A_3538 : i32 to vector<64x128xi32>
      %shift_left3A_3540 = arith.shli %xor3A_3536, %shift_left3A_3539 : vector<64x128xi32>
      %shift_right_logical3A_3541 = arith.constant 3 : i32
      %shift_right_logical3A_3542 = vector.broadcast %shift_right_logical3A_3541 : i32 to vector<64x128xi32>
      %shift_right_logical3A_3543 = arith.shrui %xor3A_3536, %shift_right_logical3A_3542 : vector<64x128xi32>
      %or3A_3544 = arith.ori %shift_left3A_3540, %shift_right_logical3A_3543 : vector<64x128xi32>
      %xor3A_3545 = arith.xori %add3A_3537, %or3A_3544 : vector<64x128xi32>
      %add3A_3546 = arith.addi %add3A_3537, %xor3A_3545 : vector<64x128xi32>
      %shift_left3A_3547 = arith.constant 16 : i32
      %shift_left3A_3548 = vector.broadcast %shift_left3A_3547 : i32 to vector<64x128xi32>
      %shift_left3A_3549 = arith.shli %xor3A_3545, %shift_left3A_3548 : vector<64x128xi32>
      %shift_right_logical3A_3550 = arith.constant 16 : i32
      %shift_right_logical3A_3551 = vector.broadcast %shift_right_logical3A_3550 : i32 to vector<64x128xi32>
      %shift_right_logical3A_3552 = arith.shrui %xor3A_3545, %shift_right_logical3A_3551 : vector<64x128xi32>
      %or3A_3553 = arith.ori %shift_left3A_3549, %shift_right_logical3A_3552 : vector<64x128xi32>
      %xor3A_3554 = arith.xori %add3A_3546, %or3A_3553 : vector<64x128xi32>
      %add3A_3555 = arith.addi %add3A_3546, %xor3A_3554 : vector<64x128xi32>
      %shift_left3A_3556 = arith.constant 24 : i32
      %shift_left3A_3557 = vector.broadcast %shift_left3A_3556 : i32 to vector<64x128xi32>
      %shift_left3A_3558 = arith.shli %xor3A_3554, %shift_left3A_3557 : vector<64x128xi32>
      %shift_right_logical3A_3559 = arith.constant 8 : i32
      %shift_right_logical3A_3560 = vector.broadcast %shift_right_logical3A_3559 : i32 to vector<64x128xi32>
      %shift_right_logical3A_3561 = arith.shrui %xor3A_3554, %shift_right_logical3A_3560 : vector<64x128xi32>
      %or3A_3562 = arith.ori %shift_left3A_3558, %shift_right_logical3A_3561 : vector<64x128xi32>
      %xor3A_3563 = arith.xori %add3A_3555, %or3A_3562 : vector<64x128xi32>
      %add3A_3564 = arith.constant 42 : i32
      %add3A_3565 = vector.broadcast %add3A_3564 : i32 to vector<64x128xi32>
      %add3A_3566 = arith.addi %add3A_3555, %add3A_3565 : vector<64x128xi32>
      %add3A_3567 = arith.constant 466689008 : i32
      %add3A_3568 = vector.broadcast %add3A_3567 : i32 to vector<64x128xi32>
      %add3A_3569 = arith.addi %xor3A_3563, %add3A_3568 : vector<64x128xi32>
      %add3A_3570 = arith.constant 4 : i32
      %add3A_3571 = vector.broadcast %add3A_3570 : i32 to vector<64x128xi32>
      %add3A_3572 = arith.addi %add3A_3569, %add3A_3571 : vector<64x128xi32>
      %add3A_3573 = arith.addi %add3A_3566, %add3A_3572 : vector<64x128xi32>
      %shift_left3A_3574 = arith.constant 13 : i32
      %shift_left3A_3575 = vector.broadcast %shift_left3A_3574 : i32 to vector<64x128xi32>
      %shift_left3A_3576 = arith.shli %add3A_3572, %shift_left3A_3575 : vector<64x128xi32>
      %shift_right_logical3A_3577 = arith.constant 19 : i32
      %shift_right_logical3A_3578 = vector.broadcast %shift_right_logical3A_3577 : i32 to vector<64x128xi32>
      %shift_right_logical3A_3579 = arith.shrui %add3A_3572, %shift_right_logical3A_3578 : vector<64x128xi32>
      %or3A_3580 = arith.ori %shift_left3A_3576, %shift_right_logical3A_3579 : vector<64x128xi32>
      %xor3A_3581 = arith.xori %add3A_3573, %or3A_3580 : vector<64x128xi32>
      %add3A_3582 = arith.addi %add3A_3573, %xor3A_3581 : vector<64x128xi32>
      %shift_left3A_3583 = arith.constant 15 : i32
      %shift_left3A_3584 = vector.broadcast %shift_left3A_3583 : i32 to vector<64x128xi32>
      %shift_left3A_3585 = arith.shli %xor3A_3581, %shift_left3A_3584 : vector<64x128xi32>
      %shift_right_logical3A_3586 = arith.constant 17 : i32
      %shift_right_logical3A_3587 = vector.broadcast %shift_right_logical3A_3586 : i32 to vector<64x128xi32>
      %shift_right_logical3A_3588 = arith.shrui %xor3A_3581, %shift_right_logical3A_3587 : vector<64x128xi32>
      %or3A_3589 = arith.ori %shift_left3A_3585, %shift_right_logical3A_3588 : vector<64x128xi32>
      %xor3A_3590 = arith.xori %add3A_3582, %or3A_3589 : vector<64x128xi32>
      %add3A_3591 = arith.addi %add3A_3582, %xor3A_3590 : vector<64x128xi32>
      %shift_left3A_3592 = arith.constant 26 : i32
      %shift_left3A_3593 = vector.broadcast %shift_left3A_3592 : i32 to vector<64x128xi32>
      %shift_left3A_3594 = arith.shli %xor3A_3590, %shift_left3A_3593 : vector<64x128xi32>
      %shift_right_logical3A_3595 = arith.constant 6 : i32
      %shift_right_logical3A_3596 = vector.broadcast %shift_right_logical3A_3595 : i32 to vector<64x128xi32>
      %shift_right_logical3A_3597 = arith.shrui %xor3A_3590, %shift_right_logical3A_3596 : vector<64x128xi32>
      %or3A_3598 = arith.ori %shift_left3A_3594, %shift_right_logical3A_3597 : vector<64x128xi32>
      %xor3A_3599 = arith.xori %add3A_3591, %or3A_3598 : vector<64x128xi32>
      %add3A_3600 = arith.addi %add3A_3591, %xor3A_3599 : vector<64x128xi32>
      %shift_left3A_3601 = arith.constant 6 : i32
      %shift_left3A_3602 = vector.broadcast %shift_left3A_3601 : i32 to vector<64x128xi32>
      %shift_left3A_3603 = arith.shli %xor3A_3599, %shift_left3A_3602 : vector<64x128xi32>
      %shift_right_logical3A_3604 = arith.constant 26 : i32
      %shift_right_logical3A_3605 = vector.broadcast %shift_right_logical3A_3604 : i32 to vector<64x128xi32>
      %shift_right_logical3A_3606 = arith.shrui %xor3A_3599, %shift_right_logical3A_3605 : vector<64x128xi32>
      %or3A_3607 = arith.ori %shift_left3A_3603, %shift_right_logical3A_3606 : vector<64x128xi32>
      %xor3A_3608 = arith.xori %add3A_3600, %or3A_3607 : vector<64x128xi32>
      %add3A_3609 = arith.constant 466689008 : i32
      %add3A_3610 = vector.broadcast %add3A_3609 : i32 to vector<64x128xi32>
      %add3A_3611 = arith.addi %add3A_3600, %add3A_3610 : vector<64x128xi32>
      %add3A_3612 = arith.constant 0 : i32
      %add3A_3613 = vector.broadcast %add3A_3612 : i32 to vector<64x128xi32>
      %add3A_3614 = arith.addi %xor3A_3608, %add3A_3613 : vector<64x128xi32>
      %add3A_3615 = arith.constant 5 : i32
      %add3A_3616 = vector.broadcast %add3A_3615 : i32 to vector<64x128xi32>
      %add3A_3617 = arith.addi %add3A_3614, %add3A_3616 : vector<64x128xi32>
      %xor3A_3618 = arith.xori %add3A_3611, %add3A_3617 : vector<64x128xi32>
      %shift_right_logical3A_3619 = arith.constant 9 : i32
      %shift_right_logical3A_3620 = vector.broadcast %shift_right_logical3A_3619 : i32 to vector<64x128xi32>
      %shift_right_logical3A_3621 = arith.shrui %xor3A_3618, %shift_right_logical3A_3620 : vector<64x128xi32>
      %or3A_3622 = arith.constant 1065353216 : i32
      %or3A_3623 = vector.broadcast %or3A_3622 : i32 to vector<64x128xi32>
      %or3A_3624 = arith.ori %shift_right_logical3A_3621, %or3A_3623 : vector<64x128xi32>
      %bitcast_convert_type3A_3625 = tpu.bitcast %or3A_3624 : vector<64x128xi32> -> vector<64x128xf32>
      %sub3A_3626 = arith.constant 1.000000e+00 : f32
      %sub3A_3627 = vector.broadcast %sub3A_3626 : f32 to vector<64x128xf32>
      %sub3A_3628 = arith.subf %bitcast_convert_type3A_3625, %sub3A_3627 : vector<64x128xf32>
      %get3A_3629 = arith.constant 0 : index
      %get3A_3630 = arith.index_cast %add3A_3387 : i32 to index
      %get3A_3631 = arith.constant 0 : index
      %get3A_3632 = vector.load %arg2[%get3A_3629, %get3A_3630, %get3A_3631] : memref<1x256x128xf32, #tpu.memory_space<vmem>>, vector<1x1x128xf32>
      %get3A_3633 = vector.shape_cast %get3A_3632 : vector<1x1x128xf32> to vector<1x128xf32>
      %log3A_3634 = math.log %sub3A_3628 : vector<64x128xf32>
      %mul3A_3635 = vector.broadcast %get3A_3633 : vector<1x128xf32> to vector<64x128xf32>
      %mul3A_3636 = arith.mulf %log3A_3634, %mul3A_3635 : vector<64x128xf32>
      %lt3A_3637 = arith.cmpf olt, %mul3A_3636, %select_n3A_3381 : vector<64x128xf32>
      %select_n3A_3638 = arith.select %lt3A_3637, %mul3A_3636, %select_n3A_3381 : vector<64x128xi1>, vector<64x128xf32>
      %broadcast_in_dim3A_3639 = vector.broadcast %add3A_3387 : i32 to vector<64x128xi32>
      %select_n3A_3640 = arith.select %lt3A_3637, %broadcast_in_dim3A_3639, %select_n3A_3383 : vector<64x128xi1>, vector<64x128xi32>
      %mul3A_3641 = arith.constant 16 : i32
      %mul3A_3642 = arith.muli %scan3A_48, %mul3A_3641 : i32
      %add3A_3643 = arith.constant 14 : i32
      %add3A_3644 = arith.addi %mul3A_3642, %add3A_3643 : i32
      %mul3A_3645 = arith.constant 128 : i32
      %mul3A_3646 = arith.muli %add3A_3644, %mul3A_3645 : i32
      %add3A_3647 = vector.broadcast %mul3A_3646 : i32 to vector<64x128xi32>
      %add3A_3648 = arith.addi %add3A_18, %add3A_3647 : vector<64x128xi32>
      %add3A_3649 = vector.broadcast %add3A_2 : i32 to vector<64x128xi32>
      %add3A_3650 = arith.addi %add3A_3649, %add3A_3648 : vector<64x128xi32>
      %shift_left3A_3651 = arith.constant 13 : i32
      %shift_left3A_3652 = vector.broadcast %shift_left3A_3651 : i32 to vector<64x128xi32>
      %shift_left3A_3653 = arith.shli %add3A_3648, %shift_left3A_3652 : vector<64x128xi32>
      %shift_right_logical3A_3654 = arith.constant 19 : i32
      %shift_right_logical3A_3655 = vector.broadcast %shift_right_logical3A_3654 : i32 to vector<64x128xi32>
      %shift_right_logical3A_3656 = arith.shrui %add3A_3648, %shift_right_logical3A_3655 : vector<64x128xi32>
      %or3A_3657 = arith.ori %shift_left3A_3653, %shift_right_logical3A_3656 : vector<64x128xi32>
      %xor3A_3658 = arith.xori %add3A_3650, %or3A_3657 : vector<64x128xi32>
      %add3A_3659 = arith.addi %add3A_3650, %xor3A_3658 : vector<64x128xi32>
      %shift_left3A_3660 = arith.constant 15 : i32
      %shift_left3A_3661 = vector.broadcast %shift_left3A_3660 : i32 to vector<64x128xi32>
      %shift_left3A_3662 = arith.shli %xor3A_3658, %shift_left3A_3661 : vector<64x128xi32>
      %shift_right_logical3A_3663 = arith.constant 17 : i32
      %shift_right_logical3A_3664 = vector.broadcast %shift_right_logical3A_3663 : i32 to vector<64x128xi32>
      %shift_right_logical3A_3665 = arith.shrui %xor3A_3658, %shift_right_logical3A_3664 : vector<64x128xi32>
      %or3A_3666 = arith.ori %shift_left3A_3662, %shift_right_logical3A_3665 : vector<64x128xi32>
      %xor3A_3667 = arith.xori %add3A_3659, %or3A_3666 : vector<64x128xi32>
      %add3A_3668 = arith.addi %add3A_3659, %xor3A_3667 : vector<64x128xi32>
      %shift_left3A_3669 = arith.constant 26 : i32
      %shift_left3A_3670 = vector.broadcast %shift_left3A_3669 : i32 to vector<64x128xi32>
      %shift_left3A_3671 = arith.shli %xor3A_3667, %shift_left3A_3670 : vector<64x128xi32>
      %shift_right_logical3A_3672 = arith.constant 6 : i32
      %shift_right_logical3A_3673 = vector.broadcast %shift_right_logical3A_3672 : i32 to vector<64x128xi32>
      %shift_right_logical3A_3674 = arith.shrui %xor3A_3667, %shift_right_logical3A_3673 : vector<64x128xi32>
      %or3A_3675 = arith.ori %shift_left3A_3671, %shift_right_logical3A_3674 : vector<64x128xi32>
      %xor3A_3676 = arith.xori %add3A_3668, %or3A_3675 : vector<64x128xi32>
      %add3A_3677 = arith.addi %add3A_3668, %xor3A_3676 : vector<64x128xi32>
      %shift_left3A_3678 = arith.constant 6 : i32
      %shift_left3A_3679 = vector.broadcast %shift_left3A_3678 : i32 to vector<64x128xi32>
      %shift_left3A_3680 = arith.shli %xor3A_3676, %shift_left3A_3679 : vector<64x128xi32>
      %shift_right_logical3A_3681 = arith.constant 26 : i32
      %shift_right_logical3A_3682 = vector.broadcast %shift_right_logical3A_3681 : i32 to vector<64x128xi32>
      %shift_right_logical3A_3683 = arith.shrui %xor3A_3676, %shift_right_logical3A_3682 : vector<64x128xi32>
      %or3A_3684 = arith.ori %shift_left3A_3680, %shift_right_logical3A_3683 : vector<64x128xi32>
      %xor3A_3685 = arith.xori %add3A_3677, %or3A_3684 : vector<64x128xi32>
      %add3A_3686 = arith.constant 42 : i32
      %add3A_3687 = vector.broadcast %add3A_3686 : i32 to vector<64x128xi32>
      %add3A_3688 = arith.addi %add3A_3677, %add3A_3687 : vector<64x128xi32>
      %add3A_3689 = arith.constant 466689008 : i32
      %add3A_3690 = vector.broadcast %add3A_3689 : i32 to vector<64x128xi32>
      %add3A_3691 = arith.addi %xor3A_3685, %add3A_3690 : vector<64x128xi32>
      %add3A_3692 = arith.constant 1 : i32
      %add3A_3693 = vector.broadcast %add3A_3692 : i32 to vector<64x128xi32>
      %add3A_3694 = arith.addi %add3A_3691, %add3A_3693 : vector<64x128xi32>
      %add3A_3695 = arith.addi %add3A_3688, %add3A_3694 : vector<64x128xi32>
      %shift_left3A_3696 = arith.constant 17 : i32
      %shift_left3A_3697 = vector.broadcast %shift_left3A_3696 : i32 to vector<64x128xi32>
      %shift_left3A_3698 = arith.shli %add3A_3694, %shift_left3A_3697 : vector<64x128xi32>
      %shift_right_logical3A_3699 = arith.constant 15 : i32
      %shift_right_logical3A_3700 = vector.broadcast %shift_right_logical3A_3699 : i32 to vector<64x128xi32>
      %shift_right_logical3A_3701 = arith.shrui %add3A_3694, %shift_right_logical3A_3700 : vector<64x128xi32>
      %or3A_3702 = arith.ori %shift_left3A_3698, %shift_right_logical3A_3701 : vector<64x128xi32>
      %xor3A_3703 = arith.xori %add3A_3695, %or3A_3702 : vector<64x128xi32>
      %add3A_3704 = arith.addi %add3A_3695, %xor3A_3703 : vector<64x128xi32>
      %shift_left3A_3705 = arith.constant 29 : i32
      %shift_left3A_3706 = vector.broadcast %shift_left3A_3705 : i32 to vector<64x128xi32>
      %shift_left3A_3707 = arith.shli %xor3A_3703, %shift_left3A_3706 : vector<64x128xi32>
      %shift_right_logical3A_3708 = arith.constant 3 : i32
      %shift_right_logical3A_3709 = vector.broadcast %shift_right_logical3A_3708 : i32 to vector<64x128xi32>
      %shift_right_logical3A_3710 = arith.shrui %xor3A_3703, %shift_right_logical3A_3709 : vector<64x128xi32>
      %or3A_3711 = arith.ori %shift_left3A_3707, %shift_right_logical3A_3710 : vector<64x128xi32>
      %xor3A_3712 = arith.xori %add3A_3704, %or3A_3711 : vector<64x128xi32>
      %add3A_3713 = arith.addi %add3A_3704, %xor3A_3712 : vector<64x128xi32>
      %shift_left3A_3714 = arith.constant 16 : i32
      %shift_left3A_3715 = vector.broadcast %shift_left3A_3714 : i32 to vector<64x128xi32>
      %shift_left3A_3716 = arith.shli %xor3A_3712, %shift_left3A_3715 : vector<64x128xi32>
      %shift_right_logical3A_3717 = arith.constant 16 : i32
      %shift_right_logical3A_3718 = vector.broadcast %shift_right_logical3A_3717 : i32 to vector<64x128xi32>
      %shift_right_logical3A_3719 = arith.shrui %xor3A_3712, %shift_right_logical3A_3718 : vector<64x128xi32>
      %or3A_3720 = arith.ori %shift_left3A_3716, %shift_right_logical3A_3719 : vector<64x128xi32>
      %xor3A_3721 = arith.xori %add3A_3713, %or3A_3720 : vector<64x128xi32>
      %add3A_3722 = arith.addi %add3A_3713, %xor3A_3721 : vector<64x128xi32>
      %shift_left3A_3723 = arith.constant 24 : i32
      %shift_left3A_3724 = vector.broadcast %shift_left3A_3723 : i32 to vector<64x128xi32>
      %shift_left3A_3725 = arith.shli %xor3A_3721, %shift_left3A_3724 : vector<64x128xi32>
      %shift_right_logical3A_3726 = arith.constant 8 : i32
      %shift_right_logical3A_3727 = vector.broadcast %shift_right_logical3A_3726 : i32 to vector<64x128xi32>
      %shift_right_logical3A_3728 = arith.shrui %xor3A_3721, %shift_right_logical3A_3727 : vector<64x128xi32>
      %or3A_3729 = arith.ori %shift_left3A_3725, %shift_right_logical3A_3728 : vector<64x128xi32>
      %xor3A_3730 = arith.xori %add3A_3722, %or3A_3729 : vector<64x128xi32>
      %add3A_3731 = arith.constant 466689008 : i32
      %add3A_3732 = vector.broadcast %add3A_3731 : i32 to vector<64x128xi32>
      %add3A_3733 = arith.addi %add3A_3722, %add3A_3732 : vector<64x128xi32>
      %add3A_3734 = arith.constant 0 : i32
      %add3A_3735 = vector.broadcast %add3A_3734 : i32 to vector<64x128xi32>
      %add3A_3736 = arith.addi %xor3A_3730, %add3A_3735 : vector<64x128xi32>
      %add3A_3737 = arith.constant 2 : i32
      %add3A_3738 = vector.broadcast %add3A_3737 : i32 to vector<64x128xi32>
      %add3A_3739 = arith.addi %add3A_3736, %add3A_3738 : vector<64x128xi32>
      %add3A_3740 = arith.addi %add3A_3733, %add3A_3739 : vector<64x128xi32>
      %shift_left3A_3741 = arith.constant 13 : i32
      %shift_left3A_3742 = vector.broadcast %shift_left3A_3741 : i32 to vector<64x128xi32>
      %shift_left3A_3743 = arith.shli %add3A_3739, %shift_left3A_3742 : vector<64x128xi32>
      %shift_right_logical3A_3744 = arith.constant 19 : i32
      %shift_right_logical3A_3745 = vector.broadcast %shift_right_logical3A_3744 : i32 to vector<64x128xi32>
      %shift_right_logical3A_3746 = arith.shrui %add3A_3739, %shift_right_logical3A_3745 : vector<64x128xi32>
      %or3A_3747 = arith.ori %shift_left3A_3743, %shift_right_logical3A_3746 : vector<64x128xi32>
      %xor3A_3748 = arith.xori %add3A_3740, %or3A_3747 : vector<64x128xi32>
      %add3A_3749 = arith.addi %add3A_3740, %xor3A_3748 : vector<64x128xi32>
      %shift_left3A_3750 = arith.constant 15 : i32
      %shift_left3A_3751 = vector.broadcast %shift_left3A_3750 : i32 to vector<64x128xi32>
      %shift_left3A_3752 = arith.shli %xor3A_3748, %shift_left3A_3751 : vector<64x128xi32>
      %shift_right_logical3A_3753 = arith.constant 17 : i32
      %shift_right_logical3A_3754 = vector.broadcast %shift_right_logical3A_3753 : i32 to vector<64x128xi32>
      %shift_right_logical3A_3755 = arith.shrui %xor3A_3748, %shift_right_logical3A_3754 : vector<64x128xi32>
      %or3A_3756 = arith.ori %shift_left3A_3752, %shift_right_logical3A_3755 : vector<64x128xi32>
      %xor3A_3757 = arith.xori %add3A_3749, %or3A_3756 : vector<64x128xi32>
      %add3A_3758 = arith.addi %add3A_3749, %xor3A_3757 : vector<64x128xi32>
      %shift_left3A_3759 = arith.constant 26 : i32
      %shift_left3A_3760 = vector.broadcast %shift_left3A_3759 : i32 to vector<64x128xi32>
      %shift_left3A_3761 = arith.shli %xor3A_3757, %shift_left3A_3760 : vector<64x128xi32>
      %shift_right_logical3A_3762 = arith.constant 6 : i32
      %shift_right_logical3A_3763 = vector.broadcast %shift_right_logical3A_3762 : i32 to vector<64x128xi32>
      %shift_right_logical3A_3764 = arith.shrui %xor3A_3757, %shift_right_logical3A_3763 : vector<64x128xi32>
      %or3A_3765 = arith.ori %shift_left3A_3761, %shift_right_logical3A_3764 : vector<64x128xi32>
      %xor3A_3766 = arith.xori %add3A_3758, %or3A_3765 : vector<64x128xi32>
      %add3A_3767 = arith.addi %add3A_3758, %xor3A_3766 : vector<64x128xi32>
      %shift_left3A_3768 = arith.constant 6 : i32
      %shift_left3A_3769 = vector.broadcast %shift_left3A_3768 : i32 to vector<64x128xi32>
      %shift_left3A_3770 = arith.shli %xor3A_3766, %shift_left3A_3769 : vector<64x128xi32>
      %shift_right_logical3A_3771 = arith.constant 26 : i32
      %shift_right_logical3A_3772 = vector.broadcast %shift_right_logical3A_3771 : i32 to vector<64x128xi32>
      %shift_right_logical3A_3773 = arith.shrui %xor3A_3766, %shift_right_logical3A_3772 : vector<64x128xi32>
      %or3A_3774 = arith.ori %shift_left3A_3770, %shift_right_logical3A_3773 : vector<64x128xi32>
      %xor3A_3775 = arith.xori %add3A_3767, %or3A_3774 : vector<64x128xi32>
      %add3A_3776 = arith.constant 0 : i32
      %add3A_3777 = vector.broadcast %add3A_3776 : i32 to vector<64x128xi32>
      %add3A_3778 = arith.addi %add3A_3767, %add3A_3777 : vector<64x128xi32>
      %add3A_3779 = arith.constant 42 : i32
      %add3A_3780 = vector.broadcast %add3A_3779 : i32 to vector<64x128xi32>
      %add3A_3781 = arith.addi %xor3A_3775, %add3A_3780 : vector<64x128xi32>
      %add3A_3782 = arith.constant 3 : i32
      %add3A_3783 = vector.broadcast %add3A_3782 : i32 to vector<64x128xi32>
      %add3A_3784 = arith.addi %add3A_3781, %add3A_3783 : vector<64x128xi32>
      %add3A_3785 = arith.addi %add3A_3778, %add3A_3784 : vector<64x128xi32>
      %shift_left3A_3786 = arith.constant 17 : i32
      %shift_left3A_3787 = vector.broadcast %shift_left3A_3786 : i32 to vector<64x128xi32>
      %shift_left3A_3788 = arith.shli %add3A_3784, %shift_left3A_3787 : vector<64x128xi32>
      %shift_right_logical3A_3789 = arith.constant 15 : i32
      %shift_right_logical3A_3790 = vector.broadcast %shift_right_logical3A_3789 : i32 to vector<64x128xi32>
      %shift_right_logical3A_3791 = arith.shrui %add3A_3784, %shift_right_logical3A_3790 : vector<64x128xi32>
      %or3A_3792 = arith.ori %shift_left3A_3788, %shift_right_logical3A_3791 : vector<64x128xi32>
      %xor3A_3793 = arith.xori %add3A_3785, %or3A_3792 : vector<64x128xi32>
      %add3A_3794 = arith.addi %add3A_3785, %xor3A_3793 : vector<64x128xi32>
      %shift_left3A_3795 = arith.constant 29 : i32
      %shift_left3A_3796 = vector.broadcast %shift_left3A_3795 : i32 to vector<64x128xi32>
      %shift_left3A_3797 = arith.shli %xor3A_3793, %shift_left3A_3796 : vector<64x128xi32>
      %shift_right_logical3A_3798 = arith.constant 3 : i32
      %shift_right_logical3A_3799 = vector.broadcast %shift_right_logical3A_3798 : i32 to vector<64x128xi32>
      %shift_right_logical3A_3800 = arith.shrui %xor3A_3793, %shift_right_logical3A_3799 : vector<64x128xi32>
      %or3A_3801 = arith.ori %shift_left3A_3797, %shift_right_logical3A_3800 : vector<64x128xi32>
      %xor3A_3802 = arith.xori %add3A_3794, %or3A_3801 : vector<64x128xi32>
      %add3A_3803 = arith.addi %add3A_3794, %xor3A_3802 : vector<64x128xi32>
      %shift_left3A_3804 = arith.constant 16 : i32
      %shift_left3A_3805 = vector.broadcast %shift_left3A_3804 : i32 to vector<64x128xi32>
      %shift_left3A_3806 = arith.shli %xor3A_3802, %shift_left3A_3805 : vector<64x128xi32>
      %shift_right_logical3A_3807 = arith.constant 16 : i32
      %shift_right_logical3A_3808 = vector.broadcast %shift_right_logical3A_3807 : i32 to vector<64x128xi32>
      %shift_right_logical3A_3809 = arith.shrui %xor3A_3802, %shift_right_logical3A_3808 : vector<64x128xi32>
      %or3A_3810 = arith.ori %shift_left3A_3806, %shift_right_logical3A_3809 : vector<64x128xi32>
      %xor3A_3811 = arith.xori %add3A_3803, %or3A_3810 : vector<64x128xi32>
      %add3A_3812 = arith.addi %add3A_3803, %xor3A_3811 : vector<64x128xi32>
      %shift_left3A_3813 = arith.constant 24 : i32
      %shift_left3A_3814 = vector.broadcast %shift_left3A_3813 : i32 to vector<64x128xi32>
      %shift_left3A_3815 = arith.shli %xor3A_3811, %shift_left3A_3814 : vector<64x128xi32>
      %shift_right_logical3A_3816 = arith.constant 8 : i32
      %shift_right_logical3A_3817 = vector.broadcast %shift_right_logical3A_3816 : i32 to vector<64x128xi32>
      %shift_right_logical3A_3818 = arith.shrui %xor3A_3811, %shift_right_logical3A_3817 : vector<64x128xi32>
      %or3A_3819 = arith.ori %shift_left3A_3815, %shift_right_logical3A_3818 : vector<64x128xi32>
      %xor3A_3820 = arith.xori %add3A_3812, %or3A_3819 : vector<64x128xi32>
      %add3A_3821 = arith.constant 42 : i32
      %add3A_3822 = vector.broadcast %add3A_3821 : i32 to vector<64x128xi32>
      %add3A_3823 = arith.addi %add3A_3812, %add3A_3822 : vector<64x128xi32>
      %add3A_3824 = arith.constant 466689008 : i32
      %add3A_3825 = vector.broadcast %add3A_3824 : i32 to vector<64x128xi32>
      %add3A_3826 = arith.addi %xor3A_3820, %add3A_3825 : vector<64x128xi32>
      %add3A_3827 = arith.constant 4 : i32
      %add3A_3828 = vector.broadcast %add3A_3827 : i32 to vector<64x128xi32>
      %add3A_3829 = arith.addi %add3A_3826, %add3A_3828 : vector<64x128xi32>
      %add3A_3830 = arith.addi %add3A_3823, %add3A_3829 : vector<64x128xi32>
      %shift_left3A_3831 = arith.constant 13 : i32
      %shift_left3A_3832 = vector.broadcast %shift_left3A_3831 : i32 to vector<64x128xi32>
      %shift_left3A_3833 = arith.shli %add3A_3829, %shift_left3A_3832 : vector<64x128xi32>
      %shift_right_logical3A_3834 = arith.constant 19 : i32
      %shift_right_logical3A_3835 = vector.broadcast %shift_right_logical3A_3834 : i32 to vector<64x128xi32>
      %shift_right_logical3A_3836 = arith.shrui %add3A_3829, %shift_right_logical3A_3835 : vector<64x128xi32>
      %or3A_3837 = arith.ori %shift_left3A_3833, %shift_right_logical3A_3836 : vector<64x128xi32>
      %xor3A_3838 = arith.xori %add3A_3830, %or3A_3837 : vector<64x128xi32>
      %add3A_3839 = arith.addi %add3A_3830, %xor3A_3838 : vector<64x128xi32>
      %shift_left3A_3840 = arith.constant 15 : i32
      %shift_left3A_3841 = vector.broadcast %shift_left3A_3840 : i32 to vector<64x128xi32>
      %shift_left3A_3842 = arith.shli %xor3A_3838, %shift_left3A_3841 : vector<64x128xi32>
      %shift_right_logical3A_3843 = arith.constant 17 : i32
      %shift_right_logical3A_3844 = vector.broadcast %shift_right_logical3A_3843 : i32 to vector<64x128xi32>
      %shift_right_logical3A_3845 = arith.shrui %xor3A_3838, %shift_right_logical3A_3844 : vector<64x128xi32>
      %or3A_3846 = arith.ori %shift_left3A_3842, %shift_right_logical3A_3845 : vector<64x128xi32>
      %xor3A_3847 = arith.xori %add3A_3839, %or3A_3846 : vector<64x128xi32>
      %add3A_3848 = arith.addi %add3A_3839, %xor3A_3847 : vector<64x128xi32>
      %shift_left3A_3849 = arith.constant 26 : i32
      %shift_left3A_3850 = vector.broadcast %shift_left3A_3849 : i32 to vector<64x128xi32>
      %shift_left3A_3851 = arith.shli %xor3A_3847, %shift_left3A_3850 : vector<64x128xi32>
      %shift_right_logical3A_3852 = arith.constant 6 : i32
      %shift_right_logical3A_3853 = vector.broadcast %shift_right_logical3A_3852 : i32 to vector<64x128xi32>
      %shift_right_logical3A_3854 = arith.shrui %xor3A_3847, %shift_right_logical3A_3853 : vector<64x128xi32>
      %or3A_3855 = arith.ori %shift_left3A_3851, %shift_right_logical3A_3854 : vector<64x128xi32>
      %xor3A_3856 = arith.xori %add3A_3848, %or3A_3855 : vector<64x128xi32>
      %add3A_3857 = arith.addi %add3A_3848, %xor3A_3856 : vector<64x128xi32>
      %shift_left3A_3858 = arith.constant 6 : i32
      %shift_left3A_3859 = vector.broadcast %shift_left3A_3858 : i32 to vector<64x128xi32>
      %shift_left3A_3860 = arith.shli %xor3A_3856, %shift_left3A_3859 : vector<64x128xi32>
      %shift_right_logical3A_3861 = arith.constant 26 : i32
      %shift_right_logical3A_3862 = vector.broadcast %shift_right_logical3A_3861 : i32 to vector<64x128xi32>
      %shift_right_logical3A_3863 = arith.shrui %xor3A_3856, %shift_right_logical3A_3862 : vector<64x128xi32>
      %or3A_3864 = arith.ori %shift_left3A_3860, %shift_right_logical3A_3863 : vector<64x128xi32>
      %xor3A_3865 = arith.xori %add3A_3857, %or3A_3864 : vector<64x128xi32>
      %add3A_3866 = arith.constant 466689008 : i32
      %add3A_3867 = vector.broadcast %add3A_3866 : i32 to vector<64x128xi32>
      %add3A_3868 = arith.addi %add3A_3857, %add3A_3867 : vector<64x128xi32>
      %add3A_3869 = arith.constant 0 : i32
      %add3A_3870 = vector.broadcast %add3A_3869 : i32 to vector<64x128xi32>
      %add3A_3871 = arith.addi %xor3A_3865, %add3A_3870 : vector<64x128xi32>
      %add3A_3872 = arith.constant 5 : i32
      %add3A_3873 = vector.broadcast %add3A_3872 : i32 to vector<64x128xi32>
      %add3A_3874 = arith.addi %add3A_3871, %add3A_3873 : vector<64x128xi32>
      %xor3A_3875 = arith.xori %add3A_3868, %add3A_3874 : vector<64x128xi32>
      %shift_right_logical3A_3876 = arith.constant 9 : i32
      %shift_right_logical3A_3877 = vector.broadcast %shift_right_logical3A_3876 : i32 to vector<64x128xi32>
      %shift_right_logical3A_3878 = arith.shrui %xor3A_3875, %shift_right_logical3A_3877 : vector<64x128xi32>
      %or3A_3879 = arith.constant 1065353216 : i32
      %or3A_3880 = vector.broadcast %or3A_3879 : i32 to vector<64x128xi32>
      %or3A_3881 = arith.ori %shift_right_logical3A_3878, %or3A_3880 : vector<64x128xi32>
      %bitcast_convert_type3A_3882 = tpu.bitcast %or3A_3881 : vector<64x128xi32> -> vector<64x128xf32>
      %sub3A_3883 = arith.constant 1.000000e+00 : f32
      %sub3A_3884 = vector.broadcast %sub3A_3883 : f32 to vector<64x128xf32>
      %sub3A_3885 = arith.subf %bitcast_convert_type3A_3882, %sub3A_3884 : vector<64x128xf32>
      %get3A_3886 = arith.constant 0 : index
      %get3A_3887 = arith.index_cast %add3A_3644 : i32 to index
      %get3A_3888 = arith.constant 0 : index
      %get3A_3889 = vector.load %arg2[%get3A_3886, %get3A_3887, %get3A_3888] : memref<1x256x128xf32, #tpu.memory_space<vmem>>, vector<1x1x128xf32>
      %get3A_3890 = vector.shape_cast %get3A_3889 : vector<1x1x128xf32> to vector<1x128xf32>
      %log3A_3891 = math.log %sub3A_3885 : vector<64x128xf32>
      %mul3A_3892 = vector.broadcast %get3A_3890 : vector<1x128xf32> to vector<64x128xf32>
      %mul3A_3893 = arith.mulf %log3A_3891, %mul3A_3892 : vector<64x128xf32>
      %lt3A_3894 = arith.cmpf olt, %mul3A_3893, %select_n3A_3638 : vector<64x128xf32>
      %select_n3A_3895 = arith.select %lt3A_3894, %mul3A_3893, %select_n3A_3638 : vector<64x128xi1>, vector<64x128xf32>
      %broadcast_in_dim3A_3896 = vector.broadcast %add3A_3644 : i32 to vector<64x128xi32>
      %select_n3A_3897 = arith.select %lt3A_3894, %broadcast_in_dim3A_3896, %select_n3A_3640 : vector<64x128xi1>, vector<64x128xi32>
      %mul3A_3898 = arith.constant 16 : i32
      %mul3A_3899 = arith.muli %scan3A_48, %mul3A_3898 : i32
      %add3A_3900 = arith.constant 15 : i32
      %add3A_3901 = arith.addi %mul3A_3899, %add3A_3900 : i32
      %mul3A_3902 = arith.constant 128 : i32
      %mul3A_3903 = arith.muli %add3A_3901, %mul3A_3902 : i32
      %add3A_3904 = vector.broadcast %mul3A_3903 : i32 to vector<64x128xi32>
      %add3A_3905 = arith.addi %add3A_18, %add3A_3904 : vector<64x128xi32>
      %add3A_3906 = vector.broadcast %add3A_2 : i32 to vector<64x128xi32>
      %add3A_3907 = arith.addi %add3A_3906, %add3A_3905 : vector<64x128xi32>
      %shift_left3A_3908 = arith.constant 13 : i32
      %shift_left3A_3909 = vector.broadcast %shift_left3A_3908 : i32 to vector<64x128xi32>
      %shift_left3A_3910 = arith.shli %add3A_3905, %shift_left3A_3909 : vector<64x128xi32>
      %shift_right_logical3A_3911 = arith.constant 19 : i32
      %shift_right_logical3A_3912 = vector.broadcast %shift_right_logical3A_3911 : i32 to vector<64x128xi32>
      %shift_right_logical3A_3913 = arith.shrui %add3A_3905, %shift_right_logical3A_3912 : vector<64x128xi32>
      %or3A_3914 = arith.ori %shift_left3A_3910, %shift_right_logical3A_3913 : vector<64x128xi32>
      %xor3A_3915 = arith.xori %add3A_3907, %or3A_3914 : vector<64x128xi32>
      %add3A_3916 = arith.addi %add3A_3907, %xor3A_3915 : vector<64x128xi32>
      %shift_left3A_3917 = arith.constant 15 : i32
      %shift_left3A_3918 = vector.broadcast %shift_left3A_3917 : i32 to vector<64x128xi32>
      %shift_left3A_3919 = arith.shli %xor3A_3915, %shift_left3A_3918 : vector<64x128xi32>
      %shift_right_logical3A_3920 = arith.constant 17 : i32
      %shift_right_logical3A_3921 = vector.broadcast %shift_right_logical3A_3920 : i32 to vector<64x128xi32>
      %shift_right_logical3A_3922 = arith.shrui %xor3A_3915, %shift_right_logical3A_3921 : vector<64x128xi32>
      %or3A_3923 = arith.ori %shift_left3A_3919, %shift_right_logical3A_3922 : vector<64x128xi32>
      %xor3A_3924 = arith.xori %add3A_3916, %or3A_3923 : vector<64x128xi32>
      %add3A_3925 = arith.addi %add3A_3916, %xor3A_3924 : vector<64x128xi32>
      %shift_left3A_3926 = arith.constant 26 : i32
      %shift_left3A_3927 = vector.broadcast %shift_left3A_3926 : i32 to vector<64x128xi32>
      %shift_left3A_3928 = arith.shli %xor3A_3924, %shift_left3A_3927 : vector<64x128xi32>
      %shift_right_logical3A_3929 = arith.constant 6 : i32
      %shift_right_logical3A_3930 = vector.broadcast %shift_right_logical3A_3929 : i32 to vector<64x128xi32>
      %shift_right_logical3A_3931 = arith.shrui %xor3A_3924, %shift_right_logical3A_3930 : vector<64x128xi32>
      %or3A_3932 = arith.ori %shift_left3A_3928, %shift_right_logical3A_3931 : vector<64x128xi32>
      %xor3A_3933 = arith.xori %add3A_3925, %or3A_3932 : vector<64x128xi32>
      %add3A_3934 = arith.addi %add3A_3925, %xor3A_3933 : vector<64x128xi32>
      %shift_left3A_3935 = arith.constant 6 : i32
      %shift_left3A_3936 = vector.broadcast %shift_left3A_3935 : i32 to vector<64x128xi32>
      %shift_left3A_3937 = arith.shli %xor3A_3933, %shift_left3A_3936 : vector<64x128xi32>
      %shift_right_logical3A_3938 = arith.constant 26 : i32
      %shift_right_logical3A_3939 = vector.broadcast %shift_right_logical3A_3938 : i32 to vector<64x128xi32>
      %shift_right_logical3A_3940 = arith.shrui %xor3A_3933, %shift_right_logical3A_3939 : vector<64x128xi32>
      %or3A_3941 = arith.ori %shift_left3A_3937, %shift_right_logical3A_3940 : vector<64x128xi32>
      %xor3A_3942 = arith.xori %add3A_3934, %or3A_3941 : vector<64x128xi32>
      %add3A_3943 = arith.constant 42 : i32
      %add3A_3944 = vector.broadcast %add3A_3943 : i32 to vector<64x128xi32>
      %add3A_3945 = arith.addi %add3A_3934, %add3A_3944 : vector<64x128xi32>
      %add3A_3946 = arith.constant 466689008 : i32
      %add3A_3947 = vector.broadcast %add3A_3946 : i32 to vector<64x128xi32>
      %add3A_3948 = arith.addi %xor3A_3942, %add3A_3947 : vector<64x128xi32>
      %add3A_3949 = arith.constant 1 : i32
      %add3A_3950 = vector.broadcast %add3A_3949 : i32 to vector<64x128xi32>
      %add3A_3951 = arith.addi %add3A_3948, %add3A_3950 : vector<64x128xi32>
      %add3A_3952 = arith.addi %add3A_3945, %add3A_3951 : vector<64x128xi32>
      %shift_left3A_3953 = arith.constant 17 : i32
      %shift_left3A_3954 = vector.broadcast %shift_left3A_3953 : i32 to vector<64x128xi32>
      %shift_left3A_3955 = arith.shli %add3A_3951, %shift_left3A_3954 : vector<64x128xi32>
      %shift_right_logical3A_3956 = arith.constant 15 : i32
      %shift_right_logical3A_3957 = vector.broadcast %shift_right_logical3A_3956 : i32 to vector<64x128xi32>
      %shift_right_logical3A_3958 = arith.shrui %add3A_3951, %shift_right_logical3A_3957 : vector<64x128xi32>
      %or3A_3959 = arith.ori %shift_left3A_3955, %shift_right_logical3A_3958 : vector<64x128xi32>
      %xor3A_3960 = arith.xori %add3A_3952, %or3A_3959 : vector<64x128xi32>
      %add3A_3961 = arith.addi %add3A_3952, %xor3A_3960 : vector<64x128xi32>
      %shift_left3A_3962 = arith.constant 29 : i32
      %shift_left3A_3963 = vector.broadcast %shift_left3A_3962 : i32 to vector<64x128xi32>
      %shift_left3A_3964 = arith.shli %xor3A_3960, %shift_left3A_3963 : vector<64x128xi32>
      %shift_right_logical3A_3965 = arith.constant 3 : i32
      %shift_right_logical3A_3966 = vector.broadcast %shift_right_logical3A_3965 : i32 to vector<64x128xi32>
      %shift_right_logical3A_3967 = arith.shrui %xor3A_3960, %shift_right_logical3A_3966 : vector<64x128xi32>
      %or3A_3968 = arith.ori %shift_left3A_3964, %shift_right_logical3A_3967 : vector<64x128xi32>
      %xor3A_3969 = arith.xori %add3A_3961, %or3A_3968 : vector<64x128xi32>
      %add3A_3970 = arith.addi %add3A_3961, %xor3A_3969 : vector<64x128xi32>
      %shift_left3A_3971 = arith.constant 16 : i32
      %shift_left3A_3972 = vector.broadcast %shift_left3A_3971 : i32 to vector<64x128xi32>
      %shift_left3A_3973 = arith.shli %xor3A_3969, %shift_left3A_3972 : vector<64x128xi32>
      %shift_right_logical3A_3974 = arith.constant 16 : i32
      %shift_right_logical3A_3975 = vector.broadcast %shift_right_logical3A_3974 : i32 to vector<64x128xi32>
      %shift_right_logical3A_3976 = arith.shrui %xor3A_3969, %shift_right_logical3A_3975 : vector<64x128xi32>
      %or3A_3977 = arith.ori %shift_left3A_3973, %shift_right_logical3A_3976 : vector<64x128xi32>
      %xor3A_3978 = arith.xori %add3A_3970, %or3A_3977 : vector<64x128xi32>
      %add3A_3979 = arith.addi %add3A_3970, %xor3A_3978 : vector<64x128xi32>
      %shift_left3A_3980 = arith.constant 24 : i32
      %shift_left3A_3981 = vector.broadcast %shift_left3A_3980 : i32 to vector<64x128xi32>
      %shift_left3A_3982 = arith.shli %xor3A_3978, %shift_left3A_3981 : vector<64x128xi32>
      %shift_right_logical3A_3983 = arith.constant 8 : i32
      %shift_right_logical3A_3984 = vector.broadcast %shift_right_logical3A_3983 : i32 to vector<64x128xi32>
      %shift_right_logical3A_3985 = arith.shrui %xor3A_3978, %shift_right_logical3A_3984 : vector<64x128xi32>
      %or3A_3986 = arith.ori %shift_left3A_3982, %shift_right_logical3A_3985 : vector<64x128xi32>
      %xor3A_3987 = arith.xori %add3A_3979, %or3A_3986 : vector<64x128xi32>
      %add3A_3988 = arith.constant 466689008 : i32
      %add3A_3989 = vector.broadcast %add3A_3988 : i32 to vector<64x128xi32>
      %add3A_3990 = arith.addi %add3A_3979, %add3A_3989 : vector<64x128xi32>
      %add3A_3991 = arith.constant 0 : i32
      %add3A_3992 = vector.broadcast %add3A_3991 : i32 to vector<64x128xi32>
      %add3A_3993 = arith.addi %xor3A_3987, %add3A_3992 : vector<64x128xi32>
      %add3A_3994 = arith.constant 2 : i32
      %add3A_3995 = vector.broadcast %add3A_3994 : i32 to vector<64x128xi32>
      %add3A_3996 = arith.addi %add3A_3993, %add3A_3995 : vector<64x128xi32>
      %add3A_3997 = arith.addi %add3A_3990, %add3A_3996 : vector<64x128xi32>
      %shift_left3A_3998 = arith.constant 13 : i32
      %shift_left3A_3999 = vector.broadcast %shift_left3A_3998 : i32 to vector<64x128xi32>
      %shift_left3A_4000 = arith.shli %add3A_3996, %shift_left3A_3999 : vector<64x128xi32>
      %shift_right_logical3A_4001 = arith.constant 19 : i32
      %shift_right_logical3A_4002 = vector.broadcast %shift_right_logical3A_4001 : i32 to vector<64x128xi32>
      %shift_right_logical3A_4003 = arith.shrui %add3A_3996, %shift_right_logical3A_4002 : vector<64x128xi32>
      %or3A_4004 = arith.ori %shift_left3A_4000, %shift_right_logical3A_4003 : vector<64x128xi32>
      %xor3A_4005 = arith.xori %add3A_3997, %or3A_4004 : vector<64x128xi32>
      %add3A_4006 = arith.addi %add3A_3997, %xor3A_4005 : vector<64x128xi32>
      %shift_left3A_4007 = arith.constant 15 : i32
      %shift_left3A_4008 = vector.broadcast %shift_left3A_4007 : i32 to vector<64x128xi32>
      %shift_left3A_4009 = arith.shli %xor3A_4005, %shift_left3A_4008 : vector<64x128xi32>
      %shift_right_logical3A_4010 = arith.constant 17 : i32
      %shift_right_logical3A_4011 = vector.broadcast %shift_right_logical3A_4010 : i32 to vector<64x128xi32>
      %shift_right_logical3A_4012 = arith.shrui %xor3A_4005, %shift_right_logical3A_4011 : vector<64x128xi32>
      %or3A_4013 = arith.ori %shift_left3A_4009, %shift_right_logical3A_4012 : vector<64x128xi32>
      %xor3A_4014 = arith.xori %add3A_4006, %or3A_4013 : vector<64x128xi32>
      %add3A_4015 = arith.addi %add3A_4006, %xor3A_4014 : vector<64x128xi32>
      %shift_left3A_4016 = arith.constant 26 : i32
      %shift_left3A_4017 = vector.broadcast %shift_left3A_4016 : i32 to vector<64x128xi32>
      %shift_left3A_4018 = arith.shli %xor3A_4014, %shift_left3A_4017 : vector<64x128xi32>
      %shift_right_logical3A_4019 = arith.constant 6 : i32
      %shift_right_logical3A_4020 = vector.broadcast %shift_right_logical3A_4019 : i32 to vector<64x128xi32>
      %shift_right_logical3A_4021 = arith.shrui %xor3A_4014, %shift_right_logical3A_4020 : vector<64x128xi32>
      %or3A_4022 = arith.ori %shift_left3A_4018, %shift_right_logical3A_4021 : vector<64x128xi32>
      %xor3A_4023 = arith.xori %add3A_4015, %or3A_4022 : vector<64x128xi32>
      %add3A_4024 = arith.addi %add3A_4015, %xor3A_4023 : vector<64x128xi32>
      %shift_left3A_4025 = arith.constant 6 : i32
      %shift_left3A_4026 = vector.broadcast %shift_left3A_4025 : i32 to vector<64x128xi32>
      %shift_left3A_4027 = arith.shli %xor3A_4023, %shift_left3A_4026 : vector<64x128xi32>
      %shift_right_logical3A_4028 = arith.constant 26 : i32
      %shift_right_logical3A_4029 = vector.broadcast %shift_right_logical3A_4028 : i32 to vector<64x128xi32>
      %shift_right_logical3A_4030 = arith.shrui %xor3A_4023, %shift_right_logical3A_4029 : vector<64x128xi32>
      %or3A_4031 = arith.ori %shift_left3A_4027, %shift_right_logical3A_4030 : vector<64x128xi32>
      %xor3A_4032 = arith.xori %add3A_4024, %or3A_4031 : vector<64x128xi32>
      %add3A_4033 = arith.constant 0 : i32
      %add3A_4034 = vector.broadcast %add3A_4033 : i32 to vector<64x128xi32>
      %add3A_4035 = arith.addi %add3A_4024, %add3A_4034 : vector<64x128xi32>
      %add3A_4036 = arith.constant 42 : i32
      %add3A_4037 = vector.broadcast %add3A_4036 : i32 to vector<64x128xi32>
      %add3A_4038 = arith.addi %xor3A_4032, %add3A_4037 : vector<64x128xi32>
      %add3A_4039 = arith.constant 3 : i32
      %add3A_4040 = vector.broadcast %add3A_4039 : i32 to vector<64x128xi32>
      %add3A_4041 = arith.addi %add3A_4038, %add3A_4040 : vector<64x128xi32>
      %add3A_4042 = arith.addi %add3A_4035, %add3A_4041 : vector<64x128xi32>
      %shift_left3A_4043 = arith.constant 17 : i32
      %shift_left3A_4044 = vector.broadcast %shift_left3A_4043 : i32 to vector<64x128xi32>
      %shift_left3A_4045 = arith.shli %add3A_4041, %shift_left3A_4044 : vector<64x128xi32>
      %shift_right_logical3A_4046 = arith.constant 15 : i32
      %shift_right_logical3A_4047 = vector.broadcast %shift_right_logical3A_4046 : i32 to vector<64x128xi32>
      %shift_right_logical3A_4048 = arith.shrui %add3A_4041, %shift_right_logical3A_4047 : vector<64x128xi32>
      %or3A_4049 = arith.ori %shift_left3A_4045, %shift_right_logical3A_4048 : vector<64x128xi32>
      %xor3A_4050 = arith.xori %add3A_4042, %or3A_4049 : vector<64x128xi32>
      %add3A_4051 = arith.addi %add3A_4042, %xor3A_4050 : vector<64x128xi32>
      %shift_left3A_4052 = arith.constant 29 : i32
      %shift_left3A_4053 = vector.broadcast %shift_left3A_4052 : i32 to vector<64x128xi32>
      %shift_left3A_4054 = arith.shli %xor3A_4050, %shift_left3A_4053 : vector<64x128xi32>
      %shift_right_logical3A_4055 = arith.constant 3 : i32
      %shift_right_logical3A_4056 = vector.broadcast %shift_right_logical3A_4055 : i32 to vector<64x128xi32>
      %shift_right_logical3A_4057 = arith.shrui %xor3A_4050, %shift_right_logical3A_4056 : vector<64x128xi32>
      %or3A_4058 = arith.ori %shift_left3A_4054, %shift_right_logical3A_4057 : vector<64x128xi32>
      %xor3A_4059 = arith.xori %add3A_4051, %or3A_4058 : vector<64x128xi32>
      %add3A_4060 = arith.addi %add3A_4051, %xor3A_4059 : vector<64x128xi32>
      %shift_left3A_4061 = arith.constant 16 : i32
      %shift_left3A_4062 = vector.broadcast %shift_left3A_4061 : i32 to vector<64x128xi32>
      %shift_left3A_4063 = arith.shli %xor3A_4059, %shift_left3A_4062 : vector<64x128xi32>
      %shift_right_logical3A_4064 = arith.constant 16 : i32
      %shift_right_logical3A_4065 = vector.broadcast %shift_right_logical3A_4064 : i32 to vector<64x128xi32>
      %shift_right_logical3A_4066 = arith.shrui %xor3A_4059, %shift_right_logical3A_4065 : vector<64x128xi32>
      %or3A_4067 = arith.ori %shift_left3A_4063, %shift_right_logical3A_4066 : vector<64x128xi32>
      %xor3A_4068 = arith.xori %add3A_4060, %or3A_4067 : vector<64x128xi32>
      %add3A_4069 = arith.addi %add3A_4060, %xor3A_4068 : vector<64x128xi32>
      %shift_left3A_4070 = arith.constant 24 : i32
      %shift_left3A_4071 = vector.broadcast %shift_left3A_4070 : i32 to vector<64x128xi32>
      %shift_left3A_4072 = arith.shli %xor3A_4068, %shift_left3A_4071 : vector<64x128xi32>
      %shift_right_logical3A_4073 = arith.constant 8 : i32
      %shift_right_logical3A_4074 = vector.broadcast %shift_right_logical3A_4073 : i32 to vector<64x128xi32>
      %shift_right_logical3A_4075 = arith.shrui %xor3A_4068, %shift_right_logical3A_4074 : vector<64x128xi32>
      %or3A_4076 = arith.ori %shift_left3A_4072, %shift_right_logical3A_4075 : vector<64x128xi32>
      %xor3A_4077 = arith.xori %add3A_4069, %or3A_4076 : vector<64x128xi32>
      %add3A_4078 = arith.constant 42 : i32
      %add3A_4079 = vector.broadcast %add3A_4078 : i32 to vector<64x128xi32>
      %add3A_4080 = arith.addi %add3A_4069, %add3A_4079 : vector<64x128xi32>
      %add3A_4081 = arith.constant 466689008 : i32
      %add3A_4082 = vector.broadcast %add3A_4081 : i32 to vector<64x128xi32>
      %add3A_4083 = arith.addi %xor3A_4077, %add3A_4082 : vector<64x128xi32>
      %add3A_4084 = arith.constant 4 : i32
      %add3A_4085 = vector.broadcast %add3A_4084 : i32 to vector<64x128xi32>
      %add3A_4086 = arith.addi %add3A_4083, %add3A_4085 : vector<64x128xi32>
      %add3A_4087 = arith.addi %add3A_4080, %add3A_4086 : vector<64x128xi32>
      %shift_left3A_4088 = arith.constant 13 : i32
      %shift_left3A_4089 = vector.broadcast %shift_left3A_4088 : i32 to vector<64x128xi32>
      %shift_left3A_4090 = arith.shli %add3A_4086, %shift_left3A_4089 : vector<64x128xi32>
      %shift_right_logical3A_4091 = arith.constant 19 : i32
      %shift_right_logical3A_4092 = vector.broadcast %shift_right_logical3A_4091 : i32 to vector<64x128xi32>
      %shift_right_logical3A_4093 = arith.shrui %add3A_4086, %shift_right_logical3A_4092 : vector<64x128xi32>
      %or3A_4094 = arith.ori %shift_left3A_4090, %shift_right_logical3A_4093 : vector<64x128xi32>
      %xor3A_4095 = arith.xori %add3A_4087, %or3A_4094 : vector<64x128xi32>
      %add3A_4096 = arith.addi %add3A_4087, %xor3A_4095 : vector<64x128xi32>
      %shift_left3A_4097 = arith.constant 15 : i32
      %shift_left3A_4098 = vector.broadcast %shift_left3A_4097 : i32 to vector<64x128xi32>
      %shift_left3A_4099 = arith.shli %xor3A_4095, %shift_left3A_4098 : vector<64x128xi32>
      %shift_right_logical3A_4100 = arith.constant 17 : i32
      %shift_right_logical3A_4101 = vector.broadcast %shift_right_logical3A_4100 : i32 to vector<64x128xi32>
      %shift_right_logical3A_4102 = arith.shrui %xor3A_4095, %shift_right_logical3A_4101 : vector<64x128xi32>
      %or3A_4103 = arith.ori %shift_left3A_4099, %shift_right_logical3A_4102 : vector<64x128xi32>
      %xor3A_4104 = arith.xori %add3A_4096, %or3A_4103 : vector<64x128xi32>
      %add3A_4105 = arith.addi %add3A_4096, %xor3A_4104 : vector<64x128xi32>
      %shift_left3A_4106 = arith.constant 26 : i32
      %shift_left3A_4107 = vector.broadcast %shift_left3A_4106 : i32 to vector<64x128xi32>
      %shift_left3A_4108 = arith.shli %xor3A_4104, %shift_left3A_4107 : vector<64x128xi32>
      %shift_right_logical3A_4109 = arith.constant 6 : i32
      %shift_right_logical3A_4110 = vector.broadcast %shift_right_logical3A_4109 : i32 to vector<64x128xi32>
      %shift_right_logical3A_4111 = arith.shrui %xor3A_4104, %shift_right_logical3A_4110 : vector<64x128xi32>
      %or3A_4112 = arith.ori %shift_left3A_4108, %shift_right_logical3A_4111 : vector<64x128xi32>
      %xor3A_4113 = arith.xori %add3A_4105, %or3A_4112 : vector<64x128xi32>
      %add3A_4114 = arith.addi %add3A_4105, %xor3A_4113 : vector<64x128xi32>
      %shift_left3A_4115 = arith.constant 6 : i32
      %shift_left3A_4116 = vector.broadcast %shift_left3A_4115 : i32 to vector<64x128xi32>
      %shift_left3A_4117 = arith.shli %xor3A_4113, %shift_left3A_4116 : vector<64x128xi32>
      %shift_right_logical3A_4118 = arith.constant 26 : i32
      %shift_right_logical3A_4119 = vector.broadcast %shift_right_logical3A_4118 : i32 to vector<64x128xi32>
      %shift_right_logical3A_4120 = arith.shrui %xor3A_4113, %shift_right_logical3A_4119 : vector<64x128xi32>
      %or3A_4121 = arith.ori %shift_left3A_4117, %shift_right_logical3A_4120 : vector<64x128xi32>
      %xor3A_4122 = arith.xori %add3A_4114, %or3A_4121 : vector<64x128xi32>
      %add3A_4123 = arith.constant 466689008 : i32
      %add3A_4124 = vector.broadcast %add3A_4123 : i32 to vector<64x128xi32>
      %add3A_4125 = arith.addi %add3A_4114, %add3A_4124 : vector<64x128xi32>
      %add3A_4126 = arith.constant 0 : i32
      %add3A_4127 = vector.broadcast %add3A_4126 : i32 to vector<64x128xi32>
      %add3A_4128 = arith.addi %xor3A_4122, %add3A_4127 : vector<64x128xi32>
      %add3A_4129 = arith.constant 5 : i32
      %add3A_4130 = vector.broadcast %add3A_4129 : i32 to vector<64x128xi32>
      %add3A_4131 = arith.addi %add3A_4128, %add3A_4130 : vector<64x128xi32>
      %xor3A_4132 = arith.xori %add3A_4125, %add3A_4131 : vector<64x128xi32>
      %shift_right_logical3A_4133 = arith.constant 9 : i32
      %shift_right_logical3A_4134 = vector.broadcast %shift_right_logical3A_4133 : i32 to vector<64x128xi32>
      %shift_right_logical3A_4135 = arith.shrui %xor3A_4132, %shift_right_logical3A_4134 : vector<64x128xi32>
      %or3A_4136 = arith.constant 1065353216 : i32
      %or3A_4137 = vector.broadcast %or3A_4136 : i32 to vector<64x128xi32>
      %or3A_4138 = arith.ori %shift_right_logical3A_4135, %or3A_4137 : vector<64x128xi32>
      %bitcast_convert_type3A_4139 = tpu.bitcast %or3A_4138 : vector<64x128xi32> -> vector<64x128xf32>
      %sub3A_4140 = arith.constant 1.000000e+00 : f32
      %sub3A_4141 = vector.broadcast %sub3A_4140 : f32 to vector<64x128xf32>
      %sub3A_4142 = arith.subf %bitcast_convert_type3A_4139, %sub3A_4141 : vector<64x128xf32>
      %get3A_4143 = arith.constant 0 : index
      %get3A_4144 = arith.index_cast %add3A_3901 : i32 to index
      %get3A_4145 = arith.constant 0 : index
      %get3A_4146 = vector.load %arg2[%get3A_4143, %get3A_4144, %get3A_4145] : memref<1x256x128xf32, #tpu.memory_space<vmem>>, vector<1x1x128xf32>
      %get3A_4147 = vector.shape_cast %get3A_4146 : vector<1x1x128xf32> to vector<1x128xf32>
      %log3A_4148 = math.log %sub3A_4142 : vector<64x128xf32>
      %mul3A_4149 = vector.broadcast %get3A_4147 : vector<1x128xf32> to vector<64x128xf32>
      %mul3A_4150 = arith.mulf %log3A_4148, %mul3A_4149 : vector<64x128xf32>
      %lt3A_4151 = arith.cmpf olt, %mul3A_4150, %select_n3A_3895 : vector<64x128xf32>
      %select_n3A_4152 = arith.select %lt3A_4151, %mul3A_4150, %select_n3A_3895 : vector<64x128xi1>, vector<64x128xf32>
      %broadcast_in_dim3A_4153 = vector.broadcast %add3A_3901 : i32 to vector<64x128xi32>
      %select_n3A_4154 = arith.select %lt3A_4151, %broadcast_in_dim3A_4153, %select_n3A_3897 : vector<64x128xi1>, vector<64x128xi32>
      scf.yield %select_n3A_4152, %select_n3A_4154 : vector<64x128xf32>, vector<64x128xi32>
    }
    %scan3A_26 = arith.constant 16 : i32
    %shift_left3A_27 = arith.constant 7 : i32
    %shift_left3A_28 = vector.broadcast %shift_left3A_27 : i32 to vector<64x128xi32>
    %shift_left3A_29 = arith.shli %scan3A_25#1, %shift_left3A_28 : vector<64x128xi32>
    %add3A_30 = vector.broadcast %iota3A_3 : vector<1x128xi32> to vector<64x128xi32>
    %add3A_31 = arith.addi %shift_left3A_29, %add3A_30 : vector<64x128xi32>
    %reduce_min3A = arith.constant dense<0x7F800000> : vector<64xf32>
    %reduce_min3A_32 = vector.multi_reduction <minimumf>, %scan3A_25#0, %reduce_min3A [1] : vector<64x128xf32> to vector<64xf32>
    %broadcast_in_dim3A_33 = vector.shape_cast %reduce_min3A_32 : vector<64xf32> to vector<64x1xf32>
    %eq3A = vector.broadcast %broadcast_in_dim3A_33 : vector<64x1xf32> to vector<64x128xf32>
    %eq3A_34 = arith.cmpf oeq, %scan3A_25#0, %eq3A : vector<64x128xf32>
    %jit3A = arith.constant 2147483647 : i32
    %broadcast_in_dim3A_35 = vector.broadcast %jit3A : i32 to vector<64x128xi32>
    %select_n3A = arith.select %eq3A_34, %add3A_31, %broadcast_in_dim3A_35 : vector<64x128xi1>, vector<64x128xi32>
    %reduce_min3A_36 = arith.constant dense<2147483647> : vector<64xi32>
    %reduce_min3A_37 = vector.multi_reduction <minsi>, %select_n3A, %reduce_min3A_36 [1] : vector<64x128xi32> to vector<64xi32>
    %broadcast_in_dim3A_38 = vector.shape_cast %reduce_min3A_37 : vector<64xi32> to vector<64x1xi32>
    %shift_left3A_39 = arith.constant 15 : i32
    %shift_left3A_40 = arith.shli %arg0, %shift_left3A_39 : i32
    %add3A_41 = vector.broadcast %shift_left3A_40 : i32 to vector<64x1xi32>
    %add3A_42 = arith.addi %broadcast_in_dim3A_38, %add3A_41 : vector<64x1xi32>
    %swap3A = arith.constant 0 : index
    %swap3A_43 = arith.constant 0 : index
    %swap3A_44 = arith.constant 0 : index
    %swap3A_45 = vector.load %arg3[%swap3A, %swap3A_43, %swap3A_44] : memref<1x64x1xi32, #tpu.memory_space<vmem>>, vector<1x64x1xi32>
    %swap3A_46 = vector.shape_cast %swap3A_45 : vector<1x64x1xi32> to vector<64x1xi32>
    %swap3A_47 = vector.shape_cast %add3A_42 : vector<64x1xi32> to vector<1x64x1xi32>
    tpu.vector_store %arg3[%swap3A, %swap3A_43, %swap3A_44], %swap3A_47 {strides = array<i32>} : memref<1x64x1xi32, #tpu.memory_space<vmem>>, vector<1x64x1xi32>,
    return
  }
  func.func @transform_0(%arg0: i32, %arg1: i32) -> (i32, i32, i32) {
    %c0_i32 = arith.constant 0 : i32
    %c0_i32_0 = arith.constant 0 : i32
    %c0_i32_1 = arith.constant 0 : i32
    return %arg0, %c0_i32, %c0_i32_0 : i32, i32, i32
  }
  func.func @transform_1(%arg0: i32, %arg1: i32) -> (i32, i32, i32) {
    %mul3A = arith.constant 512 : i32
    %mul3A_0 = arith.muli %arg0, %mul3A : i32
    %add3A = arith.addi %mul3A_0, %arg1 : i32
    %c0_i32 = arith.constant 0 : i32
    %c0_i32_1 = arith.constant 0 : i32
    %c0_i32_2 = arith.constant 0 : i32
    return %add3A, %c0_i32, %c0_i32_1 : i32, i32, i32
  }
}

</mosaic_0001>

<sc_bundles>
// kernel: kernel.5.cloned.1.call-start
scs
__scs_entry_jumppad:
0x0: {  	(pc) =	sbr.rel $0x88, $3  }
0x1: {  	(tag) =	ssettag $0x0;
	lr =	simm.s32 $0x1  }
0x2: {  	[smem:$0x3F9F] =	sst lr;
	_ =	strace $0xD0000000  }
0x3: {  	_ = 	snop  }
0x4: {  	_ = 	snop  }
0x5: {  	_ = 	snop  }
0x6: {  	_ = 	snop  }
0x7: {  	_ = 	snop  }
__scs_overlays_trampoline_lowered:
0x8: {  	[smem:$0x3FAE] =	sst s0  }
0x9: {  	[smem:$0x3FAF] =	sst s1  }
0xa: {  	[smem:$0x3FB0] =	sst s2  }
0xb: {  	[smem:$0x3FB1] =	sst s3  }
0xc: {  	[smem:$0x3FB2] =	sst s4  }
0xd: {  	[smem:$0x3FB3] =	sst s5  }
0xe: {  	[smem:$0x3FB4] =	sst s6  }
0xf: {  	[smem:$0x3FB5] =	sst s7  }
0x10: {  	[smem:$0x3FB6] =	sst s8  }
0x11: {  	[smem:$0x3FB7] =	sst s9;
	s0 =	simm.s32 @!p0 $0x0  }
0x12: {  	s1 =	sld [smem:$0x3F9D];
	s0 =	simm.s32 @p0 $0x1  }
0x13: {  	[smem:$0x3FB8] =	sst s0;
	s0 =	simm.s32 @!p1 $0x0  }
0x14: {  	s2 =	sld [smem:$0x3F9C];
	s0 =	simm.s32 @p1 $0x1  }
0x15: {  	[smem:$0x3FB9] =	sst s0;
	s0 =	simm.s32 @!p2 $0x0  }
0x16: {  	s3 =	sld [smem:$0x3FDB];
	s0 =	simm.s32 @p2 $0x1  }
0x17: {  	s4 =	simm.s32 $0x1BF5;
	[smem:$0x3FBB] =	sst s0  }
0x18: {  	s0 =	sld [smem:$0x3F9E];
	_ =	swait.ge [sflag:s4], $0x0  }
0x19: {  	s7 =	sld [smem:$0x3F9F]  }
0x1a: {  	s8 =	sadd.s32 $0xFFFFE003, lr  }
0x1b: {  	s9 =	sadd.s32 $0xFFFFFEF7, lr;
	s5 =	simm.s32 $0xFFFFFFFF;
	p2 =	slt.u32 s8, $0xFFFFF086  }
0x1c: {  	p1 =	slt.u32 s9, $0xF7A;
	s5 =	simm.s32 @!p2 $0x0  }
0x1d: {  	s5 =	simm.s32 @p1 $0x1;
	p0 =	seq.s32 s7, s2  }
0x1e: {  	s7 =	smul.u32 @!p0 $0xF7A, s2;
	p2 =	seq.s32 @!p0 s5, $0x0  }
0x1f: {  	s9 =	smul.u32 $0xF7A, s1;
	s8 =	simm.s32 @!p0 $0x1BF5;
	p2 =	por !p2, p0  }
0x20: {  	[sflag:s8] =	ssyncset.s32 @!p0 $0xFFFFF086;
	s6 =	sadd.s32 @!p0 s3, s7;
	s7 =	simm.s32 @!p0 $0x108  }
0x21: {  	s3 =	sadd.s32 s3, s9;
	s6 =	sadd.s32 @!p0 $0x88, s6;
	s7 =	simm.s32 @p2 $0x1082  }
0x22: {  	[simem:s7], [sflag:s8] =	dma.local @!p0 [hbm:s6], $0xF7A  }
0x23: {  	s9 =	sor.u32 $0xD0000000, s2;
	s6 =	simm.s32 $0x108;
	_ =	swait.ge @!p0 [sflag:s8], $0x0  }
0x24: {  	s3 =	sadd.s32 $0x88, s3;
	s6 =	simm.s32 @!p1 $0x1082;
	[sflag:s4] =	ssyncset.s32 $0xFFFFF086  }
0x25: {  	[simem:s6], [sflag:s4] =	dma.local [hbm:s3], $0xF7A  }
0x26: {  	[smem:$0x3F9F] =	sst s1;
	(tag) =	ssettag s2;
	_ =	strace s9  }
0x27: {  	s1 =	sld [smem:$0x3FAF]  }
0x28: {  	s2 =	sld [smem:$0x3FB0]  }
0x29: {  	s4 =	sld [smem:$0x3FB2]  }
0x2a: {  	p0 =	seq.s32 s5, $0x0;
	s5 =	sld [smem:$0x3FB3]  }
0x2b: {  	s6 =	sld [smem:$0x3FB4]  }
0x2c: {  	s7 =	sld [smem:$0x3FB5]  }
0x2d: {  	s3 =	simm.s32 $0x108;
	s8 =	sld [smem:$0x3FB6]  }
0x2e: {  	s3 =	simm.s32 @!p0 $0x1082;
	s9 =	sld [smem:$0x3FB7]  }
0x2f: {  	lr =	sadd.s32 s0, s3;
	s0 =	sld [smem:$0x3FAE]  }
0x30: {  	s3 =	sld [smem:$0x3FB1]  }
0x31: {  	[smem:$0x3FBA] =	sst s10  }
0x32: {  	s10 =	sld [smem:$0x3FB8];
	_ =	sdelay $0x3  }
0x33: {  	p0 =	seq.s32 s10, $0x1;
	s10 =	sld [smem:$0x3FBA];
	_ =	sdelay $0x3  }
0x34: {  	[smem:$0x3FBA] =	sst s10  }
0x35: {  	s10 =	sld [smem:$0x3FB9];
	_ =	sdelay $0x3  }
0x36: {  	p1 =	seq.s32 s10, $0x1;
	s10 =	sld [smem:$0x3FBA];
	_ =	sdelay $0x3  }
0x37: {  	[smem:$0x3FBA] =	sst s10  }
0x38: {  	s10 =	sld [smem:$0x3FBB]  }
0x39: {  	_ = 	snop;
	(pc) =	sbr.ind lr, $3  }
0x3a: {  	_ = 	snop  }
0x3b: {  	_ = 	snop  }
0x3c: {  	p2 =	seq.s32 s10, $0x1;
	s10 =	sld [smem:$0x3FBA]  }
0x3d: {  	_ =	shalt  }
0x3e: {  	_ =	shalt  }
0x3f: {  	_ =	shalt  }
0x40: {  	_ =	shalt  }
0x41: {  	_ =	shalt  }
0x42: {  	_ =	shalt  }
0x43: {  	_ =	shalt  }
0x44: {  	_ =	shalt  }
0x45: {  	_ =	shalt  }
0x46: {  	_ =	shalt  }
0x47: {  	_ =	shalt  }
0x48: {  	_ =	shalt  }
0x49: {  	_ =	shalt  }
0x4a: {  	_ =	shalt  }
0x4b: {  	_ =	shalt  }
0x4c: {  	_ =	shalt  }
0x4d: {  	_ =	shalt  }
0x4e: {  	_ =	shalt  }
0x4f: {  	_ =	shalt  }
0x50: {  	_ =	shalt  }
0x51: {  	_ =	shalt  }
0x52: {  	_ =	shalt  }
0x53: {  	_ =	shalt  }
0x54: {  	_ =	shalt  }
0x55: {  	_ =	shalt  }
0x56: {  	_ =	shalt  }
0x57: {  	_ =	shalt  }
0x58: {  	_ =	shalt  }
0x59: {  	_ =	shalt  }
0x5a: {  	_ =	shalt  }
0x5b: {  	_ =	shalt  }
0x5c: {  	_ =	shalt  }
0x5d: {  	_ =	shalt  }
0x5e: {  	_ =	shalt  }
0x5f: {  	_ =	shalt  }
0x60: {  	_ =	shalt  }
0x61: {  	_ =	shalt  }
0x62: {  	_ =	shalt  }
0x63: {  	_ =	shalt  }
0x64: {  	_ =	shalt  }
0x65: {  	_ =	shalt  }
0x66: {  	_ =	shalt  }
0x67: {  	_ =	shalt  }
0x68: {  	_ =	shalt  }
0x69: {  	_ =	shalt  }
0x6a: {  	_ =	shalt  }
0x6b: {  	_ =	shalt  }
0x6c: {  	_ =	shalt  }
0x6d: {  	_ =	shalt  }
0x6e: {  	_ =	shalt  }
0x6f: {  	_ =	shalt  }
0x70: {  	_ =	shalt  }
0x71: {  	_ =	shalt  }
0x72: {  	_ =	shalt  }
0x73: {  	_ =	shalt  }
0x74: {  	_ =	shalt  }
0x75: {  	_ =	shalt  }
0x76: {  	_ =	shalt  }
0x77: {  	_ =	shalt  }
0x78: {  	_ =	shalt  }
0x79: {  	_ =	shalt  }
0x7a: {  	_ =	shalt  }
0x7b: {  	_ =	shalt  }
0x7c: {  	_ =	shalt  }
0x7d: {  	_ =	shalt  }
0x7e: {  	_ =	shalt  }
0x7f: {  	_ =	shalt  }
0x80: {  	_ =	shalt  }
0x81: {  	_ =	shalt  }
0x82: {  	_ =	shalt  }
0x83: {  	_ =	shalt  }
0x84: {  	_ =	shalt  }
0x85: {  	_ =	shalt  }
0x86: {  	_ =	shalt  }
0x87: {  	_ =	shalt  }
.Lfunc_end0:
.L_simem_size_0:
called_computation.1_lowered:
.L_overlay_start_0:
0x88: {  	s2 =	sld [smem:$0x3FD9]  }
0x89: {  	s3 =	sld [smem:$0x3FFE];
	_ =	sdelay $0x1  }
0x8a: {  	s1 =	srdreg.scid  }
0x8b: {  	s0 =	sand.u32 $0x1, s1  }
0x8c: {  	s14 =	sshll.u32 s0, $0xA;
	s2 =	sadd.s32 s3, s2  }
0x8d: {  	s2 =	sadd.s32 s2, s14  }
0x8e: {  	[smem:$0x3FC6] =	sst s2  }
0x8f: {  	_ = 	snop  }
0x90: {  	s2 =	sld [smem:$0x3FD0];
	_ =	sdelay $0x2  }
0x91: {  	s15 =	simm.s32 $0xA;
	s4 =	simm.s32 $0x10  }
0x92: {  	[smem:s4], [sflag:s15] =	dma.local [hbm:s2], $0x1  }
0x93: {  	_ =	swait.eq [sflag:s15], $0x1  }
0x94: {  	[sflag:s15] =	ssyncset.done $0x0  }
0x95: {  	s16 =	sld [smem:$0x10];
	[sflag:s15] =	ssyncadd.s32 $0xFFFFFFFF  }
0x96: {  	s17 =	sld [smem:$0x11];
	(tm) =	ssettm $0x1  }
0x97: {  	s18 =	sld [smem:$0x3FFB];
	_ =	sdelay $0x3  }
0x98: {  	_ =	strace s18  }
0x99: {  	s4 =	sld [smem:$0x3FFC];
	_ =	sdelay $0x3  }
0x9a: {  	_ =	strace s4  }
0x9b: {  	s4 =	sld [smem:$0x3FFD];
	_ =	sdelay $0x3  }
0x9c: {  	_ =	strace s4  }
0x9d: {  	_ =	strace $0x8FFFFFFF  }
0x9e: {  	s19 =	sld [smem:$0x3FDB];
	_ =	sdelay $0x1  }
0x9f: {  	s5 =	simm.s32 $_scs_section_size  }
0xa0: {  	s6 =	simm.s32 $_size__tile_overlayer_lowered;
	s7 =	simm.s32 $_tile_overlayer_lowered  }
0xa1: {  	s22 =	simm.s32 $0x1BFF;
	s21 =	sshll.u32 s7, $0x1;
	s4 =	sadd.s32 s5, s19  }
0xa2: {  	s8 =	simm.s32 $0x0;
	s20 =	sshll.u32 s6, $0x1;
	s6 =	sadd.s32 s21, s4  }
0xa3: {  	[timem:s8], [sflag:s22] =	dma.local [hbm:s6], s20  }
0xa4: {  	_ =	swait.ge [sflag:s22], s20  }
0xa5: {  	s5 =	ssub.s32 $0x0, s20;
	[sflag:s22] =	ssyncset.done $0x0  }
0xa6: {  	[sflag:s22] =	ssyncadd.s32 s5;
	_ =	sdelay $0x1  }
0xa7: {  	s23 =	simm.s32 $0x1B8B  }
0xa8: {  	_ =	swait.ge [sflag:s23], $0x1  }
0xa9: {  	[sflag:s23] =	ssyncset.done $0x0  }
0xaa: {  	s25 =	simm.s32 $0x1B8E;
	s24 =	sld [smem:$0x3FFE];
	[sflag:s23] =	ssyncadd.s32 $0xFFFFFFFF  }
0xab: {  	s26 =	simm.s32 $execute0_lowered;
	[smem:$0x3FD2] =	sst s25  }
0xac: {  	s6 =	sshll.u32 s26, $0x1;
	_ =	strace $0x80000046;
	[dreg:$0x1] =	wrdreg $0xFFFFFFFF  }
0xad: {  	s28 =	simm.s32 $_size_execute0_lowered;
	s4 =	sadd.s32 s4, s6;
	[dreg:$0x0] =	wrdreg $0x0  }
0xae: {  	s6 =	sshll.u32 s28, $0x1;
	[dreg:$0x2] =	wrdreg s4  }
0xaf: {  	[dreg:$0x3] =	wrdreg s6  }
0xb0: {  	[dreg:$0x4] =	wrdreg $0xC0  }
0xb1: {  	_ =	task [dreg:s8], $0x5FFFF  }
0xb2: {  	[dreg:$0x1] =	wrdreg $0xFFFFFFFF  }
0xb3: {  	[dreg:$0x0] =	wrdreg $0x60  }
0xb4: {  	[dreg:$0x2] =	wrdreg s16  }
0xb5: {  	[dreg:$0x3] =	wrdreg s17  }
0xb6: {  	[dreg:$0x4] =	wrdreg s24  }
0xb7: {  	[dreg:$0x5] =	wrdreg $0x9  }
0xb8: {  	_ =	task.clear_ibuf [dreg:s8], $0x6FFFF;
	_ =	strace $0x90000046  }
0xb9: {  	s29 =	simm.s32 $0x9;
	_ =	strace $0x80000048  }
0xba: {  	_ =	swait.ge [sflag:s29], $0x1  }
0xbb: {  	[sflag:s29] =	ssyncadd.s32 $0xFFFFFFFF  }
0xbc: {  	_ =	strace $0x90000048  }
0xbd: {  	_ =	sfence  }
0xbe: {  	s30 =	sld [smem:$0x0];
	_ =	sdelay $0x2  }
0xbf: {  	s31 =	sshll.u32 s1, $0xD;
	s1 =	sshrl.u32 s1, $0x2  }
0xc0: {  	s3 =	sand.u32 $0x4000, s31;
	s1 =	sadd.s32 s1, s30  }
0xc1: {  	s0 =	sor.u32 s3, s0;
	s1 =	sshll.u32 s1, $0x11  }
0xc2: {  	s0 =	sor.u32 s1, s0  }
0xc3: {  	s0 =	sadd.s32 $0x8F2B, s0  }
0xc4: {  	[sflag:s0] =	ssyncadd.remote.s32 $0x1  }
0xc5: {  	_ =	sfence.sel $0xFFFF  }
0xc6: {  	[dreg:$0x0] =	wrdreg $0xFFFFFFFF;
	(pc) =	sbr.abs _section_cstart, $3  }
0xc7: {  	[dreg:$0x1] =	wrdreg $0xFFFFFFFF  }
0xc8: {  	_ =	task.clear_ibuf [dreg:s8], $0x2FFFF;
	_ =	strace $0x9FFFFFFF  }
0xc9: {  	(tm) =	ssettm $0x7FFFFFFF  }
tec
execute0_lowered:
.L_overlay_start_1:
0x0: {  	(tag) =	ssettag $0x1  }
0x1: {  	s1 =	rddreg [dreg:$0x0]  }
0x2: {  	s6 =	rddreg [dreg:$0x1]  }
0x3: {  	s4 =	rddreg [dreg:$0x2]  }
0x4: {  	s0 =	rddreg [dreg:$0x3]  }
0x5: {  	s3 =	simm.s32 $0x0;
	s2 =	stileid.u32;
	s5 =	srdreg.scid  }
0x6: {  	[smem:$0x7FF] =	sst s3;
	s7 =	sshll.u32 s2, $0x12;
	s5 =	sand.u32 $0x1, s5  }
0x7: {  	s9 =	sshll.u32 s2, $0x11;
	_ =	strace $0x80000047;
	s7 =	sadd.s32 s7, s4  }
0x8: {  	s29 =	ssub.s32 $0x2, s5;
	s10 =	sshll.u32 s5, $0x10;
	s5 =	sshll.u32 s5, $0x11  }
0x9: {  	s8 =	sshrl.u32 s29, $0x1;
	s30 =	sor.u32 s10, s9;
	s5 =	sadd.s32 s5, s7  }
0xa: {  	s7 =	simm.s32 $0x2;
	s9 =	simm.s32 $0x1;
	s10 =	simm.s32 $0x0  }
0xb: {  	s4 =	ssub.s32 s29, s8;
	s31 =	sshrl.u32 s30, $0x3;
	s5 =	sadd.s32 $0x400, s5  }
0xc: {  	s8 =	simm.s32 $0x80;
	s4 =	smax.u32 s4, $0x1;
	s6 =	sadd.s32 s31, s6  }
.LBB2_1:
0xd: {  	s11 =	sadd.s32 $0x0, s6  }
0xe: {  	[tilespmem:s3], [sflag:$0x2] =	stream.linear.gather [hbm4b:s11+s3], $0x80, $0x38;
	[tilespmem:$0x880] =	vst v63  }
0xf: {  	_ =	swait.ge [sflag:s7], $0x80  }
0x10: {  	[sflag:s7] =	ssyncset.done $0x0  }
0x11: {  	[sflag:s7] =	ssyncadd.s32 $0xFFFFFF80  }
0x12: {  	[tilespmem:s8], [sflag:$0x1] =	stream.indirect.gather [hbm4b:s1+s8], $0x10, s3, s8, $0xb8;
	[tilespmem:$0x880] =	vst v63  }
0x13: {  	_ =	swait.ge [sflag:s9], $0x800  }
0x14: {  	[sflag:s9] =	ssyncset.done $0x0  }
0x15: {  	[sflag:s9] =	ssyncadd.s32 $0xFFFFF800  }
0x16: {  	[hbm4b:s5+s3] =	stream.linear.scatter [tilespmem:s8], [sflag:$0x2], $0x800, $0x38;
	[tilespmem:$0x880] =	vst v63  }
0x17: {  	s12 =	simm.s32 $0x10;
	_ =	swait.ge [sflag:s7], $0x800  }
0x18: {  	s13 =	simm.s32 $0x20;
	s11 =	sadd.s32 $0x100, s5;
	[sflag:s7] =	ssyncset.done $0x0  }
.LBB2_2:
0x19: {  	s14 =	sadd.s32 s12, s6  }
0x1a: {  	[sflag:s7] =	ssyncadd.s32 $0xFFFFF800;
	s12 =	smov.u32 s13;
	s15 =	sadd.s32 $0x10, s13  }
0x1b: {  	[tilespmem:s3], [sflag:$0x2] =	stream.linear.gather [hbm4b:s14+s3], $0x80, $0x38;
	[tilespmem:$0x880] =	vst v63  }
0x1c: {  	p0 =	sne.s32 s13, $0x1FF0;
	_ =	swait.ge [sflag:s7], $0x80  }
0x1d: {  	[sflag:s7] =	ssyncset.done $0x0  }
0x1e: {  	[sflag:s7] =	ssyncadd.s32 $0xFFFFFF80  }
0x1f: {  	[tilespmem:s8], [sflag:$0x1] =	stream.indirect.gather [hbm4b:s1+s8], $0x10, s3, s8, $0xb8;
	[tilespmem:$0x880] =	vst v63  }
0x20: {  	_ =	swait.ge [sflag:s9], $0x800  }
.Ltmp0:
0x21: {  	[sflag:s9] =	ssyncset.done $0x0;
	(pc) =	sbr.rel @p0 .LBB2_2-.Ltmp0, $4  }
0x22: {  	[sflag:s9] =	ssyncadd.s32 $0xFFFFF800  }
0x23: {  	[hbm4b:s11+s3] =	stream.linear.scatter [tilespmem:s8], [sflag:$0x2], $0x800, $0x38;
	[tilespmem:$0x880] =	vst v63  }
0x24: {  	_ =	swait.ge [sflag:s7], $0x800  }
0x25: {  	s13 =	smov.u32 s15;
	s11 =	sadd.s32 $0x100, s11;
	[sflag:s7] =	ssyncset.done $0x0  }
0x26: {  	s12 =	sadd.s32 s12, s6;
	[sflag:s7] =	ssyncadd.s32 $0xFFFFF800  }
0x27: {  	[tilespmem:s3], [sflag:$0x2] =	stream.linear.gather [hbm4b:s12+s3], $0x80, $0x38;
	[tilespmem:$0x880] =	vst v63  }
0x28: {  	_ =	swait.ge [sflag:s7], $0x80  }
0x29: {  	[sflag:s7] =	ssyncset.done $0x0  }
0x2a: {  	[sflag:s7] =	ssyncadd.s32 $0xFFFFFF80  }
0x2b: {  	[tilespmem:s8], [sflag:$0x1] =	stream.indirect.gather [hbm4b:s1+s8], $0x10, s3, s8, $0xb8;
	[tilespmem:$0x880] =	vst v63  }
0x2c: {  	s10 =	sadd.s32 $0x1, s10;
	_ =	swait.ge [sflag:s9], $0x800  }
0x2d: {  	p0 =	sne.s32 s10, s4;
	[sflag:s9] =	ssyncset.done $0x0  }
.Ltmp1:
0x2e: {  	[sflag:s9] =	ssyncadd.s32 $0xFFFFF800;
	(pc) =	sbr.rel @p0 .LBB2_1-.Ltmp1, $4  }
0x2f: {  	[hbm4b:s11+s3] =	stream.linear.scatter [tilespmem:s8], [sflag:$0x2], $0x800, $0x38;
	[tilespmem:$0x880] =	vst v63  }
0x30: {  	_ =	swait.ge [sflag:s7], $0x800  }
0x31: {  	[sflag:s7] =	ssyncset.done $0x0  }
0x32: {  	[sflag:s7] =	ssyncadd.s32 $0xFFFFF800  }
0x33: {  	_ =	sfence.sel $0x180000  }
0x34: {  	[bflag:$0x0] =	sbarrier.arrive $0xFFFF  }
0x35: {  	p0 =	sne.s32 s2, $0x0;
	_ =	strace $0x90000047  }
0x36: {  	s0 =	sadd.s32 @!p0 $0x100000, s0;
	[bflag:$0x2] =	sbarrier.arrive $0xFFFF  }
0x37: {  	[sflag:s0] =	ssyncadd.tile.s32 @!p0 $0x1;
	_ =	shalt  }
.Lfunc_end2:
_tile_overlayer_lowered:
.L_overlay_start_2:
0x38: {  	(tag) =	ssettag $0x2  }
0x39: {  	s0 =	rddreg [dreg:$0x0];
	s2 =	stileid.u32  }
0x3a: {  	s1 =	rddreg [dreg:$0x1];
	p0 =	sne.s32 s2, $0x0  }
0x3b: {  	s3 =	rddreg [dreg:$0x2];
	[bflag:$0x3] =	sbarrier.arrive $0xFFFF;
	s2 =	simm.s32 @!p0 $0x1C02  }
0x3c: {  	[timem:s3], [sflag:s2] =	dma.local @!p0 [hbm:s0], s1  }
0x3d: {  	s0 =	simm.s32 @!p0 $0x2  }
0x3e: {  	_ =	swait.ge @!p0 [sflag:s0], s1  }
0x3f: {  	s1 =	ssub.s32 @!p0 $0x0, s1;
	[sflag:s0] =	ssyncset.done @!p0 $0x0  }
0x40: {  	[sflag:s0] =	ssyncadd.s32 @!p0 s1  }
0x41: {  	[bflag:$0x3] =	sbarrier.arrive $0xFFFF  }
0x42: {  	_ =	shalt  }

// kernel: sparse-core-data-format-call.cloned.1.call-start
scs
called_computation_lowered:
.L_overlay_start_0:
0x0: {  	s2 =	sld [smem:$0x3FD9]  }
0x1: {  	s3 =	sld [smem:$0x3FFE];
	_ =	sdelay $0x1  }
0x2: {  	s1 =	srdreg.scid  }
0x3: {  	s0 =	sand.u32 $0x1, s1  }
0x4: {  	s15 =	sshll.u32 s0, $0xA;
	s2 =	sadd.s32 s3, s2  }
0x5: {  	s2 =	sadd.s32 s2, s15  }
0x6: {  	[smem:$0x3FC6] =	sst s2  }
0x7: {  	_ = 	snop  }
0x8: {  	s2 =	sld [smem:$0x3FD0];
	_ =	sdelay $0x2  }
0x9: {  	s16 =	simm.s32 $0xA;
	s4 =	simm.s32 $0x10  }
0xa: {  	[smem:s4], [sflag:s16] =	dma.local [hbm:s2], $0x1  }
0xb: {  	_ =	swait.eq [sflag:s16], $0x1  }
0xc: {  	[sflag:s16] =	ssyncset.done $0x0  }
0xd: {  	[sflag:s16] =	ssyncadd.s32 $0xFFFFFFFF  }
0xe: {  	s17 =	sld [smem:$0x10];
	(tm) =	ssettm $0x1  }
0xf: {  	s18 =	sld [smem:$0x3FFB];
	_ =	sdelay $0x3  }
0x10: {  	_ =	strace s18  }
0x11: {  	s3 =	sld [smem:$0x3FFC];
	_ =	sdelay $0x3  }
0x12: {  	_ =	strace s3  }
0x13: {  	s3 =	sld [smem:$0x3FFD];
	_ =	sdelay $0x3  }
0x14: {  	_ =	strace s3  }
0x15: {  	_ =	strace $0x8FFFFFFF  }
0x16: {  	s19 =	sld [smem:$0x3FDB];
	_ =	sdelay $0x1  }
0x17: {  	s20 =	simm.s32 $_scs_section_size  }
0x18: {  	s5 =	simm.s32 $_size__tile_overlayer_lowered;
	s6 =	simm.s32 $_tile_overlayer_lowered  }
0x19: {  	s23 =	simm.s32 $0x1BFF;
	s22 =	sshll.u32 s6, $0x1;
	s3 =	sadd.s32 s20, s19  }
0x1a: {  	s7 =	simm.s32 $0x0;
	s21 =	sshll.u32 s5, $0x1;
	s5 =	sadd.s32 s22, s3  }
0x1b: {  	[timem:s7], [sflag:s23] =	dma.local [hbm:s5], s21  }
0x1c: {  	_ =	swait.ge [sflag:s23], s21  }
0x1d: {  	s4 =	ssub.s32 $0x0, s21;
	[sflag:s23] =	ssyncset.done $0x0  }
0x1e: {  	[sflag:s23] =	ssyncadd.s32 s4;
	_ =	sdelay $0x1  }
0x1f: {  	s24 =	simm.s32 $0x1B8B  }
0x20: {  	_ =	swait.ge [sflag:s24], $0x1  }
0x21: {  	[sflag:s24] =	ssyncset.done $0x0  }
0x22: {  	s26 =	simm.s32 $0x1B8E;
	s25 =	sld [smem:$0x3FFE];
	[sflag:s24] =	ssyncadd.s32 $0xFFFFFFFF  }
0x23: {  	s27 =	simm.s32 $execute0_lowered;
	[smem:$0x3FD2] =	sst s26  }
0x24: {  	s5 =	sshll.u32 s27, $0x1;
	_ =	strace $0x80000049;
	[dreg:$0x1] =	wrdreg $0xFFFFFFFF  }
0x25: {  	s28 =	simm.s32 $_size_execute0_lowered;
	s3 =	sadd.s32 s3, s5;
	[dreg:$0x0] =	wrdreg $0x0  }
0x26: {  	s5 =	sshll.u32 s28, $0x1;
	[dreg:$0x2] =	wrdreg s3  }
0x27: {  	[dreg:$0x3] =	wrdreg s5  }
0x28: {  	[dreg:$0x4] =	wrdreg $0xC0  }
0x29: {  	_ =	task [dreg:s7], $0x5FFFF  }
0x2a: {  	[dreg:$0x1] =	wrdreg $0xFFFFFFFF  }
0x2b: {  	[dreg:$0x0] =	wrdreg $0x60  }
0x2c: {  	[dreg:$0x2] =	wrdreg s25  }
0x2d: {  	[dreg:$0x3] =	wrdreg s17  }
0x2e: {  	[dreg:$0x4] =	wrdreg $0x9  }
0x2f: {  	_ =	task.clear_ibuf [dreg:s7], $0x5FFFF;
	_ =	strace $0x90000049  }
0x30: {  	s29 =	simm.s32 $0x9;
	_ =	strace $0x8000004B  }
0x31: {  	_ =	swait.ge [sflag:s29], $0x1  }
0x32: {  	[sflag:s29] =	ssyncadd.s32 $0xFFFFFFFF  }
0x33: {  	_ =	strace $0x9000004B  }
0x34: {  	_ =	sfence  }
0x35: {  	s30 =	sld [smem:$0x0];
	_ =	sdelay $0x2  }
0x36: {  	s31 =	sshll.u32 s1, $0xD;
	s1 =	sshrl.u32 s1, $0x2  }
0x37: {  	s3 =	sand.u32 $0x4000, s31;
	s1 =	sadd.s32 s1, s30  }
0x38: {  	s0 =	sor.u32 s3, s0;
	s1 =	sshll.u32 s1, $0x11  }
0x39: {  	s0 =	sor.u32 s1, s0  }
0x3a: {  	s0 =	sadd.s32 $0x8F2B, s0  }
0x3b: {  	[sflag:s0] =	ssyncadd.remote.s32 $0x1  }
0x3c: {  	_ =	sfence.sel $0xFFFF  }
0x3d: {  	[dreg:$0x0] =	wrdreg $0xFFFFFFFF;
	(pc) =	sbr.abs _section_cstart, $3  }
0x3e: {  	[dreg:$0x1] =	wrdreg $0xFFFFFFFF  }
0x3f: {  	_ =	task.clear_ibuf [dreg:s7], $0x2FFFF;
	_ =	strace $0x9FFFFFFF  }
0x40: {  	(tm) =	ssettm $0x7FFFFFFF  }
0x41: {  	_ =	shalt  }
tec
execute0_lowered:
.L_overlay_start_1:
0x0: {  	(tag) =	ssettag $0x1  }
0x1: {  	s14 =	rddreg [dreg:$0x0]  }
0x2: {  	s2 =	rddreg [dreg:$0x1]  }
0x3: {  	s0 =	rddreg [dreg:$0x2]  }
0x4: {  	_ =	strace $0x8000004A;
	s1 =	stileid.u32;
	s3 =	srdreg.scid  }
0x5: {  	s13 =	simm.s32 $0x2;
	s20 =	simm.s32 $0x0;
	s16 =	simm.s32 $0x40000  }
0x6: {  	s21 =	simm.s32 $0x0;
	s19 =	simm.s32 $0x0;
	s4 =	sshll.u32 s1, $0x3  }
0x7: {  	s5 =	sshll.u32 s1, $0x4;
	s6 =	sshll.u32 s3, $0x8;
	s3 =	sadd.s32 $0x400400, s14  }
0x8: {  	s12 =	sadd.s32 $0x680400, s14;
	s4 =	sand.u32 $0x38, s4;
	s5 =	sor.u32 s5, s6  }
0x9: {  	s6 =	simm.s32 $0x1;
	s5 =	sand.u32 $0x180, s5;
	s7 =	ssub.s32 $0x40, s4  }
0xa: {  	[sflag:s6] =	ssyncpa.u1 $0x0;
	s18 =	smov.u32 s4;
	s8 =	sand.u32 $0x38, s7  }
0xb: {  	s9 =	ssub.s32 $0x8000, s5;
	p0 =	sne.s32 s8, $0x0;
	s8 =	simm.s32 $0x1  }
0xc: {  	s7 =	sshrl.u32 s7, $0x6;
	s10 =	sand.u32 $0x180, s9;
	s8 =	simm.s32 @!p0 $0x0  }
0xd: {  	p0 =	sne.s32 s10, $0x0;
	s11 =	sadd.s32 s8, s7;
	s8 =	simm.s32 $0x1  }
.Ltmp0:
0xe: {  	s9 =	sshrl.u32 s9, $0x9;
	s8 =	simm.s32 @!p0 $0x0;
	(pc) =	sbr.rel .LBB1_1-.Ltmp0, $4  }
0xf: {  	[sflag:s13] =	ssyncpa.u1 $0x0;
	s13 =	sadd.s32 $0x700400, s14;
	s31 =	sadd.s32 s8, s9  }
0x10: {  	s17 =	smov.u32 s5;
	s7 =	sadd.s32 $0x480400, s14;
	s10 =	smul.u32 s11, s31  }
0x11: {  	p0 =	por $0x0, $0x0;
	s8 =	sadd.s32 $0x500400, s14;
	s9 =	sadd.s32 $0x580400, s14  }
0x12: {  	s11 =	sadd.s32 $0x600400, s14;
	s14 =	sadd.s32 $0x780400, s14;
	s15 =	sadd.s32 $0x1, s10  }
.LBB1_7:
0x13: {  	s22 =	sadd.s32 $0x200, s17  }
0x14: {  	s20 =	sadd.s32 $0x40, s18;
	s24 =	smov.u32 s18;
	p2 =	sgt.s32 s22, $0x7FFF  }
0x15: {  	s24 =	smov.u32 @p2 s20  }
0x16: {  	s22 =	smov.u32 @p2 s5;
	p2 =	sgt.s32 s24, $0x3F  }
0x17: {  	s24 =	smov.u32 @p2 s4;
	p2 =	sne.s32 s19, s15  }
.Ltmp1:
0x18: {  	p1 =	slt.u32 s19, $0x2;
	(pc) =	sbr.rel @!p2 .LBB1_8-.Ltmp1, $4  }
0x19: {  	s23 =	simm.s32 @!p1 $0x2  }
0x1a: {  	s21 =	smov.u32 s18;
	p0 =	por !p0, !p0;
	_ =	swait.ge @!p1 [sflag:s23], $0x4000  }
0x1b: {  	s20 =	smov.u32 s17;
	[sflag:s23] =	ssyncset.done @!p1 $0x0;
	s17 =	smov.u32 s22  }
0x1c: {  	s19 =	sadd.s32 $0x1, s19;
	[sflag:s23] =	ssyncadd.s32 @!p1 $0xFFFFC000;
	s18 =	smov.u32 s24  }
.LBB1_1:
0x1d: {  	p1 =	sge.u32 s19, s10  }
0x1e: {  	s22 =	sxor.u32 @!p1 $0xFFFFFFFF, s19  }
0x1f: {  	s23 =	sshll.u32 @!p1 s18, $0x13;
	s24 =	sshll.u32 @!p1 s17, $0x4;
	s26 =	simm.s32 @!p1 $0x10  }
0x20: {  	s22 =	sshll.u32 @!p1 s22, $0xE;
	s24 =	sand.u32 @!p1 $0x7FFF0, s24;
	s25 =	sadd.s32 @!p1 s3, s23  }
0x21: {  	s27 =	simm.s32 @!p1 $0x80;
	s22 =	sand.u32 @!p1 $0x4000, s22;
	s25 =	sadd.s32 @!p1 s24, s25  }
0x22: {  	[tilespmem:s22], [sflag:$0x1] =	stream.strided.gather @!p1 [hbm4b:s25+s26], $0x800, s27, s26, $0x38;
	[tilespmem:$0x10100] =	vst v63  }
0x23: {  	s25 =	sadd.s32 @!p1 s23, s7  }
0x24: {  	s28 =	sor.u32 @!p1 $0x800, s22;
	s25 =	sadd.s32 @!p1 s24, s25  }
0x25: {  	[tilespmem:s28], [sflag:$0x1] =	stream.strided.gather @!p1 [hbm4b:s25+s26], $0x800, s27, s26, $0x38;
	[tilespmem:$0x10100] =	vst v63  }
0x26: {  	s25 =	sadd.s32 @!p1 s23, s8  }
0x27: {  	s28 =	sor.u32 @!p1 $0x1000, s22;
	s25 =	sadd.s32 @!p1 s24, s25  }
0x28: {  	[tilespmem:s28], [sflag:$0x1] =	stream.strided.gather @!p1 [hbm4b:s25+s26], $0x800, s27, s26, $0x38;
	[tilespmem:$0x10100] =	vst v63  }
0x29: {  	s25 =	sadd.s32 @!p1 s23, s9  }
0x2a: {  	s28 =	sor.u32 @!p1 $0x1800, s22;
	s25 =	sadd.s32 @!p1 s24, s25  }
0x2b: {  	[tilespmem:s28], [sflag:$0x1] =	stream.strided.gather @!p1 [hbm4b:s25+s26], $0x800, s27, s26, $0x38;
	[tilespmem:$0x10100] =	vst v63  }
0x2c: {  	s25 =	sadd.s32 @!p1 s23, s11  }
0x2d: {  	s28 =	sor.u32 @!p1 $0x2000, s22;
	s25 =	sadd.s32 @!p1 s24, s25  }
0x2e: {  	[tilespmem:s28], [sflag:$0x1] =	stream.strided.gather @!p1 [hbm4b:s25+s26], $0x800, s27, s26, $0x38;
	[tilespmem:$0x10100] =	vst v63  }
0x2f: {  	s25 =	sadd.s32 @!p1 s23, s12  }
0x30: {  	s28 =	sor.u32 @!p1 $0x2800, s22;
	s25 =	sadd.s32 @!p1 s24, s25  }
0x31: {  	[tilespmem:s28], [sflag:$0x1] =	stream.strided.gather @!p1 [hbm4b:s25+s26], $0x800, s27, s26, $0x38;
	[tilespmem:$0x10100] =	vst v63  }
0x32: {  	s25 =	sadd.s32 @!p1 s23, s13  }
0x33: {  	s28 =	sor.u32 @!p1 $0x3000, s22;
	s23 =	sadd.s32 @!p1 s23, s14;
	s25 =	sadd.s32 @!p1 s24, s25  }
0x34: {  	[tilespmem:s28], [sflag:$0x1] =	stream.strided.gather @!p1 [hbm4b:s25+s26], $0x800, s27, s26, $0x38;
	[tilespmem:$0x10100] =	vst v63  }
0x35: {  	s31 =	sadd.s32 $0xFFFFFFFF, s19;
	s22 =	sor.u32 @!p1 $0x3800, s22;
	s23 =	sadd.s32 @!p1 s24, s23  }
0x36: {  	[tilespmem:s22], [sflag:$0x1] =	stream.strided.gather @!p1 [hbm4b:s23+s26], $0x800, s27, s26, $0x38;
	[tilespmem:$0x10100] =	vst v63  }
0x37: {  	p1 =	sge.u32 s31, s10  }
.Ltmp2:
0x38: {  	_ = 	snop;
	(pc) =	sbr.rel @p1 .LBB1_7-.Ltmp2, $1  }
0x39: {  	_ =	sdelay $0x3  }
0x3a: {  	s22 =	simm.s32 $0x1;
	s24 =	sand.u32 $0x1, s19  }
0x3b: {  	_ =	swait.ge [sflag:s6], $0x4000;
	s22 =	simm.s32 @!p0 $0x0;
	s25 =	smul.u32 $0x10200, s24  }
0x3c: {  	[sflag:s6] =	ssyncset.done $0x0;
	s23 =	smul.u32 $0x10200, s22  }
0x3d: {  	s22 =	sshll.u32 s22, $0xE;
	[sflag:s6] =	ssyncadd.s32 $0xFFFFC000  }
0x3e: {  	s24 =	sor.u32 $0x40, s22;
	s31 =	sshrl.u32 s25, $0x2;
	s23 =	sshrl.u32 s23, $0x2  }
0x3f: {  	s25 =	simm.s32 $0x0;
	s22 =	sor.u32 $0x8000, s31;
	s23 =	sor.u32 $0x8007, s23  }
.LBB1_3:
0x40: {  	v3 =	vld [tilespmem:s24+$0x30]  }
0x41: {  	v4 =	vld [tilespmem:s24+$0xFFFFFFD0]  }
0x42: {  	v5 =	vld [tilespmem:s24+$0xFFFFFFE0]  }
0x43: {  	v1 =	vld [tilespmem:s24+$0xFFFFFFF0]  }
0x44: {  	v0 =	vld [tilespmem:s24+$0x0]  }
0x45: {  	v2 =	vld [tilespmem:s24+$0x10];
	[tilespmem:s23+$0x0 ss:$0x81] =	vst.msk $0xffff, v3  }
0x46: {  	[tilespmem:s23+$0xFFFFFFFA ss:$0x81] =	vst.msk $0xffff, v4;
	v4 =	vld [tilespmem:s24+$0x20]  }
0x47: {  	s27 =	simm.s32 $0x0;
	s28 =	sadd.s32 $0x80, s24;
	s26 =	smov.u32 s23;
	v3 =	vld [tilespmem:s24+$0xFFFFFFC0];
	[tilespmem:s23+$0xFFFFFFFB ss:$0x81] =	vst.msk $0xffff, v5  }
.LBB1_4:
0x48: {  	v5 =	vld [tilespmem:s28+$0x30];
	s27 =	sadd.s32 $0x8, s27;
	[tilespmem:s26+$0xFFFFFFFC ss:$0x81] =	vst.msk $0xffff, v1  }
0x49: {  	v6 =	vld [tilespmem:s28+$0xFFFFFFD0];
	p1 =	slt.u32 s27, $0x78;
	[tilespmem:s26+$0xFFFFFFFD ss:$0x81] =	vst.msk $0xffff, v0  }
0x4a: {  	v7 =	vld [tilespmem:s28+$0xFFFFFFE0];
	[tilespmem:s26+$0xFFFFFFFE ss:$0x81] =	vst.msk $0xffff, v2  }
.Ltmp3:
0x4b: {  	v1 =	vld [tilespmem:s28+$0xFFFFFFF0];
	[tilespmem:s26+$0xFFFFFFFF ss:$0x81] =	vst.msk $0xffff, v4;
	(pc) =	sbr.rel @p1 .LBB1_4-.Ltmp3, $4  }
0x4c: {  	v0 =	vld [tilespmem:s28+$0x0];
	[tilespmem:s26+$0xFFFFFFF9 ss:$0x81] =	vst.msk $0xffff, v3;
	s26 =	sadd.s32 $0x8, s26  }
0x4d: {  	v2 =	vld [tilespmem:s28+$0x10];
	[tilespmem:s26+$0x0 ss:$0x81] =	vst.msk $0xffff, v5  }
0x4e: {  	[tilespmem:s26+$0xFFFFFFFA ss:$0x81] =	vst.msk $0xffff, v6;
	v4 =	vld [tilespmem:s28+$0x20]  }
0x4f: {  	v3 =	vld [tilespmem:s28+$0xFFFFFFC0];
	[tilespmem:s26+$0xFFFFFFFB ss:$0x81] =	vst.msk $0xffff, v7;
	s28 =	sadd.s32 $0x80, s28  }
0x50: {  	s25 =	sadd.s32 $0x1, s25  }
0x51: {  	p1 =	sne.s32 s25, $0x8  }
.Ltmp4:
0x52: {  	[tilespmem:s26+$0xFFFFFFFC ss:$0x81] =	vst.msk $0xffff, v1;
	(pc) =	sbr.rel @p1 .LBB1_3-.Ltmp4, $4  }
0x53: {  	[tilespmem:s26+$0xFFFFFFFD ss:$0x81] =	vst.msk $0xffff, v0  }
0x54: {  	[tilespmem:s26+$0xFFFFFFFE ss:$0x81] =	vst.msk $0xffff, v2  }
0x55: {  	[tilespmem:s26+$0xFFFFFFFF ss:$0x81] =	vst.msk $0xffff, v4  }
0x56: {  	s23 =	sadd.s32 $0x810, s23;
	s24 =	sadd.s32 $0x800, s24;
	[tilespmem:s26+$0xFFFFFFF9 ss:$0x81] =	vst.msk $0xffff, v3  }
0x57: {  	s23 =	sshll.u32 s20, $0x3;
	s24 =	sand.u32 $0x78, s20;
	s21 =	sshll.u32 s21, $0x10  }
.Ltmp5:
0x58: {  	s30 =	sand.u32 $0xF000, s20;
	s23 =	sand.u32 $0x7C00, s23;
	(pc) =	sbr.rel .LBB1_7-.Ltmp5, $4  }
0x59: {  	s31 =	sand.u32 $0x7, s20;
	s21 =	sadd.s32 s2, s21;
	s23 =	sor.u32 s24, s23  }
0x5a: {  	s20 =	sshll.u32 s31, $0x12;
	s21 =	sadd.s32 s30, s21;
	s23 =	sshrl.u32 s23, $0x3  }
0x5b: {  	s20 =	sor.u32 $0x400, s20;
	s21 =	sadd.s32 s23, s21  }
0x5c: {  	[hbm4b:s21+s20] =	stream.strided.scatter [tilespmem:s22], [sflag:$0x2], $0x4000, s16, s20, $0x20;
	[tilespmem:$0x10100] =	vst v63  }
.LBB1_8:
0x5d: {  	_ =	sfence.sel $0x180000  }
0x5e: {  	s2 =	simm.s32 $0x1;
	[bflag:$0x0] =	sbarrier.arrive $0xFFFF  }
0x5f: {  	s31 =	simm.s32 $0x2;
	[sflag:s2] =	ssyncpa.u1 $0x1  }
0x60: {  	[sflag:s31] =	ssyncpa.u1 $0x1  }
0x61: {  	p0 =	sne.s32 s1, $0x0;
	_ =	strace $0x9000004A  }
0x62: {  	s0 =	sadd.s32 @!p0 $0x100000, s0;
	[bflag:$0x2] =	sbarrier.arrive $0xFFFF  }
0x63: {  	[sflag:s0] =	ssyncadd.tile.s32 @!p0 $0x1;
	_ =	shalt  }
.Lfunc_end1:
_tile_overlayer_lowered:
.L_overlay_start_2:
0x64: {  	(tag) =	ssettag $0x2  }
0x65: {  	s0 =	rddreg [dreg:$0x0];
	s2 =	stileid.u32  }
0x66: {  	s1 =	rddreg [dreg:$0x1];
	p0 =	sne.s32 s2, $0x0  }
0x67: {  	s3 =	rddreg [dreg:$0x2];
	[bflag:$0x3] =	sbarrier.arrive $0xFFFF;
	s2 =	simm.s32 @!p0 $0x1C01  }
0x68: {  	[timem:s3], [sflag:s2] =	dma.local @!p0 [hbm:s0], s1  }
0x69: {  	s0 =	simm.s32 @!p0 $0x1  }
0x6a: {  	_ =	swait.ge @!p0 [sflag:s0], s1  }
0x6b: {  	s1 =	ssub.s32 @!p0 $0x0, s1;
	[sflag:s0] =	ssyncset.done @!p0 $0x0  }
0x6c: {  	[sflag:s0] =	ssyncadd.s32 @!p0 s1  }
0x6d: {  	[bflag:$0x3] =	sbarrier.arrive $0xFFFF  }
0x6e: {  	_ =	shalt  }

</sc_bundles>
